<compile_context>
chip_gen: v7x
topology: tpu7x:2x2x1
jax: 0.10.2.dev20260603
libtpu: 0.0.44.dev20260713+nightly
codegen_flags: <defaults>
</compile_context>

<pallas_src>
import functools

import jax
import jax.numpy as jnp
from jax import lax
from jax.experimental import pallas as pl
from jax.experimental.pallas import tpu as pltpu
from jax.experimental.pallas import tpu_sc as plsc

P = 100000
E = 6400000
NC = 2
NS = 16
L = 16
NW = NC * NS

PAIRS_PER_TEC = E // NW
CHUNK = 2000
NCHUNK = PAIRS_PER_TEC // CHUNK
STEPS = CHUNK // L
NBUF = 4
GRP = 5


def _sc_body(table_hbm, pairs_hbm, weights_hbm, out_hbm,
             table_sh, table_v, pbuf0, pbuf1, pbuf2, pbuf3,
             wbuf0, wbuf1, wbuf2, wbuf3, acc_v,
             sem0, sem1, sem2, sem3):
    c = lax.axis_index("c")
    s = lax.axis_index("s")
    wid = c * NS + s
    pbufs = (pbuf0, pbuf1, pbuf2, pbuf3)
    wbufs = (wbuf0, wbuf1, wbuf2, wbuf3)
    sems = (sem0, sem1, sem2, sem3)

    base_pair = wid * PAIRS_PER_TEC

    def start_chunk(chunk_id, b):
        off = base_pair + chunk_id * CHUNK
        pltpu.async_copy(pairs_hbm.at[pl.ds(2 * off, 2 * CHUNK)], pbufs[b],
                         sems[b])
        pltpu.async_copy(weights_hbm.at[pl.ds(off, CHUNK)], wbufs[b], sems[b])

    for b in range(NBUF):
        start_chunk(b, b)

    @pl.when(s == 0)
    def _():
        pltpu.sync_copy(table_hbm, table_sh)

    plsc.subcore_barrier()
    pltpu.sync_copy(table_sh, table_v)

    iota = lax.iota(jnp.int32, L)
    ev = 2 * iota
    od = ev + 1
    ximask = jnp.full((L,), -65536, jnp.int32)

    def unpack(g):
        x = plsc.bitcast(g & ximask, jnp.float32)
        y = plsc.bitcast(g << 16, jnp.float32)
        return x, y

    def step(pbuf, wbuf, i, acc):
        base = 2 * L * i
        av = plsc.load_gather(pbuf, [base + ev])
        bv = plsc.load_gather(pbuf, [base + od])
        ga = plsc.load_gather(table_v, [av])
        gb = plsc.load_gather(table_v, [bv])
        xa, ya = unpack(ga)
        xb, yb = unpack(gb)
        wv = wbuf[pl.ds(L * i, L)]
        dx = xa - xb
        dy = ya - yb
        return acc + wv * (dx * dx + dy * dy)

    def chunk_body(pbuf, wbuf, accs):
        @pl.loop(0, STEPS // GRP, init_carry=accs, unroll=2)
        def inner(g, accs):
            return tuple(
                step(pbuf, wbuf, GRP * g + k, accs[k]) for k in range(GRP)
            )

        return inner

    def outer(g, accs):
        for b in range(NBUF):
            chunk_id = NBUF * g + b
            pltpu.make_async_copy(
                pairs_hbm.at[pl.ds(0, 2 * CHUNK)], pbufs[b], sems[b]).wait()
            pltpu.make_async_copy(
                weights_hbm.at[pl.ds(0, CHUNK)], wbufs[b], sems[b]).wait()
            accs = chunk_body(pbufs[b], wbufs[b], accs)

            @pl.when(chunk_id + NBUF < NCHUNK)
            def _():
                start_chunk(chunk_id + NBUF, b)

        return accs

    accs = lax.fori_loop(0, NCHUNK // NBUF, outer,
                         tuple(jnp.zeros((L,), jnp.float32)
                               for _ in range(GRP)))
    acc = accs[0]
    for k in range(1, GRP):
        acc = acc + accs[k]
    acc_v[...] = acc
    pltpu.sync_copy(acc_v, out_hbm.at[c, s])


@functools.partial(jax.jit, static_argnames=())
def kernel(pin_pos, pin_mask, pairs, weights):
    del pin_mask
    xy = pin_pos.reshape(2, P).astype(jnp.bfloat16)
    bits = jax.lax.bitcast_convert_type(xy, jnp.uint16).astype(jnp.uint32)
    packed = ((bits[0] << 16) | bits[1]).astype(jnp.int32)

    grid_kernel = pl.kernel(
        _sc_body,
        out_type=jax.ShapeDtypeStruct((NC, NS, L), jnp.float32),
        mesh=plsc.VectorSubcoreMesh(core_axis_name="c", subcore_axis_name="s"),
        scratch_types=[
            pltpu.VMEM_SHARED((P,), jnp.int32),
            pltpu.VMEM((P,), jnp.int32),
            pltpu.VMEM((2 * CHUNK,), jnp.int32),
            pltpu.VMEM((2 * CHUNK,), jnp.int32),
            pltpu.VMEM((2 * CHUNK,), jnp.int32),
            pltpu.VMEM((2 * CHUNK,), jnp.int32),
            pltpu.VMEM((CHUNK,), jnp.float32),
            pltpu.VMEM((CHUNK,), jnp.float32),
            pltpu.VMEM((CHUNK,), jnp.float32),
            pltpu.VMEM((CHUNK,), jnp.float32),
            pltpu.VMEM((L,), jnp.float32),
            pltpu.SemaphoreType.DMA,
            pltpu.SemaphoreType.DMA,
            pltpu.SemaphoreType.DMA,
            pltpu.SemaphoreType.DMA,
        ],
        compiler_params=pltpu.CompilerParams(needs_layout_passes=False),
    )
    partials = grid_kernel(packed, pairs, weights)
    return jnp.sum(partials)

# --- scband reference (transcript-rebuilt; emitter-appended) ---
"""Pipeline reference for scband-pin2-pin-attraction-85117661872810 (READ-ONLY COPY).

The authoritative reference and input builder live on the scoring server;
editing this copy changes nothing except your own understanding.
"""

import jax, jax.numpy as jnp
import numpy as np

P = 100000  # number of pins; pin_pos holds x[0:P] then y[P:2P]
E = 6400000  # number of pin pairs (length[0])


def setup_inputs(seed: int = 0) -> dict:
    key = jax.random.key(seed)
    k1, k2, k3, k4 = jax.random.split(key, 4)
    pin_pos = jax.random.normal(k1, (2 * P,), dtype=jnp.float32)
    pin_mask = jax.random.randint(k2, (P,), 0, 2).astype(bool)
    pairs = jax.random.randint(k3, (2 * E,), 0, P).astype(jnp.int32)
    weights = jax.random.uniform(k4, (E,), dtype=jnp.float32)
    return {"pin_pos": pin_pos, "pin_mask": pin_mask, "pairs": pairs, "weights": weights}


def reference(pin_pos, pin_mask, pairs, weights):
    # Pin2PinAttraction forward (pair-list / CUDA algorithm):
    # scalar energy = sum_p w_p * ((x_a - x_b)^2 + (y_a - y_b)^2)
    # pin_pos is flat [2P]: first P entries are x, last P are y.
    Pn = pin_pos.shape[0] // 2
    pr = pairs.reshape(-1, 2)
    a = pr[:, 0]
    b = pr[:, 1]
    dx = jnp.take(pin_pos, a) - jnp.take(pin_pos, b)
    dy = jnp.take(pin_pos, Pn + a) - jnp.take(pin_pos, Pn + b)
    out = jnp.sum(weights * (dx * dx + dy * dy))
    return out

if __name__ == "__main__":
    import jax
    _d = setup_inputs()
    print(jax.jit(kernel)(*tuple(_d.values())))

</pallas_src>

<mosaic_0001>
#map = affine_map<(d0, d1) -> (0)>
#map1 = affine_map<(d0, d1) -> (0, 0, 0)>
module attributes {stable_mosaic.version = 14 : i64} {
  func.func @_sc_body(%arg0: i32, %arg1: i32, %arg2: memref<100000xi32, #tpu.memory_space<hbm>>, %arg3: memref<12800000xi32, #tpu.memory_space<hbm>>, %arg4: memref<6400000xf32, #tpu.memory_space<hbm>>, %arg5: memref<2x16x16xf32, #tpu.memory_space<hbm>>, %arg6: memref<100000xi32, #tpu.memory_space<vmem_shared>>, %arg7: memref<100000xi32, #tpu.memory_space<vmem>>, %arg8: memref<4000xi32, #tpu.memory_space<vmem>>, %arg9: memref<4000xi32, #tpu.memory_space<vmem>>, %arg10: memref<4000xi32, #tpu.memory_space<vmem>>, %arg11: memref<4000xi32, #tpu.memory_space<vmem>>, %arg12: memref<2000xf32, #tpu.memory_space<vmem>>, %arg13: memref<2000xf32, #tpu.memory_space<vmem>>, %arg14: memref<2000xf32, #tpu.memory_space<vmem>>, %arg15: memref<2000xf32, #tpu.memory_space<vmem>>, %arg16: memref<16xf32, #tpu.memory_space<vmem>>, %arg17: memref<!tpu.dma_semaphore, #tpu.memory_space<semaphore_mem>>, %arg18: memref<!tpu.dma_semaphore, #tpu.memory_space<semaphore_mem>>, %arg19: memref<!tpu.dma_semaphore, #tpu.memory_space<semaphore_mem>>, %arg20: memref<!tpu.dma_semaphore, #tpu.memory_space<semaphore_mem>>) attributes {dimension_semantics = [#tpu.dimension_semantics<core_parallel>, #tpu.dimension_semantics<subcore_parallel>], iteration_bounds = array<i64: 2, 16>, scalar_prefetch = 0 : i64, scratch_operands = 15 : i64, tpu.core_type = #tpu.core_type<sc_vector_subcore>, window_params = [{transform_indices = #map}, {transform_indices = #map}, {transform_indices = #map}, {transform_indices = #map1}]} {
    %mul3A = arith.constant 16 : i32
    %mul3A_0 = arith.muli %arg0, %mul3A : i32
    %add3A = arith.addi %mul3A_0, %arg1 : i32
    %mul3A_1 = arith.constant 200000 : i32
    %mul3A_2 = arith.muli %add3A, %mul3A_1 : i32
    %add3A_3 = arith.constant 0 : i32
    %add3A_4 = arith.addi %mul3A_2, %add3A_3 : i32
    %mul3A_5 = arith.constant 2 : i32
    %mul3A_6 = arith.muli %mul3A_5, %add3A_4 : i32
    %dma_start3A = tpu.memref_slice %arg3[%mul3A_6] : memref<12800000xi32, #tpu.memory_space<hbm>> -> memref<4000xi32, #tpu.memory_space<hbm>>
    %dma_start3A_7 = tpu.memref_slice %arg3[%mul3A_6] : memref<12800000xi32, #tpu.memory_space<hbm>> -> memref<4000xi32, #tpu.memory_space<hbm>>
    tpu.enqueue_dma source(%dma_start3A_7 : memref<4000xi32, #tpu.memory_space<hbm>>) target(%arg8 : memref<4000xi32, #tpu.memory_space<vmem>>) target_semaphore(%arg17 : memref<!tpu.dma_semaphore, #tpu.memory_space<semaphore_mem>>)
    %dma_start3A_8 = tpu.memref_slice %arg4[%add3A_4] : memref<6400000xf32, #tpu.memory_space<hbm>> -> memref<2000xf32, #tpu.memory_space<hbm>>
    %dma_start3A_9 = tpu.memref_slice %arg4[%add3A_4] : memref<6400000xf32, #tpu.memory_space<hbm>> -> memref<2000xf32, #tpu.memory_space<hbm>>
    tpu.enqueue_dma source(%dma_start3A_9 : memref<2000xf32, #tpu.memory_space<hbm>>) target(%arg12 : memref<2000xf32, #tpu.memory_space<vmem>>) target_semaphore(%arg17 : memref<!tpu.dma_semaphore, #tpu.memory_space<semaphore_mem>>)
    %add3A_10 = arith.constant 2000 : i32
    %add3A_11 = arith.addi %mul3A_2, %add3A_10 : i32
    %mul3A_12 = arith.constant 2 : i32
    %mul3A_13 = arith.muli %mul3A_12, %add3A_11 : i32
    %dma_start3A_14 = tpu.memref_slice %arg3[%mul3A_13] : memref<12800000xi32, #tpu.memory_space<hbm>> -> memref<4000xi32, #tpu.memory_space<hbm>>
    %dma_start3A_15 = tpu.memref_slice %arg3[%mul3A_13] : memref<12800000xi32, #tpu.memory_space<hbm>> -> memref<4000xi32, #tpu.memory_space<hbm>>
    tpu.enqueue_dma source(%dma_start3A_15 : memref<4000xi32, #tpu.memory_space<hbm>>) target(%arg9 : memref<4000xi32, #tpu.memory_space<vmem>>) target_semaphore(%arg18 : memref<!tpu.dma_semaphore, #tpu.memory_space<semaphore_mem>>)
    %dma_start3A_16 = tpu.memref_slice %arg4[%add3A_11] : memref<6400000xf32, #tpu.memory_space<hbm>> -> memref<2000xf32, #tpu.memory_space<hbm>>
    %dma_start3A_17 = tpu.memref_slice %arg4[%add3A_11] : memref<6400000xf32, #tpu.memory_space<hbm>> -> memref<2000xf32, #tpu.memory_space<hbm>>
    tpu.enqueue_dma source(%dma_start3A_17 : memref<2000xf32, #tpu.memory_space<hbm>>) target(%arg13 : memref<2000xf32, #tpu.memory_space<vmem>>) target_semaphore(%arg18 : memref<!tpu.dma_semaphore, #tpu.memory_space<semaphore_mem>>)
    %add3A_18 = arith.constant 4000 : i32
    %add3A_19 = arith.addi %mul3A_2, %add3A_18 : i32
    %mul3A_20 = arith.constant 2 : i32
    %mul3A_21 = arith.muli %mul3A_20, %add3A_19 : i32
    %dma_start3A_22 = tpu.memref_slice %arg3[%mul3A_21] : memref<12800000xi32, #tpu.memory_space<hbm>> -> memref<4000xi32, #tpu.memory_space<hbm>>
    %dma_start3A_23 = tpu.memref_slice %arg3[%mul3A_21] : memref<12800000xi32, #tpu.memory_space<hbm>> -> memref<4000xi32, #tpu.memory_space<hbm>>
    tpu.enqueue_dma source(%dma_start3A_23 : memref<4000xi32, #tpu.memory_space<hbm>>) target(%arg10 : memref<4000xi32, #tpu.memory_space<vmem>>) target_semaphore(%arg19 : memref<!tpu.dma_semaphore, #tpu.memory_space<semaphore_mem>>)
    %dma_start3A_24 = tpu.memref_slice %arg4[%add3A_19] : memref<6400000xf32, #tpu.memory_space<hbm>> -> memref<2000xf32, #tpu.memory_space<hbm>>
    %dma_start3A_25 = tpu.memref_slice %arg4[%add3A_19] : memref<6400000xf32, #tpu.memory_space<hbm>> -> memref<2000xf32, #tpu.memory_space<hbm>>
    tpu.enqueue_dma source(%dma_start3A_25 : memref<2000xf32, #tpu.memory_space<hbm>>) target(%arg14 : memref<2000xf32, #tpu.memory_space<vmem>>) target_semaphore(%arg19 : memref<!tpu.dma_semaphore, #tpu.memory_space<semaphore_mem>>)
    %add3A_26 = arith.constant 6000 : i32
    %add3A_27 = arith.addi %mul3A_2, %add3A_26 : i32
    %mul3A_28 = arith.constant 2 : i32
    %mul3A_29 = arith.muli %mul3A_28, %add3A_27 : i32
    %dma_start3A_30 = tpu.memref_slice %arg3[%mul3A_29] : memref<12800000xi32, #tpu.memory_space<hbm>> -> memref<4000xi32, #tpu.memory_space<hbm>>
    %dma_start3A_31 = tpu.memref_slice %arg3[%mul3A_29] : memref<12800000xi32, #tpu.memory_space<hbm>> -> memref<4000xi32, #tpu.memory_space<hbm>>
    tpu.enqueue_dma source(%dma_start3A_31 : memref<4000xi32, #tpu.memory_space<hbm>>) target(%arg11 : memref<4000xi32, #tpu.memory_space<vmem>>) target_semaphore(%arg20 : memref<!tpu.dma_semaphore, #tpu.memory_space<semaphore_mem>>)
    %dma_start3A_32 = tpu.memref_slice %arg4[%add3A_27] : memref<6400000xf32, #tpu.memory_space<hbm>> -> memref<2000xf32, #tpu.memory_space<hbm>>
    %dma_start3A_33 = tpu.memref_slice %arg4[%add3A_27] : memref<6400000xf32, #tpu.memory_space<hbm>> -> memref<2000xf32, #tpu.memory_space<hbm>>
    tpu.enqueue_dma source(%dma_start3A_33 : memref<2000xf32, #tpu.memory_space<hbm>>) target(%arg15 : memref<2000xf32, #tpu.memory_space<vmem>>) target_semaphore(%arg20 : memref<!tpu.dma_semaphore, #tpu.memory_space<semaphore_mem>>)
    %eq3A = arith.constant 0 : i32
    %eq3A_34 = arith.cmpi eq, %arg1, %eq3A : i32
    %convert_element_type3A = arith.extui %eq3A_34 : i1 to i32
    %cond3A = arith.constant 0 : i32
    %cond3A_35 = arith.cmpi ne, %convert_element_type3A, %cond3A : i32
    scf.if %cond3A_35 {
      "tpu.region"() ({
        %run_scoped3A = tpu.sem_alloc : memref<!tpu.dma_semaphore, #tpu.memory_space<semaphore_mem>>
        tpu.enqueue_dma source(%arg2 : memref<100000xi32, #tpu.memory_space<hbm>>) target(%arg6 : memref<100000xi32, #tpu.memory_space<vmem_shared>>) target_semaphore(%run_scoped3A : memref<!tpu.dma_semaphore, #tpu.memory_space<semaphore_mem>>)
        tpu.wait_dma2 semaphore(%run_scoped3A : memref<!tpu.dma_semaphore, #tpu.memory_space<semaphore_mem>>) src(%arg2 : memref<100000xi32, #tpu.memory_space<hbm>>) dst(%arg6 : memref<100000xi32, #tpu.memory_space<vmem_shared>>)
        tpu.yield
      }) : () -> ()
    } else {
    }
    %barrier3A = arith.constant 0 : index
    tpu.barrier barrier_id(%barrier3A)
    "tpu.region"() ({
      %run_scoped3A = tpu.sem_alloc : memref<!tpu.dma_semaphore, #tpu.memory_space<semaphore_mem>>
      tpu.enqueue_dma source(%arg6 : memref<100000xi32, #tpu.memory_space<vmem_shared>>) target(%arg7 : memref<100000xi32, #tpu.memory_space<vmem>>) target_semaphore(%run_scoped3A : memref<!tpu.dma_semaphore, #tpu.memory_space<semaphore_mem>>)
      tpu.wait_dma2 semaphore(%run_scoped3A : memref<!tpu.dma_semaphore, #tpu.memory_space<semaphore_mem>>) src(%arg6 : memref<100000xi32, #tpu.memory_space<vmem_shared>>) dst(%arg7 : memref<100000xi32, #tpu.memory_space<vmem>>)
      tpu.yield
    }) : () -> ()
    %iota3A = tpu.iota {dimensions = array<i32: 0>} : vector<16xi32>
    %mul3A_36 = arith.constant 2 : i32
    %mul3A_37 = vector.broadcast %mul3A_36 : i32 to vector<16xi32>
    %mul3A_38 = arith.muli %mul3A_37, %iota3A : vector<16xi32>
    %add3A_39 = arith.constant 1 : i32
    %add3A_40 = vector.broadcast %add3A_39 : i32 to vector<16xi32>
    %add3A_41 = arith.addi %mul3A_38, %add3A_40 : vector<16xi32>
    %broadcast_in_dim3A = arith.constant -65536 : i32
    %broadcast_in_dim3A_42 = vector.broadcast %broadcast_in_dim3A : i32 to vector<16xi32>
    %broadcast_in_dim3A_43 = arith.constant 0.000000e+00 : f32
    %broadcast_in_dim3A_44 = vector.broadcast %broadcast_in_dim3A_43 : f32 to vector<16xf32>
    %broadcast_in_dim3A_45 = arith.constant 0.000000e+00 : f32
    %broadcast_in_dim3A_46 = vector.broadcast %broadcast_in_dim3A_45 : f32 to vector<16xf32>
    %broadcast_in_dim3A_47 = arith.constant 0.000000e+00 : f32
    %broadcast_in_dim3A_48 = vector.broadcast %broadcast_in_dim3A_47 : f32 to vector<16xf32>
    %broadcast_in_dim3A_49 = arith.constant 0.000000e+00 : f32
    %broadcast_in_dim3A_50 = vector.broadcast %broadcast_in_dim3A_49 : f32 to vector<16xf32>
    %broadcast_in_dim3A_51 = arith.constant 0.000000e+00 : f32
    %broadcast_in_dim3A_52 = vector.broadcast %broadcast_in_dim3A_51 : f32 to vector<16xf32>
    %scan3A = arith.constant 0 : i32
    %scan3A_53 = arith.constant 25 : i32
    %scan3A_54 = arith.addi %scan3A, %scan3A_53 : i32
    %scan3A_55 = arith.constant 1 : i32
    %scan3A_56:5 = scf.for %scan3A_63 = %scan3A to %scan3A_54 step %scan3A_55 iter_args(%scan3A_64 = %broadcast_in_dim3A_44, %scan3A_65 = %broadcast_in_dim3A_46, %scan3A_66 = %broadcast_in_dim3A_48, %scan3A_67 = %broadcast_in_dim3A_50, %scan3A_68 = %broadcast_in_dim3A_52) -> (vector<16xf32>, vector<16xf32>, vector<16xf32>, vector<16xf32>, vector<16xf32>)  : i32 {
      %mul3A_69 = arith.constant 4 : i32
      %mul3A_70 = arith.muli %mul3A_69, %scan3A_63 : i32
      %add3A_71 = arith.constant 0 : i32
      %add3A_72 = arith.addi %mul3A_70, %add3A_71 : i32
      %dma_wait3A = arith.constant 0 : i32
      %dma_wait3A_73 = tpu.memref_slice %arg3[%dma_wait3A] : memref<12800000xi32, #tpu.memory_space<hbm>> -> memref<4000xi32, #tpu.memory_space<hbm>>
      %dma_wait3A_74 = arith.constant 0 : i32
      %dma_wait3A_75 = tpu.memref_slice %arg3[%dma_wait3A_74] : memref<12800000xi32, #tpu.memory_space<hbm>> -> memref<4000xi32, #tpu.memory_space<hbm>>
      tpu.wait_dma2 semaphore(%arg17 : memref<!tpu.dma_semaphore, #tpu.memory_space<semaphore_mem>>) src(%dma_wait3A_75 : memref<4000xi32, #tpu.memory_space<hbm>>) dst(%arg8 : memref<4000xi32, #tpu.memory_space<vmem>>)
      %dma_wait3A_76 = arith.constant 0 : i32
      %dma_wait3A_77 = tpu.memref_slice %arg4[%dma_wait3A_76] : memref<6400000xf32, #tpu.memory_space<hbm>> -> memref<2000xf32, #tpu.memory_space<hbm>>
      %dma_wait3A_78 = arith.constant 0 : i32
      %dma_wait3A_79 = tpu.memref_slice %arg4[%dma_wait3A_78] : memref<6400000xf32, #tpu.memory_space<hbm>> -> memref<2000xf32, #tpu.memory_space<hbm>>
      tpu.wait_dma2 semaphore(%arg17 : memref<!tpu.dma_semaphore, #tpu.memory_space<semaphore_mem>>) src(%dma_wait3A_79 : memref<2000xf32, #tpu.memory_space<hbm>>) dst(%arg12 : memref<2000xf32, #tpu.memory_space<vmem>>)
      %scan3A_80 = arith.constant 0 : i32
      %scan3A_81 = arith.constant 24 : i32
      %scan3A_82 = arith.addi %scan3A_80, %scan3A_81 : i32
      %scan3A_83 = arith.constant 2 : i32
      %scan3A_84:5 = scf.for %scan3A_925 = %scan3A_80 to %scan3A_82 step %scan3A_83 iter_args(%scan3A_926 = %scan3A_64, %scan3A_927 = %scan3A_65, %scan3A_928 = %scan3A_66, %scan3A_929 = %scan3A_67, %scan3A_930 = %scan3A_68) -> (vector<16xf32>, vector<16xf32>, vector<16xf32>, vector<16xf32>, vector<16xf32>)  : i32 {
        %mul3A_931 = arith.constant 1 : i32
        %mul3A_932 = arith.muli %scan3A_925, %mul3A_931 : i32
        %add3A_933 = arith.constant 0 : i32
        %add3A_934 = arith.addi %add3A_933, %mul3A_932 : i32
        %mul3A_935 = arith.constant 5 : i32
        %mul3A_936 = arith.muli %mul3A_935, %add3A_934 : i32
        %add3A_937 = arith.constant 0 : i32
        %add3A_938 = arith.addi %mul3A_936, %add3A_937 : i32
        %mul3A_939 = arith.constant 32 : i32
        %mul3A_940 = arith.muli %mul3A_939, %add3A_938 : i32
        %add3A_941 = vector.broadcast %mul3A_940 : i32 to vector<16xi32>
        %add3A_942 = arith.addi %add3A_941, %mul3A_38 : vector<16xi32>
        %gather3A_943 = tpu.vector_load_idx %arg8[%add3A_942] : memref<4000xi32, #tpu.memory_space<vmem>>[vector<16xi32>], vector<16xi32>,
        %add3A_944 = vector.broadcast %mul3A_940 : i32 to vector<16xi32>
        %add3A_945 = arith.addi %add3A_944, %add3A_41 : vector<16xi32>
        %gather3A_946 = tpu.vector_load_idx %arg8[%add3A_945] : memref<4000xi32, #tpu.memory_space<vmem>>[vector<16xi32>], vector<16xi32>,
        %gather3A_947 = tpu.vector_load_idx %arg7[%gather3A_943] : memref<100000xi32, #tpu.memory_space<vmem>>[vector<16xi32>], vector<16xi32>,
        %gather3A_948 = tpu.vector_load_idx %arg7[%gather3A_946] : memref<100000xi32, #tpu.memory_space<vmem>>[vector<16xi32>], vector<16xi32>,
        %and3A_949 = arith.andi %gather3A_947, %broadcast_in_dim3A_42 : vector<16xi32>
        %bitcast3A_950 = vector.bitcast %and3A_949 : vector<16xi32> to vector<16xf32>
        %shift_left3A_951 = arith.constant 16 : i32
        %shift_left3A_952 = vector.broadcast %shift_left3A_951 : i32 to vector<16xi32>
        %shift_left3A_953 = arith.shli %gather3A_947, %shift_left3A_952 : vector<16xi32>
        %bitcast3A_954 = vector.bitcast %shift_left3A_953 : vector<16xi32> to vector<16xf32>
        %and3A_955 = arith.andi %gather3A_948, %broadcast_in_dim3A_42 : vector<16xi32>
        %bitcast3A_956 = vector.bitcast %and3A_955 : vector<16xi32> to vector<16xf32>
        %shift_left3A_957 = arith.constant 16 : i32
        %shift_left3A_958 = vector.broadcast %shift_left3A_957 : i32 to vector<16xi32>
        %shift_left3A_959 = arith.shli %gather3A_948, %shift_left3A_958 : vector<16xi32>
        %bitcast3A_960 = vector.bitcast %shift_left3A_959 : vector<16xi32> to vector<16xf32>
        %mul3A_961 = arith.constant 16 : i32
        %mul3A_962 = arith.muli %mul3A_961, %add3A_938 : i32
        %get3A_963 = arith.index_cast %mul3A_962 : i32 to index
        %get3A_964 = tpu.vector_load %arg12[%get3A_963] {strides = array<i32>} : memref<2000xf32, #tpu.memory_space<vmem>>, vector<16xf32>,
        %sub3A_965 = arith.subf %bitcast3A_950, %bitcast3A_956 : vector<16xf32>
        %sub3A_966 = arith.subf %bitcast3A_954, %bitcast3A_960 : vector<16xf32>
        %mul3A_967 = arith.mulf %sub3A_965, %sub3A_965 : vector<16xf32>
        %mul3A_968 = arith.mulf %sub3A_966, %sub3A_966 : vector<16xf32>
        %add3A_969 = arith.addf %mul3A_967, %mul3A_968 : vector<16xf32>
        %mul3A_970 = arith.mulf %get3A_964, %add3A_969 : vector<16xf32>
        %add3A_971 = arith.addf %scan3A_926, %mul3A_970 : vector<16xf32>
        %mul3A_972 = arith.constant 5 : i32
        %mul3A_973 = arith.muli %mul3A_972, %add3A_934 : i32
        %add3A_974 = arith.constant 1 : i32
        %add3A_975 = arith.addi %mul3A_973, %add3A_974 : i32
        %mul3A_976 = arith.constant 32 : i32
        %mul3A_977 = arith.muli %mul3A_976, %add3A_975 : i32
        %add3A_978 = vector.broadcast %mul3A_977 : i32 to vector<16xi32>
        %add3A_979 = arith.addi %add3A_978, %mul3A_38 : vector<16xi32>
        %gather3A_980 = tpu.vector_load_idx %arg8[%add3A_979] : memref<4000xi32, #tpu.memory_space<vmem>>[vector<16xi32>], vector<16xi32>,
        %add3A_981 = vector.broadcast %mul3A_977 : i32 to vector<16xi32>
        %add3A_982 = arith.addi %add3A_981, %add3A_41 : vector<16xi32>
        %gather3A_983 = tpu.vector_load_idx %arg8[%add3A_982] : memref<4000xi32, #tpu.memory_space<vmem>>[vector<16xi32>], vector<16xi32>,
        %gather3A_984 = tpu.vector_load_idx %arg7[%gather3A_980] : memref<100000xi32, #tpu.memory_space<vmem>>[vector<16xi32>], vector<16xi32>,
        %gather3A_985 = tpu.vector_load_idx %arg7[%gather3A_983] : memref<100000xi32, #tpu.memory_space<vmem>>[vector<16xi32>], vector<16xi32>,
        %and3A_986 = arith.andi %gather3A_984, %broadcast_in_dim3A_42 : vector<16xi32>
        %bitcast3A_987 = vector.bitcast %and3A_986 : vector<16xi32> to vector<16xf32>
        %shift_left3A_988 = arith.constant 16 : i32
        %shift_left3A_989 = vector.broadcast %shift_left3A_988 : i32 to vector<16xi32>
        %shift_left3A_990 = arith.shli %gather3A_984, %shift_left3A_989 : vector<16xi32>
        %bitcast3A_991 = vector.bitcast %shift_left3A_990 : vector<16xi32> to vector<16xf32>
        %and3A_992 = arith.andi %gather3A_985, %broadcast_in_dim3A_42 : vector<16xi32>
        %bitcast3A_993 = vector.bitcast %and3A_992 : vector<16xi32> to vector<16xf32>
        %shift_left3A_994 = arith.constant 16 : i32
        %shift_left3A_995 = vector.broadcast %shift_left3A_994 : i32 to vector<16xi32>
        %shift_left3A_996 = arith.shli %gather3A_985, %shift_left3A_995 : vector<16xi32>
        %bitcast3A_997 = vector.bitcast %shift_left3A_996 : vector<16xi32> to vector<16xf32>
        %mul3A_998 = arith.constant 16 : i32
        %mul3A_999 = arith.muli %mul3A_998, %add3A_975 : i32
        %get3A_1000 = arith.index_cast %mul3A_999 : i32 to index
        %get3A_1001 = tpu.vector_load %arg12[%get3A_1000] {strides = array<i32>} : memref<2000xf32, #tpu.memory_space<vmem>>, vector<16xf32>,
        %sub3A_1002 = arith.subf %bitcast3A_987, %bitcast3A_993 : vector<16xf32>
        %sub3A_1003 = arith.subf %bitcast3A_991, %bitcast3A_997 : vector<16xf32>
        %mul3A_1004 = arith.mulf %sub3A_1002, %sub3A_1002 : vector<16xf32>
        %mul3A_1005 = arith.mulf %sub3A_1003, %sub3A_1003 : vector<16xf32>
        %add3A_1006 = arith.addf %mul3A_1004, %mul3A_1005 : vector<16xf32>
        %mul3A_1007 = arith.mulf %get3A_1001, %add3A_1006 : vector<16xf32>
        %add3A_1008 = arith.addf %scan3A_927, %mul3A_1007 : vector<16xf32>
        %mul3A_1009 = arith.constant 5 : i32
        %mul3A_1010 = arith.muli %mul3A_1009, %add3A_934 : i32
        %add3A_1011 = arith.constant 2 : i32
        %add3A_1012 = arith.addi %mul3A_1010, %add3A_1011 : i32
        %mul3A_1013 = arith.constant 32 : i32
        %mul3A_1014 = arith.muli %mul3A_1013, %add3A_1012 : i32
        %add3A_1015 = vector.broadcast %mul3A_1014 : i32 to vector<16xi32>
        %add3A_1016 = arith.addi %add3A_1015, %mul3A_38 : vector<16xi32>
        %gather3A_1017 = tpu.vector_load_idx %arg8[%add3A_1016] : memref<4000xi32, #tpu.memory_space<vmem>>[vector<16xi32>], vector<16xi32>,
        %add3A_1018 = vector.broadcast %mul3A_1014 : i32 to vector<16xi32>
        %add3A_1019 = arith.addi %add3A_1018, %add3A_41 : vector<16xi32>
        %gather3A_1020 = tpu.vector_load_idx %arg8[%add3A_1019] : memref<4000xi32, #tpu.memory_space<vmem>>[vector<16xi32>], vector<16xi32>,
        %gather3A_1021 = tpu.vector_load_idx %arg7[%gather3A_1017] : memref<100000xi32, #tpu.memory_space<vmem>>[vector<16xi32>], vector<16xi32>,
        %gather3A_1022 = tpu.vector_load_idx %arg7[%gather3A_1020] : memref<100000xi32, #tpu.memory_space<vmem>>[vector<16xi32>], vector<16xi32>,
        %and3A_1023 = arith.andi %gather3A_1021, %broadcast_in_dim3A_42 : vector<16xi32>
        %bitcast3A_1024 = vector.bitcast %and3A_1023 : vector<16xi32> to vector<16xf32>
        %shift_left3A_1025 = arith.constant 16 : i32
        %shift_left3A_1026 = vector.broadcast %shift_left3A_1025 : i32 to vector<16xi32>
        %shift_left3A_1027 = arith.shli %gather3A_1021, %shift_left3A_1026 : vector<16xi32>
        %bitcast3A_1028 = vector.bitcast %shift_left3A_1027 : vector<16xi32> to vector<16xf32>
        %and3A_1029 = arith.andi %gather3A_1022, %broadcast_in_dim3A_42 : vector<16xi32>
        %bitcast3A_1030 = vector.bitcast %and3A_1029 : vector<16xi32> to vector<16xf32>
        %shift_left3A_1031 = arith.constant 16 : i32
        %shift_left3A_1032 = vector.broadcast %shift_left3A_1031 : i32 to vector<16xi32>
        %shift_left3A_1033 = arith.shli %gather3A_1022, %shift_left3A_1032 : vector<16xi32>
        %bitcast3A_1034 = vector.bitcast %shift_left3A_1033 : vector<16xi32> to vector<16xf32>
        %mul3A_1035 = arith.constant 16 : i32
        %mul3A_1036 = arith.muli %mul3A_1035, %add3A_1012 : i32
        %get3A_1037 = arith.index_cast %mul3A_1036 : i32 to index
        %get3A_1038 = tpu.vector_load %arg12[%get3A_1037] {strides = array<i32>} : memref<2000xf32, #tpu.memory_space<vmem>>, vector<16xf32>,
        %sub3A_1039 = arith.subf %bitcast3A_1024, %bitcast3A_1030 : vector<16xf32>
        %sub3A_1040 = arith.subf %bitcast3A_1028, %bitcast3A_1034 : vector<16xf32>
        %mul3A_1041 = arith.mulf %sub3A_1039, %sub3A_1039 : vector<16xf32>
        %mul3A_1042 = arith.mulf %sub3A_1040, %sub3A_1040 : vector<16xf32>
        %add3A_1043 = arith.addf %mul3A_1041, %mul3A_1042 : vector<16xf32>
        %mul3A_1044 = arith.mulf %get3A_1038, %add3A_1043 : vector<16xf32>
        %add3A_1045 = arith.addf %scan3A_928, %mul3A_1044 : vector<16xf32>
        %mul3A_1046 = arith.constant 5 : i32
        %mul3A_1047 = arith.muli %mul3A_1046, %add3A_934 : i32
        %add3A_1048 = arith.constant 3 : i32
        %add3A_1049 = arith.addi %mul3A_1047, %add3A_1048 : i32
        %mul3A_1050 = arith.constant 32 : i32
        %mul3A_1051 = arith.muli %mul3A_1050, %add3A_1049 : i32
        %add3A_1052 = vector.broadcast %mul3A_1051 : i32 to vector<16xi32>
        %add3A_1053 = arith.addi %add3A_1052, %mul3A_38 : vector<16xi32>
        %gather3A_1054 = tpu.vector_load_idx %arg8[%add3A_1053] : memref<4000xi32, #tpu.memory_space<vmem>>[vector<16xi32>], vector<16xi32>,
        %add3A_1055 = vector.broadcast %mul3A_1051 : i32 to vector<16xi32>
        %add3A_1056 = arith.addi %add3A_1055, %add3A_41 : vector<16xi32>
        %gather3A_1057 = tpu.vector_load_idx %arg8[%add3A_1056] : memref<4000xi32, #tpu.memory_space<vmem>>[vector<16xi32>], vector<16xi32>,
        %gather3A_1058 = tpu.vector_load_idx %arg7[%gather3A_1054] : memref<100000xi32, #tpu.memory_space<vmem>>[vector<16xi32>], vector<16xi32>,
        %gather3A_1059 = tpu.vector_load_idx %arg7[%gather3A_1057] : memref<100000xi32, #tpu.memory_space<vmem>>[vector<16xi32>], vector<16xi32>,
        %and3A_1060 = arith.andi %gather3A_1058, %broadcast_in_dim3A_42 : vector<16xi32>
        %bitcast3A_1061 = vector.bitcast %and3A_1060 : vector<16xi32> to vector<16xf32>
        %shift_left3A_1062 = arith.constant 16 : i32
        %shift_left3A_1063 = vector.broadcast %shift_left3A_1062 : i32 to vector<16xi32>
        %shift_left3A_1064 = arith.shli %gather3A_1058, %shift_left3A_1063 : vector<16xi32>
        %bitcast3A_1065 = vector.bitcast %shift_left3A_1064 : vector<16xi32> to vector<16xf32>
        %and3A_1066 = arith.andi %gather3A_1059, %broadcast_in_dim3A_42 : vector<16xi32>
        %bitcast3A_1067 = vector.bitcast %and3A_1066 : vector<16xi32> to vector<16xf32>
        %shift_left3A_1068 = arith.constant 16 : i32
        %shift_left3A_1069 = vector.broadcast %shift_left3A_1068 : i32 to vector<16xi32>
        %shift_left3A_1070 = arith.shli %gather3A_1059, %shift_left3A_1069 : vector<16xi32>
        %bitcast3A_1071 = vector.bitcast %shift_left3A_1070 : vector<16xi32> to vector<16xf32>
        %mul3A_1072 = arith.constant 16 : i32
        %mul3A_1073 = arith.muli %mul3A_1072, %add3A_1049 : i32
        %get3A_1074 = arith.index_cast %mul3A_1073 : i32 to index
        %get3A_1075 = tpu.vector_load %arg12[%get3A_1074] {strides = array<i32>} : memref<2000xf32, #tpu.memory_space<vmem>>, vector<16xf32>,
        %sub3A_1076 = arith.subf %bitcast3A_1061, %bitcast3A_1067 : vector<16xf32>
        %sub3A_1077 = arith.subf %bitcast3A_1065, %bitcast3A_1071 : vector<16xf32>
        %mul3A_1078 = arith.mulf %sub3A_1076, %sub3A_1076 : vector<16xf32>
        %mul3A_1079 = arith.mulf %sub3A_1077, %sub3A_1077 : vector<16xf32>
        %add3A_1080 = arith.addf %mul3A_1078, %mul3A_1079 : vector<16xf32>
        %mul3A_1081 = arith.mulf %get3A_1075, %add3A_1080 : vector<16xf32>
        %add3A_1082 = arith.addf %scan3A_929, %mul3A_1081 : vector<16xf32>
        %mul3A_1083 = arith.constant 5 : i32
        %mul3A_1084 = arith.muli %mul3A_1083, %add3A_934 : i32
        %add3A_1085 = arith.constant 4 : i32
        %add3A_1086 = arith.addi %mul3A_1084, %add3A_1085 : i32
        %mul3A_1087 = arith.constant 32 : i32
        %mul3A_1088 = arith.muli %mul3A_1087, %add3A_1086 : i32
        %add3A_1089 = vector.broadcast %mul3A_1088 : i32 to vector<16xi32>
        %add3A_1090 = arith.addi %add3A_1089, %mul3A_38 : vector<16xi32>
        %gather3A_1091 = tpu.vector_load_idx %arg8[%add3A_1090] : memref<4000xi32, #tpu.memory_space<vmem>>[vector<16xi32>], vector<16xi32>,
        %add3A_1092 = vector.broadcast %mul3A_1088 : i32 to vector<16xi32>
        %add3A_1093 = arith.addi %add3A_1092, %add3A_41 : vector<16xi32>
        %gather3A_1094 = tpu.vector_load_idx %arg8[%add3A_1093] : memref<4000xi32, #tpu.memory_space<vmem>>[vector<16xi32>], vector<16xi32>,
        %gather3A_1095 = tpu.vector_load_idx %arg7[%gather3A_1091] : memref<100000xi32, #tpu.memory_space<vmem>>[vector<16xi32>], vector<16xi32>,
        %gather3A_1096 = tpu.vector_load_idx %arg7[%gather3A_1094] : memref<100000xi32, #tpu.memory_space<vmem>>[vector<16xi32>], vector<16xi32>,
        %and3A_1097 = arith.andi %gather3A_1095, %broadcast_in_dim3A_42 : vector<16xi32>
        %bitcast3A_1098 = vector.bitcast %and3A_1097 : vector<16xi32> to vector<16xf32>
        %shift_left3A_1099 = arith.constant 16 : i32
        %shift_left3A_1100 = vector.broadcast %shift_left3A_1099 : i32 to vector<16xi32>
        %shift_left3A_1101 = arith.shli %gather3A_1095, %shift_left3A_1100 : vector<16xi32>
        %bitcast3A_1102 = vector.bitcast %shift_left3A_1101 : vector<16xi32> to vector<16xf32>
        %and3A_1103 = arith.andi %gather3A_1096, %broadcast_in_dim3A_42 : vector<16xi32>
        %bitcast3A_1104 = vector.bitcast %and3A_1103 : vector<16xi32> to vector<16xf32>
        %shift_left3A_1105 = arith.constant 16 : i32
        %shift_left3A_1106 = vector.broadcast %shift_left3A_1105 : i32 to vector<16xi32>
        %shift_left3A_1107 = arith.shli %gather3A_1096, %shift_left3A_1106 : vector<16xi32>
        %bitcast3A_1108 = vector.bitcast %shift_left3A_1107 : vector<16xi32> to vector<16xf32>
        %mul3A_1109 = arith.constant 16 : i32
        %mul3A_1110 = arith.muli %mul3A_1109, %add3A_1086 : i32
        %get3A_1111 = arith.index_cast %mul3A_1110 : i32 to index
        %get3A_1112 = tpu.vector_load %arg12[%get3A_1111] {strides = array<i32>} : memref<2000xf32, #tpu.memory_space<vmem>>, vector<16xf32>,
        %sub3A_1113 = arith.subf %bitcast3A_1098, %bitcast3A_1104 : vector<16xf32>
        %sub3A_1114 = arith.subf %bitcast3A_1102, %bitcast3A_1108 : vector<16xf32>
        %mul3A_1115 = arith.mulf %sub3A_1113, %sub3A_1113 : vector<16xf32>
        %mul3A_1116 = arith.mulf %sub3A_1114, %sub3A_1114 : vector<16xf32>
        %add3A_1117 = arith.addf %mul3A_1115, %mul3A_1116 : vector<16xf32>
        %mul3A_1118 = arith.mulf %get3A_1112, %add3A_1117 : vector<16xf32>
        %add3A_1119 = arith.addf %scan3A_930, %mul3A_1118 : vector<16xf32>
        %scan3A_1120 = arith.constant 1 : i32
        %scan3A_1121 = arith.addi %scan3A_925, %scan3A_1120 : i32
        %mul3A_1122 = arith.constant 1 : i32
        %mul3A_1123 = arith.muli %scan3A_1121, %mul3A_1122 : i32
        %add3A_1124 = arith.constant 0 : i32
        %add3A_1125 = arith.addi %add3A_1124, %mul3A_1123 : i32
        %mul3A_1126 = arith.constant 5 : i32
        %mul3A_1127 = arith.muli %mul3A_1126, %add3A_1125 : i32
        %add3A_1128 = arith.constant 0 : i32
        %add3A_1129 = arith.addi %mul3A_1127, %add3A_1128 : i32
        %mul3A_1130 = arith.constant 32 : i32
        %mul3A_1131 = arith.muli %mul3A_1130, %add3A_1129 : i32
        %add3A_1132 = vector.broadcast %mul3A_1131 : i32 to vector<16xi32>
        %add3A_1133 = arith.addi %add3A_1132, %mul3A_38 : vector<16xi32>
        %gather3A_1134 = tpu.vector_load_idx %arg8[%add3A_1133] : memref<4000xi32, #tpu.memory_space<vmem>>[vector<16xi32>], vector<16xi32>,
        %add3A_1135 = vector.broadcast %mul3A_1131 : i32 to vector<16xi32>
        %add3A_1136 = arith.addi %add3A_1135, %add3A_41 : vector<16xi32>
        %gather3A_1137 = tpu.vector_load_idx %arg8[%add3A_1136] : memref<4000xi32, #tpu.memory_space<vmem>>[vector<16xi32>], vector<16xi32>,
        %gather3A_1138 = tpu.vector_load_idx %arg7[%gather3A_1134] : memref<100000xi32, #tpu.memory_space<vmem>>[vector<16xi32>], vector<16xi32>,
        %gather3A_1139 = tpu.vector_load_idx %arg7[%gather3A_1137] : memref<100000xi32, #tpu.memory_space<vmem>>[vector<16xi32>], vector<16xi32>,
        %and3A_1140 = arith.andi %gather3A_1138, %broadcast_in_dim3A_42 : vector<16xi32>
        %bitcast3A_1141 = vector.bitcast %and3A_1140 : vector<16xi32> to vector<16xf32>
        %shift_left3A_1142 = arith.constant 16 : i32
        %shift_left3A_1143 = vector.broadcast %shift_left3A_1142 : i32 to vector<16xi32>
        %shift_left3A_1144 = arith.shli %gather3A_1138, %shift_left3A_1143 : vector<16xi32>
        %bitcast3A_1145 = vector.bitcast %shift_left3A_1144 : vector<16xi32> to vector<16xf32>
        %and3A_1146 = arith.andi %gather3A_1139, %broadcast_in_dim3A_42 : vector<16xi32>
        %bitcast3A_1147 = vector.bitcast %and3A_1146 : vector<16xi32> to vector<16xf32>
        %shift_left3A_1148 = arith.constant 16 : i32
        %shift_left3A_1149 = vector.broadcast %shift_left3A_1148 : i32 to vector<16xi32>
        %shift_left3A_1150 = arith.shli %gather3A_1139, %shift_left3A_1149 : vector<16xi32>
        %bitcast3A_1151 = vector.bitcast %shift_left3A_1150 : vector<16xi32> to vector<16xf32>
        %mul3A_1152 = arith.constant 16 : i32
        %mul3A_1153 = arith.muli %mul3A_1152, %add3A_1129 : i32
        %get3A_1154 = arith.index_cast %mul3A_1153 : i32 to index
        %get3A_1155 = tpu.vector_load %arg12[%get3A_1154] {strides = array<i32>} : memref<2000xf32, #tpu.memory_space<vmem>>, vector<16xf32>,
        %sub3A_1156 = arith.subf %bitcast3A_1141, %bitcast3A_1147 : vector<16xf32>
        %sub3A_1157 = arith.subf %bitcast3A_1145, %bitcast3A_1151 : vector<16xf32>
        %mul3A_1158 = arith.mulf %sub3A_1156, %sub3A_1156 : vector<16xf32>
        %mul3A_1159 = arith.mulf %sub3A_1157, %sub3A_1157 : vector<16xf32>
        %add3A_1160 = arith.addf %mul3A_1158, %mul3A_1159 : vector<16xf32>
        %mul3A_1161 = arith.mulf %get3A_1155, %add3A_1160 : vector<16xf32>
        %add3A_1162 = arith.addf %add3A_971, %mul3A_1161 : vector<16xf32>
        %mul3A_1163 = arith.constant 5 : i32
        %mul3A_1164 = arith.muli %mul3A_1163, %add3A_1125 : i32
        %add3A_1165 = arith.constant 1 : i32
        %add3A_1166 = arith.addi %mul3A_1164, %add3A_1165 : i32
        %mul3A_1167 = arith.constant 32 : i32
        %mul3A_1168 = arith.muli %mul3A_1167, %add3A_1166 : i32
        %add3A_1169 = vector.broadcast %mul3A_1168 : i32 to vector<16xi32>
        %add3A_1170 = arith.addi %add3A_1169, %mul3A_38 : vector<16xi32>
        %gather3A_1171 = tpu.vector_load_idx %arg8[%add3A_1170] : memref<4000xi32, #tpu.memory_space<vmem>>[vector<16xi32>], vector<16xi32>,
        %add3A_1172 = vector.broadcast %mul3A_1168 : i32 to vector<16xi32>
        %add3A_1173 = arith.addi %add3A_1172, %add3A_41 : vector<16xi32>
        %gather3A_1174 = tpu.vector_load_idx %arg8[%add3A_1173] : memref<4000xi32, #tpu.memory_space<vmem>>[vector<16xi32>], vector<16xi32>,
        %gather3A_1175 = tpu.vector_load_idx %arg7[%gather3A_1171] : memref<100000xi32, #tpu.memory_space<vmem>>[vector<16xi32>], vector<16xi32>,
        %gather3A_1176 = tpu.vector_load_idx %arg7[%gather3A_1174] : memref<100000xi32, #tpu.memory_space<vmem>>[vector<16xi32>], vector<16xi32>,
        %and3A_1177 = arith.andi %gather3A_1175, %broadcast_in_dim3A_42 : vector<16xi32>
        %bitcast3A_1178 = vector.bitcast %and3A_1177 : vector<16xi32> to vector<16xf32>
        %shift_left3A_1179 = arith.constant 16 : i32
        %shift_left3A_1180 = vector.broadcast %shift_left3A_1179 : i32 to vector<16xi32>
        %shift_left3A_1181 = arith.shli %gather3A_1175, %shift_left3A_1180 : vector<16xi32>
        %bitcast3A_1182 = vector.bitcast %shift_left3A_1181 : vector<16xi32> to vector<16xf32>
        %and3A_1183 = arith.andi %gather3A_1176, %broadcast_in_dim3A_42 : vector<16xi32>
        %bitcast3A_1184 = vector.bitcast %and3A_1183 : vector<16xi32> to vector<16xf32>
        %shift_left3A_1185 = arith.constant 16 : i32
        %shift_left3A_1186 = vector.broadcast %shift_left3A_1185 : i32 to vector<16xi32>
        %shift_left3A_1187 = arith.shli %gather3A_1176, %shift_left3A_1186 : vector<16xi32>
        %bitcast3A_1188 = vector.bitcast %shift_left3A_1187 : vector<16xi32> to vector<16xf32>
        %mul3A_1189 = arith.constant 16 : i32
        %mul3A_1190 = arith.muli %mul3A_1189, %add3A_1166 : i32
        %get3A_1191 = arith.index_cast %mul3A_1190 : i32 to index
        %get3A_1192 = tpu.vector_load %arg12[%get3A_1191] {strides = array<i32>} : memref<2000xf32, #tpu.memory_space<vmem>>, vector<16xf32>,
        %sub3A_1193 = arith.subf %bitcast3A_1178, %bitcast3A_1184 : vector<16xf32>
        %sub3A_1194 = arith.subf %bitcast3A_1182, %bitcast3A_1188 : vector<16xf32>
        %mul3A_1195 = arith.mulf %sub3A_1193, %sub3A_1193 : vector<16xf32>
        %mul3A_1196 = arith.mulf %sub3A_1194, %sub3A_1194 : vector<16xf32>
        %add3A_1197 = arith.addf %mul3A_1195, %mul3A_1196 : vector<16xf32>
        %mul3A_1198 = arith.mulf %get3A_1192, %add3A_1197 : vector<16xf32>
        %add3A_1199 = arith.addf %add3A_1008, %mul3A_1198 : vector<16xf32>
        %mul3A_1200 = arith.constant 5 : i32
        %mul3A_1201 = arith.muli %mul3A_1200, %add3A_1125 : i32
        %add3A_1202 = arith.constant 2 : i32
        %add3A_1203 = arith.addi %mul3A_1201, %add3A_1202 : i32
        %mul3A_1204 = arith.constant 32 : i32
        %mul3A_1205 = arith.muli %mul3A_1204, %add3A_1203 : i32
        %add3A_1206 = vector.broadcast %mul3A_1205 : i32 to vector<16xi32>
        %add3A_1207 = arith.addi %add3A_1206, %mul3A_38 : vector<16xi32>
        %gather3A_1208 = tpu.vector_load_idx %arg8[%add3A_1207] : memref<4000xi32, #tpu.memory_space<vmem>>[vector<16xi32>], vector<16xi32>,
        %add3A_1209 = vector.broadcast %mul3A_1205 : i32 to vector<16xi32>
        %add3A_1210 = arith.addi %add3A_1209, %add3A_41 : vector<16xi32>
        %gather3A_1211 = tpu.vector_load_idx %arg8[%add3A_1210] : memref<4000xi32, #tpu.memory_space<vmem>>[vector<16xi32>], vector<16xi32>,
        %gather3A_1212 = tpu.vector_load_idx %arg7[%gather3A_1208] : memref<100000xi32, #tpu.memory_space<vmem>>[vector<16xi32>], vector<16xi32>,
        %gather3A_1213 = tpu.vector_load_idx %arg7[%gather3A_1211] : memref<100000xi32, #tpu.memory_space<vmem>>[vector<16xi32>], vector<16xi32>,
        %and3A_1214 = arith.andi %gather3A_1212, %broadcast_in_dim3A_42 : vector<16xi32>
        %bitcast3A_1215 = vector.bitcast %and3A_1214 : vector<16xi32> to vector<16xf32>
        %shift_left3A_1216 = arith.constant 16 : i32
        %shift_left3A_1217 = vector.broadcast %shift_left3A_1216 : i32 to vector<16xi32>
        %shift_left3A_1218 = arith.shli %gather3A_1212, %shift_left3A_1217 : vector<16xi32>
        %bitcast3A_1219 = vector.bitcast %shift_left3A_1218 : vector<16xi32> to vector<16xf32>
        %and3A_1220 = arith.andi %gather3A_1213, %broadcast_in_dim3A_42 : vector<16xi32>
        %bitcast3A_1221 = vector.bitcast %and3A_1220 : vector<16xi32> to vector<16xf32>
        %shift_left3A_1222 = arith.constant 16 : i32
        %shift_left3A_1223 = vector.broadcast %shift_left3A_1222 : i32 to vector<16xi32>
        %shift_left3A_1224 = arith.shli %gather3A_1213, %shift_left3A_1223 : vector<16xi32>
        %bitcast3A_1225 = vector.bitcast %shift_left3A_1224 : vector<16xi32> to vector<16xf32>
        %mul3A_1226 = arith.constant 16 : i32
        %mul3A_1227 = arith.muli %mul3A_1226, %add3A_1203 : i32
        %get3A_1228 = arith.index_cast %mul3A_1227 : i32 to index
        %get3A_1229 = tpu.vector_load %arg12[%get3A_1228] {strides = array<i32>} : memref<2000xf32, #tpu.memory_space<vmem>>, vector<16xf32>,
        %sub3A_1230 = arith.subf %bitcast3A_1215, %bitcast3A_1221 : vector<16xf32>
        %sub3A_1231 = arith.subf %bitcast3A_1219, %bitcast3A_1225 : vector<16xf32>
        %mul3A_1232 = arith.mulf %sub3A_1230, %sub3A_1230 : vector<16xf32>
        %mul3A_1233 = arith.mulf %sub3A_1231, %sub3A_1231 : vector<16xf32>
        %add3A_1234 = arith.addf %mul3A_1232, %mul3A_1233 : vector<16xf32>
        %mul3A_1235 = arith.mulf %get3A_1229, %add3A_1234 : vector<16xf32>
        %add3A_1236 = arith.addf %add3A_1045, %mul3A_1235 : vector<16xf32>
        %mul3A_1237 = arith.constant 5 : i32
        %mul3A_1238 = arith.muli %mul3A_1237, %add3A_1125 : i32
        %add3A_1239 = arith.constant 3 : i32
        %add3A_1240 = arith.addi %mul3A_1238, %add3A_1239 : i32
        %mul3A_1241 = arith.constant 32 : i32
        %mul3A_1242 = arith.muli %mul3A_1241, %add3A_1240 : i32
        %add3A_1243 = vector.broadcast %mul3A_1242 : i32 to vector<16xi32>
        %add3A_1244 = arith.addi %add3A_1243, %mul3A_38 : vector<16xi32>
        %gather3A_1245 = tpu.vector_load_idx %arg8[%add3A_1244] : memref<4000xi32, #tpu.memory_space<vmem>>[vector<16xi32>], vector<16xi32>,
        %add3A_1246 = vector.broadcast %mul3A_1242 : i32 to vector<16xi32>
        %add3A_1247 = arith.addi %add3A_1246, %add3A_41 : vector<16xi32>
        %gather3A_1248 = tpu.vector_load_idx %arg8[%add3A_1247] : memref<4000xi32, #tpu.memory_space<vmem>>[vector<16xi32>], vector<16xi32>,
        %gather3A_1249 = tpu.vector_load_idx %arg7[%gather3A_1245] : memref<100000xi32, #tpu.memory_space<vmem>>[vector<16xi32>], vector<16xi32>,
        %gather3A_1250 = tpu.vector_load_idx %arg7[%gather3A_1248] : memref<100000xi32, #tpu.memory_space<vmem>>[vector<16xi32>], vector<16xi32>,
        %and3A_1251 = arith.andi %gather3A_1249, %broadcast_in_dim3A_42 : vector<16xi32>
        %bitcast3A_1252 = vector.bitcast %and3A_1251 : vector<16xi32> to vector<16xf32>
        %shift_left3A_1253 = arith.constant 16 : i32
        %shift_left3A_1254 = vector.broadcast %shift_left3A_1253 : i32 to vector<16xi32>
        %shift_left3A_1255 = arith.shli %gather3A_1249, %shift_left3A_1254 : vector<16xi32>
        %bitcast3A_1256 = vector.bitcast %shift_left3A_1255 : vector<16xi32> to vector<16xf32>
        %and3A_1257 = arith.andi %gather3A_1250, %broadcast_in_dim3A_42 : vector<16xi32>
        %bitcast3A_1258 = vector.bitcast %and3A_1257 : vector<16xi32> to vector<16xf32>
        %shift_left3A_1259 = arith.constant 16 : i32
        %shift_left3A_1260 = vector.broadcast %shift_left3A_1259 : i32 to vector<16xi32>
        %shift_left3A_1261 = arith.shli %gather3A_1250, %shift_left3A_1260 : vector<16xi32>
        %bitcast3A_1262 = vector.bitcast %shift_left3A_1261 : vector<16xi32> to vector<16xf32>
        %mul3A_1263 = arith.constant 16 : i32
        %mul3A_1264 = arith.muli %mul3A_1263, %add3A_1240 : i32
        %get3A_1265 = arith.index_cast %mul3A_1264 : i32 to index
        %get3A_1266 = tpu.vector_load %arg12[%get3A_1265] {strides = array<i32>} : memref<2000xf32, #tpu.memory_space<vmem>>, vector<16xf32>,
        %sub3A_1267 = arith.subf %bitcast3A_1252, %bitcast3A_1258 : vector<16xf32>
        %sub3A_1268 = arith.subf %bitcast3A_1256, %bitcast3A_1262 : vector<16xf32>
        %mul3A_1269 = arith.mulf %sub3A_1267, %sub3A_1267 : vector<16xf32>
        %mul3A_1270 = arith.mulf %sub3A_1268, %sub3A_1268 : vector<16xf32>
        %add3A_1271 = arith.addf %mul3A_1269, %mul3A_1270 : vector<16xf32>
        %mul3A_1272 = arith.mulf %get3A_1266, %add3A_1271 : vector<16xf32>
        %add3A_1273 = arith.addf %add3A_1082, %mul3A_1272 : vector<16xf32>
        %mul3A_1274 = arith.constant 5 : i32
        %mul3A_1275 = arith.muli %mul3A_1274, %add3A_1125 : i32
        %add3A_1276 = arith.constant 4 : i32
        %add3A_1277 = arith.addi %mul3A_1275, %add3A_1276 : i32
        %mul3A_1278 = arith.constant 32 : i32
        %mul3A_1279 = arith.muli %mul3A_1278, %add3A_1277 : i32
        %add3A_1280 = vector.broadcast %mul3A_1279 : i32 to vector<16xi32>
        %add3A_1281 = arith.addi %add3A_1280, %mul3A_38 : vector<16xi32>
        %gather3A_1282 = tpu.vector_load_idx %arg8[%add3A_1281] : memref<4000xi32, #tpu.memory_space<vmem>>[vector<16xi32>], vector<16xi32>,
        %add3A_1283 = vector.broadcast %mul3A_1279 : i32 to vector<16xi32>
        %add3A_1284 = arith.addi %add3A_1283, %add3A_41 : vector<16xi32>
        %gather3A_1285 = tpu.vector_load_idx %arg8[%add3A_1284] : memref<4000xi32, #tpu.memory_space<vmem>>[vector<16xi32>], vector<16xi32>,
        %gather3A_1286 = tpu.vector_load_idx %arg7[%gather3A_1282] : memref<100000xi32, #tpu.memory_space<vmem>>[vector<16xi32>], vector<16xi32>,
        %gather3A_1287 = tpu.vector_load_idx %arg7[%gather3A_1285] : memref<100000xi32, #tpu.memory_space<vmem>>[vector<16xi32>], vector<16xi32>,
        %and3A_1288 = arith.andi %gather3A_1286, %broadcast_in_dim3A_42 : vector<16xi32>
        %bitcast3A_1289 = vector.bitcast %and3A_1288 : vector<16xi32> to vector<16xf32>
        %shift_left3A_1290 = arith.constant 16 : i32
        %shift_left3A_1291 = vector.broadcast %shift_left3A_1290 : i32 to vector<16xi32>
        %shift_left3A_1292 = arith.shli %gather3A_1286, %shift_left3A_1291 : vector<16xi32>
        %bitcast3A_1293 = vector.bitcast %shift_left3A_1292 : vector<16xi32> to vector<16xf32>
        %and3A_1294 = arith.andi %gather3A_1287, %broadcast_in_dim3A_42 : vector<16xi32>
        %bitcast3A_1295 = vector.bitcast %and3A_1294 : vector<16xi32> to vector<16xf32>
        %shift_left3A_1296 = arith.constant 16 : i32
        %shift_left3A_1297 = vector.broadcast %shift_left3A_1296 : i32 to vector<16xi32>
        %shift_left3A_1298 = arith.shli %gather3A_1287, %shift_left3A_1297 : vector<16xi32>
        %bitcast3A_1299 = vector.bitcast %shift_left3A_1298 : vector<16xi32> to vector<16xf32>
        %mul3A_1300 = arith.constant 16 : i32
        %mul3A_1301 = arith.muli %mul3A_1300, %add3A_1277 : i32
        %get3A_1302 = arith.index_cast %mul3A_1301 : i32 to index
        %get3A_1303 = tpu.vector_load %arg12[%get3A_1302] {strides = array<i32>} : memref<2000xf32, #tpu.memory_space<vmem>>, vector<16xf32>,
        %sub3A_1304 = arith.subf %bitcast3A_1289, %bitcast3A_1295 : vector<16xf32>
        %sub3A_1305 = arith.subf %bitcast3A_1293, %bitcast3A_1299 : vector<16xf32>
        %mul3A_1306 = arith.mulf %sub3A_1304, %sub3A_1304 : vector<16xf32>
        %mul3A_1307 = arith.mulf %sub3A_1305, %sub3A_1305 : vector<16xf32>
        %add3A_1308 = arith.addf %mul3A_1306, %mul3A_1307 : vector<16xf32>
        %mul3A_1309 = arith.mulf %get3A_1303, %add3A_1308 : vector<16xf32>
        %add3A_1310 = arith.addf %add3A_1119, %mul3A_1309 : vector<16xf32>
        scf.yield %add3A_1162, %add3A_1199, %add3A_1236, %add3A_1273, %add3A_1310 : vector<16xf32>, vector<16xf32>, vector<16xf32>, vector<16xf32>, vector<16xf32>
      }
      %scan3A_85 = arith.constant 24 : i32
      %scan3A_86 = arith.addi %scan3A_80, %scan3A_85 : i32
      %mul3A_87 = arith.constant 1 : i32
      %mul3A_88 = arith.muli %scan3A_86, %mul3A_87 : i32
      %add3A_89 = arith.constant 0 : i32
      %add3A_90 = arith.addi %add3A_89, %mul3A_88 : i32
      %mul3A_91 = arith.constant 5 : i32
      %mul3A_92 = arith.muli %mul3A_91, %add3A_90 : i32
      %add3A_93 = arith.constant 0 : i32
      %add3A_94 = arith.addi %mul3A_92, %add3A_93 : i32
      %mul3A_95 = arith.constant 32 : i32
      %mul3A_96 = arith.muli %mul3A_95, %add3A_94 : i32
      %add3A_97 = vector.broadcast %mul3A_96 : i32 to vector<16xi32>
      %add3A_98 = arith.addi %add3A_97, %mul3A_38 : vector<16xi32>
      %gather3A = tpu.vector_load_idx %arg8[%add3A_98] : memref<4000xi32, #tpu.memory_space<vmem>>[vector<16xi32>], vector<16xi32>,
      %add3A_99 = vector.broadcast %mul3A_96 : i32 to vector<16xi32>
      %add3A_100 = arith.addi %add3A_99, %add3A_41 : vector<16xi32>
      %gather3A_101 = tpu.vector_load_idx %arg8[%add3A_100] : memref<4000xi32, #tpu.memory_space<vmem>>[vector<16xi32>], vector<16xi32>,
      %gather3A_102 = tpu.vector_load_idx %arg7[%gather3A] : memref<100000xi32, #tpu.memory_space<vmem>>[vector<16xi32>], vector<16xi32>,
      %gather3A_103 = tpu.vector_load_idx %arg7[%gather3A_101] : memref<100000xi32, #tpu.memory_space<vmem>>[vector<16xi32>], vector<16xi32>,
      %and3A = arith.andi %gather3A_102, %broadcast_in_dim3A_42 : vector<16xi32>
      %bitcast3A = vector.bitcast %and3A : vector<16xi32> to vector<16xf32>
      %shift_left3A = arith.constant 16 : i32
      %shift_left3A_104 = vector.broadcast %shift_left3A : i32 to vector<16xi32>
      %shift_left3A_105 = arith.shli %gather3A_102, %shift_left3A_104 : vector<16xi32>
      %bitcast3A_106 = vector.bitcast %shift_left3A_105 : vector<16xi32> to vector<16xf32>
      %and3A_107 = arith.andi %gather3A_103, %broadcast_in_dim3A_42 : vector<16xi32>
      %bitcast3A_108 = vector.bitcast %and3A_107 : vector<16xi32> to vector<16xf32>
      %shift_left3A_109 = arith.constant 16 : i32
      %shift_left3A_110 = vector.broadcast %shift_left3A_109 : i32 to vector<16xi32>
      %shift_left3A_111 = arith.shli %gather3A_103, %shift_left3A_110 : vector<16xi32>
      %bitcast3A_112 = vector.bitcast %shift_left3A_111 : vector<16xi32> to vector<16xf32>
      %mul3A_113 = arith.constant 16 : i32
      %mul3A_114 = arith.muli %mul3A_113, %add3A_94 : i32
      %get3A = arith.index_cast %mul3A_114 : i32 to index
      %get3A_115 = tpu.vector_load %arg12[%get3A] {strides = array<i32>} : memref<2000xf32, #tpu.memory_space<vmem>>, vector<16xf32>,
      %sub3A = arith.subf %bitcast3A, %bitcast3A_108 : vector<16xf32>
      %sub3A_116 = arith.subf %bitcast3A_106, %bitcast3A_112 : vector<16xf32>
      %mul3A_117 = arith.mulf %sub3A, %sub3A : vector<16xf32>
      %mul3A_118 = arith.mulf %sub3A_116, %sub3A_116 : vector<16xf32>
      %add3A_119 = arith.addf %mul3A_117, %mul3A_118 : vector<16xf32>
      %mul3A_120 = arith.mulf %get3A_115, %add3A_119 : vector<16xf32>
      %add3A_121 = arith.addf %scan3A_84#0, %mul3A_120 : vector<16xf32>
      %mul3A_122 = arith.constant 5 : i32
      %mul3A_123 = arith.muli %mul3A_122, %add3A_90 : i32
      %add3A_124 = arith.constant 1 : i32
      %add3A_125 = arith.addi %mul3A_123, %add3A_124 : i32
      %mul3A_126 = arith.constant 32 : i32
      %mul3A_127 = arith.muli %mul3A_126, %add3A_125 : i32
      %add3A_128 = vector.broadcast %mul3A_127 : i32 to vector<16xi32>
      %add3A_129 = arith.addi %add3A_128, %mul3A_38 : vector<16xi32>
      %gather3A_130 = tpu.vector_load_idx %arg8[%add3A_129] : memref<4000xi32, #tpu.memory_space<vmem>>[vector<16xi32>], vector<16xi32>,
      %add3A_131 = vector.broadcast %mul3A_127 : i32 to vector<16xi32>
      %add3A_132 = arith.addi %add3A_131, %add3A_41 : vector<16xi32>
      %gather3A_133 = tpu.vector_load_idx %arg8[%add3A_132] : memref<4000xi32, #tpu.memory_space<vmem>>[vector<16xi32>], vector<16xi32>,
      %gather3A_134 = tpu.vector_load_idx %arg7[%gather3A_130] : memref<100000xi32, #tpu.memory_space<vmem>>[vector<16xi32>], vector<16xi32>,
      %gather3A_135 = tpu.vector_load_idx %arg7[%gather3A_133] : memref<100000xi32, #tpu.memory_space<vmem>>[vector<16xi32>], vector<16xi32>,
      %and3A_136 = arith.andi %gather3A_134, %broadcast_in_dim3A_42 : vector<16xi32>
      %bitcast3A_137 = vector.bitcast %and3A_136 : vector<16xi32> to vector<16xf32>
      %shift_left3A_138 = arith.constant 16 : i32
      %shift_left3A_139 = vector.broadcast %shift_left3A_138 : i32 to vector<16xi32>
      %shift_left3A_140 = arith.shli %gather3A_134, %shift_left3A_139 : vector<16xi32>
      %bitcast3A_141 = vector.bitcast %shift_left3A_140 : vector<16xi32> to vector<16xf32>
      %and3A_142 = arith.andi %gather3A_135, %broadcast_in_dim3A_42 : vector<16xi32>
      %bitcast3A_143 = vector.bitcast %and3A_142 : vector<16xi32> to vector<16xf32>
      %shift_left3A_144 = arith.constant 16 : i32
      %shift_left3A_145 = vector.broadcast %shift_left3A_144 : i32 to vector<16xi32>
      %shift_left3A_146 = arith.shli %gather3A_135, %shift_left3A_145 : vector<16xi32>
      %bitcast3A_147 = vector.bitcast %shift_left3A_146 : vector<16xi32> to vector<16xf32>
      %mul3A_148 = arith.constant 16 : i32
      %mul3A_149 = arith.muli %mul3A_148, %add3A_125 : i32
      %get3A_150 = arith.index_cast %mul3A_149 : i32 to index
      %get3A_151 = tpu.vector_load %arg12[%get3A_150] {strides = array<i32>} : memref<2000xf32, #tpu.memory_space<vmem>>, vector<16xf32>,
      %sub3A_152 = arith.subf %bitcast3A_137, %bitcast3A_143 : vector<16xf32>
      %sub3A_153 = arith.subf %bitcast3A_141, %bitcast3A_147 : vector<16xf32>
      %mul3A_154 = arith.mulf %sub3A_152, %sub3A_152 : vector<16xf32>
      %mul3A_155 = arith.mulf %sub3A_153, %sub3A_153 : vector<16xf32>
      %add3A_156 = arith.addf %mul3A_154, %mul3A_155 : vector<16xf32>
      %mul3A_157 = arith.mulf %get3A_151, %add3A_156 : vector<16xf32>
      %add3A_158 = arith.addf %scan3A_84#1, %mul3A_157 : vector<16xf32>
      %mul3A_159 = arith.constant 5 : i32
      %mul3A_160 = arith.muli %mul3A_159, %add3A_90 : i32
      %add3A_161 = arith.constant 2 : i32
      %add3A_162 = arith.addi %mul3A_160, %add3A_161 : i32
      %mul3A_163 = arith.constant 32 : i32
      %mul3A_164 = arith.muli %mul3A_163, %add3A_162 : i32
      %add3A_165 = vector.broadcast %mul3A_164 : i32 to vector<16xi32>
      %add3A_166 = arith.addi %add3A_165, %mul3A_38 : vector<16xi32>
      %gather3A_167 = tpu.vector_load_idx %arg8[%add3A_166] : memref<4000xi32, #tpu.memory_space<vmem>>[vector<16xi32>], vector<16xi32>,
      %add3A_168 = vector.broadcast %mul3A_164 : i32 to vector<16xi32>
      %add3A_169 = arith.addi %add3A_168, %add3A_41 : vector<16xi32>
      %gather3A_170 = tpu.vector_load_idx %arg8[%add3A_169] : memref<4000xi32, #tpu.memory_space<vmem>>[vector<16xi32>], vector<16xi32>,
      %gather3A_171 = tpu.vector_load_idx %arg7[%gather3A_167] : memref<100000xi32, #tpu.memory_space<vmem>>[vector<16xi32>], vector<16xi32>,
      %gather3A_172 = tpu.vector_load_idx %arg7[%gather3A_170] : memref<100000xi32, #tpu.memory_space<vmem>>[vector<16xi32>], vector<16xi32>,
      %and3A_173 = arith.andi %gather3A_171, %broadcast_in_dim3A_42 : vector<16xi32>
      %bitcast3A_174 = vector.bitcast %and3A_173 : vector<16xi32> to vector<16xf32>
      %shift_left3A_175 = arith.constant 16 : i32
      %shift_left3A_176 = vector.broadcast %shift_left3A_175 : i32 to vector<16xi32>
      %shift_left3A_177 = arith.shli %gather3A_171, %shift_left3A_176 : vector<16xi32>
      %bitcast3A_178 = vector.bitcast %shift_left3A_177 : vector<16xi32> to vector<16xf32>
      %and3A_179 = arith.andi %gather3A_172, %broadcast_in_dim3A_42 : vector<16xi32>
      %bitcast3A_180 = vector.bitcast %and3A_179 : vector<16xi32> to vector<16xf32>
      %shift_left3A_181 = arith.constant 16 : i32
      %shift_left3A_182 = vector.broadcast %shift_left3A_181 : i32 to vector<16xi32>
      %shift_left3A_183 = arith.shli %gather3A_172, %shift_left3A_182 : vector<16xi32>
      %bitcast3A_184 = vector.bitcast %shift_left3A_183 : vector<16xi32> to vector<16xf32>
      %mul3A_185 = arith.constant 16 : i32
      %mul3A_186 = arith.muli %mul3A_185, %add3A_162 : i32
      %get3A_187 = arith.index_cast %mul3A_186 : i32 to index
      %get3A_188 = tpu.vector_load %arg12[%get3A_187] {strides = array<i32>} : memref<2000xf32, #tpu.memory_space<vmem>>, vector<16xf32>,
      %sub3A_189 = arith.subf %bitcast3A_174, %bitcast3A_180 : vector<16xf32>
      %sub3A_190 = arith.subf %bitcast3A_178, %bitcast3A_184 : vector<16xf32>
      %mul3A_191 = arith.mulf %sub3A_189, %sub3A_189 : vector<16xf32>
      %mul3A_192 = arith.mulf %sub3A_190, %sub3A_190 : vector<16xf32>
      %add3A_193 = arith.addf %mul3A_191, %mul3A_192 : vector<16xf32>
      %mul3A_194 = arith.mulf %get3A_188, %add3A_193 : vector<16xf32>
      %add3A_195 = arith.addf %scan3A_84#2, %mul3A_194 : vector<16xf32>
      %mul3A_196 = arith.constant 5 : i32
      %mul3A_197 = arith.muli %mul3A_196, %add3A_90 : i32
      %add3A_198 = arith.constant 3 : i32
      %add3A_199 = arith.addi %mul3A_197, %add3A_198 : i32
      %mul3A_200 = arith.constant 32 : i32
      %mul3A_201 = arith.muli %mul3A_200, %add3A_199 : i32
      %add3A_202 = vector.broadcast %mul3A_201 : i32 to vector<16xi32>
      %add3A_203 = arith.addi %add3A_202, %mul3A_38 : vector<16xi32>
      %gather3A_204 = tpu.vector_load_idx %arg8[%add3A_203] : memref<4000xi32, #tpu.memory_space<vmem>>[vector<16xi32>], vector<16xi32>,
      %add3A_205 = vector.broadcast %mul3A_201 : i32 to vector<16xi32>
      %add3A_206 = arith.addi %add3A_205, %add3A_41 : vector<16xi32>
      %gather3A_207 = tpu.vector_load_idx %arg8[%add3A_206] : memref<4000xi32, #tpu.memory_space<vmem>>[vector<16xi32>], vector<16xi32>,
      %gather3A_208 = tpu.vector_load_idx %arg7[%gather3A_204] : memref<100000xi32, #tpu.memory_space<vmem>>[vector<16xi32>], vector<16xi32>,
      %gather3A_209 = tpu.vector_load_idx %arg7[%gather3A_207] : memref<100000xi32, #tpu.memory_space<vmem>>[vector<16xi32>], vector<16xi32>,
      %and3A_210 = arith.andi %gather3A_208, %broadcast_in_dim3A_42 : vector<16xi32>
      %bitcast3A_211 = vector.bitcast %and3A_210 : vector<16xi32> to vector<16xf32>
      %shift_left3A_212 = arith.constant 16 : i32
      %shift_left3A_213 = vector.broadcast %shift_left3A_212 : i32 to vector<16xi32>
      %shift_left3A_214 = arith.shli %gather3A_208, %shift_left3A_213 : vector<16xi32>
      %bitcast3A_215 = vector.bitcast %shift_left3A_214 : vector<16xi32> to vector<16xf32>
      %and3A_216 = arith.andi %gather3A_209, %broadcast_in_dim3A_42 : vector<16xi32>
      %bitcast3A_217 = vector.bitcast %and3A_216 : vector<16xi32> to vector<16xf32>
      %shift_left3A_218 = arith.constant 16 : i32
      %shift_left3A_219 = vector.broadcast %shift_left3A_218 : i32 to vector<16xi32>
      %shift_left3A_220 = arith.shli %gather3A_209, %shift_left3A_219 : vector<16xi32>
      %bitcast3A_221 = vector.bitcast %shift_left3A_220 : vector<16xi32> to vector<16xf32>
      %mul3A_222 = arith.constant 16 : i32
      %mul3A_223 = arith.muli %mul3A_222, %add3A_199 : i32
      %get3A_224 = arith.index_cast %mul3A_223 : i32 to index
      %get3A_225 = tpu.vector_load %arg12[%get3A_224] {strides = array<i32>} : memref<2000xf32, #tpu.memory_space<vmem>>, vector<16xf32>,
      %sub3A_226 = arith.subf %bitcast3A_211, %bitcast3A_217 : vector<16xf32>
      %sub3A_227 = arith.subf %bitcast3A_215, %bitcast3A_221 : vector<16xf32>
      %mul3A_228 = arith.mulf %sub3A_226, %sub3A_226 : vector<16xf32>
      %mul3A_229 = arith.mulf %sub3A_227, %sub3A_227 : vector<16xf32>
      %add3A_230 = arith.addf %mul3A_228, %mul3A_229 : vector<16xf32>
      %mul3A_231 = arith.mulf %get3A_225, %add3A_230 : vector<16xf32>
      %add3A_232 = arith.addf %scan3A_84#3, %mul3A_231 : vector<16xf32>
      %mul3A_233 = arith.constant 5 : i32
      %mul3A_234 = arith.muli %mul3A_233, %add3A_90 : i32
      %add3A_235 = arith.constant 4 : i32
      %add3A_236 = arith.addi %mul3A_234, %add3A_235 : i32
      %mul3A_237 = arith.constant 32 : i32
      %mul3A_238 = arith.muli %mul3A_237, %add3A_236 : i32
      %add3A_239 = vector.broadcast %mul3A_238 : i32 to vector<16xi32>
      %add3A_240 = arith.addi %add3A_239, %mul3A_38 : vector<16xi32>
      %gather3A_241 = tpu.vector_load_idx %arg8[%add3A_240] : memref<4000xi32, #tpu.memory_space<vmem>>[vector<16xi32>], vector<16xi32>,
      %add3A_242 = vector.broadcast %mul3A_238 : i32 to vector<16xi32>
      %add3A_243 = arith.addi %add3A_242, %add3A_41 : vector<16xi32>
      %gather3A_244 = tpu.vector_load_idx %arg8[%add3A_243] : memref<4000xi32, #tpu.memory_space<vmem>>[vector<16xi32>], vector<16xi32>,
      %gather3A_245 = tpu.vector_load_idx %arg7[%gather3A_241] : memref<100000xi32, #tpu.memory_space<vmem>>[vector<16xi32>], vector<16xi32>,
      %gather3A_246 = tpu.vector_load_idx %arg7[%gather3A_244] : memref<100000xi32, #tpu.memory_space<vmem>>[vector<16xi32>], vector<16xi32>,
      %and3A_247 = arith.andi %gather3A_245, %broadcast_in_dim3A_42 : vector<16xi32>
      %bitcast3A_248 = vector.bitcast %and3A_247 : vector<16xi32> to vector<16xf32>
      %shift_left3A_249 = arith.constant 16 : i32
      %shift_left3A_250 = vector.broadcast %shift_left3A_249 : i32 to vector<16xi32>
      %shift_left3A_251 = arith.shli %gather3A_245, %shift_left3A_250 : vector<16xi32>
      %bitcast3A_252 = vector.bitcast %shift_left3A_251 : vector<16xi32> to vector<16xf32>
      %and3A_253 = arith.andi %gather3A_246, %broadcast_in_dim3A_42 : vector<16xi32>
      %bitcast3A_254 = vector.bitcast %and3A_253 : vector<16xi32> to vector<16xf32>
      %shift_left3A_255 = arith.constant 16 : i32
      %shift_left3A_256 = vector.broadcast %shift_left3A_255 : i32 to vector<16xi32>
      %shift_left3A_257 = arith.shli %gather3A_246, %shift_left3A_256 : vector<16xi32>
      %bitcast3A_258 = vector.bitcast %shift_left3A_257 : vector<16xi32> to vector<16xf32>
      %mul3A_259 = arith.constant 16 : i32
      %mul3A_260 = arith.muli %mul3A_259, %add3A_236 : i32
      %get3A_261 = arith.index_cast %mul3A_260 : i32 to index
      %get3A_262 = tpu.vector_load %arg12[%get3A_261] {strides = array<i32>} : memref<2000xf32, #tpu.memory_space<vmem>>, vector<16xf32>,
      %sub3A_263 = arith.subf %bitcast3A_248, %bitcast3A_254 : vector<16xf32>
      %sub3A_264 = arith.subf %bitcast3A_252, %bitcast3A_258 : vector<16xf32>
      %mul3A_265 = arith.mulf %sub3A_263, %sub3A_263 : vector<16xf32>
      %mul3A_266 = arith.mulf %sub3A_264, %sub3A_264 : vector<16xf32>
      %add3A_267 = arith.addf %mul3A_265, %mul3A_266 : vector<16xf32>
      %mul3A_268 = arith.mulf %get3A_262, %add3A_267 : vector<16xf32>
      %add3A_269 = arith.addf %scan3A_84#4, %mul3A_268 : vector<16xf32>
      %scan3A_270 = arith.constant 25 : i32
      %add3A_271 = arith.constant 4 : i32
      %add3A_272 = arith.addi %add3A_72, %add3A_271 : i32
      %lt3A = arith.constant 100 : i32
      %lt3A_273 = arith.cmpi slt, %add3A_272, %lt3A : i32
      %convert_element_type3A_274 = arith.extui %lt3A_273 : i1 to i32
      %cond3A_275 = arith.constant 0 : i32
      %cond3A_276 = arith.cmpi ne, %convert_element_type3A_274, %cond3A_275 : i32
      scf.if %cond3A_276 {
        %add3A_925 = arith.constant 4 : i32
        %add3A_926 = arith.addi %add3A_72, %add3A_925 : i32
        %mul3A_927 = arith.constant 2000 : i32
        %mul3A_928 = arith.muli %add3A_926, %mul3A_927 : i32
        %add3A_929 = arith.addi %mul3A_2, %mul3A_928 : i32
        %mul3A_930 = arith.constant 2 : i32
        %mul3A_931 = arith.muli %mul3A_930, %add3A_929 : i32
        %dma_start3A_932 = tpu.memref_slice %arg3[%mul3A_931] : memref<12800000xi32, #tpu.memory_space<hbm>> -> memref<4000xi32, #tpu.memory_space<hbm>>
        %dma_start3A_933 = tpu.memref_slice %arg3[%mul3A_931] : memref<12800000xi32, #tpu.memory_space<hbm>> -> memref<4000xi32, #tpu.memory_space<hbm>>
        tpu.enqueue_dma source(%dma_start3A_933 : memref<4000xi32, #tpu.memory_space<hbm>>) target(%arg8 : memref<4000xi32, #tpu.memory_space<vmem>>) target_semaphore(%arg17 : memref<!tpu.dma_semaphore, #tpu.memory_space<semaphore_mem>>)
        %dma_start3A_934 = tpu.memref_slice %arg4[%add3A_929] : memref<6400000xf32, #tpu.memory_space<hbm>> -> memref<2000xf32, #tpu.memory_space<hbm>>
        %dma_start3A_935 = tpu.memref_slice %arg4[%add3A_929] : memref<6400000xf32, #tpu.memory_space<hbm>> -> memref<2000xf32, #tpu.memory_space<hbm>>
        tpu.enqueue_dma source(%dma_start3A_935 : memref<2000xf32, #tpu.memory_space<hbm>>) target(%arg12 : memref<2000xf32, #tpu.memory_space<vmem>>) target_semaphore(%arg17 : memref<!tpu.dma_semaphore, #tpu.memory_space<semaphore_mem>>)
      } else {
      }
      %mul3A_277 = arith.constant 4 : i32
      %mul3A_278 = arith.muli %mul3A_277, %scan3A_63 : i32
      %add3A_279 = arith.constant 1 : i32
      %add3A_280 = arith.addi %mul3A_278, %add3A_279 : i32
      %dma_wait3A_281 = arith.constant 0 : i32
      %dma_wait3A_282 = tpu.memref_slice %arg3[%dma_wait3A_281] : memref<12800000xi32, #tpu.memory_space<hbm>> -> memref<4000xi32, #tpu.memory_space<hbm>>
      %dma_wait3A_283 = arith.constant 0 : i32
      %dma_wait3A_284 = tpu.memref_slice %arg3[%dma_wait3A_283] : memref<12800000xi32, #tpu.memory_space<hbm>> -> memref<4000xi32, #tpu.memory_space<hbm>>
      tpu.wait_dma2 semaphore(%arg18 : memref<!tpu.dma_semaphore, #tpu.memory_space<semaphore_mem>>) src(%dma_wait3A_284 : memref<4000xi32, #tpu.memory_space<hbm>>) dst(%arg9 : memref<4000xi32, #tpu.memory_space<vmem>>)
      %dma_wait3A_285 = arith.constant 0 : i32
      %dma_wait3A_286 = tpu.memref_slice %arg4[%dma_wait3A_285] : memref<6400000xf32, #tpu.memory_space<hbm>> -> memref<2000xf32, #tpu.memory_space<hbm>>
      %dma_wait3A_287 = arith.constant 0 : i32
      %dma_wait3A_288 = tpu.memref_slice %arg4[%dma_wait3A_287] : memref<6400000xf32, #tpu.memory_space<hbm>> -> memref<2000xf32, #tpu.memory_space<hbm>>
      tpu.wait_dma2 semaphore(%arg18 : memref<!tpu.dma_semaphore, #tpu.memory_space<semaphore_mem>>) src(%dma_wait3A_288 : memref<2000xf32, #tpu.memory_space<hbm>>) dst(%arg13 : memref<2000xf32, #tpu.memory_space<vmem>>)
      %scan3A_289 = arith.constant 0 : i32
      %scan3A_290 = arith.constant 24 : i32
      %scan3A_291 = arith.addi %scan3A_289, %scan3A_290 : i32
      %scan3A_292 = arith.constant 2 : i32
      %scan3A_293:5 = scf.for %scan3A_925 = %scan3A_289 to %scan3A_291 step %scan3A_292 iter_args(%scan3A_926 = %add3A_121, %scan3A_927 = %add3A_158, %scan3A_928 = %add3A_195, %scan3A_929 = %add3A_232, %scan3A_930 = %add3A_269) -> (vector<16xf32>, vector<16xf32>, vector<16xf32>, vector<16xf32>, vector<16xf32>)  : i32 {
        %mul3A_931 = arith.constant 1 : i32
        %mul3A_932 = arith.muli %scan3A_925, %mul3A_931 : i32
        %add3A_933 = arith.constant 0 : i32
        %add3A_934 = arith.addi %add3A_933, %mul3A_932 : i32
        %mul3A_935 = arith.constant 5 : i32
        %mul3A_936 = arith.muli %mul3A_935, %add3A_934 : i32
        %add3A_937 = arith.constant 0 : i32
        %add3A_938 = arith.addi %mul3A_936, %add3A_937 : i32
        %mul3A_939 = arith.constant 32 : i32
        %mul3A_940 = arith.muli %mul3A_939, %add3A_938 : i32
        %add3A_941 = vector.broadcast %mul3A_940 : i32 to vector<16xi32>
        %add3A_942 = arith.addi %add3A_941, %mul3A_38 : vector<16xi32>
        %gather3A_943 = tpu.vector_load_idx %arg9[%add3A_942] : memref<4000xi32, #tpu.memory_space<vmem>>[vector<16xi32>], vector<16xi32>,
        %add3A_944 = vector.broadcast %mul3A_940 : i32 to vector<16xi32>
        %add3A_945 = arith.addi %add3A_944, %add3A_41 : vector<16xi32>
        %gather3A_946 = tpu.vector_load_idx %arg9[%add3A_945] : memref<4000xi32, #tpu.memory_space<vmem>>[vector<16xi32>], vector<16xi32>,
        %gather3A_947 = tpu.vector_load_idx %arg7[%gather3A_943] : memref<100000xi32, #tpu.memory_space<vmem>>[vector<16xi32>], vector<16xi32>,
        %gather3A_948 = tpu.vector_load_idx %arg7[%gather3A_946] : memref<100000xi32, #tpu.memory_space<vmem>>[vector<16xi32>], vector<16xi32>,
        %and3A_949 = arith.andi %gather3A_947, %broadcast_in_dim3A_42 : vector<16xi32>
        %bitcast3A_950 = vector.bitcast %and3A_949 : vector<16xi32> to vector<16xf32>
        %shift_left3A_951 = arith.constant 16 : i32
        %shift_left3A_952 = vector.broadcast %shift_left3A_951 : i32 to vector<16xi32>
        %shift_left3A_953 = arith.shli %gather3A_947, %shift_left3A_952 : vector<16xi32>
        %bitcast3A_954 = vector.bitcast %shift_left3A_953 : vector<16xi32> to vector<16xf32>
        %and3A_955 = arith.andi %gather3A_948, %broadcast_in_dim3A_42 : vector<16xi32>
        %bitcast3A_956 = vector.bitcast %and3A_955 : vector<16xi32> to vector<16xf32>
        %shift_left3A_957 = arith.constant 16 : i32
        %shift_left3A_958 = vector.broadcast %shift_left3A_957 : i32 to vector<16xi32>
        %shift_left3A_959 = arith.shli %gather3A_948, %shift_left3A_958 : vector<16xi32>
        %bitcast3A_960 = vector.bitcast %shift_left3A_959 : vector<16xi32> to vector<16xf32>
        %mul3A_961 = arith.constant 16 : i32
        %mul3A_962 = arith.muli %mul3A_961, %add3A_938 : i32
        %get3A_963 = arith.index_cast %mul3A_962 : i32 to index
        %get3A_964 = tpu.vector_load %arg13[%get3A_963] {strides = array<i32>} : memref<2000xf32, #tpu.memory_space<vmem>>, vector<16xf32>,
        %sub3A_965 = arith.subf %bitcast3A_950, %bitcast3A_956 : vector<16xf32>
        %sub3A_966 = arith.subf %bitcast3A_954, %bitcast3A_960 : vector<16xf32>
        %mul3A_967 = arith.mulf %sub3A_965, %sub3A_965 : vector<16xf32>
        %mul3A_968 = arith.mulf %sub3A_966, %sub3A_966 : vector<16xf32>
        %add3A_969 = arith.addf %mul3A_967, %mul3A_968 : vector<16xf32>
        %mul3A_970 = arith.mulf %get3A_964, %add3A_969 : vector<16xf32>
        %add3A_971 = arith.addf %scan3A_926, %mul3A_970 : vector<16xf32>
        %mul3A_972 = arith.constant 5 : i32
        %mul3A_973 = arith.muli %mul3A_972, %add3A_934 : i32
        %add3A_974 = arith.constant 1 : i32
        %add3A_975 = arith.addi %mul3A_973, %add3A_974 : i32
        %mul3A_976 = arith.constant 32 : i32
        %mul3A_977 = arith.muli %mul3A_976, %add3A_975 : i32
        %add3A_978 = vector.broadcast %mul3A_977 : i32 to vector<16xi32>
        %add3A_979 = arith.addi %add3A_978, %mul3A_38 : vector<16xi32>
        %gather3A_980 = tpu.vector_load_idx %arg9[%add3A_979] : memref<4000xi32, #tpu.memory_space<vmem>>[vector<16xi32>], vector<16xi32>,
        %add3A_981 = vector.broadcast %mul3A_977 : i32 to vector<16xi32>
        %add3A_982 = arith.addi %add3A_981, %add3A_41 : vector<16xi32>
        %gather3A_983 = tpu.vector_load_idx %arg9[%add3A_982] : memref<4000xi32, #tpu.memory_space<vmem>>[vector<16xi32>], vector<16xi32>,
        %gather3A_984 = tpu.vector_load_idx %arg7[%gather3A_980] : memref<100000xi32, #tpu.memory_space<vmem>>[vector<16xi32>], vector<16xi32>,
        %gather3A_985 = tpu.vector_load_idx %arg7[%gather3A_983] : memref<100000xi32, #tpu.memory_space<vmem>>[vector<16xi32>], vector<16xi32>,
        %and3A_986 = arith.andi %gather3A_984, %broadcast_in_dim3A_42 : vector<16xi32>
        %bitcast3A_987 = vector.bitcast %and3A_986 : vector<16xi32> to vector<16xf32>
        %shift_left3A_988 = arith.constant 16 : i32
        %shift_left3A_989 = vector.broadcast %shift_left3A_988 : i32 to vector<16xi32>
        %shift_left3A_990 = arith.shli %gather3A_984, %shift_left3A_989 : vector<16xi32>
        %bitcast3A_991 = vector.bitcast %shift_left3A_990 : vector<16xi32> to vector<16xf32>
        %and3A_992 = arith.andi %gather3A_985, %broadcast_in_dim3A_42 : vector<16xi32>
        %bitcast3A_993 = vector.bitcast %and3A_992 : vector<16xi32> to vector<16xf32>
        %shift_left3A_994 = arith.constant 16 : i32
        %shift_left3A_995 = vector.broadcast %shift_left3A_994 : i32 to vector<16xi32>
        %shift_left3A_996 = arith.shli %gather3A_985, %shift_left3A_995 : vector<16xi32>
        %bitcast3A_997 = vector.bitcast %shift_left3A_996 : vector<16xi32> to vector<16xf32>
        %mul3A_998 = arith.constant 16 : i32
        %mul3A_999 = arith.muli %mul3A_998, %add3A_975 : i32
        %get3A_1000 = arith.index_cast %mul3A_999 : i32 to index
        %get3A_1001 = tpu.vector_load %arg13[%get3A_1000] {strides = array<i32>} : memref<2000xf32, #tpu.memory_space<vmem>>, vector<16xf32>,
        %sub3A_1002 = arith.subf %bitcast3A_987, %bitcast3A_993 : vector<16xf32>
        %sub3A_1003 = arith.subf %bitcast3A_991, %bitcast3A_997 : vector<16xf32>
        %mul3A_1004 = arith.mulf %sub3A_1002, %sub3A_1002 : vector<16xf32>
        %mul3A_1005 = arith.mulf %sub3A_1003, %sub3A_1003 : vector<16xf32>
        %add3A_1006 = arith.addf %mul3A_1004, %mul3A_1005 : vector<16xf32>
        %mul3A_1007 = arith.mulf %get3A_1001, %add3A_1006 : vector<16xf32>
        %add3A_1008 = arith.addf %scan3A_927, %mul3A_1007 : vector<16xf32>
        %mul3A_1009 = arith.constant 5 : i32
        %mul3A_1010 = arith.muli %mul3A_1009, %add3A_934 : i32
        %add3A_1011 = arith.constant 2 : i32
        %add3A_1012 = arith.addi %mul3A_1010, %add3A_1011 : i32
        %mul3A_1013 = arith.constant 32 : i32
        %mul3A_1014 = arith.muli %mul3A_1013, %add3A_1012 : i32
        %add3A_1015 = vector.broadcast %mul3A_1014 : i32 to vector<16xi32>
        %add3A_1016 = arith.addi %add3A_1015, %mul3A_38 : vector<16xi32>
        %gather3A_1017 = tpu.vector_load_idx %arg9[%add3A_1016] : memref<4000xi32, #tpu.memory_space<vmem>>[vector<16xi32>], vector<16xi32>,
        %add3A_1018 = vector.broadcast %mul3A_1014 : i32 to vector<16xi32>
        %add3A_1019 = arith.addi %add3A_1018, %add3A_41 : vector<16xi32>
        %gather3A_1020 = tpu.vector_load_idx %arg9[%add3A_1019] : memref<4000xi32, #tpu.memory_space<vmem>>[vector<16xi32>], vector<16xi32>,
        %gather3A_1021 = tpu.vector_load_idx %arg7[%gather3A_1017] : memref<100000xi32, #tpu.memory_space<vmem>>[vector<16xi32>], vector<16xi32>,
        %gather3A_1022 = tpu.vector_load_idx %arg7[%gather3A_1020] : memref<100000xi32, #tpu.memory_space<vmem>>[vector<16xi32>], vector<16xi32>,
        %and3A_1023 = arith.andi %gather3A_1021, %broadcast_in_dim3A_42 : vector<16xi32>
        %bitcast3A_1024 = vector.bitcast %and3A_1023 : vector<16xi32> to vector<16xf32>
        %shift_left3A_1025 = arith.constant 16 : i32
        %shift_left3A_1026 = vector.broadcast %shift_left3A_1025 : i32 to vector<16xi32>
        %shift_left3A_1027 = arith.shli %gather3A_1021, %shift_left3A_1026 : vector<16xi32>
        %bitcast3A_1028 = vector.bitcast %shift_left3A_1027 : vector<16xi32> to vector<16xf32>
        %and3A_1029 = arith.andi %gather3A_1022, %broadcast_in_dim3A_42 : vector<16xi32>
        %bitcast3A_1030 = vector.bitcast %and3A_1029 : vector<16xi32> to vector<16xf32>
        %shift_left3A_1031 = arith.constant 16 : i32
        %shift_left3A_1032 = vector.broadcast %shift_left3A_1031 : i32 to vector<16xi32>
        %shift_left3A_1033 = arith.shli %gather3A_1022, %shift_left3A_1032 : vector<16xi32>
        %bitcast3A_1034 = vector.bitcast %shift_left3A_1033 : vector<16xi32> to vector<16xf32>
        %mul3A_1035 = arith.constant 16 : i32
        %mul3A_1036 = arith.muli %mul3A_1035, %add3A_1012 : i32
        %get3A_1037 = arith.index_cast %mul3A_1036 : i32 to index
        %get3A_1038 = tpu.vector_load %arg13[%get3A_1037] {strides = array<i32>} : memref<2000xf32, #tpu.memory_space<vmem>>, vector<16xf32>,
        %sub3A_1039 = arith.subf %bitcast3A_1024, %bitcast3A_1030 : vector<16xf32>
        %sub3A_1040 = arith.subf %bitcast3A_1028, %bitcast3A_1034 : vector<16xf32>
        %mul3A_1041 = arith.mulf %sub3A_1039, %sub3A_1039 : vector<16xf32>
        %mul3A_1042 = arith.mulf %sub3A_1040, %sub3A_1040 : vector<16xf32>
        %add3A_1043 = arith.addf %mul3A_1041, %mul3A_1042 : vector<16xf32>
        %mul3A_1044 = arith.mulf %get3A_1038, %add3A_1043 : vector<16xf32>
        %add3A_1045 = arith.addf %scan3A_928, %mul3A_1044 : vector<16xf32>
        %mul3A_1046 = arith.constant 5 : i32
        %mul3A_1047 = arith.muli %mul3A_1046, %add3A_934 : i32
        %add3A_1048 = arith.constant 3 : i32
        %add3A_1049 = arith.addi %mul3A_1047, %add3A_1048 : i32
        %mul3A_1050 = arith.constant 32 : i32
        %mul3A_1051 = arith.muli %mul3A_1050, %add3A_1049 : i32
        %add3A_1052 = vector.broadcast %mul3A_1051 : i32 to vector<16xi32>
        %add3A_1053 = arith.addi %add3A_1052, %mul3A_38 : vector<16xi32>
        %gather3A_1054 = tpu.vector_load_idx %arg9[%add3A_1053] : memref<4000xi32, #tpu.memory_space<vmem>>[vector<16xi32>], vector<16xi32>,
        %add3A_1055 = vector.broadcast %mul3A_1051 : i32 to vector<16xi32>
        %add3A_1056 = arith.addi %add3A_1055, %add3A_41 : vector<16xi32>
        %gather3A_1057 = tpu.vector_load_idx %arg9[%add3A_1056] : memref<4000xi32, #tpu.memory_space<vmem>>[vector<16xi32>], vector<16xi32>,
        %gather3A_1058 = tpu.vector_load_idx %arg7[%gather3A_1054] : memref<100000xi32, #tpu.memory_space<vmem>>[vector<16xi32>], vector<16xi32>,
        %gather3A_1059 = tpu.vector_load_idx %arg7[%gather3A_1057] : memref<100000xi32, #tpu.memory_space<vmem>>[vector<16xi32>], vector<16xi32>,
        %and3A_1060 = arith.andi %gather3A_1058, %broadcast_in_dim3A_42 : vector<16xi32>
        %bitcast3A_1061 = vector.bitcast %and3A_1060 : vector<16xi32> to vector<16xf32>
        %shift_left3A_1062 = arith.constant 16 : i32
        %shift_left3A_1063 = vector.broadcast %shift_left3A_1062 : i32 to vector<16xi32>
        %shift_left3A_1064 = arith.shli %gather3A_1058, %shift_left3A_1063 : vector<16xi32>
        %bitcast3A_1065 = vector.bitcast %shift_left3A_1064 : vector<16xi32> to vector<16xf32>
        %and3A_1066 = arith.andi %gather3A_1059, %broadcast_in_dim3A_42 : vector<16xi32>
        %bitcast3A_1067 = vector.bitcast %and3A_1066 : vector<16xi32> to vector<16xf32>
        %shift_left3A_1068 = arith.constant 16 : i32
        %shift_left3A_1069 = vector.broadcast %shift_left3A_1068 : i32 to vector<16xi32>
        %shift_left3A_1070 = arith.shli %gather3A_1059, %shift_left3A_1069 : vector<16xi32>
        %bitcast3A_1071 = vector.bitcast %shift_left3A_1070 : vector<16xi32> to vector<16xf32>
        %mul3A_1072 = arith.constant 16 : i32
        %mul3A_1073 = arith.muli %mul3A_1072, %add3A_1049 : i32
        %get3A_1074 = arith.index_cast %mul3A_1073 : i32 to index
        %get3A_1075 = tpu.vector_load %arg13[%get3A_1074] {strides = array<i32>} : memref<2000xf32, #tpu.memory_space<vmem>>, vector<16xf32>,
        %sub3A_1076 = arith.subf %bitcast3A_1061, %bitcast3A_1067 : vector<16xf32>
        %sub3A_1077 = arith.subf %bitcast3A_1065, %bitcast3A_1071 : vector<16xf32>
        %mul3A_1078 = arith.mulf %sub3A_1076, %sub3A_1076 : vector<16xf32>
        %mul3A_1079 = arith.mulf %sub3A_1077, %sub3A_1077 : vector<16xf32>
        %add3A_1080 = arith.addf %mul3A_1078, %mul3A_1079 : vector<16xf32>
        %mul3A_1081 = arith.mulf %get3A_1075, %add3A_1080 : vector<16xf32>
        %add3A_1082 = arith.addf %scan3A_929, %mul3A_1081 : vector<16xf32>
        %mul3A_1083 = arith.constant 5 : i32
        %mul3A_1084 = arith.muli %mul3A_1083, %add3A_934 : i32
        %add3A_1085 = arith.constant 4 : i32
        %add3A_1086 = arith.addi %mul3A_1084, %add3A_1085 : i32
        %mul3A_1087 = arith.constant 32 : i32
        %mul3A_1088 = arith.muli %mul3A_1087, %add3A_1086 : i32
        %add3A_1089 = vector.broadcast %mul3A_1088 : i32 to vector<16xi32>
        %add3A_1090 = arith.addi %add3A_1089, %mul3A_38 : vector<16xi32>
        %gather3A_1091 = tpu.vector_load_idx %arg9[%add3A_1090] : memref<4000xi32, #tpu.memory_space<vmem>>[vector<16xi32>], vector<16xi32>,
        %add3A_1092 = vector.broadcast %mul3A_1088 : i32 to vector<16xi32>
        %add3A_1093 = arith.addi %add3A_1092, %add3A_41 : vector<16xi32>
        %gather3A_1094 = tpu.vector_load_idx %arg9[%add3A_1093] : memref<4000xi32, #tpu.memory_space<vmem>>[vector<16xi32>], vector<16xi32>,
        %gather3A_1095 = tpu.vector_load_idx %arg7[%gather3A_1091] : memref<100000xi32, #tpu.memory_space<vmem>>[vector<16xi32>], vector<16xi32>,
        %gather3A_1096 = tpu.vector_load_idx %arg7[%gather3A_1094] : memref<100000xi32, #tpu.memory_space<vmem>>[vector<16xi32>], vector<16xi32>,
        %and3A_1097 = arith.andi %gather3A_1095, %broadcast_in_dim3A_42 : vector<16xi32>
        %bitcast3A_1098 = vector.bitcast %and3A_1097 : vector<16xi32> to vector<16xf32>
        %shift_left3A_1099 = arith.constant 16 : i32
        %shift_left3A_1100 = vector.broadcast %shift_left3A_1099 : i32 to vector<16xi32>
        %shift_left3A_1101 = arith.shli %gather3A_1095, %shift_left3A_1100 : vector<16xi32>
        %bitcast3A_1102 = vector.bitcast %shift_left3A_1101 : vector<16xi32> to vector<16xf32>
        %and3A_1103 = arith.andi %gather3A_1096, %broadcast_in_dim3A_42 : vector<16xi32>
        %bitcast3A_1104 = vector.bitcast %and3A_1103 : vector<16xi32> to vector<16xf32>
        %shift_left3A_1105 = arith.constant 16 : i32
        %shift_left3A_1106 = vector.broadcast %shift_left3A_1105 : i32 to vector<16xi32>
        %shift_left3A_1107 = arith.shli %gather3A_1096, %shift_left3A_1106 : vector<16xi32>
        %bitcast3A_1108 = vector.bitcast %shift_left3A_1107 : vector<16xi32> to vector<16xf32>
        %mul3A_1109 = arith.constant 16 : i32
        %mul3A_1110 = arith.muli %mul3A_1109, %add3A_1086 : i32
        %get3A_1111 = arith.index_cast %mul3A_1110 : i32 to index
        %get3A_1112 = tpu.vector_load %arg13[%get3A_1111] {strides = array<i32>} : memref<2000xf32, #tpu.memory_space<vmem>>, vector<16xf32>,
        %sub3A_1113 = arith.subf %bitcast3A_1098, %bitcast3A_1104 : vector<16xf32>
        %sub3A_1114 = arith.subf %bitcast3A_1102, %bitcast3A_1108 : vector<16xf32>
        %mul3A_1115 = arith.mulf %sub3A_1113, %sub3A_1113 : vector<16xf32>
        %mul3A_1116 = arith.mulf %sub3A_1114, %sub3A_1114 : vector<16xf32>
        %add3A_1117 = arith.addf %mul3A_1115, %mul3A_1116 : vector<16xf32>
        %mul3A_1118 = arith.mulf %get3A_1112, %add3A_1117 : vector<16xf32>
        %add3A_1119 = arith.addf %scan3A_930, %mul3A_1118 : vector<16xf32>
        %scan3A_1120 = arith.constant 1 : i32
        %scan3A_1121 = arith.addi %scan3A_925, %scan3A_1120 : i32
        %mul3A_1122 = arith.constant 1 : i32
        %mul3A_1123 = arith.muli %scan3A_1121, %mul3A_1122 : i32
        %add3A_1124 = arith.constant 0 : i32
        %add3A_1125 = arith.addi %add3A_1124, %mul3A_1123 : i32
        %mul3A_1126 = arith.constant 5 : i32
        %mul3A_1127 = arith.muli %mul3A_1126, %add3A_1125 : i32
        %add3A_1128 = arith.constant 0 : i32
        %add3A_1129 = arith.addi %mul3A_1127, %add3A_1128 : i32
        %mul3A_1130 = arith.constant 32 : i32
        %mul3A_1131 = arith.muli %mul3A_1130, %add3A_1129 : i32
        %add3A_1132 = vector.broadcast %mul3A_1131 : i32 to vector<16xi32>
        %add3A_1133 = arith.addi %add3A_1132, %mul3A_38 : vector<16xi32>
        %gather3A_1134 = tpu.vector_load_idx %arg9[%add3A_1133] : memref<4000xi32, #tpu.memory_space<vmem>>[vector<16xi32>], vector<16xi32>,
        %add3A_1135 = vector.broadcast %mul3A_1131 : i32 to vector<16xi32>
        %add3A_1136 = arith.addi %add3A_1135, %add3A_41 : vector<16xi32>
        %gather3A_1137 = tpu.vector_load_idx %arg9[%add3A_1136] : memref<4000xi32, #tpu.memory_space<vmem>>[vector<16xi32>], vector<16xi32>,
        %gather3A_1138 = tpu.vector_load_idx %arg7[%gather3A_1134] : memref<100000xi32, #tpu.memory_space<vmem>>[vector<16xi32>], vector<16xi32>,
        %gather3A_1139 = tpu.vector_load_idx %arg7[%gather3A_1137] : memref<100000xi32, #tpu.memory_space<vmem>>[vector<16xi32>], vector<16xi32>,
        %and3A_1140 = arith.andi %gather3A_1138, %broadcast_in_dim3A_42 : vector<16xi32>
        %bitcast3A_1141 = vector.bitcast %and3A_1140 : vector<16xi32> to vector<16xf32>
        %shift_left3A_1142 = arith.constant 16 : i32
        %shift_left3A_1143 = vector.broadcast %shift_left3A_1142 : i32 to vector<16xi32>
        %shift_left3A_1144 = arith.shli %gather3A_1138, %shift_left3A_1143 : vector<16xi32>
        %bitcast3A_1145 = vector.bitcast %shift_left3A_1144 : vector<16xi32> to vector<16xf32>
        %and3A_1146 = arith.andi %gather3A_1139, %broadcast_in_dim3A_42 : vector<16xi32>
        %bitcast3A_1147 = vector.bitcast %and3A_1146 : vector<16xi32> to vector<16xf32>
        %shift_left3A_1148 = arith.constant 16 : i32
        %shift_left3A_1149 = vector.broadcast %shift_left3A_1148 : i32 to vector<16xi32>
        %shift_left3A_1150 = arith.shli %gather3A_1139, %shift_left3A_1149 : vector<16xi32>
        %bitcast3A_1151 = vector.bitcast %shift_left3A_1150 : vector<16xi32> to vector<16xf32>
        %mul3A_1152 = arith.constant 16 : i32
        %mul3A_1153 = arith.muli %mul3A_1152, %add3A_1129 : i32
        %get3A_1154 = arith.index_cast %mul3A_1153 : i32 to index
        %get3A_1155 = tpu.vector_load %arg13[%get3A_1154] {strides = array<i32>} : memref<2000xf32, #tpu.memory_space<vmem>>, vector<16xf32>,
        %sub3A_1156 = arith.subf %bitcast3A_1141, %bitcast3A_1147 : vector<16xf32>
        %sub3A_1157 = arith.subf %bitcast3A_1145, %bitcast3A_1151 : vector<16xf32>
        %mul3A_1158 = arith.mulf %sub3A_1156, %sub3A_1156 : vector<16xf32>
        %mul3A_1159 = arith.mulf %sub3A_1157, %sub3A_1157 : vector<16xf32>
        %add3A_1160 = arith.addf %mul3A_1158, %mul3A_1159 : vector<16xf32>
        %mul3A_1161 = arith.mulf %get3A_1155, %add3A_1160 : vector<16xf32>
        %add3A_1162 = arith.addf %add3A_971, %mul3A_1161 : vector<16xf32>
        %mul3A_1163 = arith.constant 5 : i32
        %mul3A_1164 = arith.muli %mul3A_1163, %add3A_1125 : i32
        %add3A_1165 = arith.constant 1 : i32
        %add3A_1166 = arith.addi %mul3A_1164, %add3A_1165 : i32
        %mul3A_1167 = arith.constant 32 : i32
        %mul3A_1168 = arith.muli %mul3A_1167, %add3A_1166 : i32
        %add3A_1169 = vector.broadcast %mul3A_1168 : i32 to vector<16xi32>
        %add3A_1170 = arith.addi %add3A_1169, %mul3A_38 : vector<16xi32>
        %gather3A_1171 = tpu.vector_load_idx %arg9[%add3A_1170] : memref<4000xi32, #tpu.memory_space<vmem>>[vector<16xi32>], vector<16xi32>,
        %add3A_1172 = vector.broadcast %mul3A_1168 : i32 to vector<16xi32>
        %add3A_1173 = arith.addi %add3A_1172, %add3A_41 : vector<16xi32>
        %gather3A_1174 = tpu.vector_load_idx %arg9[%add3A_1173] : memref<4000xi32, #tpu.memory_space<vmem>>[vector<16xi32>], vector<16xi32>,
        %gather3A_1175 = tpu.vector_load_idx %arg7[%gather3A_1171] : memref<100000xi32, #tpu.memory_space<vmem>>[vector<16xi32>], vector<16xi32>,
        %gather3A_1176 = tpu.vector_load_idx %arg7[%gather3A_1174] : memref<100000xi32, #tpu.memory_space<vmem>>[vector<16xi32>], vector<16xi32>,
        %and3A_1177 = arith.andi %gather3A_1175, %broadcast_in_dim3A_42 : vector<16xi32>
        %bitcast3A_1178 = vector.bitcast %and3A_1177 : vector<16xi32> to vector<16xf32>
        %shift_left3A_1179 = arith.constant 16 : i32
        %shift_left3A_1180 = vector.broadcast %shift_left3A_1179 : i32 to vector<16xi32>
        %shift_left3A_1181 = arith.shli %gather3A_1175, %shift_left3A_1180 : vector<16xi32>
        %bitcast3A_1182 = vector.bitcast %shift_left3A_1181 : vector<16xi32> to vector<16xf32>
        %and3A_1183 = arith.andi %gather3A_1176, %broadcast_in_dim3A_42 : vector<16xi32>
        %bitcast3A_1184 = vector.bitcast %and3A_1183 : vector<16xi32> to vector<16xf32>
        %shift_left3A_1185 = arith.constant 16 : i32
        %shift_left3A_1186 = vector.broadcast %shift_left3A_1185 : i32 to vector<16xi32>
        %shift_left3A_1187 = arith.shli %gather3A_1176, %shift_left3A_1186 : vector<16xi32>
        %bitcast3A_1188 = vector.bitcast %shift_left3A_1187 : vector<16xi32> to vector<16xf32>
        %mul3A_1189 = arith.constant 16 : i32
        %mul3A_1190 = arith.muli %mul3A_1189, %add3A_1166 : i32
        %get3A_1191 = arith.index_cast %mul3A_1190 : i32 to index
        %get3A_1192 = tpu.vector_load %arg13[%get3A_1191] {strides = array<i32>} : memref<2000xf32, #tpu.memory_space<vmem>>, vector<16xf32>,
        %sub3A_1193 = arith.subf %bitcast3A_1178, %bitcast3A_1184 : vector<16xf32>
        %sub3A_1194 = arith.subf %bitcast3A_1182, %bitcast3A_1188 : vector<16xf32>
        %mul3A_1195 = arith.mulf %sub3A_1193, %sub3A_1193 : vector<16xf32>
        %mul3A_1196 = arith.mulf %sub3A_1194, %sub3A_1194 : vector<16xf32>
        %add3A_1197 = arith.addf %mul3A_1195, %mul3A_1196 : vector<16xf32>
        %mul3A_1198 = arith.mulf %get3A_1192, %add3A_1197 : vector<16xf32>
        %add3A_1199 = arith.addf %add3A_1008, %mul3A_1198 : vector<16xf32>
        %mul3A_1200 = arith.constant 5 : i32
        %mul3A_1201 = arith.muli %mul3A_1200, %add3A_1125 : i32
        %add3A_1202 = arith.constant 2 : i32
        %add3A_1203 = arith.addi %mul3A_1201, %add3A_1202 : i32
        %mul3A_1204 = arith.constant 32 : i32
        %mul3A_1205 = arith.muli %mul3A_1204, %add3A_1203 : i32
        %add3A_1206 = vector.broadcast %mul3A_1205 : i32 to vector<16xi32>
        %add3A_1207 = arith.addi %add3A_1206, %mul3A_38 : vector<16xi32>
        %gather3A_1208 = tpu.vector_load_idx %arg9[%add3A_1207] : memref<4000xi32, #tpu.memory_space<vmem>>[vector<16xi32>], vector<16xi32>,
        %add3A_1209 = vector.broadcast %mul3A_1205 : i32 to vector<16xi32>
        %add3A_1210 = arith.addi %add3A_1209, %add3A_41 : vector<16xi32>
        %gather3A_1211 = tpu.vector_load_idx %arg9[%add3A_1210] : memref<4000xi32, #tpu.memory_space<vmem>>[vector<16xi32>], vector<16xi32>,
        %gather3A_1212 = tpu.vector_load_idx %arg7[%gather3A_1208] : memref<100000xi32, #tpu.memory_space<vmem>>[vector<16xi32>], vector<16xi32>,
        %gather3A_1213 = tpu.vector_load_idx %arg7[%gather3A_1211] : memref<100000xi32, #tpu.memory_space<vmem>>[vector<16xi32>], vector<16xi32>,
        %and3A_1214 = arith.andi %gather3A_1212, %broadcast_in_dim3A_42 : vector<16xi32>
        %bitcast3A_1215 = vector.bitcast %and3A_1214 : vector<16xi32> to vector<16xf32>
        %shift_left3A_1216 = arith.constant 16 : i32
        %shift_left3A_1217 = vector.broadcast %shift_left3A_1216 : i32 to vector<16xi32>
        %shift_left3A_1218 = arith.shli %gather3A_1212, %shift_left3A_1217 : vector<16xi32>
        %bitcast3A_1219 = vector.bitcast %shift_left3A_1218 : vector<16xi32> to vector<16xf32>
        %and3A_1220 = arith.andi %gather3A_1213, %broadcast_in_dim3A_42 : vector<16xi32>
        %bitcast3A_1221 = vector.bitcast %and3A_1220 : vector<16xi32> to vector<16xf32>
        %shift_left3A_1222 = arith.constant 16 : i32
        %shift_left3A_1223 = vector.broadcast %shift_left3A_1222 : i32 to vector<16xi32>
        %shift_left3A_1224 = arith.shli %gather3A_1213, %shift_left3A_1223 : vector<16xi32>
        %bitcast3A_1225 = vector.bitcast %shift_left3A_1224 : vector<16xi32> to vector<16xf32>
        %mul3A_1226 = arith.constant 16 : i32
        %mul3A_1227 = arith.muli %mul3A_1226, %add3A_1203 : i32
        %get3A_1228 = arith.index_cast %mul3A_1227 : i32 to index
        %get3A_1229 = tpu.vector_load %arg13[%get3A_1228] {strides = array<i32>} : memref<2000xf32, #tpu.memory_space<vmem>>, vector<16xf32>,
        %sub3A_1230 = arith.subf %bitcast3A_1215, %bitcast3A_1221 : vector<16xf32>
        %sub3A_1231 = arith.subf %bitcast3A_1219, %bitcast3A_1225 : vector<16xf32>
        %mul3A_1232 = arith.mulf %sub3A_1230, %sub3A_1230 : vector<16xf32>
        %mul3A_1233 = arith.mulf %sub3A_1231, %sub3A_1231 : vector<16xf32>
        %add3A_1234 = arith.addf %mul3A_1232, %mul3A_1233 : vector<16xf32>
        %mul3A_1235 = arith.mulf %get3A_1229, %add3A_1234 : vector<16xf32>
        %add3A_1236 = arith.addf %add3A_1045, %mul3A_1235 : vector<16xf32>
        %mul3A_1237 = arith.constant 5 : i32
        %mul3A_1238 = arith.muli %mul3A_1237, %add3A_1125 : i32
        %add3A_1239 = arith.constant 3 : i32
        %add3A_1240 = arith.addi %mul3A_1238, %add3A_1239 : i32
        %mul3A_1241 = arith.constant 32 : i32
        %mul3A_1242 = arith.muli %mul3A_1241, %add3A_1240 : i32
        %add3A_1243 = vector.broadcast %mul3A_1242 : i32 to vector<16xi32>
        %add3A_1244 = arith.addi %add3A_1243, %mul3A_38 : vector<16xi32>
        %gather3A_1245 = tpu.vector_load_idx %arg9[%add3A_1244] : memref<4000xi32, #tpu.memory_space<vmem>>[vector<16xi32>], vector<16xi32>,
        %add3A_1246 = vector.broadcast %mul3A_1242 : i32 to vector<16xi32>
        %add3A_1247 = arith.addi %add3A_1246, %add3A_41 : vector<16xi32>
        %gather3A_1248 = tpu.vector_load_idx %arg9[%add3A_1247] : memref<4000xi32, #tpu.memory_space<vmem>>[vector<16xi32>], vector<16xi32>,
        %gather3A_1249 = tpu.vector_load_idx %arg7[%gather3A_1245] : memref<100000xi32, #tpu.memory_space<vmem>>[vector<16xi32>], vector<16xi32>,
        %gather3A_1250 = tpu.vector_load_idx %arg7[%gather3A_1248] : memref<100000xi32, #tpu.memory_space<vmem>>[vector<16xi32>], vector<16xi32>,
        %and3A_1251 = arith.andi %gather3A_1249, %broadcast_in_dim3A_42 : vector<16xi32>
        %bitcast3A_1252 = vector.bitcast %and3A_1251 : vector<16xi32> to vector<16xf32>
        %shift_left3A_1253 = arith.constant 16 : i32
        %shift_left3A_1254 = vector.broadcast %shift_left3A_1253 : i32 to vector<16xi32>
        %shift_left3A_1255 = arith.shli %gather3A_1249, %shift_left3A_1254 : vector<16xi32>
        %bitcast3A_1256 = vector.bitcast %shift_left3A_1255 : vector<16xi32> to vector<16xf32>
        %and3A_1257 = arith.andi %gather3A_1250, %broadcast_in_dim3A_42 : vector<16xi32>
        %bitcast3A_1258 = vector.bitcast %and3A_1257 : vector<16xi32> to vector<16xf32>
        %shift_left3A_1259 = arith.constant 16 : i32
        %shift_left3A_1260 = vector.broadcast %shift_left3A_1259 : i32 to vector<16xi32>
        %shift_left3A_1261 = arith.shli %gather3A_1250, %shift_left3A_1260 : vector<16xi32>
        %bitcast3A_1262 = vector.bitcast %shift_left3A_1261 : vector<16xi32> to vector<16xf32>
        %mul3A_1263 = arith.constant 16 : i32
        %mul3A_1264 = arith.muli %mul3A_1263, %add3A_1240 : i32
        %get3A_1265 = arith.index_cast %mul3A_1264 : i32 to index
        %get3A_1266 = tpu.vector_load %arg13[%get3A_1265] {strides = array<i32>} : memref<2000xf32, #tpu.memory_space<vmem>>, vector<16xf32>,
        %sub3A_1267 = arith.subf %bitcast3A_1252, %bitcast3A_1258 : vector<16xf32>
        %sub3A_1268 = arith.subf %bitcast3A_1256, %bitcast3A_1262 : vector<16xf32>
        %mul3A_1269 = arith.mulf %sub3A_1267, %sub3A_1267 : vector<16xf32>
        %mul3A_1270 = arith.mulf %sub3A_1268, %sub3A_1268 : vector<16xf32>
        %add3A_1271 = arith.addf %mul3A_1269, %mul3A_1270 : vector<16xf32>
        %mul3A_1272 = arith.mulf %get3A_1266, %add3A_1271 : vector<16xf32>
        %add3A_1273 = arith.addf %add3A_1082, %mul3A_1272 : vector<16xf32>
        %mul3A_1274 = arith.constant 5 : i32
        %mul3A_1275 = arith.muli %mul3A_1274, %add3A_1125 : i32
        %add3A_1276 = arith.constant 4 : i32
        %add3A_1277 = arith.addi %mul3A_1275, %add3A_1276 : i32
        %mul3A_1278 = arith.constant 32 : i32
        %mul3A_1279 = arith.muli %mul3A_1278, %add3A_1277 : i32
        %add3A_1280 = vector.broadcast %mul3A_1279 : i32 to vector<16xi32>
        %add3A_1281 = arith.addi %add3A_1280, %mul3A_38 : vector<16xi32>
        %gather3A_1282 = tpu.vector_load_idx %arg9[%add3A_1281] : memref<4000xi32, #tpu.memory_space<vmem>>[vector<16xi32>], vector<16xi32>,
        %add3A_1283 = vector.broadcast %mul3A_1279 : i32 to vector<16xi32>
        %add3A_1284 = arith.addi %add3A_1283, %add3A_41 : vector<16xi32>
        %gather3A_1285 = tpu.vector_load_idx %arg9[%add3A_1284] : memref<4000xi32, #tpu.memory_space<vmem>>[vector<16xi32>], vector<16xi32>,
        %gather3A_1286 = tpu.vector_load_idx %arg7[%gather3A_1282] : memref<100000xi32, #tpu.memory_space<vmem>>[vector<16xi32>], vector<16xi32>,
        %gather3A_1287 = tpu.vector_load_idx %arg7[%gather3A_1285] : memref<100000xi32, #tpu.memory_space<vmem>>[vector<16xi32>], vector<16xi32>,
        %and3A_1288 = arith.andi %gather3A_1286, %broadcast_in_dim3A_42 : vector<16xi32>
        %bitcast3A_1289 = vector.bitcast %and3A_1288 : vector<16xi32> to vector<16xf32>
        %shift_left3A_1290 = arith.constant 16 : i32
        %shift_left3A_1291 = vector.broadcast %shift_left3A_1290 : i32 to vector<16xi32>
        %shift_left3A_1292 = arith.shli %gather3A_1286, %shift_left3A_1291 : vector<16xi32>
        %bitcast3A_1293 = vector.bitcast %shift_left3A_1292 : vector<16xi32> to vector<16xf32>
        %and3A_1294 = arith.andi %gather3A_1287, %broadcast_in_dim3A_42 : vector<16xi32>
        %bitcast3A_1295 = vector.bitcast %and3A_1294 : vector<16xi32> to vector<16xf32>
        %shift_left3A_1296 = arith.constant 16 : i32
        %shift_left3A_1297 = vector.broadcast %shift_left3A_1296 : i32 to vector<16xi32>
        %shift_left3A_1298 = arith.shli %gather3A_1287, %shift_left3A_1297 : vector<16xi32>
        %bitcast3A_1299 = vector.bitcast %shift_left3A_1298 : vector<16xi32> to vector<16xf32>
        %mul3A_1300 = arith.constant 16 : i32
        %mul3A_1301 = arith.muli %mul3A_1300, %add3A_1277 : i32
        %get3A_1302 = arith.index_cast %mul3A_1301 : i32 to index
        %get3A_1303 = tpu.vector_load %arg13[%get3A_1302] {strides = array<i32>} : memref<2000xf32, #tpu.memory_space<vmem>>, vector<16xf32>,
        %sub3A_1304 = arith.subf %bitcast3A_1289, %bitcast3A_1295 : vector<16xf32>
        %sub3A_1305 = arith.subf %bitcast3A_1293, %bitcast3A_1299 : vector<16xf32>
        %mul3A_1306 = arith.mulf %sub3A_1304, %sub3A_1304 : vector<16xf32>
        %mul3A_1307 = arith.mulf %sub3A_1305, %sub3A_1305 : vector<16xf32>
        %add3A_1308 = arith.addf %mul3A_1306, %mul3A_1307 : vector<16xf32>
        %mul3A_1309 = arith.mulf %get3A_1303, %add3A_1308 : vector<16xf32>
        %add3A_1310 = arith.addf %add3A_1119, %mul3A_1309 : vector<16xf32>
        scf.yield %add3A_1162, %add3A_1199, %add3A_1236, %add3A_1273, %add3A_1310 : vector<16xf32>, vector<16xf32>, vector<16xf32>, vector<16xf32>, vector<16xf32>
      }
      %scan3A_294 = arith.constant 24 : i32
      %scan3A_295 = arith.addi %scan3A_289, %scan3A_294 : i32
      %mul3A_296 = arith.constant 1 : i32
      %mul3A_297 = arith.muli %scan3A_295, %mul3A_296 : i32
      %add3A_298 = arith.constant 0 : i32
      %add3A_299 = arith.addi %add3A_298, %mul3A_297 : i32
      %mul3A_300 = arith.constant 5 : i32
      %mul3A_301 = arith.muli %mul3A_300, %add3A_299 : i32
      %add3A_302 = arith.constant 0 : i32
      %add3A_303 = arith.addi %mul3A_301, %add3A_302 : i32
      %mul3A_304 = arith.constant 32 : i32
      %mul3A_305 = arith.muli %mul3A_304, %add3A_303 : i32
      %add3A_306 = vector.broadcast %mul3A_305 : i32 to vector<16xi32>
      %add3A_307 = arith.addi %add3A_306, %mul3A_38 : vector<16xi32>
      %gather3A_308 = tpu.vector_load_idx %arg9[%add3A_307] : memref<4000xi32, #tpu.memory_space<vmem>>[vector<16xi32>], vector<16xi32>,
      %add3A_309 = vector.broadcast %mul3A_305 : i32 to vector<16xi32>
      %add3A_310 = arith.addi %add3A_309, %add3A_41 : vector<16xi32>
      %gather3A_311 = tpu.vector_load_idx %arg9[%add3A_310] : memref<4000xi32, #tpu.memory_space<vmem>>[vector<16xi32>], vector<16xi32>,
      %gather3A_312 = tpu.vector_load_idx %arg7[%gather3A_308] : memref<100000xi32, #tpu.memory_space<vmem>>[vector<16xi32>], vector<16xi32>,
      %gather3A_313 = tpu.vector_load_idx %arg7[%gather3A_311] : memref<100000xi32, #tpu.memory_space<vmem>>[vector<16xi32>], vector<16xi32>,
      %and3A_314 = arith.andi %gather3A_312, %broadcast_in_dim3A_42 : vector<16xi32>
      %bitcast3A_315 = vector.bitcast %and3A_314 : vector<16xi32> to vector<16xf32>
      %shift_left3A_316 = arith.constant 16 : i32
      %shift_left3A_317 = vector.broadcast %shift_left3A_316 : i32 to vector<16xi32>
      %shift_left3A_318 = arith.shli %gather3A_312, %shift_left3A_317 : vector<16xi32>
      %bitcast3A_319 = vector.bitcast %shift_left3A_318 : vector<16xi32> to vector<16xf32>
      %and3A_320 = arith.andi %gather3A_313, %broadcast_in_dim3A_42 : vector<16xi32>
      %bitcast3A_321 = vector.bitcast %and3A_320 : vector<16xi32> to vector<16xf32>
      %shift_left3A_322 = arith.constant 16 : i32
      %shift_left3A_323 = vector.broadcast %shift_left3A_322 : i32 to vector<16xi32>
      %shift_left3A_324 = arith.shli %gather3A_313, %shift_left3A_323 : vector<16xi32>
      %bitcast3A_325 = vector.bitcast %shift_left3A_324 : vector<16xi32> to vector<16xf32>
      %mul3A_326 = arith.constant 16 : i32
      %mul3A_327 = arith.muli %mul3A_326, %add3A_303 : i32
      %get3A_328 = arith.index_cast %mul3A_327 : i32 to index
      %get3A_329 = tpu.vector_load %arg13[%get3A_328] {strides = array<i32>} : memref<2000xf32, #tpu.memory_space<vmem>>, vector<16xf32>,
      %sub3A_330 = arith.subf %bitcast3A_315, %bitcast3A_321 : vector<16xf32>
      %sub3A_331 = arith.subf %bitcast3A_319, %bitcast3A_325 : vector<16xf32>
      %mul3A_332 = arith.mulf %sub3A_330, %sub3A_330 : vector<16xf32>
      %mul3A_333 = arith.mulf %sub3A_331, %sub3A_331 : vector<16xf32>
      %add3A_334 = arith.addf %mul3A_332, %mul3A_333 : vector<16xf32>
      %mul3A_335 = arith.mulf %get3A_329, %add3A_334 : vector<16xf32>
      %add3A_336 = arith.addf %scan3A_293#0, %mul3A_335 : vector<16xf32>
      %mul3A_337 = arith.constant 5 : i32
      %mul3A_338 = arith.muli %mul3A_337, %add3A_299 : i32
      %add3A_339 = arith.constant 1 : i32
      %add3A_340 = arith.addi %mul3A_338, %add3A_339 : i32
      %mul3A_341 = arith.constant 32 : i32
      %mul3A_342 = arith.muli %mul3A_341, %add3A_340 : i32
      %add3A_343 = vector.broadcast %mul3A_342 : i32 to vector<16xi32>
      %add3A_344 = arith.addi %add3A_343, %mul3A_38 : vector<16xi32>
      %gather3A_345 = tpu.vector_load_idx %arg9[%add3A_344] : memref<4000xi32, #tpu.memory_space<vmem>>[vector<16xi32>], vector<16xi32>,
      %add3A_346 = vector.broadcast %mul3A_342 : i32 to vector<16xi32>
      %add3A_347 = arith.addi %add3A_346, %add3A_41 : vector<16xi32>
      %gather3A_348 = tpu.vector_load_idx %arg9[%add3A_347] : memref<4000xi32, #tpu.memory_space<vmem>>[vector<16xi32>], vector<16xi32>,
      %gather3A_349 = tpu.vector_load_idx %arg7[%gather3A_345] : memref<100000xi32, #tpu.memory_space<vmem>>[vector<16xi32>], vector<16xi32>,
      %gather3A_350 = tpu.vector_load_idx %arg7[%gather3A_348] : memref<100000xi32, #tpu.memory_space<vmem>>[vector<16xi32>], vector<16xi32>,
      %and3A_351 = arith.andi %gather3A_349, %broadcast_in_dim3A_42 : vector<16xi32>
      %bitcast3A_352 = vector.bitcast %and3A_351 : vector<16xi32> to vector<16xf32>
      %shift_left3A_353 = arith.constant 16 : i32
      %shift_left3A_354 = vector.broadcast %shift_left3A_353 : i32 to vector<16xi32>
      %shift_left3A_355 = arith.shli %gather3A_349, %shift_left3A_354 : vector<16xi32>
      %bitcast3A_356 = vector.bitcast %shift_left3A_355 : vector<16xi32> to vector<16xf32>
      %and3A_357 = arith.andi %gather3A_350, %broadcast_in_dim3A_42 : vector<16xi32>
      %bitcast3A_358 = vector.bitcast %and3A_357 : vector<16xi32> to vector<16xf32>
      %shift_left3A_359 = arith.constant 16 : i32
      %shift_left3A_360 = vector.broadcast %shift_left3A_359 : i32 to vector<16xi32>
      %shift_left3A_361 = arith.shli %gather3A_350, %shift_left3A_360 : vector<16xi32>
      %bitcast3A_362 = vector.bitcast %shift_left3A_361 : vector<16xi32> to vector<16xf32>
      %mul3A_363 = arith.constant 16 : i32
      %mul3A_364 = arith.muli %mul3A_363, %add3A_340 : i32
      %get3A_365 = arith.index_cast %mul3A_364 : i32 to index
      %get3A_366 = tpu.vector_load %arg13[%get3A_365] {strides = array<i32>} : memref<2000xf32, #tpu.memory_space<vmem>>, vector<16xf32>,
      %sub3A_367 = arith.subf %bitcast3A_352, %bitcast3A_358 : vector<16xf32>
      %sub3A_368 = arith.subf %bitcast3A_356, %bitcast3A_362 : vector<16xf32>
      %mul3A_369 = arith.mulf %sub3A_367, %sub3A_367 : vector<16xf32>
      %mul3A_370 = arith.mulf %sub3A_368, %sub3A_368 : vector<16xf32>
      %add3A_371 = arith.addf %mul3A_369, %mul3A_370 : vector<16xf32>
      %mul3A_372 = arith.mulf %get3A_366, %add3A_371 : vector<16xf32>
      %add3A_373 = arith.addf %scan3A_293#1, %mul3A_372 : vector<16xf32>
      %mul3A_374 = arith.constant 5 : i32
      %mul3A_375 = arith.muli %mul3A_374, %add3A_299 : i32
      %add3A_376 = arith.constant 2 : i32
      %add3A_377 = arith.addi %mul3A_375, %add3A_376 : i32
      %mul3A_378 = arith.constant 32 : i32
      %mul3A_379 = arith.muli %mul3A_378, %add3A_377 : i32
      %add3A_380 = vector.broadcast %mul3A_379 : i32 to vector<16xi32>
      %add3A_381 = arith.addi %add3A_380, %mul3A_38 : vector<16xi32>
      %gather3A_382 = tpu.vector_load_idx %arg9[%add3A_381] : memref<4000xi32, #tpu.memory_space<vmem>>[vector<16xi32>], vector<16xi32>,
      %add3A_383 = vector.broadcast %mul3A_379 : i32 to vector<16xi32>
      %add3A_384 = arith.addi %add3A_383, %add3A_41 : vector<16xi32>
      %gather3A_385 = tpu.vector_load_idx %arg9[%add3A_384] : memref<4000xi32, #tpu.memory_space<vmem>>[vector<16xi32>], vector<16xi32>,
      %gather3A_386 = tpu.vector_load_idx %arg7[%gather3A_382] : memref<100000xi32, #tpu.memory_space<vmem>>[vector<16xi32>], vector<16xi32>,
      %gather3A_387 = tpu.vector_load_idx %arg7[%gather3A_385] : memref<100000xi32, #tpu.memory_space<vmem>>[vector<16xi32>], vector<16xi32>,
      %and3A_388 = arith.andi %gather3A_386, %broadcast_in_dim3A_42 : vector<16xi32>
      %bitcast3A_389 = vector.bitcast %and3A_388 : vector<16xi32> to vector<16xf32>
      %shift_left3A_390 = arith.constant 16 : i32
      %shift_left3A_391 = vector.broadcast %shift_left3A_390 : i32 to vector<16xi32>
      %shift_left3A_392 = arith.shli %gather3A_386, %shift_left3A_391 : vector<16xi32>
      %bitcast3A_393 = vector.bitcast %shift_left3A_392 : vector<16xi32> to vector<16xf32>
      %and3A_394 = arith.andi %gather3A_387, %broadcast_in_dim3A_42 : vector<16xi32>
      %bitcast3A_395 = vector.bitcast %and3A_394 : vector<16xi32> to vector<16xf32>
      %shift_left3A_396 = arith.constant 16 : i32
      %shift_left3A_397 = vector.broadcast %shift_left3A_396 : i32 to vector<16xi32>
      %shift_left3A_398 = arith.shli %gather3A_387, %shift_left3A_397 : vector<16xi32>
      %bitcast3A_399 = vector.bitcast %shift_left3A_398 : vector<16xi32> to vector<16xf32>
      %mul3A_400 = arith.constant 16 : i32
      %mul3A_401 = arith.muli %mul3A_400, %add3A_377 : i32
      %get3A_402 = arith.index_cast %mul3A_401 : i32 to index
      %get3A_403 = tpu.vector_load %arg13[%get3A_402] {strides = array<i32>} : memref<2000xf32, #tpu.memory_space<vmem>>, vector<16xf32>,
      %sub3A_404 = arith.subf %bitcast3A_389, %bitcast3A_395 : vector<16xf32>
      %sub3A_405 = arith.subf %bitcast3A_393, %bitcast3A_399 : vector<16xf32>
      %mul3A_406 = arith.mulf %sub3A_404, %sub3A_404 : vector<16xf32>
      %mul3A_407 = arith.mulf %sub3A_405, %sub3A_405 : vector<16xf32>
      %add3A_408 = arith.addf %mul3A_406, %mul3A_407 : vector<16xf32>
      %mul3A_409 = arith.mulf %get3A_403, %add3A_408 : vector<16xf32>
      %add3A_410 = arith.addf %scan3A_293#2, %mul3A_409 : vector<16xf32>
      %mul3A_411 = arith.constant 5 : i32
      %mul3A_412 = arith.muli %mul3A_411, %add3A_299 : i32
      %add3A_413 = arith.constant 3 : i32
      %add3A_414 = arith.addi %mul3A_412, %add3A_413 : i32
      %mul3A_415 = arith.constant 32 : i32
      %mul3A_416 = arith.muli %mul3A_415, %add3A_414 : i32
      %add3A_417 = vector.broadcast %mul3A_416 : i32 to vector<16xi32>
      %add3A_418 = arith.addi %add3A_417, %mul3A_38 : vector<16xi32>
      %gather3A_419 = tpu.vector_load_idx %arg9[%add3A_418] : memref<4000xi32, #tpu.memory_space<vmem>>[vector<16xi32>], vector<16xi32>,
      %add3A_420 = vector.broadcast %mul3A_416 : i32 to vector<16xi32>
      %add3A_421 = arith.addi %add3A_420, %add3A_41 : vector<16xi32>
      %gather3A_422 = tpu.vector_load_idx %arg9[%add3A_421] : memref<4000xi32, #tpu.memory_space<vmem>>[vector<16xi32>], vector<16xi32>,
      %gather3A_423 = tpu.vector_load_idx %arg7[%gather3A_419] : memref<100000xi32, #tpu.memory_space<vmem>>[vector<16xi32>], vector<16xi32>,
      %gather3A_424 = tpu.vector_load_idx %arg7[%gather3A_422] : memref<100000xi32, #tpu.memory_space<vmem>>[vector<16xi32>], vector<16xi32>,
      %and3A_425 = arith.andi %gather3A_423, %broadcast_in_dim3A_42 : vector<16xi32>
      %bitcast3A_426 = vector.bitcast %and3A_425 : vector<16xi32> to vector<16xf32>
      %shift_left3A_427 = arith.constant 16 : i32
      %shift_left3A_428 = vector.broadcast %shift_left3A_427 : i32 to vector<16xi32>
      %shift_left3A_429 = arith.shli %gather3A_423, %shift_left3A_428 : vector<16xi32>
      %bitcast3A_430 = vector.bitcast %shift_left3A_429 : vector<16xi32> to vector<16xf32>
      %and3A_431 = arith.andi %gather3A_424, %broadcast_in_dim3A_42 : vector<16xi32>
      %bitcast3A_432 = vector.bitcast %and3A_431 : vector<16xi32> to vector<16xf32>
      %shift_left3A_433 = arith.constant 16 : i32
      %shift_left3A_434 = vector.broadcast %shift_left3A_433 : i32 to vector<16xi32>
      %shift_left3A_435 = arith.shli %gather3A_424, %shift_left3A_434 : vector<16xi32>
      %bitcast3A_436 = vector.bitcast %shift_left3A_435 : vector<16xi32> to vector<16xf32>
      %mul3A_437 = arith.constant 16 : i32
      %mul3A_438 = arith.muli %mul3A_437, %add3A_414 : i32
      %get3A_439 = arith.index_cast %mul3A_438 : i32 to index
      %get3A_440 = tpu.vector_load %arg13[%get3A_439] {strides = array<i32>} : memref<2000xf32, #tpu.memory_space<vmem>>, vector<16xf32>,
      %sub3A_441 = arith.subf %bitcast3A_426, %bitcast3A_432 : vector<16xf32>
      %sub3A_442 = arith.subf %bitcast3A_430, %bitcast3A_436 : vector<16xf32>
      %mul3A_443 = arith.mulf %sub3A_441, %sub3A_441 : vector<16xf32>
      %mul3A_444 = arith.mulf %sub3A_442, %sub3A_442 : vector<16xf32>
      %add3A_445 = arith.addf %mul3A_443, %mul3A_444 : vector<16xf32>
      %mul3A_446 = arith.mulf %get3A_440, %add3A_445 : vector<16xf32>
      %add3A_447 = arith.addf %scan3A_293#3, %mul3A_446 : vector<16xf32>
      %mul3A_448 = arith.constant 5 : i32
      %mul3A_449 = arith.muli %mul3A_448, %add3A_299 : i32
      %add3A_450 = arith.constant 4 : i32
      %add3A_451 = arith.addi %mul3A_449, %add3A_450 : i32
      %mul3A_452 = arith.constant 32 : i32
      %mul3A_453 = arith.muli %mul3A_452, %add3A_451 : i32
      %add3A_454 = vector.broadcast %mul3A_453 : i32 to vector<16xi32>
      %add3A_455 = arith.addi %add3A_454, %mul3A_38 : vector<16xi32>
      %gather3A_456 = tpu.vector_load_idx %arg9[%add3A_455] : memref<4000xi32, #tpu.memory_space<vmem>>[vector<16xi32>], vector<16xi32>,
      %add3A_457 = vector.broadcast %mul3A_453 : i32 to vector<16xi32>
      %add3A_458 = arith.addi %add3A_457, %add3A_41 : vector<16xi32>
      %gather3A_459 = tpu.vector_load_idx %arg9[%add3A_458] : memref<4000xi32, #tpu.memory_space<vmem>>[vector<16xi32>], vector<16xi32>,
      %gather3A_460 = tpu.vector_load_idx %arg7[%gather3A_456] : memref<100000xi32, #tpu.memory_space<vmem>>[vector<16xi32>], vector<16xi32>,
      %gather3A_461 = tpu.vector_load_idx %arg7[%gather3A_459] : memref<100000xi32, #tpu.memory_space<vmem>>[vector<16xi32>], vector<16xi32>,
      %and3A_462 = arith.andi %gather3A_460, %broadcast_in_dim3A_42 : vector<16xi32>
      %bitcast3A_463 = vector.bitcast %and3A_462 : vector<16xi32> to vector<16xf32>
      %shift_left3A_464 = arith.constant 16 : i32
      %shift_left3A_465 = vector.broadcast %shift_left3A_464 : i32 to vector<16xi32>
      %shift_left3A_466 = arith.shli %gather3A_460, %shift_left3A_465 : vector<16xi32>
      %bitcast3A_467 = vector.bitcast %shift_left3A_466 : vector<16xi32> to vector<16xf32>
      %and3A_468 = arith.andi %gather3A_461, %broadcast_in_dim3A_42 : vector<16xi32>
      %bitcast3A_469 = vector.bitcast %and3A_468 : vector<16xi32> to vector<16xf32>
      %shift_left3A_470 = arith.constant 16 : i32
      %shift_left3A_471 = vector.broadcast %shift_left3A_470 : i32 to vector<16xi32>
      %shift_left3A_472 = arith.shli %gather3A_461, %shift_left3A_471 : vector<16xi32>
      %bitcast3A_473 = vector.bitcast %shift_left3A_472 : vector<16xi32> to vector<16xf32>
      %mul3A_474 = arith.constant 16 : i32
      %mul3A_475 = arith.muli %mul3A_474, %add3A_451 : i32
      %get3A_476 = arith.index_cast %mul3A_475 : i32 to index
      %get3A_477 = tpu.vector_load %arg13[%get3A_476] {strides = array<i32>} : memref<2000xf32, #tpu.memory_space<vmem>>, vector<16xf32>,
      %sub3A_478 = arith.subf %bitcast3A_463, %bitcast3A_469 : vector<16xf32>
      %sub3A_479 = arith.subf %bitcast3A_467, %bitcast3A_473 : vector<16xf32>
      %mul3A_480 = arith.mulf %sub3A_478, %sub3A_478 : vector<16xf32>
      %mul3A_481 = arith.mulf %sub3A_479, %sub3A_479 : vector<16xf32>
      %add3A_482 = arith.addf %mul3A_480, %mul3A_481 : vector<16xf32>
      %mul3A_483 = arith.mulf %get3A_477, %add3A_482 : vector<16xf32>
      %add3A_484 = arith.addf %scan3A_293#4, %mul3A_483 : vector<16xf32>
      %scan3A_485 = arith.constant 25 : i32
      %add3A_486 = arith.constant 4 : i32
      %add3A_487 = arith.addi %add3A_280, %add3A_486 : i32
      %lt3A_488 = arith.constant 100 : i32
      %lt3A_489 = arith.cmpi slt, %add3A_487, %lt3A_488 : i32
      %convert_element_type3A_490 = arith.extui %lt3A_489 : i1 to i32
      %cond3A_491 = arith.constant 0 : i32
      %cond3A_492 = arith.cmpi ne, %convert_element_type3A_490, %cond3A_491 : i32
      scf.if %cond3A_492 {
        %add3A_925 = arith.constant 4 : i32
        %add3A_926 = arith.addi %add3A_280, %add3A_925 : i32
        %mul3A_927 = arith.constant 2000 : i32
        %mul3A_928 = arith.muli %add3A_926, %mul3A_927 : i32
        %add3A_929 = arith.addi %mul3A_2, %mul3A_928 : i32
        %mul3A_930 = arith.constant 2 : i32
        %mul3A_931 = arith.muli %mul3A_930, %add3A_929 : i32
        %dma_start3A_932 = tpu.memref_slice %arg3[%mul3A_931] : memref<12800000xi32, #tpu.memory_space<hbm>> -> memref<4000xi32, #tpu.memory_space<hbm>>
        %dma_start3A_933 = tpu.memref_slice %arg3[%mul3A_931] : memref<12800000xi32, #tpu.memory_space<hbm>> -> memref<4000xi32, #tpu.memory_space<hbm>>
        tpu.enqueue_dma source(%dma_start3A_933 : memref<4000xi32, #tpu.memory_space<hbm>>) target(%arg9 : memref<4000xi32, #tpu.memory_space<vmem>>) target_semaphore(%arg18 : memref<!tpu.dma_semaphore, #tpu.memory_space<semaphore_mem>>)
        %dma_start3A_934 = tpu.memref_slice %arg4[%add3A_929] : memref<6400000xf32, #tpu.memory_space<hbm>> -> memref<2000xf32, #tpu.memory_space<hbm>>
        %dma_start3A_935 = tpu.memref_slice %arg4[%add3A_929] : memref<6400000xf32, #tpu.memory_space<hbm>> -> memref<2000xf32, #tpu.memory_space<hbm>>
        tpu.enqueue_dma source(%dma_start3A_935 : memref<2000xf32, #tpu.memory_space<hbm>>) target(%arg13 : memref<2000xf32, #tpu.memory_space<vmem>>) target_semaphore(%arg18 : memref<!tpu.dma_semaphore, #tpu.memory_space<semaphore_mem>>)
      } else {
      }
      %mul3A_493 = arith.constant 4 : i32
      %mul3A_494 = arith.muli %mul3A_493, %scan3A_63 : i32
      %add3A_495 = arith.constant 2 : i32
      %add3A_496 = arith.addi %mul3A_494, %add3A_495 : i32
      %dma_wait3A_497 = arith.constant 0 : i32
      %dma_wait3A_498 = tpu.memref_slice %arg3[%dma_wait3A_497] : memref<12800000xi32, #tpu.memory_space<hbm>> -> memref<4000xi32, #tpu.memory_space<hbm>>
      %dma_wait3A_499 = arith.constant 0 : i32
      %dma_wait3A_500 = tpu.memref_slice %arg3[%dma_wait3A_499] : memref<12800000xi32, #tpu.memory_space<hbm>> -> memref<4000xi32, #tpu.memory_space<hbm>>
      tpu.wait_dma2 semaphore(%arg19 : memref<!tpu.dma_semaphore, #tpu.memory_space<semaphore_mem>>) src(%dma_wait3A_500 : memref<4000xi32, #tpu.memory_space<hbm>>) dst(%arg10 : memref<4000xi32, #tpu.memory_space<vmem>>)
      %dma_wait3A_501 = arith.constant 0 : i32
      %dma_wait3A_502 = tpu.memref_slice %arg4[%dma_wait3A_501] : memref<6400000xf32, #tpu.memory_space<hbm>> -> memref<2000xf32, #tpu.memory_space<hbm>>
      %dma_wait3A_503 = arith.constant 0 : i32
      %dma_wait3A_504 = tpu.memref_slice %arg4[%dma_wait3A_503] : memref<6400000xf32, #tpu.memory_space<hbm>> -> memref<2000xf32, #tpu.memory_space<hbm>>
      tpu.wait_dma2 semaphore(%arg19 : memref<!tpu.dma_semaphore, #tpu.memory_space<semaphore_mem>>) src(%dma_wait3A_504 : memref<2000xf32, #tpu.memory_space<hbm>>) dst(%arg14 : memref<2000xf32, #tpu.memory_space<vmem>>)
      %scan3A_505 = arith.constant 0 : i32
      %scan3A_506 = arith.constant 24 : i32
      %scan3A_507 = arith.addi %scan3A_505, %scan3A_506 : i32
      %scan3A_508 = arith.constant 2 : i32
      %scan3A_509:5 = scf.for %scan3A_925 = %scan3A_505 to %scan3A_507 step %scan3A_508 iter_args(%scan3A_926 = %add3A_336, %scan3A_927 = %add3A_373, %scan3A_928 = %add3A_410, %scan3A_929 = %add3A_447, %scan3A_930 = %add3A_484) -> (vector<16xf32>, vector<16xf32>, vector<16xf32>, vector<16xf32>, vector<16xf32>)  : i32 {
        %mul3A_931 = arith.constant 1 : i32
        %mul3A_932 = arith.muli %scan3A_925, %mul3A_931 : i32
        %add3A_933 = arith.constant 0 : i32
        %add3A_934 = arith.addi %add3A_933, %mul3A_932 : i32
        %mul3A_935 = arith.constant 5 : i32
        %mul3A_936 = arith.muli %mul3A_935, %add3A_934 : i32
        %add3A_937 = arith.constant 0 : i32
        %add3A_938 = arith.addi %mul3A_936, %add3A_937 : i32
        %mul3A_939 = arith.constant 32 : i32
        %mul3A_940 = arith.muli %mul3A_939, %add3A_938 : i32
        %add3A_941 = vector.broadcast %mul3A_940 : i32 to vector<16xi32>
        %add3A_942 = arith.addi %add3A_941, %mul3A_38 : vector<16xi32>
        %gather3A_943 = tpu.vector_load_idx %arg10[%add3A_942] : memref<4000xi32, #tpu.memory_space<vmem>>[vector<16xi32>], vector<16xi32>,
        %add3A_944 = vector.broadcast %mul3A_940 : i32 to vector<16xi32>
        %add3A_945 = arith.addi %add3A_944, %add3A_41 : vector<16xi32>
        %gather3A_946 = tpu.vector_load_idx %arg10[%add3A_945] : memref<4000xi32, #tpu.memory_space<vmem>>[vector<16xi32>], vector<16xi32>,
        %gather3A_947 = tpu.vector_load_idx %arg7[%gather3A_943] : memref<100000xi32, #tpu.memory_space<vmem>>[vector<16xi32>], vector<16xi32>,
        %gather3A_948 = tpu.vector_load_idx %arg7[%gather3A_946] : memref<100000xi32, #tpu.memory_space<vmem>>[vector<16xi32>], vector<16xi32>,
        %and3A_949 = arith.andi %gather3A_947, %broadcast_in_dim3A_42 : vector<16xi32>
        %bitcast3A_950 = vector.bitcast %and3A_949 : vector<16xi32> to vector<16xf32>
        %shift_left3A_951 = arith.constant 16 : i32
        %shift_left3A_952 = vector.broadcast %shift_left3A_951 : i32 to vector<16xi32>
        %shift_left3A_953 = arith.shli %gather3A_947, %shift_left3A_952 : vector<16xi32>
        %bitcast3A_954 = vector.bitcast %shift_left3A_953 : vector<16xi32> to vector<16xf32>
        %and3A_955 = arith.andi %gather3A_948, %broadcast_in_dim3A_42 : vector<16xi32>
        %bitcast3A_956 = vector.bitcast %and3A_955 : vector<16xi32> to vector<16xf32>
        %shift_left3A_957 = arith.constant 16 : i32
        %shift_left3A_958 = vector.broadcast %shift_left3A_957 : i32 to vector<16xi32>
        %shift_left3A_959 = arith.shli %gather3A_948, %shift_left3A_958 : vector<16xi32>
        %bitcast3A_960 = vector.bitcast %shift_left3A_959 : vector<16xi32> to vector<16xf32>
        %mul3A_961 = arith.constant 16 : i32
        %mul3A_962 = arith.muli %mul3A_961, %add3A_938 : i32
        %get3A_963 = arith.index_cast %mul3A_962 : i32 to index
        %get3A_964 = tpu.vector_load %arg14[%get3A_963] {strides = array<i32>} : memref<2000xf32, #tpu.memory_space<vmem>>, vector<16xf32>,
        %sub3A_965 = arith.subf %bitcast3A_950, %bitcast3A_956 : vector<16xf32>
        %sub3A_966 = arith.subf %bitcast3A_954, %bitcast3A_960 : vector<16xf32>
        %mul3A_967 = arith.mulf %sub3A_965, %sub3A_965 : vector<16xf32>
        %mul3A_968 = arith.mulf %sub3A_966, %sub3A_966 : vector<16xf32>
        %add3A_969 = arith.addf %mul3A_967, %mul3A_968 : vector<16xf32>
        %mul3A_970 = arith.mulf %get3A_964, %add3A_969 : vector<16xf32>
        %add3A_971 = arith.addf %scan3A_926, %mul3A_970 : vector<16xf32>
        %mul3A_972 = arith.constant 5 : i32
        %mul3A_973 = arith.muli %mul3A_972, %add3A_934 : i32
        %add3A_974 = arith.constant 1 : i32
        %add3A_975 = arith.addi %mul3A_973, %add3A_974 : i32
        %mul3A_976 = arith.constant 32 : i32
        %mul3A_977 = arith.muli %mul3A_976, %add3A_975 : i32
        %add3A_978 = vector.broadcast %mul3A_977 : i32 to vector<16xi32>
        %add3A_979 = arith.addi %add3A_978, %mul3A_38 : vector<16xi32>
        %gather3A_980 = tpu.vector_load_idx %arg10[%add3A_979] : memref<4000xi32, #tpu.memory_space<vmem>>[vector<16xi32>], vector<16xi32>,
        %add3A_981 = vector.broadcast %mul3A_977 : i32 to vector<16xi32>
        %add3A_982 = arith.addi %add3A_981, %add3A_41 : vector<16xi32>
        %gather3A_983 = tpu.vector_load_idx %arg10[%add3A_982] : memref<4000xi32, #tpu.memory_space<vmem>>[vector<16xi32>], vector<16xi32>,
        %gather3A_984 = tpu.vector_load_idx %arg7[%gather3A_980] : memref<100000xi32, #tpu.memory_space<vmem>>[vector<16xi32>], vector<16xi32>,
        %gather3A_985 = tpu.vector_load_idx %arg7[%gather3A_983] : memref<100000xi32, #tpu.memory_space<vmem>>[vector<16xi32>], vector<16xi32>,
        %and3A_986 = arith.andi %gather3A_984, %broadcast_in_dim3A_42 : vector<16xi32>
        %bitcast3A_987 = vector.bitcast %and3A_986 : vector<16xi32> to vector<16xf32>
        %shift_left3A_988 = arith.constant 16 : i32
        %shift_left3A_989 = vector.broadcast %shift_left3A_988 : i32 to vector<16xi32>
        %shift_left3A_990 = arith.shli %gather3A_984, %shift_left3A_989 : vector<16xi32>
        %bitcast3A_991 = vector.bitcast %shift_left3A_990 : vector<16xi32> to vector<16xf32>
        %and3A_992 = arith.andi %gather3A_985, %broadcast_in_dim3A_42 : vector<16xi32>
        %bitcast3A_993 = vector.bitcast %and3A_992 : vector<16xi32> to vector<16xf32>
        %shift_left3A_994 = arith.constant 16 : i32
        %shift_left3A_995 = vector.broadcast %shift_left3A_994 : i32 to vector<16xi32>
        %shift_left3A_996 = arith.shli %gather3A_985, %shift_left3A_995 : vector<16xi32>
        %bitcast3A_997 = vector.bitcast %shift_left3A_996 : vector<16xi32> to vector<16xf32>
        %mul3A_998 = arith.constant 16 : i32
        %mul3A_999 = arith.muli %mul3A_998, %add3A_975 : i32
        %get3A_1000 = arith.index_cast %mul3A_999 : i32 to index
        %get3A_1001 = tpu.vector_load %arg14[%get3A_1000] {strides = array<i32>} : memref<2000xf32, #tpu.memory_space<vmem>>, vector<16xf32>,
        %sub3A_1002 = arith.subf %bitcast3A_987, %bitcast3A_993 : vector<16xf32>
        %sub3A_1003 = arith.subf %bitcast3A_991, %bitcast3A_997 : vector<16xf32>
        %mul3A_1004 = arith.mulf %sub3A_1002, %sub3A_1002 : vector<16xf32>
        %mul3A_1005 = arith.mulf %sub3A_1003, %sub3A_1003 : vector<16xf32>
        %add3A_1006 = arith.addf %mul3A_1004, %mul3A_1005 : vector<16xf32>
        %mul3A_1007 = arith.mulf %get3A_1001, %add3A_1006 : vector<16xf32>
        %add3A_1008 = arith.addf %scan3A_927, %mul3A_1007 : vector<16xf32>
        %mul3A_1009 = arith.constant 5 : i32
        %mul3A_1010 = arith.muli %mul3A_1009, %add3A_934 : i32
        %add3A_1011 = arith.constant 2 : i32
        %add3A_1012 = arith.addi %mul3A_1010, %add3A_1011 : i32
        %mul3A_1013 = arith.constant 32 : i32
        %mul3A_1014 = arith.muli %mul3A_1013, %add3A_1012 : i32
        %add3A_1015 = vector.broadcast %mul3A_1014 : i32 to vector<16xi32>
        %add3A_1016 = arith.addi %add3A_1015, %mul3A_38 : vector<16xi32>
        %gather3A_1017 = tpu.vector_load_idx %arg10[%add3A_1016] : memref<4000xi32, #tpu.memory_space<vmem>>[vector<16xi32>], vector<16xi32>,
        %add3A_1018 = vector.broadcast %mul3A_1014 : i32 to vector<16xi32>
        %add3A_1019 = arith.addi %add3A_1018, %add3A_41 : vector<16xi32>
        %gather3A_1020 = tpu.vector_load_idx %arg10[%add3A_1019] : memref<4000xi32, #tpu.memory_space<vmem>>[vector<16xi32>], vector<16xi32>,
        %gather3A_1021 = tpu.vector_load_idx %arg7[%gather3A_1017] : memref<100000xi32, #tpu.memory_space<vmem>>[vector<16xi32>], vector<16xi32>,
        %gather3A_1022 = tpu.vector_load_idx %arg7[%gather3A_1020] : memref<100000xi32, #tpu.memory_space<vmem>>[vector<16xi32>], vector<16xi32>,
        %and3A_1023 = arith.andi %gather3A_1021, %broadcast_in_dim3A_42 : vector<16xi32>
        %bitcast3A_1024 = vector.bitcast %and3A_1023 : vector<16xi32> to vector<16xf32>
        %shift_left3A_1025 = arith.constant 16 : i32
        %shift_left3A_1026 = vector.broadcast %shift_left3A_1025 : i32 to vector<16xi32>
        %shift_left3A_1027 = arith.shli %gather3A_1021, %shift_left3A_1026 : vector<16xi32>
        %bitcast3A_1028 = vector.bitcast %shift_left3A_1027 : vector<16xi32> to vector<16xf32>
        %and3A_1029 = arith.andi %gather3A_1022, %broadcast_in_dim3A_42 : vector<16xi32>
        %bitcast3A_1030 = vector.bitcast %and3A_1029 : vector<16xi32> to vector<16xf32>
        %shift_left3A_1031 = arith.constant 16 : i32
        %shift_left3A_1032 = vector.broadcast %shift_left3A_1031 : i32 to vector<16xi32>
        %shift_left3A_1033 = arith.shli %gather3A_1022, %shift_left3A_1032 : vector<16xi32>
        %bitcast3A_1034 = vector.bitcast %shift_left3A_1033 : vector<16xi32> to vector<16xf32>
        %mul3A_1035 = arith.constant 16 : i32
        %mul3A_1036 = arith.muli %mul3A_1035, %add3A_1012 : i32
        %get3A_1037 = arith.index_cast %mul3A_1036 : i32 to index
        %get3A_1038 = tpu.vector_load %arg14[%get3A_1037] {strides = array<i32>} : memref<2000xf32, #tpu.memory_space<vmem>>, vector<16xf32>,
        %sub3A_1039 = arith.subf %bitcast3A_1024, %bitcast3A_1030 : vector<16xf32>
        %sub3A_1040 = arith.subf %bitcast3A_1028, %bitcast3A_1034 : vector<16xf32>
        %mul3A_1041 = arith.mulf %sub3A_1039, %sub3A_1039 : vector<16xf32>
        %mul3A_1042 = arith.mulf %sub3A_1040, %sub3A_1040 : vector<16xf32>
        %add3A_1043 = arith.addf %mul3A_1041, %mul3A_1042 : vector<16xf32>
        %mul3A_1044 = arith.mulf %get3A_1038, %add3A_1043 : vector<16xf32>
        %add3A_1045 = arith.addf %scan3A_928, %mul3A_1044 : vector<16xf32>
        %mul3A_1046 = arith.constant 5 : i32
        %mul3A_1047 = arith.muli %mul3A_1046, %add3A_934 : i32
        %add3A_1048 = arith.constant 3 : i32
        %add3A_1049 = arith.addi %mul3A_1047, %add3A_1048 : i32
        %mul3A_1050 = arith.constant 32 : i32
        %mul3A_1051 = arith.muli %mul3A_1050, %add3A_1049 : i32
        %add3A_1052 = vector.broadcast %mul3A_1051 : i32 to vector<16xi32>
        %add3A_1053 = arith.addi %add3A_1052, %mul3A_38 : vector<16xi32>
        %gather3A_1054 = tpu.vector_load_idx %arg10[%add3A_1053] : memref<4000xi32, #tpu.memory_space<vmem>>[vector<16xi32>], vector<16xi32>,
        %add3A_1055 = vector.broadcast %mul3A_1051 : i32 to vector<16xi32>
        %add3A_1056 = arith.addi %add3A_1055, %add3A_41 : vector<16xi32>
        %gather3A_1057 = tpu.vector_load_idx %arg10[%add3A_1056] : memref<4000xi32, #tpu.memory_space<vmem>>[vector<16xi32>], vector<16xi32>,
        %gather3A_1058 = tpu.vector_load_idx %arg7[%gather3A_1054] : memref<100000xi32, #tpu.memory_space<vmem>>[vector<16xi32>], vector<16xi32>,
        %gather3A_1059 = tpu.vector_load_idx %arg7[%gather3A_1057] : memref<100000xi32, #tpu.memory_space<vmem>>[vector<16xi32>], vector<16xi32>,
        %and3A_1060 = arith.andi %gather3A_1058, %broadcast_in_dim3A_42 : vector<16xi32>
        %bitcast3A_1061 = vector.bitcast %and3A_1060 : vector<16xi32> to vector<16xf32>
        %shift_left3A_1062 = arith.constant 16 : i32
        %shift_left3A_1063 = vector.broadcast %shift_left3A_1062 : i32 to vector<16xi32>
        %shift_left3A_1064 = arith.shli %gather3A_1058, %shift_left3A_1063 : vector<16xi32>
        %bitcast3A_1065 = vector.bitcast %shift_left3A_1064 : vector<16xi32> to vector<16xf32>
        %and3A_1066 = arith.andi %gather3A_1059, %broadcast_in_dim3A_42 : vector<16xi32>
        %bitcast3A_1067 = vector.bitcast %and3A_1066 : vector<16xi32> to vector<16xf32>
        %shift_left3A_1068 = arith.constant 16 : i32
        %shift_left3A_1069 = vector.broadcast %shift_left3A_1068 : i32 to vector<16xi32>
        %shift_left3A_1070 = arith.shli %gather3A_1059, %shift_left3A_1069 : vector<16xi32>
        %bitcast3A_1071 = vector.bitcast %shift_left3A_1070 : vector<16xi32> to vector<16xf32>
        %mul3A_1072 = arith.constant 16 : i32
        %mul3A_1073 = arith.muli %mul3A_1072, %add3A_1049 : i32
        %get3A_1074 = arith.index_cast %mul3A_1073 : i32 to index
        %get3A_1075 = tpu.vector_load %arg14[%get3A_1074] {strides = array<i32>} : memref<2000xf32, #tpu.memory_space<vmem>>, vector<16xf32>,
        %sub3A_1076 = arith.subf %bitcast3A_1061, %bitcast3A_1067 : vector<16xf32>
        %sub3A_1077 = arith.subf %bitcast3A_1065, %bitcast3A_1071 : vector<16xf32>
        %mul3A_1078 = arith.mulf %sub3A_1076, %sub3A_1076 : vector<16xf32>
        %mul3A_1079 = arith.mulf %sub3A_1077, %sub3A_1077 : vector<16xf32>
        %add3A_1080 = arith.addf %mul3A_1078, %mul3A_1079 : vector<16xf32>
        %mul3A_1081 = arith.mulf %get3A_1075, %add3A_1080 : vector<16xf32>
        %add3A_1082 = arith.addf %scan3A_929, %mul3A_1081 : vector<16xf32>
        %mul3A_1083 = arith.constant 5 : i32
        %mul3A_1084 = arith.muli %mul3A_1083, %add3A_934 : i32
        %add3A_1085 = arith.constant 4 : i32
        %add3A_1086 = arith.addi %mul3A_1084, %add3A_1085 : i32
        %mul3A_1087 = arith.constant 32 : i32
        %mul3A_1088 = arith.muli %mul3A_1087, %add3A_1086 : i32
        %add3A_1089 = vector.broadcast %mul3A_1088 : i32 to vector<16xi32>
        %add3A_1090 = arith.addi %add3A_1089, %mul3A_38 : vector<16xi32>
        %gather3A_1091 = tpu.vector_load_idx %arg10[%add3A_1090] : memref<4000xi32, #tpu.memory_space<vmem>>[vector<16xi32>], vector<16xi32>,
        %add3A_1092 = vector.broadcast %mul3A_1088 : i32 to vector<16xi32>
        %add3A_1093 = arith.addi %add3A_1092, %add3A_41 : vector<16xi32>
        %gather3A_1094 = tpu.vector_load_idx %arg10[%add3A_1093] : memref<4000xi32, #tpu.memory_space<vmem>>[vector<16xi32>], vector<16xi32>,
        %gather3A_1095 = tpu.vector_load_idx %arg7[%gather3A_1091] : memref<100000xi32, #tpu.memory_space<vmem>>[vector<16xi32>], vector<16xi32>,
        %gather3A_1096 = tpu.vector_load_idx %arg7[%gather3A_1094] : memref<100000xi32, #tpu.memory_space<vmem>>[vector<16xi32>], vector<16xi32>,
        %and3A_1097 = arith.andi %gather3A_1095, %broadcast_in_dim3A_42 : vector<16xi32>
        %bitcast3A_1098 = vector.bitcast %and3A_1097 : vector<16xi32> to vector<16xf32>
        %shift_left3A_1099 = arith.constant 16 : i32
        %shift_left3A_1100 = vector.broadcast %shift_left3A_1099 : i32 to vector<16xi32>
        %shift_left3A_1101 = arith.shli %gather3A_1095, %shift_left3A_1100 : vector<16xi32>
        %bitcast3A_1102 = vector.bitcast %shift_left3A_1101 : vector<16xi32> to vector<16xf32>
        %and3A_1103 = arith.andi %gather3A_1096, %broadcast_in_dim3A_42 : vector<16xi32>
        %bitcast3A_1104 = vector.bitcast %and3A_1103 : vector<16xi32> to vector<16xf32>
        %shift_left3A_1105 = arith.constant 16 : i32
        %shift_left3A_1106 = vector.broadcast %shift_left3A_1105 : i32 to vector<16xi32>
        %shift_left3A_1107 = arith.shli %gather3A_1096, %shift_left3A_1106 : vector<16xi32>
        %bitcast3A_1108 = vector.bitcast %shift_left3A_1107 : vector<16xi32> to vector<16xf32>
        %mul3A_1109 = arith.constant 16 : i32
        %mul3A_1110 = arith.muli %mul3A_1109, %add3A_1086 : i32
        %get3A_1111 = arith.index_cast %mul3A_1110 : i32 to index
        %get3A_1112 = tpu.vector_load %arg14[%get3A_1111] {strides = array<i32>} : memref<2000xf32, #tpu.memory_space<vmem>>, vector<16xf32>,
        %sub3A_1113 = arith.subf %bitcast3A_1098, %bitcast3A_1104 : vector<16xf32>
        %sub3A_1114 = arith.subf %bitcast3A_1102, %bitcast3A_1108 : vector<16xf32>
        %mul3A_1115 = arith.mulf %sub3A_1113, %sub3A_1113 : vector<16xf32>
        %mul3A_1116 = arith.mulf %sub3A_1114, %sub3A_1114 : vector<16xf32>
        %add3A_1117 = arith.addf %mul3A_1115, %mul3A_1116 : vector<16xf32>
        %mul3A_1118 = arith.mulf %get3A_1112, %add3A_1117 : vector<16xf32>
        %add3A_1119 = arith.addf %scan3A_930, %mul3A_1118 : vector<16xf32>
        %scan3A_1120 = arith.constant 1 : i32
        %scan3A_1121 = arith.addi %scan3A_925, %scan3A_1120 : i32
        %mul3A_1122 = arith.constant 1 : i32
        %mul3A_1123 = arith.muli %scan3A_1121, %mul3A_1122 : i32
        %add3A_1124 = arith.constant 0 : i32
        %add3A_1125 = arith.addi %add3A_1124, %mul3A_1123 : i32
        %mul3A_1126 = arith.constant 5 : i32
        %mul3A_1127 = arith.muli %mul3A_1126, %add3A_1125 : i32
        %add3A_1128 = arith.constant 0 : i32
        %add3A_1129 = arith.addi %mul3A_1127, %add3A_1128 : i32
        %mul3A_1130 = arith.constant 32 : i32
        %mul3A_1131 = arith.muli %mul3A_1130, %add3A_1129 : i32
        %add3A_1132 = vector.broadcast %mul3A_1131 : i32 to vector<16xi32>
        %add3A_1133 = arith.addi %add3A_1132, %mul3A_38 : vector<16xi32>
        %gather3A_1134 = tpu.vector_load_idx %arg10[%add3A_1133] : memref<4000xi32, #tpu.memory_space<vmem>>[vector<16xi32>], vector<16xi32>,
        %add3A_1135 = vector.broadcast %mul3A_1131 : i32 to vector<16xi32>
        %add3A_1136 = arith.addi %add3A_1135, %add3A_41 : vector<16xi32>
        %gather3A_1137 = tpu.vector_load_idx %arg10[%add3A_1136] : memref<4000xi32, #tpu.memory_space<vmem>>[vector<16xi32>], vector<16xi32>,
        %gather3A_1138 = tpu.vector_load_idx %arg7[%gather3A_1134] : memref<100000xi32, #tpu.memory_space<vmem>>[vector<16xi32>], vector<16xi32>,
        %gather3A_1139 = tpu.vector_load_idx %arg7[%gather3A_1137] : memref<100000xi32, #tpu.memory_space<vmem>>[vector<16xi32>], vector<16xi32>,
        %and3A_1140 = arith.andi %gather3A_1138, %broadcast_in_dim3A_42 : vector<16xi32>
        %bitcast3A_1141 = vector.bitcast %and3A_1140 : vector<16xi32> to vector<16xf32>
        %shift_left3A_1142 = arith.constant 16 : i32
        %shift_left3A_1143 = vector.broadcast %shift_left3A_1142 : i32 to vector<16xi32>
        %shift_left3A_1144 = arith.shli %gather3A_1138, %shift_left3A_1143 : vector<16xi32>
        %bitcast3A_1145 = vector.bitcast %shift_left3A_1144 : vector<16xi32> to vector<16xf32>
        %and3A_1146 = arith.andi %gather3A_1139, %broadcast_in_dim3A_42 : vector<16xi32>
        %bitcast3A_1147 = vector.bitcast %and3A_1146 : vector<16xi32> to vector<16xf32>
        %shift_left3A_1148 = arith.constant 16 : i32
        %shift_left3A_1149 = vector.broadcast %shift_left3A_1148 : i32 to vector<16xi32>
        %shift_left3A_1150 = arith.shli %gather3A_1139, %shift_left3A_1149 : vector<16xi32>
        %bitcast3A_1151 = vector.bitcast %shift_left3A_1150 : vector<16xi32> to vector<16xf32>
        %mul3A_1152 = arith.constant 16 : i32
        %mul3A_1153 = arith.muli %mul3A_1152, %add3A_1129 : i32
        %get3A_1154 = arith.index_cast %mul3A_1153 : i32 to index
        %get3A_1155 = tpu.vector_load %arg14[%get3A_1154] {strides = array<i32>} : memref<2000xf32, #tpu.memory_space<vmem>>, vector<16xf32>,
        %sub3A_1156 = arith.subf %bitcast3A_1141, %bitcast3A_1147 : vector<16xf32>
        %sub3A_1157 = arith.subf %bitcast3A_1145, %bitcast3A_1151 : vector<16xf32>
        %mul3A_1158 = arith.mulf %sub3A_1156, %sub3A_1156 : vector<16xf32>
        %mul3A_1159 = arith.mulf %sub3A_1157, %sub3A_1157 : vector<16xf32>
        %add3A_1160 = arith.addf %mul3A_1158, %mul3A_1159 : vector<16xf32>
        %mul3A_1161 = arith.mulf %get3A_1155, %add3A_1160 : vector<16xf32>
        %add3A_1162 = arith.addf %add3A_971, %mul3A_1161 : vector<16xf32>
        %mul3A_1163 = arith.constant 5 : i32
        %mul3A_1164 = arith.muli %mul3A_1163, %add3A_1125 : i32
        %add3A_1165 = arith.constant 1 : i32
        %add3A_1166 = arith.addi %mul3A_1164, %add3A_1165 : i32
        %mul3A_1167 = arith.constant 32 : i32
        %mul3A_1168 = arith.muli %mul3A_1167, %add3A_1166 : i32
        %add3A_1169 = vector.broadcast %mul3A_1168 : i32 to vector<16xi32>
        %add3A_1170 = arith.addi %add3A_1169, %mul3A_38 : vector<16xi32>
        %gather3A_1171 = tpu.vector_load_idx %arg10[%add3A_1170] : memref<4000xi32, #tpu.memory_space<vmem>>[vector<16xi32>], vector<16xi32>,
        %add3A_1172 = vector.broadcast %mul3A_1168 : i32 to vector<16xi32>
        %add3A_1173 = arith.addi %add3A_1172, %add3A_41 : vector<16xi32>
        %gather3A_1174 = tpu.vector_load_idx %arg10[%add3A_1173] : memref<4000xi32, #tpu.memory_space<vmem>>[vector<16xi32>], vector<16xi32>,
        %gather3A_1175 = tpu.vector_load_idx %arg7[%gather3A_1171] : memref<100000xi32, #tpu.memory_space<vmem>>[vector<16xi32>], vector<16xi32>,
        %gather3A_1176 = tpu.vector_load_idx %arg7[%gather3A_1174] : memref<100000xi32, #tpu.memory_space<vmem>>[vector<16xi32>], vector<16xi32>,
        %and3A_1177 = arith.andi %gather3A_1175, %broadcast_in_dim3A_42 : vector<16xi32>
        %bitcast3A_1178 = vector.bitcast %and3A_1177 : vector<16xi32> to vector<16xf32>
        %shift_left3A_1179 = arith.constant 16 : i32
        %shift_left3A_1180 = vector.broadcast %shift_left3A_1179 : i32 to vector<16xi32>
        %shift_left3A_1181 = arith.shli %gather3A_1175, %shift_left3A_1180 : vector<16xi32>
        %bitcast3A_1182 = vector.bitcast %shift_left3A_1181 : vector<16xi32> to vector<16xf32>
        %and3A_1183 = arith.andi %gather3A_1176, %broadcast_in_dim3A_42 : vector<16xi32>
        %bitcast3A_1184 = vector.bitcast %and3A_1183 : vector<16xi32> to vector<16xf32>
        %shift_left3A_1185 = arith.constant 16 : i32
        %shift_left3A_1186 = vector.broadcast %shift_left3A_1185 : i32 to vector<16xi32>
        %shift_left3A_1187 = arith.shli %gather3A_1176, %shift_left3A_1186 : vector<16xi32>
        %bitcast3A_1188 = vector.bitcast %shift_left3A_1187 : vector<16xi32> to vector<16xf32>
        %mul3A_1189 = arith.constant 16 : i32
        %mul3A_1190 = arith.muli %mul3A_1189, %add3A_1166 : i32
        %get3A_1191 = arith.index_cast %mul3A_1190 : i32 to index
        %get3A_1192 = tpu.vector_load %arg14[%get3A_1191] {strides = array<i32>} : memref<2000xf32, #tpu.memory_space<vmem>>, vector<16xf32>,
        %sub3A_1193 = arith.subf %bitcast3A_1178, %bitcast3A_1184 : vector<16xf32>
        %sub3A_1194 = arith.subf %bitcast3A_1182, %bitcast3A_1188 : vector<16xf32>
        %mul3A_1195 = arith.mulf %sub3A_1193, %sub3A_1193 : vector<16xf32>
        %mul3A_1196 = arith.mulf %sub3A_1194, %sub3A_1194 : vector<16xf32>
        %add3A_1197 = arith.addf %mul3A_1195, %mul3A_1196 : vector<16xf32>
        %mul3A_1198 = arith.mulf %get3A_1192, %add3A_1197 : vector<16xf32>
        %add3A_1199 = arith.addf %add3A_1008, %mul3A_1198 : vector<16xf32>
        %mul3A_1200 = arith.constant 5 : i32
        %mul3A_1201 = arith.muli %mul3A_1200, %add3A_1125 : i32
        %add3A_1202 = arith.constant 2 : i32
        %add3A_1203 = arith.addi %mul3A_1201, %add3A_1202 : i32
        %mul3A_1204 = arith.constant 32 : i32
        %mul3A_1205 = arith.muli %mul3A_1204, %add3A_1203 : i32
        %add3A_1206 = vector.broadcast %mul3A_1205 : i32 to vector<16xi32>
        %add3A_1207 = arith.addi %add3A_1206, %mul3A_38 : vector<16xi32>
        %gather3A_1208 = tpu.vector_load_idx %arg10[%add3A_1207] : memref<4000xi32, #tpu.memory_space<vmem>>[vector<16xi32>], vector<16xi32>,
        %add3A_1209 = vector.broadcast %mul3A_1205 : i32 to vector<16xi32>
        %add3A_1210 = arith.addi %add3A_1209, %add3A_41 : vector<16xi32>
        %gather3A_1211 = tpu.vector_load_idx %arg10[%add3A_1210] : memref<4000xi32, #tpu.memory_space<vmem>>[vector<16xi32>], vector<16xi32>,
        %gather3A_1212 = tpu.vector_load_idx %arg7[%gather3A_1208] : memref<100000xi32, #tpu.memory_space<vmem>>[vector<16xi32>], vector<16xi32>,
        %gather3A_1213 = tpu.vector_load_idx %arg7[%gather3A_1211] : memref<100000xi32, #tpu.memory_space<vmem>>[vector<16xi32>], vector<16xi32>,
        %and3A_1214 = arith.andi %gather3A_1212, %broadcast_in_dim3A_42 : vector<16xi32>
        %bitcast3A_1215 = vector.bitcast %and3A_1214 : vector<16xi32> to vector<16xf32>
        %shift_left3A_1216 = arith.constant 16 : i32
        %shift_left3A_1217 = vector.broadcast %shift_left3A_1216 : i32 to vector<16xi32>
        %shift_left3A_1218 = arith.shli %gather3A_1212, %shift_left3A_1217 : vector<16xi32>
        %bitcast3A_1219 = vector.bitcast %shift_left3A_1218 : vector<16xi32> to vector<16xf32>
        %and3A_1220 = arith.andi %gather3A_1213, %broadcast_in_dim3A_42 : vector<16xi32>
        %bitcast3A_1221 = vector.bitcast %and3A_1220 : vector<16xi32> to vector<16xf32>
        %shift_left3A_1222 = arith.constant 16 : i32
        %shift_left3A_1223 = vector.broadcast %shift_left3A_1222 : i32 to vector<16xi32>
        %shift_left3A_1224 = arith.shli %gather3A_1213, %shift_left3A_1223 : vector<16xi32>
        %bitcast3A_1225 = vector.bitcast %shift_left3A_1224 : vector<16xi32> to vector<16xf32>
        %mul3A_1226 = arith.constant 16 : i32
        %mul3A_1227 = arith.muli %mul3A_1226, %add3A_1203 : i32
        %get3A_1228 = arith.index_cast %mul3A_1227 : i32 to index
        %get3A_1229 = tpu.vector_load %arg14[%get3A_1228] {strides = array<i32>} : memref<2000xf32, #tpu.memory_space<vmem>>, vector<16xf32>,
        %sub3A_1230 = arith.subf %bitcast3A_1215, %bitcast3A_1221 : vector<16xf32>
        %sub3A_1231 = arith.subf %bitcast3A_1219, %bitcast3A_1225 : vector<16xf32>
        %mul3A_1232 = arith.mulf %sub3A_1230, %sub3A_1230 : vector<16xf32>
        %mul3A_1233 = arith.mulf %sub3A_1231, %sub3A_1231 : vector<16xf32>
        %add3A_1234 = arith.addf %mul3A_1232, %mul3A_1233 : vector<16xf32>
        %mul3A_1235 = arith.mulf %get3A_1229, %add3A_1234 : vector<16xf32>
        %add3A_1236 = arith.addf %add3A_1045, %mul3A_1235 : vector<16xf32>
        %mul3A_1237 = arith.constant 5 : i32
        %mul3A_1238 = arith.muli %mul3A_1237, %add3A_1125 : i32
        %add3A_1239 = arith.constant 3 : i32
        %add3A_1240 = arith.addi %mul3A_1238, %add3A_1239 : i32
        %mul3A_1241 = arith.constant 32 : i32
        %mul3A_1242 = arith.muli %mul3A_1241, %add3A_1240 : i32
        %add3A_1243 = vector.broadcast %mul3A_1242 : i32 to vector<16xi32>
        %add3A_1244 = arith.addi %add3A_1243, %mul3A_38 : vector<16xi32>
        %gather3A_1245 = tpu.vector_load_idx %arg10[%add3A_1244] : memref<4000xi32, #tpu.memory_space<vmem>>[vector<16xi32>], vector<16xi32>,
        %add3A_1246 = vector.broadcast %mul3A_1242 : i32 to vector<16xi32>
        %add3A_1247 = arith.addi %add3A_1246, %add3A_41 : vector<16xi32>
        %gather3A_1248 = tpu.vector_load_idx %arg10[%add3A_1247] : memref<4000xi32, #tpu.memory_space<vmem>>[vector<16xi32>], vector<16xi32>,
        %gather3A_1249 = tpu.vector_load_idx %arg7[%gather3A_1245] : memref<100000xi32, #tpu.memory_space<vmem>>[vector<16xi32>], vector<16xi32>,
        %gather3A_1250 = tpu.vector_load_idx %arg7[%gather3A_1248] : memref<100000xi32, #tpu.memory_space<vmem>>[vector<16xi32>], vector<16xi32>,
        %and3A_1251 = arith.andi %gather3A_1249, %broadcast_in_dim3A_42 : vector<16xi32>
        %bitcast3A_1252 = vector.bitcast %and3A_1251 : vector<16xi32> to vector<16xf32>
        %shift_left3A_1253 = arith.constant 16 : i32
        %shift_left3A_1254 = vector.broadcast %shift_left3A_1253 : i32 to vector<16xi32>
        %shift_left3A_1255 = arith.shli %gather3A_1249, %shift_left3A_1254 : vector<16xi32>
        %bitcast3A_1256 = vector.bitcast %shift_left3A_1255 : vector<16xi32> to vector<16xf32>
        %and3A_1257 = arith.andi %gather3A_1250, %broadcast_in_dim3A_42 : vector<16xi32>
        %bitcast3A_1258 = vector.bitcast %and3A_1257 : vector<16xi32> to vector<16xf32>
        %shift_left3A_1259 = arith.constant 16 : i32
        %shift_left3A_1260 = vector.broadcast %shift_left3A_1259 : i32 to vector<16xi32>
        %shift_left3A_1261 = arith.shli %gather3A_1250, %shift_left3A_1260 : vector<16xi32>
        %bitcast3A_1262 = vector.bitcast %shift_left3A_1261 : vector<16xi32> to vector<16xf32>
        %mul3A_1263 = arith.constant 16 : i32
        %mul3A_1264 = arith.muli %mul3A_1263, %add3A_1240 : i32
        %get3A_1265 = arith.index_cast %mul3A_1264 : i32 to index
        %get3A_1266 = tpu.vector_load %arg14[%get3A_1265] {strides = array<i32>} : memref<2000xf32, #tpu.memory_space<vmem>>, vector<16xf32>,
        %sub3A_1267 = arith.subf %bitcast3A_1252, %bitcast3A_1258 : vector<16xf32>
        %sub3A_1268 = arith.subf %bitcast3A_1256, %bitcast3A_1262 : vector<16xf32>
        %mul3A_1269 = arith.mulf %sub3A_1267, %sub3A_1267 : vector<16xf32>
        %mul3A_1270 = arith.mulf %sub3A_1268, %sub3A_1268 : vector<16xf32>
        %add3A_1271 = arith.addf %mul3A_1269, %mul3A_1270 : vector<16xf32>
        %mul3A_1272 = arith.mulf %get3A_1266, %add3A_1271 : vector<16xf32>
        %add3A_1273 = arith.addf %add3A_1082, %mul3A_1272 : vector<16xf32>
        %mul3A_1274 = arith.constant 5 : i32
        %mul3A_1275 = arith.muli %mul3A_1274, %add3A_1125 : i32
        %add3A_1276 = arith.constant 4 : i32
        %add3A_1277 = arith.addi %mul3A_1275, %add3A_1276 : i32
        %mul3A_1278 = arith.constant 32 : i32
        %mul3A_1279 = arith.muli %mul3A_1278, %add3A_1277 : i32
        %add3A_1280 = vector.broadcast %mul3A_1279 : i32 to vector<16xi32>
        %add3A_1281 = arith.addi %add3A_1280, %mul3A_38 : vector<16xi32>
        %gather3A_1282 = tpu.vector_load_idx %arg10[%add3A_1281] : memref<4000xi32, #tpu.memory_space<vmem>>[vector<16xi32>], vector<16xi32>,
        %add3A_1283 = vector.broadcast %mul3A_1279 : i32 to vector<16xi32>
        %add3A_1284 = arith.addi %add3A_1283, %add3A_41 : vector<16xi32>
        %gather3A_1285 = tpu.vector_load_idx %arg10[%add3A_1284] : memref<4000xi32, #tpu.memory_space<vmem>>[vector<16xi32>], vector<16xi32>,
        %gather3A_1286 = tpu.vector_load_idx %arg7[%gather3A_1282] : memref<100000xi32, #tpu.memory_space<vmem>>[vector<16xi32>], vector<16xi32>,
        %gather3A_1287 = tpu.vector_load_idx %arg7[%gather3A_1285] : memref<100000xi32, #tpu.memory_space<vmem>>[vector<16xi32>], vector<16xi32>,
        %and3A_1288 = arith.andi %gather3A_1286, %broadcast_in_dim3A_42 : vector<16xi32>
        %bitcast3A_1289 = vector.bitcast %and3A_1288 : vector<16xi32> to vector<16xf32>
        %shift_left3A_1290 = arith.constant 16 : i32
        %shift_left3A_1291 = vector.broadcast %shift_left3A_1290 : i32 to vector<16xi32>
        %shift_left3A_1292 = arith.shli %gather3A_1286, %shift_left3A_1291 : vector<16xi32>
        %bitcast3A_1293 = vector.bitcast %shift_left3A_1292 : vector<16xi32> to vector<16xf32>
        %and3A_1294 = arith.andi %gather3A_1287, %broadcast_in_dim3A_42 : vector<16xi32>
        %bitcast3A_1295 = vector.bitcast %and3A_1294 : vector<16xi32> to vector<16xf32>
        %shift_left3A_1296 = arith.constant 16 : i32
        %shift_left3A_1297 = vector.broadcast %shift_left3A_1296 : i32 to vector<16xi32>
        %shift_left3A_1298 = arith.shli %gather3A_1287, %shift_left3A_1297 : vector<16xi32>
        %bitcast3A_1299 = vector.bitcast %shift_left3A_1298 : vector<16xi32> to vector<16xf32>
        %mul3A_1300 = arith.constant 16 : i32
        %mul3A_1301 = arith.muli %mul3A_1300, %add3A_1277 : i32
        %get3A_1302 = arith.index_cast %mul3A_1301 : i32 to index
        %get3A_1303 = tpu.vector_load %arg14[%get3A_1302] {strides = array<i32>} : memref<2000xf32, #tpu.memory_space<vmem>>, vector<16xf32>,
        %sub3A_1304 = arith.subf %bitcast3A_1289, %bitcast3A_1295 : vector<16xf32>
        %sub3A_1305 = arith.subf %bitcast3A_1293, %bitcast3A_1299 : vector<16xf32>
        %mul3A_1306 = arith.mulf %sub3A_1304, %sub3A_1304 : vector<16xf32>
        %mul3A_1307 = arith.mulf %sub3A_1305, %sub3A_1305 : vector<16xf32>
        %add3A_1308 = arith.addf %mul3A_1306, %mul3A_1307 : vector<16xf32>
        %mul3A_1309 = arith.mulf %get3A_1303, %add3A_1308 : vector<16xf32>
        %add3A_1310 = arith.addf %add3A_1119, %mul3A_1309 : vector<16xf32>
        scf.yield %add3A_1162, %add3A_1199, %add3A_1236, %add3A_1273, %add3A_1310 : vector<16xf32>, vector<16xf32>, vector<16xf32>, vector<16xf32>, vector<16xf32>
      }
      %scan3A_510 = arith.constant 24 : i32
      %scan3A_511 = arith.addi %scan3A_505, %scan3A_510 : i32
      %mul3A_512 = arith.constant 1 : i32
      %mul3A_513 = arith.muli %scan3A_511, %mul3A_512 : i32
      %add3A_514 = arith.constant 0 : i32
      %add3A_515 = arith.addi %add3A_514, %mul3A_513 : i32
      %mul3A_516 = arith.constant 5 : i32
      %mul3A_517 = arith.muli %mul3A_516, %add3A_515 : i32
      %add3A_518 = arith.constant 0 : i32
      %add3A_519 = arith.addi %mul3A_517, %add3A_518 : i32
      %mul3A_520 = arith.constant 32 : i32
      %mul3A_521 = arith.muli %mul3A_520, %add3A_519 : i32
      %add3A_522 = vector.broadcast %mul3A_521 : i32 to vector<16xi32>
      %add3A_523 = arith.addi %add3A_522, %mul3A_38 : vector<16xi32>
      %gather3A_524 = tpu.vector_load_idx %arg10[%add3A_523] : memref<4000xi32, #tpu.memory_space<vmem>>[vector<16xi32>], vector<16xi32>,
      %add3A_525 = vector.broadcast %mul3A_521 : i32 to vector<16xi32>
      %add3A_526 = arith.addi %add3A_525, %add3A_41 : vector<16xi32>
      %gather3A_527 = tpu.vector_load_idx %arg10[%add3A_526] : memref<4000xi32, #tpu.memory_space<vmem>>[vector<16xi32>], vector<16xi32>,
      %gather3A_528 = tpu.vector_load_idx %arg7[%gather3A_524] : memref<100000xi32, #tpu.memory_space<vmem>>[vector<16xi32>], vector<16xi32>,
      %gather3A_529 = tpu.vector_load_idx %arg7[%gather3A_527] : memref<100000xi32, #tpu.memory_space<vmem>>[vector<16xi32>], vector<16xi32>,
      %and3A_530 = arith.andi %gather3A_528, %broadcast_in_dim3A_42 : vector<16xi32>
      %bitcast3A_531 = vector.bitcast %and3A_530 : vector<16xi32> to vector<16xf32>
      %shift_left3A_532 = arith.constant 16 : i32
      %shift_left3A_533 = vector.broadcast %shift_left3A_532 : i32 to vector<16xi32>
      %shift_left3A_534 = arith.shli %gather3A_528, %shift_left3A_533 : vector<16xi32>
      %bitcast3A_535 = vector.bitcast %shift_left3A_534 : vector<16xi32> to vector<16xf32>
      %and3A_536 = arith.andi %gather3A_529, %broadcast_in_dim3A_42 : vector<16xi32>
      %bitcast3A_537 = vector.bitcast %and3A_536 : vector<16xi32> to vector<16xf32>
      %shift_left3A_538 = arith.constant 16 : i32
      %shift_left3A_539 = vector.broadcast %shift_left3A_538 : i32 to vector<16xi32>
      %shift_left3A_540 = arith.shli %gather3A_529, %shift_left3A_539 : vector<16xi32>
      %bitcast3A_541 = vector.bitcast %shift_left3A_540 : vector<16xi32> to vector<16xf32>
      %mul3A_542 = arith.constant 16 : i32
      %mul3A_543 = arith.muli %mul3A_542, %add3A_519 : i32
      %get3A_544 = arith.index_cast %mul3A_543 : i32 to index
      %get3A_545 = tpu.vector_load %arg14[%get3A_544] {strides = array<i32>} : memref<2000xf32, #tpu.memory_space<vmem>>, vector<16xf32>,
      %sub3A_546 = arith.subf %bitcast3A_531, %bitcast3A_537 : vector<16xf32>
      %sub3A_547 = arith.subf %bitcast3A_535, %bitcast3A_541 : vector<16xf32>
      %mul3A_548 = arith.mulf %sub3A_546, %sub3A_546 : vector<16xf32>
      %mul3A_549 = arith.mulf %sub3A_547, %sub3A_547 : vector<16xf32>
      %add3A_550 = arith.addf %mul3A_548, %mul3A_549 : vector<16xf32>
      %mul3A_551 = arith.mulf %get3A_545, %add3A_550 : vector<16xf32>
      %add3A_552 = arith.addf %scan3A_509#0, %mul3A_551 : vector<16xf32>
      %mul3A_553 = arith.constant 5 : i32
      %mul3A_554 = arith.muli %mul3A_553, %add3A_515 : i32
      %add3A_555 = arith.constant 1 : i32
      %add3A_556 = arith.addi %mul3A_554, %add3A_555 : i32
      %mul3A_557 = arith.constant 32 : i32
      %mul3A_558 = arith.muli %mul3A_557, %add3A_556 : i32
      %add3A_559 = vector.broadcast %mul3A_558 : i32 to vector<16xi32>
      %add3A_560 = arith.addi %add3A_559, %mul3A_38 : vector<16xi32>
      %gather3A_561 = tpu.vector_load_idx %arg10[%add3A_560] : memref<4000xi32, #tpu.memory_space<vmem>>[vector<16xi32>], vector<16xi32>,
      %add3A_562 = vector.broadcast %mul3A_558 : i32 to vector<16xi32>
      %add3A_563 = arith.addi %add3A_562, %add3A_41 : vector<16xi32>
      %gather3A_564 = tpu.vector_load_idx %arg10[%add3A_563] : memref<4000xi32, #tpu.memory_space<vmem>>[vector<16xi32>], vector<16xi32>,
      %gather3A_565 = tpu.vector_load_idx %arg7[%gather3A_561] : memref<100000xi32, #tpu.memory_space<vmem>>[vector<16xi32>], vector<16xi32>,
      %gather3A_566 = tpu.vector_load_idx %arg7[%gather3A_564] : memref<100000xi32, #tpu.memory_space<vmem>>[vector<16xi32>], vector<16xi32>,
      %and3A_567 = arith.andi %gather3A_565, %broadcast_in_dim3A_42 : vector<16xi32>
      %bitcast3A_568 = vector.bitcast %and3A_567 : vector<16xi32> to vector<16xf32>
      %shift_left3A_569 = arith.constant 16 : i32
      %shift_left3A_570 = vector.broadcast %shift_left3A_569 : i32 to vector<16xi32>
      %shift_left3A_571 = arith.shli %gather3A_565, %shift_left3A_570 : vector<16xi32>
      %bitcast3A_572 = vector.bitcast %shift_left3A_571 : vector<16xi32> to vector<16xf32>
      %and3A_573 = arith.andi %gather3A_566, %broadcast_in_dim3A_42 : vector<16xi32>
      %bitcast3A_574 = vector.bitcast %and3A_573 : vector<16xi32> to vector<16xf32>
      %shift_left3A_575 = arith.constant 16 : i32
      %shift_left3A_576 = vector.broadcast %shift_left3A_575 : i32 to vector<16xi32>
      %shift_left3A_577 = arith.shli %gather3A_566, %shift_left3A_576 : vector<16xi32>
      %bitcast3A_578 = vector.bitcast %shift_left3A_577 : vector<16xi32> to vector<16xf32>
      %mul3A_579 = arith.constant 16 : i32
      %mul3A_580 = arith.muli %mul3A_579, %add3A_556 : i32
      %get3A_581 = arith.index_cast %mul3A_580 : i32 to index
      %get3A_582 = tpu.vector_load %arg14[%get3A_581] {strides = array<i32>} : memref<2000xf32, #tpu.memory_space<vmem>>, vector<16xf32>,
      %sub3A_583 = arith.subf %bitcast3A_568, %bitcast3A_574 : vector<16xf32>
      %sub3A_584 = arith.subf %bitcast3A_572, %bitcast3A_578 : vector<16xf32>
      %mul3A_585 = arith.mulf %sub3A_583, %sub3A_583 : vector<16xf32>
      %mul3A_586 = arith.mulf %sub3A_584, %sub3A_584 : vector<16xf32>
      %add3A_587 = arith.addf %mul3A_585, %mul3A_586 : vector<16xf32>
      %mul3A_588 = arith.mulf %get3A_582, %add3A_587 : vector<16xf32>
      %add3A_589 = arith.addf %scan3A_509#1, %mul3A_588 : vector<16xf32>
      %mul3A_590 = arith.constant 5 : i32
      %mul3A_591 = arith.muli %mul3A_590, %add3A_515 : i32
      %add3A_592 = arith.constant 2 : i32
      %add3A_593 = arith.addi %mul3A_591, %add3A_592 : i32
      %mul3A_594 = arith.constant 32 : i32
      %mul3A_595 = arith.muli %mul3A_594, %add3A_593 : i32
      %add3A_596 = vector.broadcast %mul3A_595 : i32 to vector<16xi32>
      %add3A_597 = arith.addi %add3A_596, %mul3A_38 : vector<16xi32>
      %gather3A_598 = tpu.vector_load_idx %arg10[%add3A_597] : memref<4000xi32, #tpu.memory_space<vmem>>[vector<16xi32>], vector<16xi32>,
      %add3A_599 = vector.broadcast %mul3A_595 : i32 to vector<16xi32>
      %add3A_600 = arith.addi %add3A_599, %add3A_41 : vector<16xi32>
      %gather3A_601 = tpu.vector_load_idx %arg10[%add3A_600] : memref<4000xi32, #tpu.memory_space<vmem>>[vector<16xi32>], vector<16xi32>,
      %gather3A_602 = tpu.vector_load_idx %arg7[%gather3A_598] : memref<100000xi32, #tpu.memory_space<vmem>>[vector<16xi32>], vector<16xi32>,
      %gather3A_603 = tpu.vector_load_idx %arg7[%gather3A_601] : memref<100000xi32, #tpu.memory_space<vmem>>[vector<16xi32>], vector<16xi32>,
      %and3A_604 = arith.andi %gather3A_602, %broadcast_in_dim3A_42 : vector<16xi32>
      %bitcast3A_605 = vector.bitcast %and3A_604 : vector<16xi32> to vector<16xf32>
      %shift_left3A_606 = arith.constant 16 : i32
      %shift_left3A_607 = vector.broadcast %shift_left3A_606 : i32 to vector<16xi32>
      %shift_left3A_608 = arith.shli %gather3A_602, %shift_left3A_607 : vector<16xi32>
      %bitcast3A_609 = vector.bitcast %shift_left3A_608 : vector<16xi32> to vector<16xf32>
      %and3A_610 = arith.andi %gather3A_603, %broadcast_in_dim3A_42 : vector<16xi32>
      %bitcast3A_611 = vector.bitcast %and3A_610 : vector<16xi32> to vector<16xf32>
      %shift_left3A_612 = arith.constant 16 : i32
      %shift_left3A_613 = vector.broadcast %shift_left3A_612 : i32 to vector<16xi32>
      %shift_left3A_614 = arith.shli %gather3A_603, %shift_left3A_613 : vector<16xi32>
      %bitcast3A_615 = vector.bitcast %shift_left3A_614 : vector<16xi32> to vector<16xf32>
      %mul3A_616 = arith.constant 16 : i32
      %mul3A_617 = arith.muli %mul3A_616, %add3A_593 : i32
      %get3A_618 = arith.index_cast %mul3A_617 : i32 to index
      %get3A_619 = tpu.vector_load %arg14[%get3A_618] {strides = array<i32>} : memref<2000xf32, #tpu.memory_space<vmem>>, vector<16xf32>,
      %sub3A_620 = arith.subf %bitcast3A_605, %bitcast3A_611 : vector<16xf32>
      %sub3A_621 = arith.subf %bitcast3A_609, %bitcast3A_615 : vector<16xf32>
      %mul3A_622 = arith.mulf %sub3A_620, %sub3A_620 : vector<16xf32>
      %mul3A_623 = arith.mulf %sub3A_621, %sub3A_621 : vector<16xf32>
      %add3A_624 = arith.addf %mul3A_622, %mul3A_623 : vector<16xf32>
      %mul3A_625 = arith.mulf %get3A_619, %add3A_624 : vector<16xf32>
      %add3A_626 = arith.addf %scan3A_509#2, %mul3A_625 : vector<16xf32>
      %mul3A_627 = arith.constant 5 : i32
      %mul3A_628 = arith.muli %mul3A_627, %add3A_515 : i32
      %add3A_629 = arith.constant 3 : i32
      %add3A_630 = arith.addi %mul3A_628, %add3A_629 : i32
      %mul3A_631 = arith.constant 32 : i32
      %mul3A_632 = arith.muli %mul3A_631, %add3A_630 : i32
      %add3A_633 = vector.broadcast %mul3A_632 : i32 to vector<16xi32>
      %add3A_634 = arith.addi %add3A_633, %mul3A_38 : vector<16xi32>
      %gather3A_635 = tpu.vector_load_idx %arg10[%add3A_634] : memref<4000xi32, #tpu.memory_space<vmem>>[vector<16xi32>], vector<16xi32>,
      %add3A_636 = vector.broadcast %mul3A_632 : i32 to vector<16xi32>
      %add3A_637 = arith.addi %add3A_636, %add3A_41 : vector<16xi32>
      %gather3A_638 = tpu.vector_load_idx %arg10[%add3A_637] : memref<4000xi32, #tpu.memory_space<vmem>>[vector<16xi32>], vector<16xi32>,
      %gather3A_639 = tpu.vector_load_idx %arg7[%gather3A_635] : memref<100000xi32, #tpu.memory_space<vmem>>[vector<16xi32>], vector<16xi32>,
      %gather3A_640 = tpu.vector_load_idx %arg7[%gather3A_638] : memref<100000xi32, #tpu.memory_space<vmem>>[vector<16xi32>], vector<16xi32>,
      %and3A_641 = arith.andi %gather3A_639, %broadcast_in_dim3A_42 : vector<16xi32>
      %bitcast3A_642 = vector.bitcast %and3A_641 : vector<16xi32> to vector<16xf32>
      %shift_left3A_643 = arith.constant 16 : i32
      %shift_left3A_644 = vector.broadcast %shift_left3A_643 : i32 to vector<16xi32>
      %shift_left3A_645 = arith.shli %gather3A_639, %shift_left3A_644 : vector<16xi32>
      %bitcast3A_646 = vector.bitcast %shift_left3A_645 : vector<16xi32> to vector<16xf32>
      %and3A_647 = arith.andi %gather3A_640, %broadcast_in_dim3A_42 : vector<16xi32>
      %bitcast3A_648 = vector.bitcast %and3A_647 : vector<16xi32> to vector<16xf32>
      %shift_left3A_649 = arith.constant 16 : i32
      %shift_left3A_650 = vector.broadcast %shift_left3A_649 : i32 to vector<16xi32>
      %shift_left3A_651 = arith.shli %gather3A_640, %shift_left3A_650 : vector<16xi32>
      %bitcast3A_652 = vector.bitcast %shift_left3A_651 : vector<16xi32> to vector<16xf32>
      %mul3A_653 = arith.constant 16 : i32
      %mul3A_654 = arith.muli %mul3A_653, %add3A_630 : i32
      %get3A_655 = arith.index_cast %mul3A_654 : i32 to index
      %get3A_656 = tpu.vector_load %arg14[%get3A_655] {strides = array<i32>} : memref<2000xf32, #tpu.memory_space<vmem>>, vector<16xf32>,
      %sub3A_657 = arith.subf %bitcast3A_642, %bitcast3A_648 : vector<16xf32>
      %sub3A_658 = arith.subf %bitcast3A_646, %bitcast3A_652 : vector<16xf32>
      %mul3A_659 = arith.mulf %sub3A_657, %sub3A_657 : vector<16xf32>
      %mul3A_660 = arith.mulf %sub3A_658, %sub3A_658 : vector<16xf32>
      %add3A_661 = arith.addf %mul3A_659, %mul3A_660 : vector<16xf32>
      %mul3A_662 = arith.mulf %get3A_656, %add3A_661 : vector<16xf32>
      %add3A_663 = arith.addf %scan3A_509#3, %mul3A_662 : vector<16xf32>
      %mul3A_664 = arith.constant 5 : i32
      %mul3A_665 = arith.muli %mul3A_664, %add3A_515 : i32
      %add3A_666 = arith.constant 4 : i32
      %add3A_667 = arith.addi %mul3A_665, %add3A_666 : i32
      %mul3A_668 = arith.constant 32 : i32
      %mul3A_669 = arith.muli %mul3A_668, %add3A_667 : i32
      %add3A_670 = vector.broadcast %mul3A_669 : i32 to vector<16xi32>
      %add3A_671 = arith.addi %add3A_670, %mul3A_38 : vector<16xi32>
      %gather3A_672 = tpu.vector_load_idx %arg10[%add3A_671] : memref<4000xi32, #tpu.memory_space<vmem>>[vector<16xi32>], vector<16xi32>,
      %add3A_673 = vector.broadcast %mul3A_669 : i32 to vector<16xi32>
      %add3A_674 = arith.addi %add3A_673, %add3A_41 : vector<16xi32>
      %gather3A_675 = tpu.vector_load_idx %arg10[%add3A_674] : memref<4000xi32, #tpu.memory_space<vmem>>[vector<16xi32>], vector<16xi32>,
      %gather3A_676 = tpu.vector_load_idx %arg7[%gather3A_672] : memref<100000xi32, #tpu.memory_space<vmem>>[vector<16xi32>], vector<16xi32>,
      %gather3A_677 = tpu.vector_load_idx %arg7[%gather3A_675] : memref<100000xi32, #tpu.memory_space<vmem>>[vector<16xi32>], vector<16xi32>,
      %and3A_678 = arith.andi %gather3A_676, %broadcast_in_dim3A_42 : vector<16xi32>
      %bitcast3A_679 = vector.bitcast %and3A_678 : vector<16xi32> to vector<16xf32>
      %shift_left3A_680 = arith.constant 16 : i32
      %shift_left3A_681 = vector.broadcast %shift_left3A_680 : i32 to vector<16xi32>
      %shift_left3A_682 = arith.shli %gather3A_676, %shift_left3A_681 : vector<16xi32>
      %bitcast3A_683 = vector.bitcast %shift_left3A_682 : vector<16xi32> to vector<16xf32>
      %and3A_684 = arith.andi %gather3A_677, %broadcast_in_dim3A_42 : vector<16xi32>
      %bitcast3A_685 = vector.bitcast %and3A_684 : vector<16xi32> to vector<16xf32>
      %shift_left3A_686 = arith.constant 16 : i32
      %shift_left3A_687 = vector.broadcast %shift_left3A_686 : i32 to vector<16xi32>
      %shift_left3A_688 = arith.shli %gather3A_677, %shift_left3A_687 : vector<16xi32>
      %bitcast3A_689 = vector.bitcast %shift_left3A_688 : vector<16xi32> to vector<16xf32>
      %mul3A_690 = arith.constant 16 : i32
      %mul3A_691 = arith.muli %mul3A_690, %add3A_667 : i32
      %get3A_692 = arith.index_cast %mul3A_691 : i32 to index
      %get3A_693 = tpu.vector_load %arg14[%get3A_692] {strides = array<i32>} : memref<2000xf32, #tpu.memory_space<vmem>>, vector<16xf32>,
      %sub3A_694 = arith.subf %bitcast3A_679, %bitcast3A_685 : vector<16xf32>
      %sub3A_695 = arith.subf %bitcast3A_683, %bitcast3A_689 : vector<16xf32>
      %mul3A_696 = arith.mulf %sub3A_694, %sub3A_694 : vector<16xf32>
      %mul3A_697 = arith.mulf %sub3A_695, %sub3A_695 : vector<16xf32>
      %add3A_698 = arith.addf %mul3A_696, %mul3A_697 : vector<16xf32>
      %mul3A_699 = arith.mulf %get3A_693, %add3A_698 : vector<16xf32>
      %add3A_700 = arith.addf %scan3A_509#4, %mul3A_699 : vector<16xf32>
      %scan3A_701 = arith.constant 25 : i32
      %add3A_702 = arith.constant 4 : i32
      %add3A_703 = arith.addi %add3A_496, %add3A_702 : i32
      %lt3A_704 = arith.constant 100 : i32
      %lt3A_705 = arith.cmpi slt, %add3A_703, %lt3A_704 : i32
      %convert_element_type3A_706 = arith.extui %lt3A_705 : i1 to i32
      %cond3A_707 = arith.constant 0 : i32
      %cond3A_708 = arith.cmpi ne, %convert_element_type3A_706, %cond3A_707 : i32
      scf.if %cond3A_708 {
        %add3A_925 = arith.constant 4 : i32
        %add3A_926 = arith.addi %add3A_496, %add3A_925 : i32
        %mul3A_927 = arith.constant 2000 : i32
        %mul3A_928 = arith.muli %add3A_926, %mul3A_927 : i32
        %add3A_929 = arith.addi %mul3A_2, %mul3A_928 : i32
        %mul3A_930 = arith.constant 2 : i32
        %mul3A_931 = arith.muli %mul3A_930, %add3A_929 : i32
        %dma_start3A_932 = tpu.memref_slice %arg3[%mul3A_931] : memref<12800000xi32, #tpu.memory_space<hbm>> -> memref<4000xi32, #tpu.memory_space<hbm>>
        %dma_start3A_933 = tpu.memref_slice %arg3[%mul3A_931] : memref<12800000xi32, #tpu.memory_space<hbm>> -> memref<4000xi32, #tpu.memory_space<hbm>>
        tpu.enqueue_dma source(%dma_start3A_933 : memref<4000xi32, #tpu.memory_space<hbm>>) target(%arg10 : memref<4000xi32, #tpu.memory_space<vmem>>) target_semaphore(%arg19 : memref<!tpu.dma_semaphore, #tpu.memory_space<semaphore_mem>>)
        %dma_start3A_934 = tpu.memref_slice %arg4[%add3A_929] : memref<6400000xf32, #tpu.memory_space<hbm>> -> memref<2000xf32, #tpu.memory_space<hbm>>
        %dma_start3A_935 = tpu.memref_slice %arg4[%add3A_929] : memref<6400000xf32, #tpu.memory_space<hbm>> -> memref<2000xf32, #tpu.memory_space<hbm>>
        tpu.enqueue_dma source(%dma_start3A_935 : memref<2000xf32, #tpu.memory_space<hbm>>) target(%arg14 : memref<2000xf32, #tpu.memory_space<vmem>>) target_semaphore(%arg19 : memref<!tpu.dma_semaphore, #tpu.memory_space<semaphore_mem>>)
      } else {
      }
      %mul3A_709 = arith.constant 4 : i32
      %mul3A_710 = arith.muli %mul3A_709, %scan3A_63 : i32
      %add3A_711 = arith.constant 3 : i32
      %add3A_712 = arith.addi %mul3A_710, %add3A_711 : i32
      %dma_wait3A_713 = arith.constant 0 : i32
      %dma_wait3A_714 = tpu.memref_slice %arg3[%dma_wait3A_713] : memref<12800000xi32, #tpu.memory_space<hbm>> -> memref<4000xi32, #tpu.memory_space<hbm>>
      %dma_wait3A_715 = arith.constant 0 : i32
      %dma_wait3A_716 = tpu.memref_slice %arg3[%dma_wait3A_715] : memref<12800000xi32, #tpu.memory_space<hbm>> -> memref<4000xi32, #tpu.memory_space<hbm>>
      tpu.wait_dma2 semaphore(%arg20 : memref<!tpu.dma_semaphore, #tpu.memory_space<semaphore_mem>>) src(%dma_wait3A_716 : memref<4000xi32, #tpu.memory_space<hbm>>) dst(%arg11 : memref<4000xi32, #tpu.memory_space<vmem>>)
      %dma_wait3A_717 = arith.constant 0 : i32
      %dma_wait3A_718 = tpu.memref_slice %arg4[%dma_wait3A_717] : memref<6400000xf32, #tpu.memory_space<hbm>> -> memref<2000xf32, #tpu.memory_space<hbm>>
      %dma_wait3A_719 = arith.constant 0 : i32
      %dma_wait3A_720 = tpu.memref_slice %arg4[%dma_wait3A_719] : memref<6400000xf32, #tpu.memory_space<hbm>> -> memref<2000xf32, #tpu.memory_space<hbm>>
      tpu.wait_dma2 semaphore(%arg20 : memref<!tpu.dma_semaphore, #tpu.memory_space<semaphore_mem>>) src(%dma_wait3A_720 : memref<2000xf32, #tpu.memory_space<hbm>>) dst(%arg15 : memref<2000xf32, #tpu.memory_space<vmem>>)
      %scan3A_721 = arith.constant 0 : i32
      %scan3A_722 = arith.constant 24 : i32
      %scan3A_723 = arith.addi %scan3A_721, %scan3A_722 : i32
      %scan3A_724 = arith.constant 2 : i32
      %scan3A_725:5 = scf.for %scan3A_925 = %scan3A_721 to %scan3A_723 step %scan3A_724 iter_args(%scan3A_926 = %add3A_552, %scan3A_927 = %add3A_589, %scan3A_928 = %add3A_626, %scan3A_929 = %add3A_663, %scan3A_930 = %add3A_700) -> (vector<16xf32>, vector<16xf32>, vector<16xf32>, vector<16xf32>, vector<16xf32>)  : i32 {
        %mul3A_931 = arith.constant 1 : i32
        %mul3A_932 = arith.muli %scan3A_925, %mul3A_931 : i32
        %add3A_933 = arith.constant 0 : i32
        %add3A_934 = arith.addi %add3A_933, %mul3A_932 : i32
        %mul3A_935 = arith.constant 5 : i32
        %mul3A_936 = arith.muli %mul3A_935, %add3A_934 : i32
        %add3A_937 = arith.constant 0 : i32
        %add3A_938 = arith.addi %mul3A_936, %add3A_937 : i32
        %mul3A_939 = arith.constant 32 : i32
        %mul3A_940 = arith.muli %mul3A_939, %add3A_938 : i32
        %add3A_941 = vector.broadcast %mul3A_940 : i32 to vector<16xi32>
        %add3A_942 = arith.addi %add3A_941, %mul3A_38 : vector<16xi32>
        %gather3A_943 = tpu.vector_load_idx %arg11[%add3A_942] : memref<4000xi32, #tpu.memory_space<vmem>>[vector<16xi32>], vector<16xi32>,
        %add3A_944 = vector.broadcast %mul3A_940 : i32 to vector<16xi32>
        %add3A_945 = arith.addi %add3A_944, %add3A_41 : vector<16xi32>
        %gather3A_946 = tpu.vector_load_idx %arg11[%add3A_945] : memref<4000xi32, #tpu.memory_space<vmem>>[vector<16xi32>], vector<16xi32>,
        %gather3A_947 = tpu.vector_load_idx %arg7[%gather3A_943] : memref<100000xi32, #tpu.memory_space<vmem>>[vector<16xi32>], vector<16xi32>,
        %gather3A_948 = tpu.vector_load_idx %arg7[%gather3A_946] : memref<100000xi32, #tpu.memory_space<vmem>>[vector<16xi32>], vector<16xi32>,
        %and3A_949 = arith.andi %gather3A_947, %broadcast_in_dim3A_42 : vector<16xi32>
        %bitcast3A_950 = vector.bitcast %and3A_949 : vector<16xi32> to vector<16xf32>
        %shift_left3A_951 = arith.constant 16 : i32
        %shift_left3A_952 = vector.broadcast %shift_left3A_951 : i32 to vector<16xi32>
        %shift_left3A_953 = arith.shli %gather3A_947, %shift_left3A_952 : vector<16xi32>
        %bitcast3A_954 = vector.bitcast %shift_left3A_953 : vector<16xi32> to vector<16xf32>
        %and3A_955 = arith.andi %gather3A_948, %broadcast_in_dim3A_42 : vector<16xi32>
        %bitcast3A_956 = vector.bitcast %and3A_955 : vector<16xi32> to vector<16xf32>
        %shift_left3A_957 = arith.constant 16 : i32
        %shift_left3A_958 = vector.broadcast %shift_left3A_957 : i32 to vector<16xi32>
        %shift_left3A_959 = arith.shli %gather3A_948, %shift_left3A_958 : vector<16xi32>
        %bitcast3A_960 = vector.bitcast %shift_left3A_959 : vector<16xi32> to vector<16xf32>
        %mul3A_961 = arith.constant 16 : i32
        %mul3A_962 = arith.muli %mul3A_961, %add3A_938 : i32
        %get3A_963 = arith.index_cast %mul3A_962 : i32 to index
        %get3A_964 = tpu.vector_load %arg15[%get3A_963] {strides = array<i32>} : memref<2000xf32, #tpu.memory_space<vmem>>, vector<16xf32>,
        %sub3A_965 = arith.subf %bitcast3A_950, %bitcast3A_956 : vector<16xf32>
        %sub3A_966 = arith.subf %bitcast3A_954, %bitcast3A_960 : vector<16xf32>
        %mul3A_967 = arith.mulf %sub3A_965, %sub3A_965 : vector<16xf32>
        %mul3A_968 = arith.mulf %sub3A_966, %sub3A_966 : vector<16xf32>
        %add3A_969 = arith.addf %mul3A_967, %mul3A_968 : vector<16xf32>
        %mul3A_970 = arith.mulf %get3A_964, %add3A_969 : vector<16xf32>
        %add3A_971 = arith.addf %scan3A_926, %mul3A_970 : vector<16xf32>
        %mul3A_972 = arith.constant 5 : i32
        %mul3A_973 = arith.muli %mul3A_972, %add3A_934 : i32
        %add3A_974 = arith.constant 1 : i32
        %add3A_975 = arith.addi %mul3A_973, %add3A_974 : i32
        %mul3A_976 = arith.constant 32 : i32
        %mul3A_977 = arith.muli %mul3A_976, %add3A_975 : i32
        %add3A_978 = vector.broadcast %mul3A_977 : i32 to vector<16xi32>
        %add3A_979 = arith.addi %add3A_978, %mul3A_38 : vector<16xi32>
        %gather3A_980 = tpu.vector_load_idx %arg11[%add3A_979] : memref<4000xi32, #tpu.memory_space<vmem>>[vector<16xi32>], vector<16xi32>,
        %add3A_981 = vector.broadcast %mul3A_977 : i32 to vector<16xi32>
        %add3A_982 = arith.addi %add3A_981, %add3A_41 : vector<16xi32>
        %gather3A_983 = tpu.vector_load_idx %arg11[%add3A_982] : memref<4000xi32, #tpu.memory_space<vmem>>[vector<16xi32>], vector<16xi32>,
        %gather3A_984 = tpu.vector_load_idx %arg7[%gather3A_980] : memref<100000xi32, #tpu.memory_space<vmem>>[vector<16xi32>], vector<16xi32>,
        %gather3A_985 = tpu.vector_load_idx %arg7[%gather3A_983] : memref<100000xi32, #tpu.memory_space<vmem>>[vector<16xi32>], vector<16xi32>,
        %and3A_986 = arith.andi %gather3A_984, %broadcast_in_dim3A_42 : vector<16xi32>
        %bitcast3A_987 = vector.bitcast %and3A_986 : vector<16xi32> to vector<16xf32>
        %shift_left3A_988 = arith.constant 16 : i32
        %shift_left3A_989 = vector.broadcast %shift_left3A_988 : i32 to vector<16xi32>
        %shift_left3A_990 = arith.shli %gather3A_984, %shift_left3A_989 : vector<16xi32>
        %bitcast3A_991 = vector.bitcast %shift_left3A_990 : vector<16xi32> to vector<16xf32>
        %and3A_992 = arith.andi %gather3A_985, %broadcast_in_dim3A_42 : vector<16xi32>
        %bitcast3A_993 = vector.bitcast %and3A_992 : vector<16xi32> to vector<16xf32>
        %shift_left3A_994 = arith.constant 16 : i32
        %shift_left3A_995 = vector.broadcast %shift_left3A_994 : i32 to vector<16xi32>
        %shift_left3A_996 = arith.shli %gather3A_985, %shift_left3A_995 : vector<16xi32>
        %bitcast3A_997 = vector.bitcast %shift_left3A_996 : vector<16xi32> to vector<16xf32>
        %mul3A_998 = arith.constant 16 : i32
        %mul3A_999 = arith.muli %mul3A_998, %add3A_975 : i32
        %get3A_1000 = arith.index_cast %mul3A_999 : i32 to index
        %get3A_1001 = tpu.vector_load %arg15[%get3A_1000] {strides = array<i32>} : memref<2000xf32, #tpu.memory_space<vmem>>, vector<16xf32>,
        %sub3A_1002 = arith.subf %bitcast3A_987, %bitcast3A_993 : vector<16xf32>
        %sub3A_1003 = arith.subf %bitcast3A_991, %bitcast3A_997 : vector<16xf32>
        %mul3A_1004 = arith.mulf %sub3A_1002, %sub3A_1002 : vector<16xf32>
        %mul3A_1005 = arith.mulf %sub3A_1003, %sub3A_1003 : vector<16xf32>
        %add3A_1006 = arith.addf %mul3A_1004, %mul3A_1005 : vector<16xf32>
        %mul3A_1007 = arith.mulf %get3A_1001, %add3A_1006 : vector<16xf32>
        %add3A_1008 = arith.addf %scan3A_927, %mul3A_1007 : vector<16xf32>
        %mul3A_1009 = arith.constant 5 : i32
        %mul3A_1010 = arith.muli %mul3A_1009, %add3A_934 : i32
        %add3A_1011 = arith.constant 2 : i32
        %add3A_1012 = arith.addi %mul3A_1010, %add3A_1011 : i32
        %mul3A_1013 = arith.constant 32 : i32
        %mul3A_1014 = arith.muli %mul3A_1013, %add3A_1012 : i32
        %add3A_1015 = vector.broadcast %mul3A_1014 : i32 to vector<16xi32>
        %add3A_1016 = arith.addi %add3A_1015, %mul3A_38 : vector<16xi32>
        %gather3A_1017 = tpu.vector_load_idx %arg11[%add3A_1016] : memref<4000xi32, #tpu.memory_space<vmem>>[vector<16xi32>], vector<16xi32>,
        %add3A_1018 = vector.broadcast %mul3A_1014 : i32 to vector<16xi32>
        %add3A_1019 = arith.addi %add3A_1018, %add3A_41 : vector<16xi32>
        %gather3A_1020 = tpu.vector_load_idx %arg11[%add3A_1019] : memref<4000xi32, #tpu.memory_space<vmem>>[vector<16xi32>], vector<16xi32>,
        %gather3A_1021 = tpu.vector_load_idx %arg7[%gather3A_1017] : memref<100000xi32, #tpu.memory_space<vmem>>[vector<16xi32>], vector<16xi32>,
        %gather3A_1022 = tpu.vector_load_idx %arg7[%gather3A_1020] : memref<100000xi32, #tpu.memory_space<vmem>>[vector<16xi32>], vector<16xi32>,
        %and3A_1023 = arith.andi %gather3A_1021, %broadcast_in_dim3A_42 : vector<16xi32>
        %bitcast3A_1024 = vector.bitcast %and3A_1023 : vector<16xi32> to vector<16xf32>
        %shift_left3A_1025 = arith.constant 16 : i32
        %shift_left3A_1026 = vector.broadcast %shift_left3A_1025 : i32 to vector<16xi32>
        %shift_left3A_1027 = arith.shli %gather3A_1021, %shift_left3A_1026 : vector<16xi32>
        %bitcast3A_1028 = vector.bitcast %shift_left3A_1027 : vector<16xi32> to vector<16xf32>
        %and3A_1029 = arith.andi %gather3A_1022, %broadcast_in_dim3A_42 : vector<16xi32>
        %bitcast3A_1030 = vector.bitcast %and3A_1029 : vector<16xi32> to vector<16xf32>
        %shift_left3A_1031 = arith.constant 16 : i32
        %shift_left3A_1032 = vector.broadcast %shift_left3A_1031 : i32 to vector<16xi32>
        %shift_left3A_1033 = arith.shli %gather3A_1022, %shift_left3A_1032 : vector<16xi32>
        %bitcast3A_1034 = vector.bitcast %shift_left3A_1033 : vector<16xi32> to vector<16xf32>
        %mul3A_1035 = arith.constant 16 : i32
        %mul3A_1036 = arith.muli %mul3A_1035, %add3A_1012 : i32
        %get3A_1037 = arith.index_cast %mul3A_1036 : i32 to index
        %get3A_1038 = tpu.vector_load %arg15[%get3A_1037] {strides = array<i32>} : memref<2000xf32, #tpu.memory_space<vmem>>, vector<16xf32>,
        %sub3A_1039 = arith.subf %bitcast3A_1024, %bitcast3A_1030 : vector<16xf32>
        %sub3A_1040 = arith.subf %bitcast3A_1028, %bitcast3A_1034 : vector<16xf32>
        %mul3A_1041 = arith.mulf %sub3A_1039, %sub3A_1039 : vector<16xf32>
        %mul3A_1042 = arith.mulf %sub3A_1040, %sub3A_1040 : vector<16xf32>
        %add3A_1043 = arith.addf %mul3A_1041, %mul3A_1042 : vector<16xf32>
        %mul3A_1044 = arith.mulf %get3A_1038, %add3A_1043 : vector<16xf32>
        %add3A_1045 = arith.addf %scan3A_928, %mul3A_1044 : vector<16xf32>
        %mul3A_1046 = arith.constant 5 : i32
        %mul3A_1047 = arith.muli %mul3A_1046, %add3A_934 : i32
        %add3A_1048 = arith.constant 3 : i32
        %add3A_1049 = arith.addi %mul3A_1047, %add3A_1048 : i32
        %mul3A_1050 = arith.constant 32 : i32
        %mul3A_1051 = arith.muli %mul3A_1050, %add3A_1049 : i32
        %add3A_1052 = vector.broadcast %mul3A_1051 : i32 to vector<16xi32>
        %add3A_1053 = arith.addi %add3A_1052, %mul3A_38 : vector<16xi32>
        %gather3A_1054 = tpu.vector_load_idx %arg11[%add3A_1053] : memref<4000xi32, #tpu.memory_space<vmem>>[vector<16xi32>], vector<16xi32>,
        %add3A_1055 = vector.broadcast %mul3A_1051 : i32 to vector<16xi32>
        %add3A_1056 = arith.addi %add3A_1055, %add3A_41 : vector<16xi32>
        %gather3A_1057 = tpu.vector_load_idx %arg11[%add3A_1056] : memref<4000xi32, #tpu.memory_space<vmem>>[vector<16xi32>], vector<16xi32>,
        %gather3A_1058 = tpu.vector_load_idx %arg7[%gather3A_1054] : memref<100000xi32, #tpu.memory_space<vmem>>[vector<16xi32>], vector<16xi32>,
        %gather3A_1059 = tpu.vector_load_idx %arg7[%gather3A_1057] : memref<100000xi32, #tpu.memory_space<vmem>>[vector<16xi32>], vector<16xi32>,
        %and3A_1060 = arith.andi %gather3A_1058, %broadcast_in_dim3A_42 : vector<16xi32>
        %bitcast3A_1061 = vector.bitcast %and3A_1060 : vector<16xi32> to vector<16xf32>
        %shift_left3A_1062 = arith.constant 16 : i32
        %shift_left3A_1063 = vector.broadcast %shift_left3A_1062 : i32 to vector<16xi32>
        %shift_left3A_1064 = arith.shli %gather3A_1058, %shift_left3A_1063 : vector<16xi32>
        %bitcast3A_1065 = vector.bitcast %shift_left3A_1064 : vector<16xi32> to vector<16xf32>
        %and3A_1066 = arith.andi %gather3A_1059, %broadcast_in_dim3A_42 : vector<16xi32>
        %bitcast3A_1067 = vector.bitcast %and3A_1066 : vector<16xi32> to vector<16xf32>
        %shift_left3A_1068 = arith.constant 16 : i32
        %shift_left3A_1069 = vector.broadcast %shift_left3A_1068 : i32 to vector<16xi32>
        %shift_left3A_1070 = arith.shli %gather3A_1059, %shift_left3A_1069 : vector<16xi32>
        %bitcast3A_1071 = vector.bitcast %shift_left3A_1070 : vector<16xi32> to vector<16xf32>
        %mul3A_1072 = arith.constant 16 : i32
        %mul3A_1073 = arith.muli %mul3A_1072, %add3A_1049 : i32
        %get3A_1074 = arith.index_cast %mul3A_1073 : i32 to index
        %get3A_1075 = tpu.vector_load %arg15[%get3A_1074] {strides = array<i32>} : memref<2000xf32, #tpu.memory_space<vmem>>, vector<16xf32>,
        %sub3A_1076 = arith.subf %bitcast3A_1061, %bitcast3A_1067 : vector<16xf32>
        %sub3A_1077 = arith.subf %bitcast3A_1065, %bitcast3A_1071 : vector<16xf32>
        %mul3A_1078 = arith.mulf %sub3A_1076, %sub3A_1076 : vector<16xf32>
        %mul3A_1079 = arith.mulf %sub3A_1077, %sub3A_1077 : vector<16xf32>
        %add3A_1080 = arith.addf %mul3A_1078, %mul3A_1079 : vector<16xf32>
        %mul3A_1081 = arith.mulf %get3A_1075, %add3A_1080 : vector<16xf32>
        %add3A_1082 = arith.addf %scan3A_929, %mul3A_1081 : vector<16xf32>
        %mul3A_1083 = arith.constant 5 : i32
        %mul3A_1084 = arith.muli %mul3A_1083, %add3A_934 : i32
        %add3A_1085 = arith.constant 4 : i32
        %add3A_1086 = arith.addi %mul3A_1084, %add3A_1085 : i32
        %mul3A_1087 = arith.constant 32 : i32
        %mul3A_1088 = arith.muli %mul3A_1087, %add3A_1086 : i32
        %add3A_1089 = vector.broadcast %mul3A_1088 : i32 to vector<16xi32>
        %add3A_1090 = arith.addi %add3A_1089, %mul3A_38 : vector<16xi32>
        %gather3A_1091 = tpu.vector_load_idx %arg11[%add3A_1090] : memref<4000xi32, #tpu.memory_space<vmem>>[vector<16xi32>], vector<16xi32>,
        %add3A_1092 = vector.broadcast %mul3A_1088 : i32 to vector<16xi32>
        %add3A_1093 = arith.addi %add3A_1092, %add3A_41 : vector<16xi32>
        %gather3A_1094 = tpu.vector_load_idx %arg11[%add3A_1093] : memref<4000xi32, #tpu.memory_space<vmem>>[vector<16xi32>], vector<16xi32>,
        %gather3A_1095 = tpu.vector_load_idx %arg7[%gather3A_1091] : memref<100000xi32, #tpu.memory_space<vmem>>[vector<16xi32>], vector<16xi32>,
        %gather3A_1096 = tpu.vector_load_idx %arg7[%gather3A_1094] : memref<100000xi32, #tpu.memory_space<vmem>>[vector<16xi32>], vector<16xi32>,
        %and3A_1097 = arith.andi %gather3A_1095, %broadcast_in_dim3A_42 : vector<16xi32>
        %bitcast3A_1098 = vector.bitcast %and3A_1097 : vector<16xi32> to vector<16xf32>
        %shift_left3A_1099 = arith.constant 16 : i32
        %shift_left3A_1100 = vector.broadcast %shift_left3A_1099 : i32 to vector<16xi32>
        %shift_left3A_1101 = arith.shli %gather3A_1095, %shift_left3A_1100 : vector<16xi32>
        %bitcast3A_1102 = vector.bitcast %shift_left3A_1101 : vector<16xi32> to vector<16xf32>
        %and3A_1103 = arith.andi %gather3A_1096, %broadcast_in_dim3A_42 : vector<16xi32>
        %bitcast3A_1104 = vector.bitcast %and3A_1103 : vector<16xi32> to vector<16xf32>
        %shift_left3A_1105 = arith.constant 16 : i32
        %shift_left3A_1106 = vector.broadcast %shift_left3A_1105 : i32 to vector<16xi32>
        %shift_left3A_1107 = arith.shli %gather3A_1096, %shift_left3A_1106 : vector<16xi32>
        %bitcast3A_1108 = vector.bitcast %shift_left3A_1107 : vector<16xi32> to vector<16xf32>
        %mul3A_1109 = arith.constant 16 : i32
        %mul3A_1110 = arith.muli %mul3A_1109, %add3A_1086 : i32
        %get3A_1111 = arith.index_cast %mul3A_1110 : i32 to index
        %get3A_1112 = tpu.vector_load %arg15[%get3A_1111] {strides = array<i32>} : memref<2000xf32, #tpu.memory_space<vmem>>, vector<16xf32>,
        %sub3A_1113 = arith.subf %bitcast3A_1098, %bitcast3A_1104 : vector<16xf32>
        %sub3A_1114 = arith.subf %bitcast3A_1102, %bitcast3A_1108 : vector<16xf32>
        %mul3A_1115 = arith.mulf %sub3A_1113, %sub3A_1113 : vector<16xf32>
        %mul3A_1116 = arith.mulf %sub3A_1114, %sub3A_1114 : vector<16xf32>
        %add3A_1117 = arith.addf %mul3A_1115, %mul3A_1116 : vector<16xf32>
        %mul3A_1118 = arith.mulf %get3A_1112, %add3A_1117 : vector<16xf32>
        %add3A_1119 = arith.addf %scan3A_930, %mul3A_1118 : vector<16xf32>
        %scan3A_1120 = arith.constant 1 : i32
        %scan3A_1121 = arith.addi %scan3A_925, %scan3A_1120 : i32
        %mul3A_1122 = arith.constant 1 : i32
        %mul3A_1123 = arith.muli %scan3A_1121, %mul3A_1122 : i32
        %add3A_1124 = arith.constant 0 : i32
        %add3A_1125 = arith.addi %add3A_1124, %mul3A_1123 : i32
        %mul3A_1126 = arith.constant 5 : i32
        %mul3A_1127 = arith.muli %mul3A_1126, %add3A_1125 : i32
        %add3A_1128 = arith.constant 0 : i32
        %add3A_1129 = arith.addi %mul3A_1127, %add3A_1128 : i32
        %mul3A_1130 = arith.constant 32 : i32
        %mul3A_1131 = arith.muli %mul3A_1130, %add3A_1129 : i32
        %add3A_1132 = vector.broadcast %mul3A_1131 : i32 to vector<16xi32>
        %add3A_1133 = arith.addi %add3A_1132, %mul3A_38 : vector<16xi32>
        %gather3A_1134 = tpu.vector_load_idx %arg11[%add3A_1133] : memref<4000xi32, #tpu.memory_space<vmem>>[vector<16xi32>], vector<16xi32>,
        %add3A_1135 = vector.broadcast %mul3A_1131 : i32 to vector<16xi32>
        %add3A_1136 = arith.addi %add3A_1135, %add3A_41 : vector<16xi32>
        %gather3A_1137 = tpu.vector_load_idx %arg11[%add3A_1136] : memref<4000xi32, #tpu.memory_space<vmem>>[vector<16xi32>], vector<16xi32>,
        %gather3A_1138 = tpu.vector_load_idx %arg7[%gather3A_1134] : memref<100000xi32, #tpu.memory_space<vmem>>[vector<16xi32>], vector<16xi32>,
        %gather3A_1139 = tpu.vector_load_idx %arg7[%gather3A_1137] : memref<100000xi32, #tpu.memory_space<vmem>>[vector<16xi32>], vector<16xi32>,
        %and3A_1140 = arith.andi %gather3A_1138, %broadcast_in_dim3A_42 : vector<16xi32>
        %bitcast3A_1141 = vector.bitcast %and3A_1140 : vector<16xi32> to vector<16xf32>
        %shift_left3A_1142 = arith.constant 16 : i32
        %shift_left3A_1143 = vector.broadcast %shift_left3A_1142 : i32 to vector<16xi32>
        %shift_left3A_1144 = arith.shli %gather3A_1138, %shift_left3A_1143 : vector<16xi32>
        %bitcast3A_1145 = vector.bitcast %shift_left3A_1144 : vector<16xi32> to vector<16xf32>
        %and3A_1146 = arith.andi %gather3A_1139, %broadcast_in_dim3A_42 : vector<16xi32>
        %bitcast3A_1147 = vector.bitcast %and3A_1146 : vector<16xi32> to vector<16xf32>
        %shift_left3A_1148 = arith.constant 16 : i32
        %shift_left3A_1149 = vector.broadcast %shift_left3A_1148 : i32 to vector<16xi32>
        %shift_left3A_1150 = arith.shli %gather3A_1139, %shift_left3A_1149 : vector<16xi32>
        %bitcast3A_1151 = vector.bitcast %shift_left3A_1150 : vector<16xi32> to vector<16xf32>
        %mul3A_1152 = arith.constant 16 : i32
        %mul3A_1153 = arith.muli %mul3A_1152, %add3A_1129 : i32
        %get3A_1154 = arith.index_cast %mul3A_1153 : i32 to index
        %get3A_1155 = tpu.vector_load %arg15[%get3A_1154] {strides = array<i32>} : memref<2000xf32, #tpu.memory_space<vmem>>, vector<16xf32>,
        %sub3A_1156 = arith.subf %bitcast3A_1141, %bitcast3A_1147 : vector<16xf32>
        %sub3A_1157 = arith.subf %bitcast3A_1145, %bitcast3A_1151 : vector<16xf32>
        %mul3A_1158 = arith.mulf %sub3A_1156, %sub3A_1156 : vector<16xf32>
        %mul3A_1159 = arith.mulf %sub3A_1157, %sub3A_1157 : vector<16xf32>
        %add3A_1160 = arith.addf %mul3A_1158, %mul3A_1159 : vector<16xf32>
        %mul3A_1161 = arith.mulf %get3A_1155, %add3A_1160 : vector<16xf32>
        %add3A_1162 = arith.addf %add3A_971, %mul3A_1161 : vector<16xf32>
        %mul3A_1163 = arith.constant 5 : i32
        %mul3A_1164 = arith.muli %mul3A_1163, %add3A_1125 : i32
        %add3A_1165 = arith.constant 1 : i32
        %add3A_1166 = arith.addi %mul3A_1164, %add3A_1165 : i32
        %mul3A_1167 = arith.constant 32 : i32
        %mul3A_1168 = arith.muli %mul3A_1167, %add3A_1166 : i32
        %add3A_1169 = vector.broadcast %mul3A_1168 : i32 to vector<16xi32>
        %add3A_1170 = arith.addi %add3A_1169, %mul3A_38 : vector<16xi32>
        %gather3A_1171 = tpu.vector_load_idx %arg11[%add3A_1170] : memref<4000xi32, #tpu.memory_space<vmem>>[vector<16xi32>], vector<16xi32>,
        %add3A_1172 = vector.broadcast %mul3A_1168 : i32 to vector<16xi32>
        %add3A_1173 = arith.addi %add3A_1172, %add3A_41 : vector<16xi32>
        %gather3A_1174 = tpu.vector_load_idx %arg11[%add3A_1173] : memref<4000xi32, #tpu.memory_space<vmem>>[vector<16xi32>], vector<16xi32>,
        %gather3A_1175 = tpu.vector_load_idx %arg7[%gather3A_1171] : memref<100000xi32, #tpu.memory_space<vmem>>[vector<16xi32>], vector<16xi32>,
        %gather3A_1176 = tpu.vector_load_idx %arg7[%gather3A_1174] : memref<100000xi32, #tpu.memory_space<vmem>>[vector<16xi32>], vector<16xi32>,
        %and3A_1177 = arith.andi %gather3A_1175, %broadcast_in_dim3A_42 : vector<16xi32>
        %bitcast3A_1178 = vector.bitcast %and3A_1177 : vector<16xi32> to vector<16xf32>
        %shift_left3A_1179 = arith.constant 16 : i32
        %shift_left3A_1180 = vector.broadcast %shift_left3A_1179 : i32 to vector<16xi32>
        %shift_left3A_1181 = arith.shli %gather3A_1175, %shift_left3A_1180 : vector<16xi32>
        %bitcast3A_1182 = vector.bitcast %shift_left3A_1181 : vector<16xi32> to vector<16xf32>
        %and3A_1183 = arith.andi %gather3A_1176, %broadcast_in_dim3A_42 : vector<16xi32>
        %bitcast3A_1184 = vector.bitcast %and3A_1183 : vector<16xi32> to vector<16xf32>
        %shift_left3A_1185 = arith.constant 16 : i32
        %shift_left3A_1186 = vector.broadcast %shift_left3A_1185 : i32 to vector<16xi32>
        %shift_left3A_1187 = arith.shli %gather3A_1176, %shift_left3A_1186 : vector<16xi32>
        %bitcast3A_1188 = vector.bitcast %shift_left3A_1187 : vector<16xi32> to vector<16xf32>
        %mul3A_1189 = arith.constant 16 : i32
        %mul3A_1190 = arith.muli %mul3A_1189, %add3A_1166 : i32
        %get3A_1191 = arith.index_cast %mul3A_1190 : i32 to index
        %get3A_1192 = tpu.vector_load %arg15[%get3A_1191] {strides = array<i32>} : memref<2000xf32, #tpu.memory_space<vmem>>, vector<16xf32>,
        %sub3A_1193 = arith.subf %bitcast3A_1178, %bitcast3A_1184 : vector<16xf32>
        %sub3A_1194 = arith.subf %bitcast3A_1182, %bitcast3A_1188 : vector<16xf32>
        %mul3A_1195 = arith.mulf %sub3A_1193, %sub3A_1193 : vector<16xf32>
        %mul3A_1196 = arith.mulf %sub3A_1194, %sub3A_1194 : vector<16xf32>
        %add3A_1197 = arith.addf %mul3A_1195, %mul3A_1196 : vector<16xf32>
        %mul3A_1198 = arith.mulf %get3A_1192, %add3A_1197 : vector<16xf32>
        %add3A_1199 = arith.addf %add3A_1008, %mul3A_1198 : vector<16xf32>
        %mul3A_1200 = arith.constant 5 : i32
        %mul3A_1201 = arith.muli %mul3A_1200, %add3A_1125 : i32
        %add3A_1202 = arith.constant 2 : i32
        %add3A_1203 = arith.addi %mul3A_1201, %add3A_1202 : i32
        %mul3A_1204 = arith.constant 32 : i32
        %mul3A_1205 = arith.muli %mul3A_1204, %add3A_1203 : i32
        %add3A_1206 = vector.broadcast %mul3A_1205 : i32 to vector<16xi32>
        %add3A_1207 = arith.addi %add3A_1206, %mul3A_38 : vector<16xi32>
        %gather3A_1208 = tpu.vector_load_idx %arg11[%add3A_1207] : memref<4000xi32, #tpu.memory_space<vmem>>[vector<16xi32>], vector<16xi32>,
        %add3A_1209 = vector.broadcast %mul3A_1205 : i32 to vector<16xi32>
        %add3A_1210 = arith.addi %add3A_1209, %add3A_41 : vector<16xi32>
        %gather3A_1211 = tpu.vector_load_idx %arg11[%add3A_1210] : memref<4000xi32, #tpu.memory_space<vmem>>[vector<16xi32>], vector<16xi32>,
        %gather3A_1212 = tpu.vector_load_idx %arg7[%gather3A_1208] : memref<100000xi32, #tpu.memory_space<vmem>>[vector<16xi32>], vector<16xi32>,
        %gather3A_1213 = tpu.vector_load_idx %arg7[%gather3A_1211] : memref<100000xi32, #tpu.memory_space<vmem>>[vector<16xi32>], vector<16xi32>,
        %and3A_1214 = arith.andi %gather3A_1212, %broadcast_in_dim3A_42 : vector<16xi32>
        %bitcast3A_1215 = vector.bitcast %and3A_1214 : vector<16xi32> to vector<16xf32>
        %shift_left3A_1216 = arith.constant 16 : i32
        %shift_left3A_1217 = vector.broadcast %shift_left3A_1216 : i32 to vector<16xi32>
        %shift_left3A_1218 = arith.shli %gather3A_1212, %shift_left3A_1217 : vector<16xi32>
        %bitcast3A_1219 = vector.bitcast %shift_left3A_1218 : vector<16xi32> to vector<16xf32>
        %and3A_1220 = arith.andi %gather3A_1213, %broadcast_in_dim3A_42 : vector<16xi32>
        %bitcast3A_1221 = vector.bitcast %and3A_1220 : vector<16xi32> to vector<16xf32>
        %shift_left3A_1222 = arith.constant 16 : i32
        %shift_left3A_1223 = vector.broadcast %shift_left3A_1222 : i32 to vector<16xi32>
        %shift_left3A_1224 = arith.shli %gather3A_1213, %shift_left3A_1223 : vector<16xi32>
        %bitcast3A_1225 = vector.bitcast %shift_left3A_1224 : vector<16xi32> to vector<16xf32>
        %mul3A_1226 = arith.constant 16 : i32
        %mul3A_1227 = arith.muli %mul3A_1226, %add3A_1203 : i32
        %get3A_1228 = arith.index_cast %mul3A_1227 : i32 to index
        %get3A_1229 = tpu.vector_load %arg15[%get3A_1228] {strides = array<i32>} : memref<2000xf32, #tpu.memory_space<vmem>>, vector<16xf32>,
        %sub3A_1230 = arith.subf %bitcast3A_1215, %bitcast3A_1221 : vector<16xf32>
        %sub3A_1231 = arith.subf %bitcast3A_1219, %bitcast3A_1225 : vector<16xf32>
        %mul3A_1232 = arith.mulf %sub3A_1230, %sub3A_1230 : vector<16xf32>
        %mul3A_1233 = arith.mulf %sub3A_1231, %sub3A_1231 : vector<16xf32>
        %add3A_1234 = arith.addf %mul3A_1232, %mul3A_1233 : vector<16xf32>
        %mul3A_1235 = arith.mulf %get3A_1229, %add3A_1234 : vector<16xf32>
        %add3A_1236 = arith.addf %add3A_1045, %mul3A_1235 : vector<16xf32>
        %mul3A_1237 = arith.constant 5 : i32
        %mul3A_1238 = arith.muli %mul3A_1237, %add3A_1125 : i32
        %add3A_1239 = arith.constant 3 : i32
        %add3A_1240 = arith.addi %mul3A_1238, %add3A_1239 : i32
        %mul3A_1241 = arith.constant 32 : i32
        %mul3A_1242 = arith.muli %mul3A_1241, %add3A_1240 : i32
        %add3A_1243 = vector.broadcast %mul3A_1242 : i32 to vector<16xi32>
        %add3A_1244 = arith.addi %add3A_1243, %mul3A_38 : vector<16xi32>
        %gather3A_1245 = tpu.vector_load_idx %arg11[%add3A_1244] : memref<4000xi32, #tpu.memory_space<vmem>>[vector<16xi32>], vector<16xi32>,
        %add3A_1246 = vector.broadcast %mul3A_1242 : i32 to vector<16xi32>
        %add3A_1247 = arith.addi %add3A_1246, %add3A_41 : vector<16xi32>
        %gather3A_1248 = tpu.vector_load_idx %arg11[%add3A_1247] : memref<4000xi32, #tpu.memory_space<vmem>>[vector<16xi32>], vector<16xi32>,
        %gather3A_1249 = tpu.vector_load_idx %arg7[%gather3A_1245] : memref<100000xi32, #tpu.memory_space<vmem>>[vector<16xi32>], vector<16xi32>,
        %gather3A_1250 = tpu.vector_load_idx %arg7[%gather3A_1248] : memref<100000xi32, #tpu.memory_space<vmem>>[vector<16xi32>], vector<16xi32>,
        %and3A_1251 = arith.andi %gather3A_1249, %broadcast_in_dim3A_42 : vector<16xi32>
        %bitcast3A_1252 = vector.bitcast %and3A_1251 : vector<16xi32> to vector<16xf32>
        %shift_left3A_1253 = arith.constant 16 : i32
        %shift_left3A_1254 = vector.broadcast %shift_left3A_1253 : i32 to vector<16xi32>
        %shift_left3A_1255 = arith.shli %gather3A_1249, %shift_left3A_1254 : vector<16xi32>
        %bitcast3A_1256 = vector.bitcast %shift_left3A_1255 : vector<16xi32> to vector<16xf32>
        %and3A_1257 = arith.andi %gather3A_1250, %broadcast_in_dim3A_42 : vector<16xi32>
        %bitcast3A_1258 = vector.bitcast %and3A_1257 : vector<16xi32> to vector<16xf32>
        %shift_left3A_1259 = arith.constant 16 : i32
        %shift_left3A_1260 = vector.broadcast %shift_left3A_1259 : i32 to vector<16xi32>
        %shift_left3A_1261 = arith.shli %gather3A_1250, %shift_left3A_1260 : vector<16xi32>
        %bitcast3A_1262 = vector.bitcast %shift_left3A_1261 : vector<16xi32> to vector<16xf32>
        %mul3A_1263 = arith.constant 16 : i32
        %mul3A_1264 = arith.muli %mul3A_1263, %add3A_1240 : i32
        %get3A_1265 = arith.index_cast %mul3A_1264 : i32 to index
        %get3A_1266 = tpu.vector_load %arg15[%get3A_1265] {strides = array<i32>} : memref<2000xf32, #tpu.memory_space<vmem>>, vector<16xf32>,
        %sub3A_1267 = arith.subf %bitcast3A_1252, %bitcast3A_1258 : vector<16xf32>
        %sub3A_1268 = arith.subf %bitcast3A_1256, %bitcast3A_1262 : vector<16xf32>
        %mul3A_1269 = arith.mulf %sub3A_1267, %sub3A_1267 : vector<16xf32>
        %mul3A_1270 = arith.mulf %sub3A_1268, %sub3A_1268 : vector<16xf32>
        %add3A_1271 = arith.addf %mul3A_1269, %mul3A_1270 : vector<16xf32>
        %mul3A_1272 = arith.mulf %get3A_1266, %add3A_1271 : vector<16xf32>
        %add3A_1273 = arith.addf %add3A_1082, %mul3A_1272 : vector<16xf32>
        %mul3A_1274 = arith.constant 5 : i32
        %mul3A_1275 = arith.muli %mul3A_1274, %add3A_1125 : i32
        %add3A_1276 = arith.constant 4 : i32
        %add3A_1277 = arith.addi %mul3A_1275, %add3A_1276 : i32
        %mul3A_1278 = arith.constant 32 : i32
        %mul3A_1279 = arith.muli %mul3A_1278, %add3A_1277 : i32
        %add3A_1280 = vector.broadcast %mul3A_1279 : i32 to vector<16xi32>
        %add3A_1281 = arith.addi %add3A_1280, %mul3A_38 : vector<16xi32>
        %gather3A_1282 = tpu.vector_load_idx %arg11[%add3A_1281] : memref<4000xi32, #tpu.memory_space<vmem>>[vector<16xi32>], vector<16xi32>,
        %add3A_1283 = vector.broadcast %mul3A_1279 : i32 to vector<16xi32>
        %add3A_1284 = arith.addi %add3A_1283, %add3A_41 : vector<16xi32>
        %gather3A_1285 = tpu.vector_load_idx %arg11[%add3A_1284] : memref<4000xi32, #tpu.memory_space<vmem>>[vector<16xi32>], vector<16xi32>,
        %gather3A_1286 = tpu.vector_load_idx %arg7[%gather3A_1282] : memref<100000xi32, #tpu.memory_space<vmem>>[vector<16xi32>], vector<16xi32>,
        %gather3A_1287 = tpu.vector_load_idx %arg7[%gather3A_1285] : memref<100000xi32, #tpu.memory_space<vmem>>[vector<16xi32>], vector<16xi32>,
        %and3A_1288 = arith.andi %gather3A_1286, %broadcast_in_dim3A_42 : vector<16xi32>
        %bitcast3A_1289 = vector.bitcast %and3A_1288 : vector<16xi32> to vector<16xf32>
        %shift_left3A_1290 = arith.constant 16 : i32
        %shift_left3A_1291 = vector.broadcast %shift_left3A_1290 : i32 to vector<16xi32>
        %shift_left3A_1292 = arith.shli %gather3A_1286, %shift_left3A_1291 : vector<16xi32>
        %bitcast3A_1293 = vector.bitcast %shift_left3A_1292 : vector<16xi32> to vector<16xf32>
        %and3A_1294 = arith.andi %gather3A_1287, %broadcast_in_dim3A_42 : vector<16xi32>
        %bitcast3A_1295 = vector.bitcast %and3A_1294 : vector<16xi32> to vector<16xf32>
        %shift_left3A_1296 = arith.constant 16 : i32
        %shift_left3A_1297 = vector.broadcast %shift_left3A_1296 : i32 to vector<16xi32>
        %shift_left3A_1298 = arith.shli %gather3A_1287, %shift_left3A_1297 : vector<16xi32>
        %bitcast3A_1299 = vector.bitcast %shift_left3A_1298 : vector<16xi32> to vector<16xf32>
        %mul3A_1300 = arith.constant 16 : i32
        %mul3A_1301 = arith.muli %mul3A_1300, %add3A_1277 : i32
        %get3A_1302 = arith.index_cast %mul3A_1301 : i32 to index
        %get3A_1303 = tpu.vector_load %arg15[%get3A_1302] {strides = array<i32>} : memref<2000xf32, #tpu.memory_space<vmem>>, vector<16xf32>,
        %sub3A_1304 = arith.subf %bitcast3A_1289, %bitcast3A_1295 : vector<16xf32>
        %sub3A_1305 = arith.subf %bitcast3A_1293, %bitcast3A_1299 : vector<16xf32>
        %mul3A_1306 = arith.mulf %sub3A_1304, %sub3A_1304 : vector<16xf32>
        %mul3A_1307 = arith.mulf %sub3A_1305, %sub3A_1305 : vector<16xf32>
        %add3A_1308 = arith.addf %mul3A_1306, %mul3A_1307 : vector<16xf32>
        %mul3A_1309 = arith.mulf %get3A_1303, %add3A_1308 : vector<16xf32>
        %add3A_1310 = arith.addf %add3A_1119, %mul3A_1309 : vector<16xf32>
        scf.yield %add3A_1162, %add3A_1199, %add3A_1236, %add3A_1273, %add3A_1310 : vector<16xf32>, vector<16xf32>, vector<16xf32>, vector<16xf32>, vector<16xf32>
      }
      %scan3A_726 = arith.constant 24 : i32
      %scan3A_727 = arith.addi %scan3A_721, %scan3A_726 : i32
      %mul3A_728 = arith.constant 1 : i32
      %mul3A_729 = arith.muli %scan3A_727, %mul3A_728 : i32
      %add3A_730 = arith.constant 0 : i32
      %add3A_731 = arith.addi %add3A_730, %mul3A_729 : i32
      %mul3A_732 = arith.constant 5 : i32
      %mul3A_733 = arith.muli %mul3A_732, %add3A_731 : i32
      %add3A_734 = arith.constant 0 : i32
      %add3A_735 = arith.addi %mul3A_733, %add3A_734 : i32
      %mul3A_736 = arith.constant 32 : i32
      %mul3A_737 = arith.muli %mul3A_736, %add3A_735 : i32
      %add3A_738 = vector.broadcast %mul3A_737 : i32 to vector<16xi32>
      %add3A_739 = arith.addi %add3A_738, %mul3A_38 : vector<16xi32>
      %gather3A_740 = tpu.vector_load_idx %arg11[%add3A_739] : memref<4000xi32, #tpu.memory_space<vmem>>[vector<16xi32>], vector<16xi32>,
      %add3A_741 = vector.broadcast %mul3A_737 : i32 to vector<16xi32>
      %add3A_742 = arith.addi %add3A_741, %add3A_41 : vector<16xi32>
      %gather3A_743 = tpu.vector_load_idx %arg11[%add3A_742] : memref<4000xi32, #tpu.memory_space<vmem>>[vector<16xi32>], vector<16xi32>,
      %gather3A_744 = tpu.vector_load_idx %arg7[%gather3A_740] : memref<100000xi32, #tpu.memory_space<vmem>>[vector<16xi32>], vector<16xi32>,
      %gather3A_745 = tpu.vector_load_idx %arg7[%gather3A_743] : memref<100000xi32, #tpu.memory_space<vmem>>[vector<16xi32>], vector<16xi32>,
      %and3A_746 = arith.andi %gather3A_744, %broadcast_in_dim3A_42 : vector<16xi32>
      %bitcast3A_747 = vector.bitcast %and3A_746 : vector<16xi32> to vector<16xf32>
      %shift_left3A_748 = arith.constant 16 : i32
      %shift_left3A_749 = vector.broadcast %shift_left3A_748 : i32 to vector<16xi32>
      %shift_left3A_750 = arith.shli %gather3A_744, %shift_left3A_749 : vector<16xi32>
      %bitcast3A_751 = vector.bitcast %shift_left3A_750 : vector<16xi32> to vector<16xf32>
      %and3A_752 = arith.andi %gather3A_745, %broadcast_in_dim3A_42 : vector<16xi32>
      %bitcast3A_753 = vector.bitcast %and3A_752 : vector<16xi32> to vector<16xf32>
      %shift_left3A_754 = arith.constant 16 : i32
      %shift_left3A_755 = vector.broadcast %shift_left3A_754 : i32 to vector<16xi32>
      %shift_left3A_756 = arith.shli %gather3A_745, %shift_left3A_755 : vector<16xi32>
      %bitcast3A_757 = vector.bitcast %shift_left3A_756 : vector<16xi32> to vector<16xf32>
      %mul3A_758 = arith.constant 16 : i32
      %mul3A_759 = arith.muli %mul3A_758, %add3A_735 : i32
      %get3A_760 = arith.index_cast %mul3A_759 : i32 to index
      %get3A_761 = tpu.vector_load %arg15[%get3A_760] {strides = array<i32>} : memref<2000xf32, #tpu.memory_space<vmem>>, vector<16xf32>,
      %sub3A_762 = arith.subf %bitcast3A_747, %bitcast3A_753 : vector<16xf32>
      %sub3A_763 = arith.subf %bitcast3A_751, %bitcast3A_757 : vector<16xf32>
      %mul3A_764 = arith.mulf %sub3A_762, %sub3A_762 : vector<16xf32>
      %mul3A_765 = arith.mulf %sub3A_763, %sub3A_763 : vector<16xf32>
      %add3A_766 = arith.addf %mul3A_764, %mul3A_765 : vector<16xf32>
      %mul3A_767 = arith.mulf %get3A_761, %add3A_766 : vector<16xf32>
      %add3A_768 = arith.addf %scan3A_725#0, %mul3A_767 : vector<16xf32>
      %mul3A_769 = arith.constant 5 : i32
      %mul3A_770 = arith.muli %mul3A_769, %add3A_731 : i32
      %add3A_771 = arith.constant 1 : i32
      %add3A_772 = arith.addi %mul3A_770, %add3A_771 : i32
      %mul3A_773 = arith.constant 32 : i32
      %mul3A_774 = arith.muli %mul3A_773, %add3A_772 : i32
      %add3A_775 = vector.broadcast %mul3A_774 : i32 to vector<16xi32>
      %add3A_776 = arith.addi %add3A_775, %mul3A_38 : vector<16xi32>
      %gather3A_777 = tpu.vector_load_idx %arg11[%add3A_776] : memref<4000xi32, #tpu.memory_space<vmem>>[vector<16xi32>], vector<16xi32>,
      %add3A_778 = vector.broadcast %mul3A_774 : i32 to vector<16xi32>
      %add3A_779 = arith.addi %add3A_778, %add3A_41 : vector<16xi32>
      %gather3A_780 = tpu.vector_load_idx %arg11[%add3A_779] : memref<4000xi32, #tpu.memory_space<vmem>>[vector<16xi32>], vector<16xi32>,
      %gather3A_781 = tpu.vector_load_idx %arg7[%gather3A_777] : memref<100000xi32, #tpu.memory_space<vmem>>[vector<16xi32>], vector<16xi32>,
      %gather3A_782 = tpu.vector_load_idx %arg7[%gather3A_780] : memref<100000xi32, #tpu.memory_space<vmem>>[vector<16xi32>], vector<16xi32>,
      %and3A_783 = arith.andi %gather3A_781, %broadcast_in_dim3A_42 : vector<16xi32>
      %bitcast3A_784 = vector.bitcast %and3A_783 : vector<16xi32> to vector<16xf32>
      %shift_left3A_785 = arith.constant 16 : i32
      %shift_left3A_786 = vector.broadcast %shift_left3A_785 : i32 to vector<16xi32>
      %shift_left3A_787 = arith.shli %gather3A_781, %shift_left3A_786 : vector<16xi32>
      %bitcast3A_788 = vector.bitcast %shift_left3A_787 : vector<16xi32> to vector<16xf32>
      %and3A_789 = arith.andi %gather3A_782, %broadcast_in_dim3A_42 : vector<16xi32>
      %bitcast3A_790 = vector.bitcast %and3A_789 : vector<16xi32> to vector<16xf32>
      %shift_left3A_791 = arith.constant 16 : i32
      %shift_left3A_792 = vector.broadcast %shift_left3A_791 : i32 to vector<16xi32>
      %shift_left3A_793 = arith.shli %gather3A_782, %shift_left3A_792 : vector<16xi32>
      %bitcast3A_794 = vector.bitcast %shift_left3A_793 : vector<16xi32> to vector<16xf32>
      %mul3A_795 = arith.constant 16 : i32
      %mul3A_796 = arith.muli %mul3A_795, %add3A_772 : i32
      %get3A_797 = arith.index_cast %mul3A_796 : i32 to index
      %get3A_798 = tpu.vector_load %arg15[%get3A_797] {strides = array<i32>} : memref<2000xf32, #tpu.memory_space<vmem>>, vector<16xf32>,
      %sub3A_799 = arith.subf %bitcast3A_784, %bitcast3A_790 : vector<16xf32>
      %sub3A_800 = arith.subf %bitcast3A_788, %bitcast3A_794 : vector<16xf32>
      %mul3A_801 = arith.mulf %sub3A_799, %sub3A_799 : vector<16xf32>
      %mul3A_802 = arith.mulf %sub3A_800, %sub3A_800 : vector<16xf32>
      %add3A_803 = arith.addf %mul3A_801, %mul3A_802 : vector<16xf32>
      %mul3A_804 = arith.mulf %get3A_798, %add3A_803 : vector<16xf32>
      %add3A_805 = arith.addf %scan3A_725#1, %mul3A_804 : vector<16xf32>
      %mul3A_806 = arith.constant 5 : i32
      %mul3A_807 = arith.muli %mul3A_806, %add3A_731 : i32
      %add3A_808 = arith.constant 2 : i32
      %add3A_809 = arith.addi %mul3A_807, %add3A_808 : i32
      %mul3A_810 = arith.constant 32 : i32
      %mul3A_811 = arith.muli %mul3A_810, %add3A_809 : i32
      %add3A_812 = vector.broadcast %mul3A_811 : i32 to vector<16xi32>
      %add3A_813 = arith.addi %add3A_812, %mul3A_38 : vector<16xi32>
      %gather3A_814 = tpu.vector_load_idx %arg11[%add3A_813] : memref<4000xi32, #tpu.memory_space<vmem>>[vector<16xi32>], vector<16xi32>,
      %add3A_815 = vector.broadcast %mul3A_811 : i32 to vector<16xi32>
      %add3A_816 = arith.addi %add3A_815, %add3A_41 : vector<16xi32>
      %gather3A_817 = tpu.vector_load_idx %arg11[%add3A_816] : memref<4000xi32, #tpu.memory_space<vmem>>[vector<16xi32>], vector<16xi32>,
      %gather3A_818 = tpu.vector_load_idx %arg7[%gather3A_814] : memref<100000xi32, #tpu.memory_space<vmem>>[vector<16xi32>], vector<16xi32>,
      %gather3A_819 = tpu.vector_load_idx %arg7[%gather3A_817] : memref<100000xi32, #tpu.memory_space<vmem>>[vector<16xi32>], vector<16xi32>,
      %and3A_820 = arith.andi %gather3A_818, %broadcast_in_dim3A_42 : vector<16xi32>
      %bitcast3A_821 = vector.bitcast %and3A_820 : vector<16xi32> to vector<16xf32>
      %shift_left3A_822 = arith.constant 16 : i32
      %shift_left3A_823 = vector.broadcast %shift_left3A_822 : i32 to vector<16xi32>
      %shift_left3A_824 = arith.shli %gather3A_818, %shift_left3A_823 : vector<16xi32>
      %bitcast3A_825 = vector.bitcast %shift_left3A_824 : vector<16xi32> to vector<16xf32>
      %and3A_826 = arith.andi %gather3A_819, %broadcast_in_dim3A_42 : vector<16xi32>
      %bitcast3A_827 = vector.bitcast %and3A_826 : vector<16xi32> to vector<16xf32>
      %shift_left3A_828 = arith.constant 16 : i32
      %shift_left3A_829 = vector.broadcast %shift_left3A_828 : i32 to vector<16xi32>
      %shift_left3A_830 = arith.shli %gather3A_819, %shift_left3A_829 : vector<16xi32>
      %bitcast3A_831 = vector.bitcast %shift_left3A_830 : vector<16xi32> to vector<16xf32>
      %mul3A_832 = arith.constant 16 : i32
      %mul3A_833 = arith.muli %mul3A_832, %add3A_809 : i32
      %get3A_834 = arith.index_cast %mul3A_833 : i32 to index
      %get3A_835 = tpu.vector_load %arg15[%get3A_834] {strides = array<i32>} : memref<2000xf32, #tpu.memory_space<vmem>>, vector<16xf32>,
      %sub3A_836 = arith.subf %bitcast3A_821, %bitcast3A_827 : vector<16xf32>
      %sub3A_837 = arith.subf %bitcast3A_825, %bitcast3A_831 : vector<16xf32>
      %mul3A_838 = arith.mulf %sub3A_836, %sub3A_836 : vector<16xf32>
      %mul3A_839 = arith.mulf %sub3A_837, %sub3A_837 : vector<16xf32>
      %add3A_840 = arith.addf %mul3A_838, %mul3A_839 : vector<16xf32>
      %mul3A_841 = arith.mulf %get3A_835, %add3A_840 : vector<16xf32>
      %add3A_842 = arith.addf %scan3A_725#2, %mul3A_841 : vector<16xf32>
      %mul3A_843 = arith.constant 5 : i32
      %mul3A_844 = arith.muli %mul3A_843, %add3A_731 : i32
      %add3A_845 = arith.constant 3 : i32
      %add3A_846 = arith.addi %mul3A_844, %add3A_845 : i32
      %mul3A_847 = arith.constant 32 : i32
      %mul3A_848 = arith.muli %mul3A_847, %add3A_846 : i32
      %add3A_849 = vector.broadcast %mul3A_848 : i32 to vector<16xi32>
      %add3A_850 = arith.addi %add3A_849, %mul3A_38 : vector<16xi32>
      %gather3A_851 = tpu.vector_load_idx %arg11[%add3A_850] : memref<4000xi32, #tpu.memory_space<vmem>>[vector<16xi32>], vector<16xi32>,
      %add3A_852 = vector.broadcast %mul3A_848 : i32 to vector<16xi32>
      %add3A_853 = arith.addi %add3A_852, %add3A_41 : vector<16xi32>
      %gather3A_854 = tpu.vector_load_idx %arg11[%add3A_853] : memref<4000xi32, #tpu.memory_space<vmem>>[vector<16xi32>], vector<16xi32>,
      %gather3A_855 = tpu.vector_load_idx %arg7[%gather3A_851] : memref<100000xi32, #tpu.memory_space<vmem>>[vector<16xi32>], vector<16xi32>,
      %gather3A_856 = tpu.vector_load_idx %arg7[%gather3A_854] : memref<100000xi32, #tpu.memory_space<vmem>>[vector<16xi32>], vector<16xi32>,
      %and3A_857 = arith.andi %gather3A_855, %broadcast_in_dim3A_42 : vector<16xi32>
      %bitcast3A_858 = vector.bitcast %and3A_857 : vector<16xi32> to vector<16xf32>
      %shift_left3A_859 = arith.constant 16 : i32
      %shift_left3A_860 = vector.broadcast %shift_left3A_859 : i32 to vector<16xi32>
      %shift_left3A_861 = arith.shli %gather3A_855, %shift_left3A_860 : vector<16xi32>
      %bitcast3A_862 = vector.bitcast %shift_left3A_861 : vector<16xi32> to vector<16xf32>
      %and3A_863 = arith.andi %gather3A_856, %broadcast_in_dim3A_42 : vector<16xi32>
      %bitcast3A_864 = vector.bitcast %and3A_863 : vector<16xi32> to vector<16xf32>
      %shift_left3A_865 = arith.constant 16 : i32
      %shift_left3A_866 = vector.broadcast %shift_left3A_865 : i32 to vector<16xi32>
      %shift_left3A_867 = arith.shli %gather3A_856, %shift_left3A_866 : vector<16xi32>
      %bitcast3A_868 = vector.bitcast %shift_left3A_867 : vector<16xi32> to vector<16xf32>
      %mul3A_869 = arith.constant 16 : i32
      %mul3A_870 = arith.muli %mul3A_869, %add3A_846 : i32
      %get3A_871 = arith.index_cast %mul3A_870 : i32 to index
      %get3A_872 = tpu.vector_load %arg15[%get3A_871] {strides = array<i32>} : memref<2000xf32, #tpu.memory_space<vmem>>, vector<16xf32>,
      %sub3A_873 = arith.subf %bitcast3A_858, %bitcast3A_864 : vector<16xf32>
      %sub3A_874 = arith.subf %bitcast3A_862, %bitcast3A_868 : vector<16xf32>
      %mul3A_875 = arith.mulf %sub3A_873, %sub3A_873 : vector<16xf32>
      %mul3A_876 = arith.mulf %sub3A_874, %sub3A_874 : vector<16xf32>
      %add3A_877 = arith.addf %mul3A_875, %mul3A_876 : vector<16xf32>
      %mul3A_878 = arith.mulf %get3A_872, %add3A_877 : vector<16xf32>
      %add3A_879 = arith.addf %scan3A_725#3, %mul3A_878 : vector<16xf32>
      %mul3A_880 = arith.constant 5 : i32
      %mul3A_881 = arith.muli %mul3A_880, %add3A_731 : i32
      %add3A_882 = arith.constant 4 : i32
      %add3A_883 = arith.addi %mul3A_881, %add3A_882 : i32
      %mul3A_884 = arith.constant 32 : i32
      %mul3A_885 = arith.muli %mul3A_884, %add3A_883 : i32
      %add3A_886 = vector.broadcast %mul3A_885 : i32 to vector<16xi32>
      %add3A_887 = arith.addi %add3A_886, %mul3A_38 : vector<16xi32>
      %gather3A_888 = tpu.vector_load_idx %arg11[%add3A_887] : memref<4000xi32, #tpu.memory_space<vmem>>[vector<16xi32>], vector<16xi32>,
      %add3A_889 = vector.broadcast %mul3A_885 : i32 to vector<16xi32>
      %add3A_890 = arith.addi %add3A_889, %add3A_41 : vector<16xi32>
      %gather3A_891 = tpu.vector_load_idx %arg11[%add3A_890] : memref<4000xi32, #tpu.memory_space<vmem>>[vector<16xi32>], vector<16xi32>,
      %gather3A_892 = tpu.vector_load_idx %arg7[%gather3A_888] : memref<100000xi32, #tpu.memory_space<vmem>>[vector<16xi32>], vector<16xi32>,
      %gather3A_893 = tpu.vector_load_idx %arg7[%gather3A_891] : memref<100000xi32, #tpu.memory_space<vmem>>[vector<16xi32>], vector<16xi32>,
      %and3A_894 = arith.andi %gather3A_892, %broadcast_in_dim3A_42 : vector<16xi32>
      %bitcast3A_895 = vector.bitcast %and3A_894 : vector<16xi32> to vector<16xf32>
      %shift_left3A_896 = arith.constant 16 : i32
      %shift_left3A_897 = vector.broadcast %shift_left3A_896 : i32 to vector<16xi32>
      %shift_left3A_898 = arith.shli %gather3A_892, %shift_left3A_897 : vector<16xi32>
      %bitcast3A_899 = vector.bitcast %shift_left3A_898 : vector<16xi32> to vector<16xf32>
      %and3A_900 = arith.andi %gather3A_893, %broadcast_in_dim3A_42 : vector<16xi32>
      %bitcast3A_901 = vector.bitcast %and3A_900 : vector<16xi32> to vector<16xf32>
      %shift_left3A_902 = arith.constant 16 : i32
      %shift_left3A_903 = vector.broadcast %shift_left3A_902 : i32 to vector<16xi32>
      %shift_left3A_904 = arith.shli %gather3A_893, %shift_left3A_903 : vector<16xi32>
      %bitcast3A_905 = vector.bitcast %shift_left3A_904 : vector<16xi32> to vector<16xf32>
      %mul3A_906 = arith.constant 16 : i32
      %mul3A_907 = arith.muli %mul3A_906, %add3A_883 : i32
      %get3A_908 = arith.index_cast %mul3A_907 : i32 to index
      %get3A_909 = tpu.vector_load %arg15[%get3A_908] {strides = array<i32>} : memref<2000xf32, #tpu.memory_space<vmem>>, vector<16xf32>,
      %sub3A_910 = arith.subf %bitcast3A_895, %bitcast3A_901 : vector<16xf32>
      %sub3A_911 = arith.subf %bitcast3A_899, %bitcast3A_905 : vector<16xf32>
      %mul3A_912 = arith.mulf %sub3A_910, %sub3A_910 : vector<16xf32>
      %mul3A_913 = arith.mulf %sub3A_911, %sub3A_911 : vector<16xf32>
      %add3A_914 = arith.addf %mul3A_912, %mul3A_913 : vector<16xf32>
      %mul3A_915 = arith.mulf %get3A_909, %add3A_914 : vector<16xf32>
      %add3A_916 = arith.addf %scan3A_725#4, %mul3A_915 : vector<16xf32>
      %scan3A_917 = arith.constant 25 : i32
      %add3A_918 = arith.constant 4 : i32
      %add3A_919 = arith.addi %add3A_712, %add3A_918 : i32
      %lt3A_920 = arith.constant 100 : i32
      %lt3A_921 = arith.cmpi slt, %add3A_919, %lt3A_920 : i32
      %convert_element_type3A_922 = arith.extui %lt3A_921 : i1 to i32
      %cond3A_923 = arith.constant 0 : i32
      %cond3A_924 = arith.cmpi ne, %convert_element_type3A_922, %cond3A_923 : i32
      scf.if %cond3A_924 {
        %add3A_925 = arith.constant 4 : i32
        %add3A_926 = arith.addi %add3A_712, %add3A_925 : i32
        %mul3A_927 = arith.constant 2000 : i32
        %mul3A_928 = arith.muli %add3A_926, %mul3A_927 : i32
        %add3A_929 = arith.addi %mul3A_2, %mul3A_928 : i32
        %mul3A_930 = arith.constant 2 : i32
        %mul3A_931 = arith.muli %mul3A_930, %add3A_929 : i32
        %dma_start3A_932 = tpu.memref_slice %arg3[%mul3A_931] : memref<12800000xi32, #tpu.memory_space<hbm>> -> memref<4000xi32, #tpu.memory_space<hbm>>
        %dma_start3A_933 = tpu.memref_slice %arg3[%mul3A_931] : memref<12800000xi32, #tpu.memory_space<hbm>> -> memref<4000xi32, #tpu.memory_space<hbm>>
        tpu.enqueue_dma source(%dma_start3A_933 : memref<4000xi32, #tpu.memory_space<hbm>>) target(%arg11 : memref<4000xi32, #tpu.memory_space<vmem>>) target_semaphore(%arg20 : memref<!tpu.dma_semaphore, #tpu.memory_space<semaphore_mem>>)
        %dma_start3A_934 = tpu.memref_slice %arg4[%add3A_929] : memref<6400000xf32, #tpu.memory_space<hbm>> -> memref<2000xf32, #tpu.memory_space<hbm>>
        %dma_start3A_935 = tpu.memref_slice %arg4[%add3A_929] : memref<6400000xf32, #tpu.memory_space<hbm>> -> memref<2000xf32, #tpu.memory_space<hbm>>
        tpu.enqueue_dma source(%dma_start3A_935 : memref<2000xf32, #tpu.memory_space<hbm>>) target(%arg15 : memref<2000xf32, #tpu.memory_space<vmem>>) target_semaphore(%arg20 : memref<!tpu.dma_semaphore, #tpu.memory_space<semaphore_mem>>)
      } else {
      }
      scf.yield %add3A_768, %add3A_805, %add3A_842, %add3A_879, %add3A_916 : vector<16xf32>, vector<16xf32>, vector<16xf32>, vector<16xf32>, vector<16xf32>
    }
    %scan3A_57 = arith.constant 25 : i32
    %add3A_58 = arith.addf %scan3A_56#0, %scan3A_56#1 : vector<16xf32>
    %add3A_59 = arith.addf %add3A_58, %scan3A_56#2 : vector<16xf32>
    %add3A_60 = arith.addf %add3A_59, %scan3A_56#3 : vector<16xf32>
    %add3A_61 = arith.addf %add3A_60, %scan3A_56#4 : vector<16xf32>
    %swap3A = arith.constant 0 : index
    %swap3A_62 = tpu.vector_load %arg16[%swap3A] {strides = array<i32>} : memref<16xf32, #tpu.memory_space<vmem>>, vector<16xf32>,
    tpu.vector_store %arg16[%swap3A], %add3A_61 {strides = array<i32>} : memref<16xf32, #tpu.memory_space<vmem>>, vector<16xf32>,
    "tpu.region"() ({
      %run_scoped3A = tpu.sem_alloc : memref<!tpu.dma_semaphore, #tpu.memory_space<semaphore_mem>>
      %dma_start3A_63 = arith.constant 0 : i32
      %dma_start3A_64 = tpu.memref_slice %arg5[%arg0, %arg1, %dma_start3A_63] : memref<2x16x16xf32, #tpu.memory_space<hbm>> -> memref<1x1x16xf32, #tpu.memory_space<hbm>>
      %dma_start3A_65 = tpu.memref_squeeze %dma_start3A_64 : memref<1x1x16xf32, #tpu.memory_space<hbm>> -> memref<16xf32, #tpu.memory_space<hbm>>
      %dma_start3A_66 = arith.constant 0 : i32
      %dma_start3A_67 = tpu.memref_slice %arg5[%arg0, %arg1, %dma_start3A_66] : memref<2x16x16xf32, #tpu.memory_space<hbm>> -> memref<1x1x16xf32, #tpu.memory_space<hbm>>
      %dma_start3A_68 = tpu.memref_squeeze %dma_start3A_67 : memref<1x1x16xf32, #tpu.memory_space<hbm>> -> memref<16xf32, #tpu.memory_space<hbm>>
      tpu.enqueue_dma source(%arg16 : memref<16xf32, #tpu.memory_space<vmem>>) target(%dma_start3A_68 : memref<16xf32, #tpu.memory_space<hbm>>) target_semaphore(%run_scoped3A : memref<!tpu.dma_semaphore, #tpu.memory_space<semaphore_mem>>)
      %dma_wait3A = arith.constant 0 : i32
      %dma_wait3A_69 = tpu.memref_slice %arg5[%arg0, %arg1, %dma_wait3A] : memref<2x16x16xf32, #tpu.memory_space<hbm>> -> memref<1x1x16xf32, #tpu.memory_space<hbm>>
      %dma_wait3A_70 = tpu.memref_squeeze %dma_wait3A_69 : memref<1x1x16xf32, #tpu.memory_space<hbm>> -> memref<16xf32, #tpu.memory_space<hbm>>
      %dma_wait3A_71 = arith.constant 0 : i32
      %dma_wait3A_72 = tpu.memref_slice %arg5[%arg0, %arg1, %dma_wait3A_71] : memref<2x16x16xf32, #tpu.memory_space<hbm>> -> memref<1x1x16xf32, #tpu.memory_space<hbm>>
      %dma_wait3A_73 = tpu.memref_squeeze %dma_wait3A_72 : memref<1x1x16xf32, #tpu.memory_space<hbm>> -> memref<16xf32, #tpu.memory_space<hbm>>
      tpu.wait_dma2 semaphore(%run_scoped3A : memref<!tpu.dma_semaphore, #tpu.memory_space<semaphore_mem>>) src(%arg16 : memref<16xf32, #tpu.memory_space<vmem>>) dst(%dma_wait3A_73 : memref<16xf32, #tpu.memory_space<hbm>>)
      tpu.yield
    }) : () -> ()
    return
  }
}

</mosaic_0001>

<sc_bundles>
// kernel: kernel.3.cloned.1.call-start
scs
__scs_entry_jumppad:
0x0: {  	(pc) =	sbr.rel $0x88, $3  }
0x1: {  	(tag) =	ssettag $0x0;
	lr =	simm.s32 $0x1  }
0x2: {  	[smem:$0x3F9E] =	sst lr;
	_ =	strace $0xD0000000  }
0x3: {  	_ = 	snop  }
0x4: {  	_ = 	snop  }
0x5: {  	_ = 	snop  }
0x6: {  	_ = 	snop  }
0x7: {  	_ = 	snop  }
__scs_overlays_trampoline_lowered:
0x8: {  	[smem:$0x3FAD] =	sst s0  }
0x9: {  	[smem:$0x3FAE] =	sst s1  }
0xa: {  	[smem:$0x3FAF] =	sst s2  }
0xb: {  	[smem:$0x3FB0] =	sst s3  }
0xc: {  	[smem:$0x3FB1] =	sst s4  }
0xd: {  	[smem:$0x3FB2] =	sst s5  }
0xe: {  	[smem:$0x3FB3] =	sst s6  }
0xf: {  	[smem:$0x3FB4] =	sst s7  }
0x10: {  	[smem:$0x3FB5] =	sst s8  }
0x11: {  	[smem:$0x3FB6] =	sst s9;
	s0 =	simm.s32 @!p0 $0x0  }
0x12: {  	s1 =	sld [smem:$0x3F9C];
	s0 =	simm.s32 @p0 $0x1  }
0x13: {  	[smem:$0x3FB7] =	sst s0;
	s0 =	simm.s32 @!p1 $0x0  }
0x14: {  	s2 =	sld [smem:$0x3F9B];
	s0 =	simm.s32 @p1 $0x1  }
0x15: {  	[smem:$0x3FB8] =	sst s0;
	s0 =	simm.s32 @!p2 $0x0  }
0x16: {  	s3 =	sld [smem:$0x3FDB];
	s0 =	simm.s32 @p2 $0x1  }
0x17: {  	s4 =	simm.s32 $0x1BF5;
	[smem:$0x3FBA] =	sst s0  }
0x18: {  	s0 =	sld [smem:$0x3F9D];
	_ =	swait.ge [sflag:s4], $0x0  }
0x19: {  	s7 =	sld [smem:$0x3F9E]  }
0x1a: {  	s8 =	sadd.s32 $0xFFFFE003, lr  }
0x1b: {  	s9 =	sadd.s32 $0xFFFFFEF7, lr;
	s5 =	simm.s32 $0xFFFFFFFF;
	p2 =	slt.u32 s8, $0xFFFFF086  }
0x1c: {  	p1 =	slt.u32 s9, $0xF7A;
	s5 =	simm.s32 @!p2 $0x0  }
0x1d: {  	s5 =	simm.s32 @p1 $0x1;
	p0 =	seq.s32 s7, s2  }
0x1e: {  	s7 =	smul.u32 @!p0 $0xF7A, s2;
	p2 =	seq.s32 @!p0 s5, $0x0  }
0x1f: {  	s9 =	smul.u32 $0xF7A, s1;
	s8 =	simm.s32 @!p0 $0x1BF5;
	p2 =	por !p2, p0  }
0x20: {  	[sflag:s8] =	ssyncset.s32 @!p0 $0xFFFFF086;
	s6 =	sadd.s32 @!p0 s3, s7;
	s7 =	simm.s32 @!p0 $0x108  }
0x21: {  	s3 =	sadd.s32 s3, s9;
	s6 =	sadd.s32 @!p0 $0x88, s6;
	s7 =	simm.s32 @p2 $0x1082  }
0x22: {  	[simem:s7], [sflag:s8] =	dma.local @!p0 [hbm:s6], $0xF7A  }
0x23: {  	s9 =	sor.u32 $0xD0000000, s2;
	s6 =	simm.s32 $0x108;
	_ =	swait.ge @!p0 [sflag:s8], $0x0  }
0x24: {  	s3 =	sadd.s32 $0x88, s3;
	s6 =	simm.s32 @!p1 $0x1082;
	[sflag:s4] =	ssyncset.s32 $0xFFFFF086  }
0x25: {  	[simem:s6], [sflag:s4] =	dma.local [hbm:s3], $0xF7A  }
0x26: {  	[smem:$0x3F9E] =	sst s1;
	(tag) =	ssettag s2;
	_ =	strace s9  }
0x27: {  	s1 =	sld [smem:$0x3FAE]  }
0x28: {  	s2 =	sld [smem:$0x3FAF]  }
0x29: {  	s4 =	sld [smem:$0x3FB1]  }
0x2a: {  	p0 =	seq.s32 s5, $0x0;
	s5 =	sld [smem:$0x3FB2]  }
0x2b: {  	s6 =	sld [smem:$0x3FB3]  }
0x2c: {  	s7 =	sld [smem:$0x3FB4]  }
0x2d: {  	s3 =	simm.s32 $0x108;
	s8 =	sld [smem:$0x3FB5]  }
0x2e: {  	s3 =	simm.s32 @!p0 $0x1082;
	s9 =	sld [smem:$0x3FB6]  }
0x2f: {  	lr =	sadd.s32 s0, s3;
	s0 =	sld [smem:$0x3FAD]  }
0x30: {  	s3 =	sld [smem:$0x3FB0]  }
0x31: {  	[smem:$0x3FB9] =	sst s10  }
0x32: {  	s10 =	sld [smem:$0x3FB7];
	_ =	sdelay $0x3  }
0x33: {  	p0 =	seq.s32 s10, $0x1;
	s10 =	sld [smem:$0x3FB9];
	_ =	sdelay $0x3  }
0x34: {  	[smem:$0x3FB9] =	sst s10  }
0x35: {  	s10 =	sld [smem:$0x3FB8];
	_ =	sdelay $0x3  }
0x36: {  	p1 =	seq.s32 s10, $0x1;
	s10 =	sld [smem:$0x3FB9];
	_ =	sdelay $0x3  }
0x37: {  	[smem:$0x3FB9] =	sst s10  }
0x38: {  	s10 =	sld [smem:$0x3FBA]  }
0x39: {  	_ = 	snop;
	(pc) =	sbr.ind lr, $3  }
0x3a: {  	_ = 	snop  }
0x3b: {  	_ = 	snop  }
0x3c: {  	p2 =	seq.s32 s10, $0x1;
	s10 =	sld [smem:$0x3FB9]  }
0x3d: {  	_ =	shalt  }
0x3e: {  	_ =	shalt  }
0x3f: {  	_ =	shalt  }
0x40: {  	_ =	shalt  }
0x41: {  	_ =	shalt  }
0x42: {  	_ =	shalt  }
0x43: {  	_ =	shalt  }
0x44: {  	_ =	shalt  }
0x45: {  	_ =	shalt  }
0x46: {  	_ =	shalt  }
0x47: {  	_ =	shalt  }
0x48: {  	_ =	shalt  }
0x49: {  	_ =	shalt  }
0x4a: {  	_ =	shalt  }
0x4b: {  	_ =	shalt  }
0x4c: {  	_ =	shalt  }
0x4d: {  	_ =	shalt  }
0x4e: {  	_ =	shalt  }
0x4f: {  	_ =	shalt  }
0x50: {  	_ =	shalt  }
0x51: {  	_ =	shalt  }
0x52: {  	_ =	shalt  }
0x53: {  	_ =	shalt  }
0x54: {  	_ =	shalt  }
0x55: {  	_ =	shalt  }
0x56: {  	_ =	shalt  }
0x57: {  	_ =	shalt  }
0x58: {  	_ =	shalt  }
0x59: {  	_ =	shalt  }
0x5a: {  	_ =	shalt  }
0x5b: {  	_ =	shalt  }
0x5c: {  	_ =	shalt  }
0x5d: {  	_ =	shalt  }
0x5e: {  	_ =	shalt  }
0x5f: {  	_ =	shalt  }
0x60: {  	_ =	shalt  }
0x61: {  	_ =	shalt  }
0x62: {  	_ =	shalt  }
0x63: {  	_ =	shalt  }
0x64: {  	_ =	shalt  }
0x65: {  	_ =	shalt  }
0x66: {  	_ =	shalt  }
0x67: {  	_ =	shalt  }
0x68: {  	_ =	shalt  }
0x69: {  	_ =	shalt  }
0x6a: {  	_ =	shalt  }
0x6b: {  	_ =	shalt  }
0x6c: {  	_ =	shalt  }
0x6d: {  	_ =	shalt  }
0x6e: {  	_ =	shalt  }
0x6f: {  	_ =	shalt  }
0x70: {  	_ =	shalt  }
0x71: {  	_ =	shalt  }
0x72: {  	_ =	shalt  }
0x73: {  	_ =	shalt  }
0x74: {  	_ =	shalt  }
0x75: {  	_ =	shalt  }
0x76: {  	_ =	shalt  }
0x77: {  	_ =	shalt  }
0x78: {  	_ =	shalt  }
0x79: {  	_ =	shalt  }
0x7a: {  	_ =	shalt  }
0x7b: {  	_ =	shalt  }
0x7c: {  	_ =	shalt  }
0x7d: {  	_ =	shalt  }
0x7e: {  	_ =	shalt  }
0x7f: {  	_ =	shalt  }
0x80: {  	_ =	shalt  }
0x81: {  	_ =	shalt  }
0x82: {  	_ =	shalt  }
0x83: {  	_ =	shalt  }
0x84: {  	_ =	shalt  }
0x85: {  	_ =	shalt  }
0x86: {  	_ =	shalt  }
0x87: {  	_ =	shalt  }
.Lfunc_end0:
.L_simem_size_0:
called_computation_lowered:
.L_overlay_start_0:
0x88: {  	s2 =	sld [smem:$0x3FD9]  }
0x89: {  	s3 =	sld [smem:$0x3FFE];
	_ =	sdelay $0x1  }
0x8a: {  	s1 =	srdreg.scid  }
0x8b: {  	s0 =	sand.u32 $0x1, s1  }
0x8c: {  	s17 =	sshll.u32 s0, $0xA;
	s2 =	sadd.s32 s3, s2  }
0x8d: {  	s2 =	sadd.s32 s2, s17  }
0x8e: {  	[smem:$0x3FC5] =	sst s2  }
0x8f: {  	_ = 	snop  }
0x90: {  	s2 =	sld [smem:$0x3FC8]  }
0x91: {  	s18 =	sld [smem:$0x3FC7];
	(tm) =	ssettm $0x1  }
0x92: {  	s4 =	sld [smem:$0x3FFB];
	_ =	sdelay $0x3  }
0x93: {  	_ =	strace s4  }
0x94: {  	s4 =	sld [smem:$0x3FFC];
	_ =	sdelay $0x3  }
0x95: {  	_ =	strace s4  }
0x96: {  	s4 =	sld [smem:$0x3FFD];
	_ =	sdelay $0x3  }
0x97: {  	_ =	strace s4  }
0x98: {  	_ =	strace $0x8FFFFFFF  }
0x99: {  	s19 =	sld [smem:$0x3FDB];
	_ =	sdelay $0x1  }
0x9a: {  	s5 =	simm.s32 $_scs_section_size  }
0x9b: {  	s6 =	simm.s32 $_size__tile_overlayer_lowered;
	s7 =	simm.s32 $_tile_overlayer_lowered  }
0x9c: {  	s22 =	simm.s32 $0x1BFF;
	s21 =	sshll.u32 s7, $0x1;
	s4 =	sadd.s32 s5, s19  }
0x9d: {  	s8 =	simm.s32 $0x0;
	s20 =	sshll.u32 s6, $0x1;
	s6 =	sadd.s32 s21, s4  }
0x9e: {  	[timem:s8], [sflag:s22] =	dma.local [hbm:s6], s20  }
0x9f: {  	_ =	swait.ge [sflag:s22], s20  }
0xa0: {  	s5 =	ssub.s32 $0x0, s20;
	[sflag:s22] =	ssyncset.done $0x0  }
0xa1: {  	[sflag:s22] =	ssyncadd.s32 s5;
	_ =	sdelay $0x1  }
0xa2: {  	s23 =	simm.s32 $0x1B8B  }
0xa3: {  	_ =	swait.ge [sflag:s23], $0x1  }
0xa4: {  	[sflag:s23] =	ssyncset.done $0x0  }
0xa5: {  	s25 =	simm.s32 $0x1B8E;
	s24 =	sld [smem:$0x3FFE];
	[sflag:s23] =	ssyncadd.s32 $0xFFFFFFFF  }
0xa6: {  	s26 =	simm.s32 $execute0_lowered;
	[smem:$0x3FD2] =	sst s25  }
0xa7: {  	s6 =	sshll.u32 s26, $0x1;
	_ =	strace $0x80000046;
	[dreg:$0x1] =	wrdreg $0xFFFFFFFF  }
0xa8: {  	s28 =	simm.s32 $_size_execute0_lowered;
	s4 =	sadd.s32 s4, s6;
	[dreg:$0x0] =	wrdreg $0x0  }
0xa9: {  	s6 =	sshll.u32 s28, $0x1;
	[dreg:$0x2] =	wrdreg s4  }
0xaa: {  	[dreg:$0x3] =	wrdreg s6  }
0xab: {  	[dreg:$0x4] =	wrdreg $0xC0  }
0xac: {  	_ =	task [dreg:s8], $0x5FFFF  }
0xad: {  	[dreg:$0x1] =	wrdreg $0xFFFFFFFF  }
0xae: {  	[dreg:$0x0] =	wrdreg $0x60  }
0xaf: {  	[dreg:$0x2] =	wrdreg s24  }
0xb0: {  	[dreg:$0x3] =	wrdreg s2  }
0xb1: {  	[dreg:$0x4] =	wrdreg s18  }
0xb2: {  	[dreg:$0x5] =	wrdreg $0x0  }
0xb3: {  	[dreg:$0x6] =	wrdreg $0x9  }
0xb4: {  	_ =	task.clear_ibuf [dreg:s8], $0x7FFFF;
	_ =	strace $0x90000046  }
0xb5: {  	s29 =	simm.s32 $0x9;
	_ =	strace $0x80000048  }
0xb6: {  	_ =	swait.ge [sflag:s29], $0x1  }
0xb7: {  	[sflag:s29] =	ssyncadd.s32 $0xFFFFFFFF  }
0xb8: {  	_ =	strace $0x90000048  }
0xb9: {  	_ =	sfence  }
0xba: {  	s30 =	sld [smem:$0x0];
	_ =	sdelay $0x2  }
0xbb: {  	s31 =	sshll.u32 s1, $0xD;
	s1 =	sshrl.u32 s1, $0x2  }
0xbc: {  	s3 =	sand.u32 $0x4000, s31;
	s1 =	sadd.s32 s1, s30  }
0xbd: {  	s0 =	sor.u32 s3, s0;
	s1 =	sshll.u32 s1, $0x11  }
0xbe: {  	s0 =	sor.u32 s1, s0  }
0xbf: {  	s0 =	sadd.s32 $0x8F2B, s0  }
0xc0: {  	[sflag:s0] =	ssyncadd.remote.s32 $0x1  }
0xc1: {  	_ =	sfence.sel $0xFFFF  }
0xc2: {  	[dreg:$0x0] =	wrdreg $0xFFFFFFFF;
	(pc) =	sbr.abs _section_cstart, $3  }
0xc3: {  	[dreg:$0x1] =	wrdreg $0xFFFFFFFF  }
0xc4: {  	_ =	task.clear_ibuf [dreg:s8], $0x2FFFF;
	_ =	strace $0x9FFFFFFF  }
0xc5: {  	(tm) =	ssettm $0x7FFFFFFF  }
tec
execute0_lowered:
.L_overlay_start_1:
0x0: {  	(tag) =	ssettag $0x1  }
0x1: {  	s10 =	rddreg [dreg:$0x0]  }
0x2: {  	s2 =	rddreg [dreg:$0x1]  }
0x3: {  	s3 =	rddreg [dreg:$0x2]  }
0x4: {  	s0 =	srdreg.scid;
	s5 =	simm.s32 $0x0;
	s1 =	stileid.u32  }
0x5: {  	s28 =	simm.s32 $0x1F770;
	s29 =	simm.s32 $0x1870;
	s30 =	simm.s32 $0x5  }
0x6: {  	s31 =	simm.s32 $0x1;
	s0 =	sand.u32 $0x1, s0;
	[smem:$0x7FF] =	sst s5  }
0x7: {  	s8 =	sshll.u32 s1, $0x4;
	p0 =	sne.s32 s1, $0x0;
	s4 =	sshll.u32 s0, $0x4  }
0x8: {  	_ =	strace $0x80000047;
	s6 =	ssub.s32 $0x2, s0;
	s4 =	sor.u32 s1, s4  }
0x9: {  	s8 =	sadd.s32 s8, s10;
	s0 =	sshll.u32 s0, $0x8;
	s7 =	smul.u32 $0x30D40, s4  }
0xa: {  	s9 =	sshrl.u32 s6, $0x1;
	s0 =	sadd.s32 s0, s8;
	s4 =	smul.u32 $0xC350, s4  }
0xb: {  	s1 =	simm.s32 $0x0;
	s6 =	ssub.s32 s6, s9;
	s17 =	sshrl.u32 s7, $0x3  }
0xc: {  	s4 =	sadd.s32 s2, s4;
	s19 =	sadd.s32 $0x7D0, s7;
	s21 =	sadd.s32 $0xFA0, s7  }
0xd: {  	s24 =	sadd.s32 $0x1770, s7;
	s14 =	sadd.s32 $0x1F40, s7;
	s15 =	sadd.s32 $0x2710, s7  }
0xe: {  	s16 =	sadd.s32 $0x2EE0, s7;
	[dreg:$0x5] =	wrdreg s4;
	s18 =	sadd.s32 s3, s17  }
0xf: {  	s20 =	sshrl.u32 s19, $0x2;
	s4 =	sshrl.u32 s19, $0x3;
	s22 =	sshrl.u32 s21, $0x2  }
0x10: {  	s23 =	sshrl.u32 s21, $0x3;
	s25 =	sshrl.u32 s24, $0x2;
	s17 =	sadd.s32 $0x36B0, s7  }
0x11: {  	s19 =	smax.u32 s6, $0x1;
	s21 =	simm.s32 $0x3;
	[dreg:$0x6] =	wrdreg s18  }
0x12: {  	v0 =	vlaneseq.u32;
	s9 =	sadd.s32 s2, s20;
	s4 =	sadd.s32 s3, s4;
	s18 =	sadd.s32 $0x3200, s0  }
0x13: {  	v0 =	vmul.u32 $0x2, v0;
	s20 =	simm.s32 $0x19F70;
	s0 =	simm.s32 $0x2;
	[dreg:$0x7] =	wrdreg s9  }
.Ltmp0:
0x14: {  	[dreg:$0x8] =	wrdreg s4;
	s4 =	sadd.s32 s2, s22;
	(pc) =	sbr.rel .LBB2_1-.Ltmp0, $4  }
0x15: {  	v1 =	vor.u32 $0x1, v0;
	v2 =	vor.u32 $0xF00, v0;
	s9 =	sshrl.u32 s24, $0x3;
	[dreg:$0x9] =	wrdreg s4;
	s4 =	sadd.s32 s3, s23  }
0x16: {  	v3 =	vor.u32 $0xF01, v0;
	v4 =	vor.u32 $0xF20, v0;
	v5 =	vor.u32 $0xF21, v0;
	s22 =	simm.s32 $0x1AF70;
	s26 =	sadd.s32 s3, s9;
	[dreg:$0xa] =	wrdreg s4  }
0x17: {  	v6 =	vor.u32 $0xF40, v0;
	v7 =	vor.u32 $0xF41, v0;
	v8 =	vor.u32 $0xF60, v0;
	s24 =	simm.s32 $0x1BF70;
	s4 =	sadd.s32 s2, s25;
	[dreg:$0xc] =	wrdreg s26  }
0x18: {  	v9 =	vor.u32 $0xF61, v0;
	v10 =	vor.u32 $0xF80, v0;
	v11 =	vor.u32 $0xF81, v0;
	s23 =	simm.s32 $0x4;
	s26 =	simm.s32 $0x1CF70;
	[dreg:$0xb] =	wrdreg s4  }
.LBB2_12:
0x19: {  	v12 =	vadd.f32 v12, v17;
	_ =	sdelay $0x1  }
0x1a: {  	v12 =	vadd.f32 v14, v12;
	_ =	sdelay $0x1  }
0x1b: {  	v12 =	vadd.f32 v13, v12;
	_ =	sdelay $0x1  }
0x1c: {  	s1 =	sadd.s32 $0x1, s1;
	v12 =	vadd.f32 v15, v12  }
0x1d: {  	p1 =	sne.s32 s1, s19  }
.Ltmp1:
0x1e: {  	s4 =	simm.s32 $0x1FF70;
	[tilespmem:$0x1FF70] =	vst v12;
	(pc) =	sbr.rel @!p1 .LBB2_13-.Ltmp1, $4  }
0x1f: {  	[hbm4b:s18+s5] =	stream.linear.scatter [tilespmem:s4], [sflag:$0x5], $0x80, $0x38;
	v63 =	vld [tilespmem:$0x0]  }
0x20: {  	_ =	swait.ge [sflag:s30], $0x80  }
0x21: {  	[sflag:s30] =	ssyncset.done $0x0  }
0x22: {  	[sflag:s30] =	ssyncadd.s32 $0xFFFFFF80  }
.LBB2_1:
0x23: {  	s4 =	rddreg [dreg:$0x5]  }
0x24: {  	s25 =	rddreg [dreg:$0x6]  }
0x25: {  	s7 =	rddreg [dreg:$0x7]  }
0x26: {  	[tilespmem:s20], [sflag:$0x1] =	stream.linear.gather [hbm4b:s4+s5], $0xFA0, $0x38;
	v63 =	vld [tilespmem:$0x0]  }
0x27: {  	s6 =	simm.s32 $0x1DF70;
	s8 =	rddreg [dreg:$0x8]  }
0x28: {  	[tilespmem:s6], [sflag:$0x1] =	stream.linear.gather [hbm4b:s25+s5], $0x7D0, $0x38;
	v63 =	vld [tilespmem:$0x0]  }
0x29: {  	s10 =	rddreg [dreg:$0x9]  }
0x2a: {  	[tilespmem:s22], [sflag:$0x2] =	stream.linear.gather [hbm4b:s7+s5], $0xFA0, $0x38;
	v63 =	vld [tilespmem:$0x0]  }
0x2b: {  	s9 =	simm.s32 $0x1E770;
	s11 =	rddreg [dreg:$0xa]  }
0x2c: {  	[tilespmem:s9], [sflag:$0x2] =	stream.linear.gather [hbm4b:s8+s5], $0x7D0, $0x38;
	v63 =	vld [tilespmem:$0x0]  }
0x2d: {  	s13 =	rddreg [dreg:$0xb]  }
0x2e: {  	[tilespmem:s24], [sflag:$0x3] =	stream.linear.gather [hbm4b:s10+s5], $0xFA0, $0x38;
	v63 =	vld [tilespmem:$0x0]  }
0x2f: {  	s12 =	simm.s32 $0x1EF70;
	s25 =	rddreg [dreg:$0xc]  }
0x30: {  	[tilespmem:s12], [sflag:$0x3] =	stream.linear.gather [hbm4b:s11+s5], $0x7D0, $0x38;
	v63 =	vld [tilespmem:$0x0]  }
0x31: {  	s8 =	rddreg [dreg:$0x3]  }
0x32: {  	[tilespmem:s26], [sflag:$0x4] =	stream.linear.gather [hbm4b:s13+s5], $0xFA0, $0x38;
	v63 =	vld [tilespmem:$0x0]  }
0x33: {  	s6 =	simm.s32 @!p0 $0x1C05;
	s7 =	rddreg [dreg:$0x0];
	s4 =	sshrl.u32 @!p0 s8, $0x3  }
0x34: {  	[tilespmem:s28], [sflag:$0x4] =	stream.linear.gather [hbm4b:s25+s5], $0x7D0, $0x38;
	v63 =	vld [tilespmem:$0x0]  }
0x35: {  	[spmem:s4], [sflag:s6] =	dma.local @!p0 [hbm:s7], $0x30E0  }
0x36: {  	s4 =	simm.s32 @!p0 $0x5  }
0x37: {  	_ =	swait.ge @!p0 [sflag:s4], $0x30E0  }
0x38: {  	[sflag:s4] =	ssyncset.done @!p0 $0x0  }
0x39: {  	[sflag:s4] =	ssyncadd.s32 @!p0 $0xFFFFCF20  }
0x3a: {  	[bflag:$0x0] =	sbarrier.arrive $0xFFFF  }
0x3b: {  	[tilespmem:s29], [sflag:$0x5] =	stream.linear.gather [spmem:s8], $0x18700, $0x38;
	v63 =	vld [tilespmem:$0x0]  }
0x3c: {  	_ =	swait.ge [sflag:s30], $0x18700  }
0x3d: {  	v15 =	vimm.f32 $0.0e+00;
	v13 =	vimm.f32 $0.0e+00;
	[sflag:s30] =	ssyncset.done $0x0  }
0x3e: {  	v14 =	vimm.f32 $0.0e+00;
	v12 =	vimm.f32 $0.0e+00;
	v17 =	vimm.f32 $0.0e+00;
	s25 =	simm.s32 $0x0;
	[sflag:s30] =	ssyncadd.s32 $0xFFFE7900  }
.LBB2_2:
0x3f: {  	_ =	swait.ge [sflag:s31], $0xFA0;
	s4 =	simm.s32 $0xE0  }
0x40: {  	s6 =	simm.s32 $0x100;
	[sflag:s31] =	ssyncset.done $0x0;
	v16 =	vor.u32 s4, v0  }
0x41: {  	v18 =	vor.u32 s6, v0;
	[sflag:s31] =	ssyncadd.s32 $0xFFFFF060  }
0x42: {  	v19 =	vor.u32 s6, v1;
	_ =	swait.ge [sflag:s31], $0x7D0  }
0x43: {  	s13 =	simm.s32 $0x0;
	v20 =	vor.u32 s4, v1;
	[sflag:s31] =	ssyncset.done $0x0  }
0x44: {  	s9 =	simm.s32 $0x20;
	v21 =	vor.u32 s13, v1;
	[sflag:s31] =	ssyncadd.s32 $0xFFFFF830  }
0x45: {  	v22 =	vor.u32 s9, v0;
	v16 =	vld.idx.msk [tilespmem:v16+s20+$0x0], $0xffff  }
0x46: {  	s10 =	simm.s32 $0x40;
	v23 =	vor.u32 s9, v1;
	v18 =	vld.idx.msk [tilespmem:v18+s20+$0x0], $0xffff  }
0x47: {  	s7 =	simm.s32 $0x60;
	v24 =	vor.u32 s10, v0;
	v19 =	vld.idx.msk [tilespmem:v19+s20+$0x0], $0xffff  }
0x48: {  	s8 =	simm.s32 $0x80;
	v25 =	vor.u32 s7, v0;
	v20 =	vld.idx.msk [tilespmem:v20+s20+$0x0], $0xffff  }
0x49: {  	v26 =	vor.u32 s8, v0;
	v21 =	vld.idx.msk [tilespmem:v21+s20+$0x0], $0xffff  }
0x4a: {  	v27 =	vor.u32 s13, v0;
	v28 =	vld.idx.msk [tilespmem:v22+s20+$0x0], $0xffff  }
0x4b: {  	v29 =	vor.u32 s7, v1;
	v23 =	vld.idx.msk [tilespmem:v23+s20+$0x0], $0xffff  }
0x4c: {  	s11 =	simm.s32 $0xC0;
	v30 =	vor.u32 s8, v1;
	v22 =	vld.idx.msk [tilespmem:v24+s20+$0x0], $0xffff  }
0x4d: {  	v31 =	vor.u32 s11, v0;
	v25 =	vld.idx.msk [tilespmem:v25+s20+$0x0], $0xffff  }
0x4e: {  	v24 =	vor.u32 s10, v1;
	v26 =	vld.idx.msk [tilespmem:v26+s20+$0x0], $0xffff  }
0x4f: {  	v27 =	vld.idx.msk [tilespmem:v27+s20+$0x0], $0xffff  }
0x50: {  	v29 =	vld.idx.msk [tilespmem:v29+s20+$0x0], $0xffff  }
0x51: {  	v30 =	vld.idx.msk [tilespmem:v30+s20+$0x0], $0xffff  }
0x52: {  	v31 =	vld.idx.msk [tilespmem:v31+s20+$0x0], $0xffff  }
0x53: {  	v24 =	vld.idx.msk [tilespmem:v24+s20+$0x0], $0xffff  }
0x54: {  	v20 =	vld.idx.msk [tilespmem:v20+s29+$0x0], $0xffff  }
0x55: {  	v19 =	vld.idx.msk [tilespmem:v19+s29+$0x0], $0xffff  }
0x56: {  	v32 =	vld.idx.msk [tilespmem:v22+s29+$0x0], $0xffff  }
0x57: {  	v22 =	vor.u32 s11, v1;
	v21 =	vld.idx.msk [tilespmem:v21+s29+$0x0], $0xffff  }
0x58: {  	v25 =	vld.idx.msk [tilespmem:v25+s29+$0x0], $0xffff  }
0x59: {  	v18 =	vld.idx.msk [tilespmem:v18+s29+$0x0], $0xffff  }
0x5a: {  	s12 =	simm.s32 $0xA0;
	v26 =	vld.idx.msk [tilespmem:v26+s29+$0x0], $0xffff  }
0x5b: {  	v39 =	vor.u32 s12, v0;
	v27 =	vld.idx.msk [tilespmem:v27+s29+$0x0], $0xffff  }
0x5c: {  	s13 =	simm.s32 $0x120;
	v33 =	vld.idx.msk [tilespmem:v22+s20+$0x0], $0xffff  }
0x5d: {  	v34 =	vor.u32 s12, v1;
	v40 =	vor.u32 s13, v1;
	v29 =	vld.idx.msk [tilespmem:v29+s29+$0x0], $0xffff  }
0x5e: {  	v35 =	vor.u32 s13, v0;
	v16 =	vld.idx.msk [tilespmem:v16+s29+$0x0], $0xffff;
	v36 =	vand.u32 $0xFFFF0000, v21;
	v37 =	vshll.u32 v21, $0x10  }
0x5f: {  	v31 =	vld.idx.msk [tilespmem:v31+s29+$0x0], $0xffff;
	v38 =	vand.u32 $0xFFFF0000, v25;
	v21 =	vand.u32 $0xFFFF0000, v32;
	v22 =	vshll.u32 v25, $0x10  }
0x60: {  	v47 =	vld.idx.msk [tilespmem:v39+s20+$0x0], $0xffff;
	v41 =	vand.u32 $0xFFFF0000, v20;
	v42 =	vshll.u32 v20, $0x10;
	v20 =	vshll.u32 v19, $0x10  }
0x61: {  	v30 =	vld.idx.msk [tilespmem:v30+s29+$0x0], $0xffff;
	v43 =	vand.u32 $0xFFFF0000, v18;
	v18 =	vshll.u32 v18, $0x10;
	v19 =	vand.u32 $0xFFFF0000, v19  }
0x62: {  	v40 =	vld.idx.msk [tilespmem:v40+s20+$0x0], $0xffff;
	v25 =	vshll.u32 v32, $0x10;
	v53 =	vand.u32 $0xFFFF0000, v26;
	v44 =	vshll.u32 v26, $0x10  }
0x63: {  	v46 =	vld.idx.msk [tilespmem:v35+s20+$0x0], $0xffff;
	v26 =	vshll.u32 v27, $0x10;
	v32 =	vshll.u32 v29, $0x10;
	v54 =	vshll.u32 v16, $0x10  }
0x64: {  	v55 =	vand.u32 $0xFFFF0000, v31;
	v31 =	vshll.u32 v31, $0x10;
	v16 =	vand.u32 $0xFFFF0000, v16;
	v33 =	vld.idx.msk [tilespmem:v33+s29+$0x0], $0xffff  }
0x65: {  	v45 =	vld.idx.msk [tilespmem:v23+s29+$0x0], $0xffff;
	v60 =	vand.u32 $0xFFFF0000, v29;
	v19 =	vsub.f32 v43, v19;
	v18 =	vsub.f32 v18, v20  }
0x66: {  	v20 =	vand.u32 $0xFFFF0000, v27;
	v27 =	vld.idx.msk [tilespmem:v28+s29+$0x0], $0xffff;
	v28 =	vand.u32 $0xFFFF0000, v30;
	v26 =	vsub.f32 v26, v37  }
0x67: {  	v24 =	vld.idx.msk [tilespmem:v24+s29+$0x0], $0xffff;
	v30 =	vshll.u32 v30, $0x10;
	v23 =	vsub.f32 v16, v41;
	v35 =	vsub.f32 v54, v42  }
0x68: {  	s4 =	simm.s32 $0x1DFC0;
	v20 =	vsub.f32 v20, v36;
	v28 =	vsub.f32 v53, v28;
	v19 =	vmul.f32 v19, v19  }
0x69: {  	v58 =	vld [tilespmem:s4+$0xFFFFFFB0];
	v16 =	vmul.f32 v26, v26;
	v56 =	vand.u32 $0xFFFF0000, v33;
	v33 =	vshll.u32 v33, $0x10  }
0x6a: {  	v48 =	vld [tilespmem:s4+$0x10];
	v61 =	vmul.f32 v18, v18;
	v57 =	vsub.f32 v55, v56;
	v31 =	vsub.f32 v31, v33  }
0x6b: {  	v30 =	vsub.f32 v44, v30;
	v26 =	vld.idx.msk [tilespmem:v34+s20+$0x0], $0xffff;
	v20 =	vmul.f32 v20, v20;
	v59 =	vmul.f32 v28, v28  }
0x6c: {  	v18 =	vld [tilespmem:s4+$0x0];
	v36 =	vshll.u32 v24, $0x10;
	v29 =	vmul.f32 v57, v57;
	v31 =	vmul.f32 v31, v31  }
0x6d: {  	v34 =	vld.idx.msk [tilespmem:v47+s29+$0x0], $0xffff;
	v37 =	vand.u32 $0xFFFF0000, v24;
	v24 =	vmul.f32 v30, v30;
	v16 =	vadd.f32 v16, v20  }
0x6e: {  	v39 =	vsub.f32 v38, v60;
	v28 =	vand.u32 $0xFFFF0000, v45;
	v30 =	vld.idx.msk [tilespmem:v40+s29+$0x0], $0xffff;
	v62 =	vadd.f32 v31, v29  }
0x6f: {  	v19 =	vadd.f32 v61, v19;
	v20 =	vld [tilespmem:s4+$0x40];
	v38 =	vadd.f32 v24, v59;
	v40 =	vmul.f32 v16, v58  }
0x70: {  	s6 =	simm.s32 $0x0;
	s7 =	simm.s32 $0x1E0;
	s8 =	simm.s32 $0x1E060;
	v33 =	vld.idx.msk [tilespmem:v46+s29+$0x0], $0xffff;
	v29 =	vshll.u32 v45, $0x10;
	v31 =	vshll.u32 v27, $0x10;
	v16 =	vmul.f32 v62, v48  }
.LBB2_3:
0x71: {  	s10 =	sadd.s32 $0xFFFFFF60, s7;
	s11 =	sadd.s32 $0x40, s7;
	s12 =	sadd.s32 $0x60, s7;
	v17 =	vadd.f32 v40, v17;
	v22 =	vsub.f32 v22, v32;
	v32 =	vmul.f32 v39, v39;
	v39 =	vld [tilespmem:s4+$0x30]  }
0x72: {  	s9 =	sadd.s32 $0x80, s7;
	s6 =	sadd.s32 $0x2, s6;
	v25 =	vsub.f32 v25, v36;
	v40 =	vor.u32 s10, v0;
	v41 =	vor.u32 s11, v0;
	v36 =	vld [tilespmem:s4+$0xFFFFFFF0]  }
0x73: {  	v27 =	vand.u32 $0xFFFF0000, v27;
	v42 =	vor.u32 s10, v1;
	s10 =	sadd.s32 $0xFFFFFF80, s7;
	v43 =	vor.u32 s12, v0;
	p1 =	slt.u32 s6, $0x16;
	v44 =	vld [tilespmem:s4+$0xFFFFFFC0]  }
0x74: {  	v24 =	vor.u32 s7, v1;
	v46 =	vor.u32 s12, v1;
	v45 =	vor.u32 s10, v0;
	v47 =	vld.idx.msk [tilespmem:v26+s29+$0x0], $0xffff  }
0x75: {  	v49 =	vor.u32 s11, v1;
	v48 =	vor.u32 s10, v1;
	s10 =	sadd.s32 $0xFFFFFFA0, s7;
	v25 =	vmul.f32 v25, v25;
	v50 =	vld [tilespmem:s4+$0xFFFFFFE0]  }
0x76: {  	v21 =	vsub.f32 v21, v37;
	v51 =	vor.u32 s10, v0;
	v26 =	vor.u32 s9, v0;
	v52 =	vld [tilespmem:s4+$0xFFFFFFD0]  }
0x77: {  	v37 =	vor.u32 s10, v1;
	s10 =	sadd.s32 $0xFFFFFFC0, s7;
	v41 =	vld.idx.msk [tilespmem:v41+s20+$0x0], $0xffff;
	v36 =	vmul.f32 v38, v36;
	v38 =	vshll.u32 v33, $0x10  }
0x78: {  	v35 =	vmul.f32 v35, v35;
	v21 =	vmul.f32 v21, v21;
	v53 =	vor.u32 s10, v0;
	v54 =	vld [tilespmem:s4+$0x20];
	s4 =	smov.u32 s8  }
0x79: {  	v55 =	vor.u32 s10, v1;
	s10 =	sadd.s32 $0xFFFFFFE0, s7;
	v43 =	vld.idx.msk [tilespmem:v43+s20+$0x0], $0xffff;
	v15 =	vadd.f32 v36, v15;
	v36 =	vshll.u32 v34, $0x10  }
0x7a: {  	v56 =	vor.u32 s10, v0;
	v34 =	vand.u32 $0xFFFF0000, v34;
	v57 =	vand.u32 $0xFFFF0000, v47;
	v46 =	vld.idx.msk [tilespmem:v46+s20+$0x0], $0xffff  }
0x7b: {  	v23 =	vmul.f32 v23, v23;
	v27 =	vsub.f32 v27, v28;
	v58 =	vor.u32 s10, v1;
	v49 =	vld.idx.msk [tilespmem:v49+s20+$0x0], $0xffff  }
0x7c: {  	v21 =	vadd.f32 v25, v21;
	v25 =	vand.u32 $0xFFFF0000, v30;
	v30 =	vshll.u32 v30, $0x10;
	v28 =	vld.idx.msk [tilespmem:v42+s20+$0x0], $0xffff  }
0x7d: {  	v27 =	vmul.f32 v27, v27;
	v33 =	vand.u32 $0xFFFF0000, v33;
	v30 =	vsub.f32 v38, v30;
	v42 =	vld.idx.msk [tilespmem:v45+s20+$0x0], $0xffff  }
0x7e: {  	v29 =	vsub.f32 v31, v29;
	v22 =	vmul.f32 v22, v22;
	v25 =	vsub.f32 v33, v25;
	v38 =	vld.idx.msk [tilespmem:v48+s20+$0x0], $0xffff  }
0x7f: {  	v23 =	vadd.f32 v35, v23;
	v33 =	vshll.u32 v47, $0x10;
	v21 =	vmul.f32 v21, v52;
	v31 =	vld.idx.msk [tilespmem:v51+s20+$0x0], $0xffff  }
0x80: {  	v34 =	vsub.f32 v34, v57;
	v25 =	vmul.f32 v25, v25;
	v30 =	vmul.f32 v30, v30;
	v35 =	vld.idx.msk [tilespmem:v53+s20+$0x0], $0xffff  }
0x81: {  	v29 =	vmul.f32 v29, v29;
	v22 =	vadd.f32 v22, v32;
	v32 =	vsub.f32 v36, v33;
	v45 =	vld.idx.msk [tilespmem:v56+s20+$0x0], $0xffff  }
0x82: {  	v34 =	vmul.f32 v34, v34;
	v25 =	vadd.f32 v30, v25;
	v23 =	vmul.f32 v23, v54;
	v33 =	vld.idx.msk [tilespmem:v40+s20+$0x0], $0xffff  }
0x83: {  	v27 =	vadd.f32 v29, v27;
	v22 =	vmul.f32 v22, v50;
	v29 =	vmul.f32 v32, v32;
	v30 =	vld.idx.msk [tilespmem:v49+s29+$0x0], $0xffff  }
0x84: {  	v19 =	vmul.f32 v19, v39;
	v14 =	vadd.f32 v21, v14;
	v20 =	vmul.f32 v25, v20;
	v32 =	vld.idx.msk [tilespmem:v46+s29+$0x0], $0xffff  }
0x85: {  	s10 =	sadd.s32 $0x20, s7;
	v13 =	vadd.f32 v22, v13;
	v21 =	vmul.f32 v27, v44;
	v22 =	vadd.f32 v29, v34;
	v36 =	vld.idx.msk [tilespmem:v37+s20+$0x0], $0xffff  }
0x86: {  	v27 =	vor.u32 s10, v0;
	v14 =	vadd.f32 v23, v14;
	v15 =	vadd.f32 v20, v15;
	v25 =	vld.idx.msk [tilespmem:v55+s20+$0x0], $0xffff  }
0x87: {  	v13 =	vadd.f32 v19, v13;
	v23 =	vor.u32 s10, v1;
	v18 =	vmul.f32 v22, v18;
	v20 =	vld.idx.msk [tilespmem:v31+s29+$0x0], $0xffff  }
0x88: {  	v12 =	vadd.f32 v21, v12;
	v19 =	vld.idx.msk [tilespmem:v58+s20+$0x0], $0xffff  }
0x89: {  	v17 =	vadd.f32 v18, v17;
	v21 =	vld.idx.msk [tilespmem:v28+s29+$0x0], $0xffff  }
0x8a: {  	v12 =	vadd.f32 v16, v12;
	v18 =	vld.idx.msk [tilespmem:v35+s29+$0x0], $0xffff  }
0x8b: {  	v16 =	vld.idx.msk [tilespmem:v27+s20+$0x0], $0xffff  }
0x8c: {  	v23 =	vld.idx.msk [tilespmem:v23+s20+$0x0], $0xffff  }
0x8d: {  	v27 =	vld.idx.msk [tilespmem:v43+s29+$0x0], $0xffff  }
0x8e: {  	v28 =	vld.idx.msk [tilespmem:v45+s29+$0x0], $0xffff  }
0x8f: {  	v31 =	vand.u32 $0xFFFF0000, v21;
	v29 =	vld.idx.msk [tilespmem:v33+s29+$0x0], $0xffff;
	v33 =	vshll.u32 v21, $0x10  }
0x90: {  	v35 =	vor.u32 s7, v0;
	v34 =	vand.u32 $0xFFFF0000, v18;
	v19 =	vld.idx.msk [tilespmem:v19+s29+$0x0], $0xffff  }
0x91: {  	v21 =	vand.u32 $0xFFFF0000, v20;
	v22 =	vshll.u32 v18, $0x10;
	v18 =	vor.u32 s9, v1;
	v37 =	vld.idx.msk [tilespmem:v25+s29+$0x0], $0xffff  }
0x92: {  	v40 =	vand.u32 $0xFFFF0000, v30;
	v30 =	vshll.u32 v30, $0x10;
	v39 =	vld.idx.msk [tilespmem:v41+s29+$0x0], $0xffff;
	v41 =	vshll.u32 v32, $0x10  }
0x93: {  	v43 =	vand.u32 $0xFFFF0000, v27;
	v27 =	vshll.u32 v27, $0x10;
	v32 =	vand.u32 $0xFFFF0000, v32;
	v16 =	vld.idx.msk [tilespmem:v16+s29+$0x0], $0xffff  }
0x94: {  	v25 =	vshll.u32 v20, $0x10;
	v41 =	vsub.f32 v27, v41;
	v20 =	vld.idx.msk [tilespmem:v23+s29+$0x0], $0xffff;
	v23 =	vsub.f32 v43, v32  }
0x95: {  	v44 =	vshll.u32 v28, $0x10;
	v32 =	vand.u32 $0xFFFF0000, v29;
	v43 =	vld.idx.msk [tilespmem:v36+s29+$0x0], $0xffff;
	v36 =	vand.u32 $0xFFFF0000, v28  }
0x96: {  	v28 =	vshll.u32 v29, $0x10;
	v29 =	vand.u32 $0xFFFF0000, v19;
	v27 =	vld.idx.msk [tilespmem:v42+s29+$0x0], $0xffff;
	v42 =	vmul.f32 v23, v23  }
0x97: {  	v31 =	vsub.f32 v32, v31;
	v28 =	vsub.f32 v28, v33;
	v32 =	vshll.u32 v37, $0x10;
	v33 =	vld.idx.msk [tilespmem:v38+s29+$0x0], $0xffff  }
0x98: {  	v19 =	vshll.u32 v19, $0x10;
	v29 =	vsub.f32 v36, v29;
	v38 =	vshll.u32 v39, $0x10;
	v45 =	vld.idx.msk [tilespmem:v18+s20+$0x0], $0xffff  }
0x99: {  	v23 =	vand.u32 $0xFFFF0000, v39;
	v18 =	vand.u32 $0xFFFF0000, v16;
	v16 =	vshll.u32 v16, $0x10;
	v46 =	vld.idx.msk [tilespmem:v26+s20+$0x0], $0xffff  }
0x9a: {  	v23 =	vsub.f32 v23, v40;
	v47 =	vld.idx.msk [tilespmem:v35+s20+$0x0], $0xffff;
	v35 =	vand.u32 $0xFFFF0000, v20;
	v20 =	vshll.u32 v20, $0x10  }
0x9b: {  	v39 =	vmul.f32 v28, v28;
	v36 =	vshll.u32 v43, $0x10;
	v26 =	vld.idx.msk [tilespmem:v24+s20+$0x0], $0xffff;
	v18 =	vsub.f32 v18, v35  }
0x9c: {  	v31 =	vmul.f32 v31, v31;
	v48 =	vmul.f32 v29, v29;
	v16 =	vsub.f32 v16, v20;
	v24 =	vld [tilespmem:s8+$0xFFFFFFB0]  }
0x9d: {  	v49 =	vand.u32 $0xFFFF0000, v37;
	v20 =	vmul.f32 v41, v41;
	v50 =	vld [tilespmem:s8+$0x10];
	v29 =	vmul.f32 v18, v18  }
.Ltmp2:
0x9e: {  	v35 =	vsub.f32 v44, v19;
	v28 =	vand.u32 $0xFFFF0000, v33;
	v16 =	vmul.f32 v16, v16;
	v18 =	vld [tilespmem:s8+$0x0];
	(pc) =	sbr.rel @p1 .LBB2_3-.Ltmp2, $4  }
0x9f: {  	v31 =	vadd.f32 v39, v31;
	v37 =	vand.u32 $0xFFFF0000, v43;
	v19 =	vadd.f32 v20, v42;
	v20 =	vld [tilespmem:s8+$0x40]  }
0xa0: {  	v41 =	vmul.f32 v35, v35;
	v35 =	vsub.f32 v38, v30;
	v16 =	vadd.f32 v16, v29;
	v30 =	vld.idx.msk [tilespmem:v45+s29+$0x0], $0xffff  }
0xa1: {  	v39 =	vsub.f32 v34, v49;
	v29 =	vshll.u32 v33, $0x10;
	v40 =	vmul.f32 v31, v24;
	v33 =	vld.idx.msk [tilespmem:v46+s29+$0x0], $0xffff  }
0xa2: {  	s7 =	sadd.s32 $0x140, s7;
	v38 =	vadd.f32 v41, v48;
	s8 =	sadd.s32 $0xA0, s8;
	v31 =	vshll.u32 v27, $0x10;
	v34 =	vld.idx.msk [tilespmem:v47+s29+$0x0], $0xffff;
	v16 =	vmul.f32 v16, v50  }
0xa3: {  	_ = 	snop  }
0xa4: {  	v41 =	vld [tilespmem:s4+$0x30]  }
0xa5: {  	v42 =	vld [tilespmem:s4+$0xFFFFFFF0]  }
0xa6: {  	v43 =	vld [tilespmem:s4+$0xFFFFFFC0]  }
0xa7: {  	v24 =	vld.idx.msk [tilespmem:v2+s20+$0x0], $0xffff  }
0xa8: {  	v44 =	vld.idx.msk [tilespmem:v3+s20+$0x0], $0xffff  }
0xa9: {  	v45 =	vld.idx.msk [tilespmem:v26+s29+$0x0], $0xffff  }
0xaa: {  	v26 =	vld.idx.msk [tilespmem:v4+s20+$0x0], $0xffff  }
0xab: {  	v46 =	vld [tilespmem:s4+$0xFFFFFFE0]  }
0xac: {  	v47 =	vld [tilespmem:s4+$0xFFFFFFD0]  }
0xad: {  	v48 =	vld.idx.msk [tilespmem:v5+s20+$0x0], $0xffff  }
0xae: {  	v49 =	vld [tilespmem:s4+$0x20];
	v25 =	vsub.f32 v25, v36;
	v21 =	vsub.f32 v21, v37  }
0xaf: {  	v52 =	vld.idx.msk [tilespmem:v6+s20+$0x0], $0xffff  }
0xb0: {  	v53 =	vld.idx.msk [tilespmem:v7+s20+$0x0], $0xffff;
	v25 =	vmul.f32 v25, v25;
	v21 =	vmul.f32 v21, v21  }
0xb1: {  	v54 =	vld.idx.msk [tilespmem:v8+s20+$0x0], $0xffff  }
0xb2: {  	v55 =	vld.idx.msk [tilespmem:v9+s20+$0x0], $0xffff;
	v21 =	vadd.f32 v25, v21  }
0xb3: {  	v56 =	vld.idx.msk [tilespmem:v10+s20+$0x0], $0xffff;
	v35 =	vmul.f32 v35, v35;
	v23 =	vmul.f32 v23, v23;
	v29 =	vsub.f32 v31, v29  }
0xb4: {  	v61 =	vld.idx.msk [tilespmem:v11+s20+$0x0], $0xffff;
	v57 =	vand.u32 $0xFFFF0000, v45;
	v31 =	vmul.f32 v21, v47;
	v21 =	vand.u32 $0xFFFF0000, v34  }
0xb5: {  	v23 =	vadd.f32 v35, v23;
	v35 =	vsub.f32 v21, v57;
	v21 =	vld [tilespmem:$0x1E730]  }
0xb6: {  	v50 =	vld.idx.msk [tilespmem:v24+s29+$0x0], $0xffff  }
0xb7: {  	v44 =	vld.idx.msk [tilespmem:v44+s29+$0x0], $0xffff  }
0xb8: {  	v24 =	vld [tilespmem:$0x1E6F0]  }
0xb9: {  	v51 =	vld.idx.msk [tilespmem:v26+s29+$0x0], $0xffff  }
0xba: {  	v22 =	vsub.f32 v22, v32;
	v27 =	vand.u32 $0xFFFF0000, v27;
	v48 =	vld.idx.msk [tilespmem:v48+s29+$0x0], $0xffff  }
0xbb: {  	v39 =	vmul.f32 v39, v39;
	v27 =	vsub.f32 v27, v28;
	v26 =	vld [tilespmem:$0x1E700]  }
0xbc: {  	v62 =	vadd.f32 v40, v17;
	s12 =	simm.s32 $0x0;
	v22 =	vmul.f32 v22, v22;
	v17 =	vmul.f32 v38, v42;
	v32 =	vld.idx.msk [tilespmem:v52+s29+$0x0], $0xffff  }
0xbd: {  	p1 =	seq.s32 s25, $0x18;
	v60 =	vor.u32 s12, v1;
	v29 =	vmul.f32 v29, v29;
	v27 =	vmul.f32 v27, v27;
	v38 =	vld.idx.msk [tilespmem:v53+s29+$0x0], $0xffff  }
0xbe: {  	s4 =	smul.u32 @!p1 $0x1F40, s25;
	v25 =	vshll.u32 v30, $0x10;
	v22 =	vadd.f32 v22, v39;
	v53 =	vadd.f32 v17, v15;
	v15 =	vld [tilespmem:$0x1E710]  }
0xbf: {  	v30 =	vand.u32 $0xFFFF0000, v30;
	v58 =	vshll.u32 v34, $0x10;
	v59 =	vshll.u32 v45, $0x10;
	v28 =	vld.idx.msk [tilespmem:v54+s29+$0x0], $0xffff  }
0xc0: {  	s6 =	sadd.s32 @!p1 s4, s14;
	v23 =	vmul.f32 v23, v49;
	v27 =	vadd.f32 v29, v27;
	v22 =	vmul.f32 v22, v46;
	v42 =	vld.idx.msk [tilespmem:v55+s29+$0x0], $0xffff  }
0xc1: {  	s11 =	simm.s32 $0x100;
	s8 =	simm.s32 @!p1 $0x0;
	s7 =	sshrl.u32 @!p1 s6, $0x2;
	v34 =	vsub.f32 v58, v59;
	v17 =	vshll.u32 v33, $0x10;
	v55 =	vand.u32 $0xFFFF0000, v33;
	v33 =	vld.idx.msk [tilespmem:v56+s29+$0x0], $0xffff  }
0xc2: {  	s9 =	simm.s32 @!p1 $0x19F70;
	s6 =	sshrl.u32 @!p1 s6, $0x3;
	s7 =	sadd.s32 @!p1 s2, s7;
	v19 =	vmul.f32 v19, v41;
	v36 =	vld.idx.msk [tilespmem:v61+s29+$0x0], $0xffff;
	v14 =	vadd.f32 v31, v14;
	v13 =	vadd.f32 v22, v13  }
0xc3: {  	v29 =	vmul.f32 v34, v34;
	v25 =	vsub.f32 v17, v25;
	v17 =	vld [tilespmem:$0x1E720];
	v30 =	vsub.f32 v55, v30;
	[tilespmem:s9], [sflag:$0x1] =	stream.linear.gather @!p1 [hbm4b:s7+s8], $0xFA0, $0x38  }
0xc4: {  	s6 =	sadd.s32 @!p1 s3, s6;
	v22 =	vor.u32 s11, v0;
	v35 =	vmul.f32 v35, v35;
	s7 =	simm.s32 @!p1 $0x1DF70;
	s9 =	simm.s32 $0x60;
	v55 =	vor.u32 s12, v0  }
0xc5: {  	v14 =	vadd.f32 v23, v14;
	v30 =	vmul.f32 v30, v30;
	v25 =	vmul.f32 v25, v25;
	[tilespmem:s7], [sflag:$0x1] =	stream.linear.gather @!p1 [hbm4b:s6+s8], $0x7D0, $0x38;
	v63 =	vld [tilespmem:$0x0]  }
0xc6: {  	v23 =	vor.u32 s11, v1;
	v13 =	vadd.f32 v19, v13;
	v59 =	vor.u32 s9, v1;
	s8 =	simm.s32 $0x40  }
0xc7: {  	_ =	swait.ge [sflag:s0], $0xFA0;
	v58 =	vor.u32 s8, v1;
	v25 =	vadd.f32 v25, v30;
	v19 =	vand.u32 $0xFFFF0000, v50  }
0xc8: {  	[sflag:s0] =	ssyncset.done $0x0;
	v30 =	vshll.u32 v50, $0x10;
	v31 =	vand.u32 $0xFFFF0000, v44;
	v61 =	vshll.u32 v44, $0x10  }
0xc9: {  	v49 =	vand.u32 $0xFFFF0000, v51;
	v50 =	vor.u32 s9, v0;
	v51 =	vshll.u32 v51, $0x10;
	[sflag:s0] =	ssyncadd.s32 $0xFFFFF060  }
0xca: {  	v52 =	vand.u32 $0xFFFF0000, v48;
	v54 =	vshll.u32 v48, $0x10;
	v56 =	vand.u32 $0xFFFF0000, v32;
	_ =	swait.ge [sflag:s0], $0x7D0  }
0xcb: {  	s13 =	simm.s32 $0x20;
	v57 =	vand.u32 $0xFFFF0000, v38;
	v32 =	vshll.u32 v32, $0x10;
	v38 =	vshll.u32 v38, $0x10;
	[sflag:s0] =	ssyncset.done $0x0  }
0xcc: {  	v19 =	vsub.f32 v19, v31;
	v31 =	vor.u32 s13, v0;
	v37 =	vsub.f32 v49, v52;
	[sflag:s0] =	ssyncadd.s32 $0xFFFFF830  }
0xcd: {  	s10 =	simm.s32 $0xE0;
	v20 =	vmul.f32 v25, v20;
	v25 =	vmul.f32 v27, v43;
	v27 =	vadd.f32 v29, v35;
	v22 =	vld.idx.msk [tilespmem:v22+s22+$0x0], $0xffff  }
0xce: {  	v32 =	vsub.f32 v32, v38;
	v29 =	vor.u32 s10, v0;
	v19 =	vmul.f32 v19, v19;
	v23 =	vld.idx.msk [tilespmem:v23+s22+$0x0], $0xffff  }
0xcf: {  	v20 =	vadd.f32 v20, v53;
	v18 =	vmul.f32 v27, v18;
	v27 =	vor.u32 s10, v1;
	v34 =	vld.idx.msk [tilespmem:v60+s22+$0x0], $0xffff  }
0xd0: {  	v12 =	vadd.f32 v25, v12;
	v25 =	vsub.f32 v30, v61;
	s10 =	simm.s32 $0x80;
	v61 =	vand.u32 $0xFFFF0000, v42;
	v39 =	vld.idx.msk [tilespmem:v50+s22+$0x0], $0xffff  }
0xd1: {  	v42 =	vshll.u32 v42, $0x10;
	v53 =	vor.u32 s10, v0;
	v60 =	vand.u32 $0xFFFF0000, v28;
	v41 =	vld.idx.msk [tilespmem:v55+s22+$0x0], $0xffff  }
0xd2: {  	v28 =	vshll.u32 v28, $0x10;
	v38 =	vld.idx.msk [tilespmem:v58+s22+$0x0], $0xffff;
	v18 =	vadd.f32 v18, v62;
	v62 =	vor.u32 s8, v0  }
0xd3: {  	s11 =	simm.s32 $0xC0;
	v52 =	vld.idx.msk [tilespmem:v59+s22+$0x0], $0xffff;
	v25 =	vmul.f32 v25, v25;
	v46 =	vsub.f32 v60, v61;
	v28 =	vsub.f32 v28, v42  }
0xd4: {  	v40 =	vsub.f32 v51, v54;
	v54 =	vor.u32 s11, v1;
	v31 =	vld.idx.msk [tilespmem:v31+s22+$0x0], $0xffff  }
0xd5: {  	v29 =	vld.idx.msk [tilespmem:v29+s22+$0x0], $0xffff;
	v46 =	vmul.f32 v46, v46;
	v28 =	vmul.f32 v28, v28;
	v19 =	vadd.f32 v25, v19  }
0xd6: {  	v27 =	vld.idx.msk [tilespmem:v27+s22+$0x0], $0xffff  }
0xd7: {  	v43 =	vld.idx.msk [tilespmem:v53+s22+$0x0], $0xffff;
	v19 =	vmul.f32 v19, v24;
	v24 =	vadd.f32 v28, v46  }
0xd8: {  	v35 =	vld.idx.msk [tilespmem:v62+s22+$0x0], $0xffff  }
0xd9: {  	v44 =	vsub.f32 v56, v57;
	v51 =	vand.u32 $0xFFFF0000, v36;
	v17 =	vmul.f32 v24, v17;
	v24 =	vld.idx.msk [tilespmem:v54+s22+$0x0], $0xffff  }
0xda: {  	v36 =	vshll.u32 v36, $0x10;
	v37 =	vmul.f32 v37, v37;
	v53 =	vor.u32 s11, v0;
	v23 =	vld.idx.msk [tilespmem:v23+s29+$0x0], $0xffff  }
0xdb: {  	v40 =	vmul.f32 v40, v40;
	v50 =	vand.u32 $0xFFFF0000, v33;
	v33 =	vshll.u32 v33, $0x10;
	v34 =	vld.idx.msk [tilespmem:v34+s29+$0x0], $0xffff  }
0xdc: {  	v42 =	vsub.f32 v50, v51;
	v33 =	vsub.f32 v33, v36;
	v62 =	vor.u32 s10, v1;
	v28 =	vld.idx.msk [tilespmem:v39+s29+$0x0], $0xffff  }
0xdd: {  	v44 =	vmul.f32 v44, v44;
	v32 =	vmul.f32 v32, v32;
	v37 =	vadd.f32 v40, v37;
	v56 =	vld.idx.msk [tilespmem:v41+s29+$0x0], $0xffff  }
0xde: {  	v25 =	vmul.f32 v42, v42;
	v33 =	vmul.f32 v33, v33;
	v48 =	vld.idx.msk [tilespmem:v38+s29+$0x0], $0xffff  }
0xdf: {  	v32 =	vadd.f32 v32, v44;
	v12 =	vadd.f32 v16, v12;
	v16 =	vmul.f32 v37, v26;
	v26 =	vld.idx.msk [tilespmem:v53+s22+$0x0], $0xffff  }
0xe0: {  	v25 =	vadd.f32 v33, v25;
	v29 =	vld.idx.msk [tilespmem:v29+s29+$0x0], $0xffff  }
0xe1: {  	v30 =	vor.u32 s13, v1;
	v15 =	vmul.f32 v32, v15;
	v55 =	vld.idx.msk [tilespmem:v62+s22+$0x0], $0xffff  }
0xe2: {  	s12 =	simm.s32 $0xA0;
	v12 =	vadd.f32 v16, v12;
	v18 =	vadd.f32 v19, v18;
	v19 =	vmul.f32 v25, v21;
	v27 =	vld.idx.msk [tilespmem:v27+s29+$0x0], $0xffff  }
0xe3: {  	s13 =	simm.s32 $0x120;
	v59 =	vor.u32 s12, v0;
	v14 =	vadd.f32 v15, v14;
	v15 =	vld.idx.msk [tilespmem:v22+s29+$0x0], $0xffff;
	v13 =	vadd.f32 v17, v13  }
0xe4: {  	v16 =	vadd.f32 v19, v20;
	v19 =	vor.u32 s12, v1;
	v20 =	vor.u32 s13, v0;
	v17 =	vld.idx.msk [tilespmem:v43+s29+$0x0], $0xffff  }
0xe5: {  	v57 =	vand.u32 $0xFFFF0000, v34;
	v34 =	vshll.u32 v34, $0x10;
	v39 =	vand.u32 $0xFFFF0000, v28;
	v35 =	vld.idx.msk [tilespmem:v35+s29+$0x0], $0xffff  }
0xe6: {  	v30 =	vld.idx.msk [tilespmem:v30+s22+$0x0], $0xffff;
	v22 =	vshll.u32 v28, $0x10;
	v28 =	vor.u32 s13, v1;
	v32 =	vshll.u32 v56, $0x10  }
0xe7: {  	v60 =	vld.idx.msk [tilespmem:v52+s29+$0x0], $0xffff;
	v36 =	vshll.u32 v48, $0x10;
	v54 =	vshll.u32 v29, $0x10;
	v61 =	vand.u32 $0xFFFF0000, v27  }
0xe8: {  	v24 =	vld.idx.msk [tilespmem:v24+s29+$0x0], $0xffff;
	v42 =	vshll.u32 v27, $0x10;
	v27 =	vshll.u32 v23, $0x10;
	v23 =	vand.u32 $0xFFFF0000, v23  }
0xe9: {  	v62 =	vld.idx.msk [tilespmem:v26+s29+$0x0], $0xffff;
	v26 =	vand.u32 $0xFFFF0000, v15;
	v15 =	vshll.u32 v15, $0x10;
	v49 =	vand.u32 $0xFFFF0000, v17  }
0xea: {  	v17 =	vshll.u32 v17, $0x10;
	v58 =	vld.idx.msk [tilespmem:v55+s29+$0x0], $0xffff;
	v21 =	vand.u32 $0xFFFF0000, v35;
	v25 =	vshll.u32 v35, $0x10  }
0xeb: {  	v23 =	vsub.f32 v26, v23;
	v15 =	vsub.f32 v15, v27;
	v27 =	vand.u32 $0xFFFF0000, v56;
	v26 =	vld.idx.msk [tilespmem:v31+s29+$0x0], $0xffff  }
0xec: {  	v31 =	vshll.u32 v60, $0x10;
	v55 =	vld.idx.msk [tilespmem:v28+s22+$0x0], $0xffff;
	v60 =	vand.u32 $0xFFFF0000, v60;
	v35 =	vsub.f32 v54, v42  }
0xed: {  	v33 =	vsub.f32 v27, v57;
	v27 =	vsub.f32 v32, v34;
	v57 =	vld.idx.msk [tilespmem:v20+s22+$0x0], $0xffff;
	v20 =	vand.u32 $0xFFFF0000, v24  }
0xee: {  	v52 =	vld.idx.msk [tilespmem:v30+s29+$0x0], $0xffff;
	v24 =	vshll.u32 v24, $0x10;
	v39 =	vsub.f32 v39, v60;
	v51 =	vmul.f32 v23, v23  }
0xef: {  	v23 =	vand.u32 $0xFFFF0000, v29;
	v50 =	vand.u32 $0xFFFF0000, v58;
	v30 =	vshll.u32 v58, $0x10;
	v58 =	vld.idx.msk [tilespmem:v59+s22+$0x0], $0xffff  }
0xf0: {  	s6 =	simm.s32 $0x1E7C0;
	v29 =	vmul.f32 v27, v27;
	v27 =	vld.idx.msk [tilespmem:v19+s22+$0x0], $0xffff;
	v28 =	vand.u32 $0xFFFF0000, v62;
	v56 =	vshll.u32 v62, $0x10  }
0xf1: {  	v15 =	vmul.f32 v15, v15;
	v19 =	vsub.f32 v28, v20;
	v59 =	vld [tilespmem:s6+$0xFFFFFFB0];
	v24 =	vsub.f32 v56, v24  }
0xf2: {  	v23 =	vsub.f32 v23, v61;
	v61 =	vld [tilespmem:s6+$0x10];
	v20 =	vmul.f32 v33, v33;
	v53 =	vsub.f32 v49, v50  }
0xf3: {  	v30 =	vsub.f32 v17, v30;
	v17 =	vld [tilespmem:s6+$0x0];
	v62 =	vmul.f32 v19, v19;
	v24 =	vmul.f32 v24, v24  }
0xf4: {  	v37 =	vand.u32 $0xFFFF0000, v48;
	v29 =	vadd.f32 v29, v20;
	v19 =	vadd.f32 v15, v51;
	v20 =	vld [tilespmem:s6+$0x40]  }
0xf5: {  	v34 =	vmul.f32 v53, v53;
	v15 =	vmul.f32 v30, v30;
	v30 =	vld.idx.msk [tilespmem:v55+s29+$0x0], $0xffff;
	v24 =	vadd.f32 v24, v62  }
0xf6: {  	v28 =	vand.u32 $0xFFFF0000, v52;
	v32 =	vshll.u32 v26, $0x10;
	v33 =	vld.idx.msk [tilespmem:v57+s29+$0x0], $0xffff;
	v40 =	vmul.f32 v29, v59  }
0xf7: {  	s7 =	simm.s32 $0x0;
	s9 =	simm.s32 $0x1E860;
	s8 =	simm.s32 $0x1E0;
	v29 =	vshll.u32 v52, $0x10;
	v38 =	vadd.f32 v15, v34;
	v15 =	vmul.f32 v24, v61;
	v34 =	vld.idx.msk [tilespmem:v58+s29+$0x0], $0xffff  }
.LBB2_5:
0xf8: {  	s11 =	sadd.s32 $0xFFFFFF60, s8;
	s12 =	sadd.s32 $0x40, s8;
	s13 =	sadd.s32 $0x60, s8;
	v18 =	vadd.f32 v40, v18;
	v22 =	vsub.f32 v22, v31;
	v31 =	vmul.f32 v39, v39;
	v39 =	vld [tilespmem:s6+$0x30]  }
0xf9: {  	s10 =	sadd.s32 $0x80, s8;
	s7 =	sadd.s32 $0x2, s7;
	v25 =	vsub.f32 v25, v36;
	v40 =	vor.u32 s11, v0;
	v41 =	vor.u32 s12, v0;
	v36 =	vld [tilespmem:s6+$0xFFFFFFF0]  }
0xfa: {  	v26 =	vand.u32 $0xFFFF0000, v26;
	v42 =	vor.u32 s11, v1;
	s11 =	sadd.s32 $0xFFFFFF80, s8;
	v43 =	vor.u32 s13, v0;
	p2 =	slt.u32 s7, $0x16;
	v44 =	vld [tilespmem:s6+$0xFFFFFFC0]  }
0xfb: {  	v24 =	vor.u32 s8, v1;
	v46 =	vor.u32 s13, v1;
	v45 =	vor.u32 s11, v0;
	v47 =	vld.idx.msk [tilespmem:v27+s29+$0x0], $0xffff  }
0xfc: {  	v49 =	vor.u32 s12, v1;
	v48 =	vor.u32 s11, v1;
	s11 =	sadd.s32 $0xFFFFFFA0, s8;
	v25 =	vmul.f32 v25, v25;
	v50 =	vld [tilespmem:s6+$0xFFFFFFE0]  }
0xfd: {  	v21 =	vsub.f32 v21, v37;
	v51 =	vor.u32 s11, v0;
	v27 =	vor.u32 s10, v0;
	v52 =	vld [tilespmem:s6+$0xFFFFFFD0]  }
0xfe: {  	v37 =	vor.u32 s11, v1;
	s11 =	sadd.s32 $0xFFFFFFC0, s8;
	v41 =	vld.idx.msk [tilespmem:v41+s22+$0x0], $0xffff;
	v36 =	vmul.f32 v38, v36;
	v38 =	vshll.u32 v33, $0x10  }
0xff: {  	v35 =	vmul.f32 v35, v35;
	v21 =	vmul.f32 v21, v21;
	v53 =	vor.u32 s11, v0;
	v54 =	vld [tilespmem:s6+$0x20];
	s6 =	smov.u32 s9  }
0x100: {  	v55 =	vor.u32 s11, v1;
	s11 =	sadd.s32 $0xFFFFFFE0, s8;
	v43 =	vld.idx.msk [tilespmem:v43+s22+$0x0], $0xffff;
	v16 =	vadd.f32 v36, v16;
	v36 =	vshll.u32 v34, $0x10  }
0x101: {  	v56 =	vor.u32 s11, v0;
	v34 =	vand.u32 $0xFFFF0000, v34;
	v57 =	vand.u32 $0xFFFF0000, v47;
	v46 =	vld.idx.msk [tilespmem:v46+s22+$0x0], $0xffff  }
0x102: {  	v23 =	vmul.f32 v23, v23;
	v26 =	vsub.f32 v26, v28;
	v58 =	vor.u32 s11, v1;
	v49 =	vld.idx.msk [tilespmem:v49+s22+$0x0], $0xffff  }
0x103: {  	v21 =	vadd.f32 v25, v21;
	v25 =	vand.u32 $0xFFFF0000, v30;
	v30 =	vshll.u32 v30, $0x10;
	v28 =	vld.idx.msk [tilespmem:v42+s22+$0x0], $0xffff  }
0x104: {  	v26 =	vmul.f32 v26, v26;
	v33 =	vand.u32 $0xFFFF0000, v33;
	v30 =	vsub.f32 v38, v30;
	v42 =	vld.idx.msk [tilespmem:v45+s22+$0x0], $0xffff  }
0x105: {  	v29 =	vsub.f32 v32, v29;
	v22 =	vmul.f32 v22, v22;
	v25 =	vsub.f32 v33, v25;
	v38 =	vld.idx.msk [tilespmem:v48+s22+$0x0], $0xffff  }
0x106: {  	v23 =	vadd.f32 v35, v23;
	v33 =	vshll.u32 v47, $0x10;
	v21 =	vmul.f32 v21, v52;
	v32 =	vld.idx.msk [tilespmem:v51+s22+$0x0], $0xffff  }
0x107: {  	v34 =	vsub.f32 v34, v57;
	v25 =	vmul.f32 v25, v25;
	v30 =	vmul.f32 v30, v30;
	v35 =	vld.idx.msk [tilespmem:v53+s22+$0x0], $0xffff  }
0x108: {  	v29 =	vmul.f32 v29, v29;
	v22 =	vadd.f32 v22, v31;
	v31 =	vsub.f32 v36, v33;
	v45 =	vld.idx.msk [tilespmem:v56+s22+$0x0], $0xffff  }
0x109: {  	v34 =	vmul.f32 v34, v34;
	v25 =	vadd.f32 v30, v25;
	v23 =	vmul.f32 v23, v54;
	v33 =	vld.idx.msk [tilespmem:v40+s22+$0x0], $0xffff  }
0x10a: {  	v26 =	vadd.f32 v29, v26;
	v22 =	vmul.f32 v22, v50;
	v29 =	vmul.f32 v31, v31;
	v30 =	vld.idx.msk [tilespmem:v49+s29+$0x0], $0xffff  }
0x10b: {  	v19 =	vmul.f32 v19, v39;
	v14 =	vadd.f32 v21, v14;
	v20 =	vmul.f32 v25, v20;
	v31 =	vld.idx.msk [tilespmem:v46+s29+$0x0], $0xffff  }
0x10c: {  	s11 =	sadd.s32 $0x20, s8;
	v13 =	vadd.f32 v22, v13;
	v21 =	vmul.f32 v26, v44;
	v22 =	vadd.f32 v29, v34;
	v36 =	vld.idx.msk [tilespmem:v37+s22+$0x0], $0xffff  }
0x10d: {  	v26 =	vor.u32 s11, v0;
	v14 =	vadd.f32 v23, v14;
	v16 =	vadd.f32 v20, v16;
	v25 =	vld.idx.msk [tilespmem:v55+s22+$0x0], $0xffff  }
0x10e: {  	v13 =	vadd.f32 v19, v13;
	v23 =	vor.u32 s11, v1;
	v17 =	vmul.f32 v22, v17;
	v20 =	vld.idx.msk [tilespmem:v32+s29+$0x0], $0xffff  }
0x10f: {  	v12 =	vadd.f32 v21, v12;
	v19 =	vld.idx.msk [tilespmem:v58+s22+$0x0], $0xffff  }
0x110: {  	v18 =	vadd.f32 v17, v18;
	v21 =	vld.idx.msk [tilespmem:v28+s29+$0x0], $0xffff  }
0x111: {  	v12 =	vadd.f32 v15, v12;
	v17 =	vld.idx.msk [tilespmem:v35+s29+$0x0], $0xffff  }
0x112: {  	v15 =	vld.idx.msk [tilespmem:v26+s22+$0x0], $0xffff  }
0x113: {  	v23 =	vld.idx.msk [tilespmem:v23+s22+$0x0], $0xffff  }
0x114: {  	v26 =	vld.idx.msk [tilespmem:v43+s29+$0x0], $0xffff  }
0x115: {  	v28 =	vld.idx.msk [tilespmem:v45+s29+$0x0], $0xffff  }
0x116: {  	v32 =	vand.u32 $0xFFFF0000, v21;
	v29 =	vld.idx.msk [tilespmem:v33+s29+$0x0], $0xffff;
	v33 =	vshll.u32 v21, $0x10  }
0x117: {  	v35 =	vor.u32 s8, v0;
	v34 =	vand.u32 $0xFFFF0000, v17;
	v19 =	vld.idx.msk [tilespmem:v19+s29+$0x0], $0xffff  }
0x118: {  	v21 =	vand.u32 $0xFFFF0000, v20;
	v22 =	vshll.u32 v17, $0x10;
	v17 =	vor.u32 s10, v1;
	v37 =	vld.idx.msk [tilespmem:v25+s29+$0x0], $0xffff  }
0x119: {  	v40 =	vand.u32 $0xFFFF0000, v30;
	v30 =	vshll.u32 v30, $0x10;
	v39 =	vld.idx.msk [tilespmem:v41+s29+$0x0], $0xffff;
	v41 =	vshll.u32 v31, $0x10  }
0x11a: {  	v43 =	vand.u32 $0xFFFF0000, v26;
	v26 =	vshll.u32 v26, $0x10;
	v31 =	vand.u32 $0xFFFF0000, v31;
	v15 =	vld.idx.msk [tilespmem:v15+s29+$0x0], $0xffff  }
0x11b: {  	v25 =	vshll.u32 v20, $0x10;
	v41 =	vsub.f32 v26, v41;
	v20 =	vld.idx.msk [tilespmem:v23+s29+$0x0], $0xffff;
	v23 =	vsub.f32 v43, v31  }
0x11c: {  	v44 =	vshll.u32 v28, $0x10;
	v31 =	vand.u32 $0xFFFF0000, v29;
	v43 =	vld.idx.msk [tilespmem:v36+s29+$0x0], $0xffff;
	v36 =	vand.u32 $0xFFFF0000, v28  }
0x11d: {  	v28 =	vshll.u32 v29, $0x10;
	v29 =	vand.u32 $0xFFFF0000, v19;
	v26 =	vld.idx.msk [tilespmem:v42+s29+$0x0], $0xffff;
	v42 =	vmul.f32 v23, v23  }
0x11e: {  	v32 =	vsub.f32 v31, v32;
	v28 =	vsub.f32 v28, v33;
	v31 =	vshll.u32 v37, $0x10;
	v33 =	vld.idx.msk [tilespmem:v38+s29+$0x0], $0xffff  }
0x11f: {  	v19 =	vshll.u32 v19, $0x10;
	v29 =	vsub.f32 v36, v29;
	v38 =	vshll.u32 v39, $0x10;
	v45 =	vld.idx.msk [tilespmem:v17+s22+$0x0], $0xffff  }
0x120: {  	v23 =	vand.u32 $0xFFFF0000, v39;
	v17 =	vand.u32 $0xFFFF0000, v15;
	v15 =	vshll.u32 v15, $0x10;
	v46 =	vld.idx.msk [tilespmem:v27+s22+$0x0], $0xffff  }
0x121: {  	v23 =	vsub.f32 v23, v40;
	v47 =	vld.idx.msk [tilespmem:v35+s22+$0x0], $0xffff;
	v35 =	vand.u32 $0xFFFF0000, v20;
	v20 =	vshll.u32 v20, $0x10  }
0x122: {  	v39 =	vmul.f32 v28, v28;
	v36 =	vshll.u32 v43, $0x10;
	v27 =	vld.idx.msk [tilespmem:v24+s22+$0x0], $0xffff;
	v17 =	vsub.f32 v17, v35  }
0x123: {  	v32 =	vmul.f32 v32, v32;
	v48 =	vmul.f32 v29, v29;
	v15 =	vsub.f32 v15, v20;
	v24 =	vld [tilespmem:s9+$0xFFFFFFB0]  }
0x124: {  	v49 =	vand.u32 $0xFFFF0000, v37;
	v20 =	vmul.f32 v41, v41;
	v50 =	vld [tilespmem:s9+$0x10];
	v29 =	vmul.f32 v17, v17  }
.Ltmp3:
0x125: {  	v35 =	vsub.f32 v44, v19;
	v28 =	vand.u32 $0xFFFF0000, v33;
	v15 =	vmul.f32 v15, v15;
	v17 =	vld [tilespmem:s9+$0x0];
	(pc) =	sbr.rel @p2 .LBB2_5-.Ltmp3, $4  }
0x126: {  	v32 =	vadd.f32 v39, v32;
	v37 =	vand.u32 $0xFFFF0000, v43;
	v19 =	vadd.f32 v20, v42;
	v20 =	vld [tilespmem:s9+$0x40]  }
0x127: {  	v41 =	vmul.f32 v35, v35;
	v35 =	vsub.f32 v38, v30;
	v15 =	vadd.f32 v15, v29;
	v30 =	vld.idx.msk [tilespmem:v45+s29+$0x0], $0xffff  }
0x128: {  	v39 =	vsub.f32 v34, v49;
	v29 =	vshll.u32 v33, $0x10;
	v40 =	vmul.f32 v32, v24;
	v33 =	vld.idx.msk [tilespmem:v46+s29+$0x0], $0xffff  }
0x129: {  	s8 =	sadd.s32 $0x140, s8;
	v38 =	vadd.f32 v41, v48;
	s9 =	sadd.s32 $0xA0, s9;
	v32 =	vshll.u32 v26, $0x10;
	v34 =	vld.idx.msk [tilespmem:v47+s29+$0x0], $0xffff;
	v15 =	vmul.f32 v15, v50  }
0x12a: {  	_ = 	snop  }
0x12b: {  	v41 =	vld [tilespmem:s6+$0x30]  }
0x12c: {  	v42 =	vld [tilespmem:s6+$0xFFFFFFF0]  }
0x12d: {  	v43 =	vld [tilespmem:s6+$0xFFFFFFC0]  }
0x12e: {  	v24 =	vld.idx.msk [tilespmem:v2+s22+$0x0], $0xffff  }
0x12f: {  	v44 =	vld.idx.msk [tilespmem:v3+s22+$0x0], $0xffff  }
0x130: {  	v45 =	vld.idx.msk [tilespmem:v27+s29+$0x0], $0xffff  }
0x131: {  	v27 =	vld.idx.msk [tilespmem:v4+s22+$0x0], $0xffff  }
0x132: {  	v46 =	vld [tilespmem:s6+$0xFFFFFFE0]  }
0x133: {  	v47 =	vld [tilespmem:s6+$0xFFFFFFD0]  }
0x134: {  	v48 =	vld.idx.msk [tilespmem:v5+s22+$0x0], $0xffff  }
0x135: {  	v49 =	vld [tilespmem:s6+$0x20]  }
0x136: {  	v52 =	vld.idx.msk [tilespmem:v6+s22+$0x0], $0xffff  }
0x137: {  	v53 =	vld.idx.msk [tilespmem:v7+s22+$0x0], $0xffff;
	v25 =	vsub.f32 v25, v36;
	v21 =	vsub.f32 v21, v37  }
0x138: {  	v54 =	vld.idx.msk [tilespmem:v8+s22+$0x0], $0xffff;
	v22 =	vsub.f32 v22, v31  }
0x139: {  	v55 =	vld.idx.msk [tilespmem:v9+s22+$0x0], $0xffff;
	v25 =	vmul.f32 v25, v25;
	v21 =	vmul.f32 v21, v21  }
0x13a: {  	v56 =	vld.idx.msk [tilespmem:v10+s22+$0x0], $0xffff;
	v26 =	vand.u32 $0xFFFF0000, v26;
	v39 =	vmul.f32 v39, v39;
	v22 =	vmul.f32 v22, v22  }
0x13b: {  	v57 =	vld.idx.msk [tilespmem:v11+s22+$0x0], $0xffff;
	v26 =	vsub.f32 v26, v28;
	v28 =	vshll.u32 v33, $0x10;
	v25 =	vadd.f32 v25, v21  }
0x13c: {  	v21 =	vshll.u32 v30, $0x10;
	v62 =	vadd.f32 v22, v39;
	v22 =	vld [tilespmem:$0x1EF30];
	v31 =	vmul.f32 v38, v42  }
0x13d: {  	v28 =	vsub.f32 v28, v21;
	v21 =	vld [tilespmem:$0x1EF20]  }
0x13e: {  	v31 =	vadd.f32 v31, v16;
	v16 =	vld [tilespmem:$0x1EF10]  }
0x13f: {  	v50 =	vld.idx.msk [tilespmem:v24+s29+$0x0], $0xffff  }
0x140: {  	v44 =	vld.idx.msk [tilespmem:v44+s29+$0x0], $0xffff  }
0x141: {  	v35 =	vmul.f32 v35, v35;
	v23 =	vmul.f32 v23, v23;
	v29 =	vsub.f32 v32, v29;
	v24 =	vld [tilespmem:$0x1EEF0]  }
0x142: {  	v51 =	vld.idx.msk [tilespmem:v27+s29+$0x0], $0xffff  }
0x143: {  	v18 =	vadd.f32 v40, v18;
	v23 =	vadd.f32 v35, v23;
	v29 =	vmul.f32 v29, v29;
	v48 =	vld.idx.msk [tilespmem:v48+s29+$0x0], $0xffff  }
0x144: {  	v58 =	vand.u32 $0xFFFF0000, v33;
	v26 =	vmul.f32 v26, v26;
	v30 =	vand.u32 $0xFFFF0000, v30;
	v27 =	vld [tilespmem:$0x1EF00]  }
0x145: {  	v59 =	vand.u32 $0xFFFF0000, v34;
	v61 =	vshll.u32 v34, $0x10;
	v30 =	vsub.f32 v58, v30;
	v37 =	vld.idx.msk [tilespmem:v52+s29+$0x0], $0xffff  }
0x146: {  	v60 =	vand.u32 $0xFFFF0000, v45;
	v45 =	vshll.u32 v45, $0x10;
	v23 =	vmul.f32 v23, v49;
	v38 =	vld.idx.msk [tilespmem:v53+s29+$0x0], $0xffff  }
0x147: {  	s6 =	sadd.s32 @!p1 s4, s15;
	s8 =	simm.s32 @!p1 $0x0;
	s9 =	simm.s32 @!p1 $0x1AF70;
	v26 =	vadd.f32 v29, v26;
	v19 =	vmul.f32 v19, v41;
	v25 =	vmul.f32 v25, v47;
	v40 =	vld.idx.msk [tilespmem:v54+s29+$0x0], $0xffff  }
0x148: {  	s10 =	simm.s32 $0xE0;
	s12 =	simm.s32 $0x0;
	s7 =	sshrl.u32 @!p1 s6, $0x2;
	v33 =	vsub.f32 v59, v60;
	v34 =	vsub.f32 v61, v45;
	v29 =	vmul.f32 v62, v46;
	v42 =	vld.idx.msk [tilespmem:v55+s29+$0x0], $0xffff  }
0x149: {  	s11 =	simm.s32 $0x100;
	s6 =	sshrl.u32 @!p1 s6, $0x3;
	s7 =	sadd.s32 @!p1 s2, s7;
	v46 =	vor.u32 s12, v1;
	v30 =	vmul.f32 v30, v30;
	v28 =	vmul.f32 v28, v28;
	v32 =	vld.idx.msk [tilespmem:v56+s29+$0x0], $0xffff  }
0x14a: {  	v36 =	vld.idx.msk [tilespmem:v57+s29+$0x0], $0xffff;
	[tilespmem:s9], [sflag:$0x2] =	stream.linear.gather @!p1 [hbm4b:s7+s8], $0xFA0, $0x38;
	v33 =	vmul.f32 v33, v33;
	v14 =	vadd.f32 v25, v14;
	v25 =	vmul.f32 v26, v43  }
0x14b: {  	s6 =	sadd.s32 @!p1 s3, s6;
	s7 =	simm.s32 @!p1 $0x1E770;
	v13 =	vadd.f32 v29, v13;
	v29 =	vor.u32 s10, v1;
	s9 =	simm.s32 $0x60;
	v55 =	vor.u32 s12, v0  }
0x14c: {  	v28 =	vadd.f32 v28, v30;
	v30 =	vmul.f32 v34, v34;
	v59 =	vor.u32 s9, v1;
	[tilespmem:s7], [sflag:$0x2] =	stream.linear.gather @!p1 [hbm4b:s6+s8], $0x7D0, $0x38;
	v63 =	vld [tilespmem:$0x0]  }
0x14d: {  	v14 =	vadd.f32 v23, v14;
	v23 =	vor.u32 s11, v0;
	v13 =	vadd.f32 v19, v13;
	_ =	swait.ge [sflag:s21], $0xFA0  }
0x14e: {  	s8 =	simm.s32 $0x40;
	v20 =	vmul.f32 v28, v20;
	v26 =	vadd.f32 v30, v33;
	v28 =	vor.u32 s10, v0;
	s10 =	simm.s32 $0x80;
	[sflag:s21] =	ssyncset.done $0x0  }
0x14f: {  	v12 =	vadd.f32 v25, v12;
	v58 =	vor.u32 s8, v1;
	v53 =	vor.u32 s10, v0;
	[sflag:s21] =	ssyncadd.s32 $0xFFFFF060  }
0x150: {  	v62 =	vor.u32 s10, v1;
	v20 =	vadd.f32 v20, v31;
	v17 =	vmul.f32 v26, v17;
	_ =	swait.ge [sflag:s21], $0x7D0  }
0x151: {  	v26 =	vor.u32 s11, v1;
	v19 =	vand.u32 $0xFFFF0000, v50;
	v30 =	vshll.u32 v50, $0x10;
	[sflag:s21] =	ssyncset.done $0x0  }
0x152: {  	v31 =	vand.u32 $0xFFFF0000, v44;
	v47 =	vshll.u32 v44, $0x10;
	v49 =	vand.u32 $0xFFFF0000, v51;
	[sflag:s21] =	ssyncadd.s32 $0xFFFFF830  }
0x153: {  	v50 =	vor.u32 s9, v0;
	v51 =	vshll.u32 v51, $0x10;
	v52 =	vand.u32 $0xFFFF0000, v48;
	v28 =	vld.idx.msk [tilespmem:v28+s24+$0x0], $0xffff  }
0x154: {  	v54 =	vshll.u32 v48, $0x10;
	v56 =	vand.u32 $0xFFFF0000, v37;
	v57 =	vand.u32 $0xFFFF0000, v38;
	v23 =	vld.idx.msk [tilespmem:v23+s24+$0x0], $0xffff  }
0x155: {  	v37 =	vshll.u32 v37, $0x10;
	v38 =	vshll.u32 v38, $0x10;
	v60 =	vand.u32 $0xFFFF0000, v40;
	v29 =	vld.idx.msk [tilespmem:v29+s24+$0x0], $0xffff  }
0x156: {  	v40 =	vshll.u32 v40, $0x10;
	v61 =	vand.u32 $0xFFFF0000, v42;
	v19 =	vsub.f32 v19, v31;
	v33 =	vld.idx.msk [tilespmem:v46+s24+$0x0], $0xffff  }
0x157: {  	s13 =	simm.s32 $0x20;
	v42 =	vshll.u32 v42, $0x10;
	v25 =	vsub.f32 v30, v47;
	v34 =	vsub.f32 v49, v52;
	v43 =	vld.idx.msk [tilespmem:v53+s24+$0x0], $0xffff  }
0x158: {  	s11 =	simm.s32 $0xC0;
	v30 =	vor.u32 s13, v1;
	v39 =	vsub.f32 v51, v54;
	v37 =	vsub.f32 v37, v38;
	v41 =	vld.idx.msk [tilespmem:v55+s24+$0x0], $0xffff  }
0x159: {  	v40 =	vsub.f32 v40, v42;
	v52 =	vor.u32 s11, v0;
	v17 =	vadd.f32 v17, v18;
	v38 =	vld.idx.msk [tilespmem:v58+s24+$0x0], $0xffff  }
0x15a: {  	v18 =	vmul.f32 v19, v19;
	v19 =	vor.u32 s8, v0;
	v25 =	vmul.f32 v25, v25;
	v51 =	vld.idx.msk [tilespmem:v59+s24+$0x0], $0xffff  }
0x15b: {  	v34 =	vmul.f32 v34, v34;
	v39 =	vmul.f32 v39, v39;
	v46 =	vsub.f32 v60, v61;
	v54 =	vld.idx.msk [tilespmem:v62+s24+$0x0], $0xffff  }
0x15c: {  	v40 =	vmul.f32 v40, v40;
	v53 =	vor.u32 s11, v1;
	v26 =	vld.idx.msk [tilespmem:v26+s24+$0x0], $0xffff  }
0x15d: {  	v35 =	vld.idx.msk [tilespmem:v50+s24+$0x0], $0xffff;
	v18 =	vadd.f32 v25, v18;
	v34 =	vadd.f32 v39, v34;
	v46 =	vmul.f32 v46, v46  }
0x15e: {  	v12 =	vadd.f32 v15, v12;
	v44 =	vsub.f32 v56, v57;
	v30 =	vld.idx.msk [tilespmem:v30+s24+$0x0], $0xffff  }
0x15f: {  	v18 =	vmul.f32 v18, v24;
	v15 =	vmul.f32 v34, v27;
	v27 =	vld.idx.msk [tilespmem:v52+s24+$0x0], $0xffff;
	v24 =	vadd.f32 v40, v46  }
0x160: {  	v49 =	vand.u32 $0xFFFF0000, v32;
	v32 =	vshll.u32 v32, $0x10;
	v50 =	vand.u32 $0xFFFF0000, v36;
	v19 =	vld.idx.msk [tilespmem:v19+s24+$0x0], $0xffff  }
0x161: {  	v36 =	vshll.u32 v36, $0x10;
	v18 =	vadd.f32 v18, v17;
	v17 =	vmul.f32 v24, v21;
	v24 =	vld.idx.msk [tilespmem:v53+s24+$0x0], $0xffff  }
0x162: {  	v42 =	vsub.f32 v49, v50;
	v32 =	vsub.f32 v32, v36;
	v29 =	vld.idx.msk [tilespmem:v29+s29+$0x0], $0xffff  }
0x163: {  	v44 =	vmul.f32 v44, v44;
	v37 =	vmul.f32 v37, v37;
	v33 =	vld.idx.msk [tilespmem:v33+s29+$0x0], $0xffff  }
0x164: {  	v25 =	vmul.f32 v42, v42;
	v32 =	vmul.f32 v32, v32;
	v12 =	vadd.f32 v15, v12;
	v15 =	vld.idx.msk [tilespmem:v23+s29+$0x0], $0xffff  }
0x165: {  	v13 =	vadd.f32 v17, v13;
	v17 =	vld.idx.msk [tilespmem:v43+s29+$0x0], $0xffff  }
0x166: {  	v37 =	vadd.f32 v37, v44;
	v25 =	vadd.f32 v32, v25;
	v56 =	vld.idx.msk [tilespmem:v41+s29+$0x0], $0xffff  }
0x167: {  	v58 =	vld.idx.msk [tilespmem:v54+s29+$0x0], $0xffff  }
0x168: {  	s12 =	simm.s32 $0xA0;
	v31 =	vor.u32 s13, v0;
	s13 =	simm.s32 $0x120;
	v16 =	vmul.f32 v37, v16;
	v21 =	vmul.f32 v25, v22;
	v60 =	vld.idx.msk [tilespmem:v51+s29+$0x0], $0xffff  }
0x169: {  	v59 =	vor.u32 s12, v0;
	v61 =	vor.u32 s13, v1;
	v28 =	vld.idx.msk [tilespmem:v28+s29+$0x0], $0xffff  }
0x16a: {  	v14 =	vadd.f32 v16, v14;
	v23 =	vor.u32 s13, v0;
	v55 =	vld.idx.msk [tilespmem:v35+s29+$0x0], $0xffff;
	v16 =	vadd.f32 v21, v20  }
0x16b: {  	v26 =	vld.idx.msk [tilespmem:v26+s29+$0x0], $0xffff;
	v20 =	vor.u32 s12, v1;
	v57 =	vand.u32 $0xFFFF0000, v33;
	v33 =	vshll.u32 v33, $0x10  }
0x16c: {  	v19 =	vld.idx.msk [tilespmem:v19+s29+$0x0], $0xffff;
	v62 =	vand.u32 $0xFFFF0000, v29;
	v29 =	vshll.u32 v29, $0x10;
	v48 =	vand.u32 $0xFFFF0000, v15  }
0x16d: {  	v31 =	vld.idx.msk [tilespmem:v31+s24+$0x0], $0xffff;
	v15 =	vshll.u32 v15, $0x10;
	v49 =	vand.u32 $0xFFFF0000, v56;
	v50 =	vand.u32 $0xFFFF0000, v17  }
0x16e: {  	v27 =	vld.idx.msk [tilespmem:v27+s29+$0x0], $0xffff;
	v17 =	vshll.u32 v17, $0x10;
	v34 =	vshll.u32 v56, $0x10;
	v51 =	vand.u32 $0xFFFF0000, v58  }
0x16f: {  	v32 =	vld.idx.msk [tilespmem:v61+s24+$0x0], $0xffff;
	v53 =	vshll.u32 v28, $0x10;
	v41 =	vand.u32 $0xFFFF0000, v60;
	v39 =	vand.u32 $0xFFFF0000, v55  }
0x170: {  	v56 =	vld.idx.msk [tilespmem:v23+s24+$0x0], $0xffff;
	v22 =	vshll.u32 v55, $0x10;
	v47 =	vshll.u32 v26, $0x10;
	v26 =	vand.u32 $0xFFFF0000, v26  }
0x171: {  	v35 =	vsub.f32 v49, v57;
	v21 =	vand.u32 $0xFFFF0000, v19;
	v25 =	vshll.u32 v19, $0x10;
	v19 =	vld.idx.msk [tilespmem:v24+s29+$0x0], $0xffff  }
0x172: {  	v33 =	vsub.f32 v34, v33;
	v34 =	vld.idx.msk [tilespmem:v30+s29+$0x0], $0xffff;
	v30 =	vshll.u32 v58, $0x10;
	v52 =	vsub.f32 v50, v51  }
0x173: {  	v57 =	vld.idx.msk [tilespmem:v59+s24+$0x0], $0xffff;
	v15 =	vsub.f32 v15, v47;
	v30 =	vsub.f32 v17, v30;
	v54 =	vand.u32 $0xFFFF0000, v27  }
0x174: {  	s6 =	simm.s32 $0x1EFC0;
	v38 =	vld.idx.msk [tilespmem:v38+s29+$0x0], $0xffff;
	v55 =	vshll.u32 v27, $0x10;
	v27 =	vand.u32 $0xFFFF0000, v28;
	v33 =	vmul.f32 v33, v33  }
0x175: {  	v58 =	vld [tilespmem:s6+$0xFFFFFFB0];
	v35 =	vmul.f32 v35, v35;
	v59 =	vmul.f32 v52, v52;
	v24 =	vsub.f32 v48, v26  }
0x176: {  	v26 =	vld.idx.msk [tilespmem:v31+s29+$0x0], $0xffff;
	v23 =	vsub.f32 v27, v62;
	v28 =	vand.u32 $0xFFFF0000, v19;
	v19 =	vshll.u32 v19, $0x10  }
0x177: {  	v31 =	vshll.u32 v60, $0x10;
	v27 =	vld.idx.msk [tilespmem:v20+s24+$0x0], $0xffff;
	v20 =	vsub.f32 v54, v28;
	v19 =	vsub.f32 v55, v19  }
0x178: {  	v60 =	vld [tilespmem:s6+$0x10];
	v15 =	vmul.f32 v15, v15;
	v33 =	vadd.f32 v33, v35;
	v24 =	vmul.f32 v24, v24  }
0x179: {  	v17 =	vld [tilespmem:s6+$0x0];
	v35 =	vsub.f32 v53, v29;
	v61 =	vmul.f32 v20, v20;
	v62 =	vmul.f32 v19, v19  }
0x17a: {  	v29 =	vshll.u32 v34, $0x10;
	v40 =	vmul.f32 v33, v58;
	v33 =	vld.idx.msk [tilespmem:v56+s29+$0x0], $0xffff;
	v28 =	vand.u32 $0xFFFF0000, v34  }
0x17b: {  	v34 =	vld.idx.msk [tilespmem:v57+s29+$0x0], $0xffff;
	v19 =	vadd.f32 v15, v24;
	v15 =	vmul.f32 v30, v30;
	v24 =	vadd.f32 v62, v61  }
0x17c: {  	v36 =	vshll.u32 v38, $0x10;
	v37 =	vand.u32 $0xFFFF0000, v38;
	v39 =	vsub.f32 v39, v41;
	v20 =	vld [tilespmem:s6+$0x40]  }
0x17d: {  	s7 =	simm.s32 $0x0;
	s9 =	simm.s32 $0x1F060;
	s8 =	simm.s32 $0x1E0;
	v30 =	vld.idx.msk [tilespmem:v32+s29+$0x0], $0xffff;
	v32 =	vshll.u32 v26, $0x10;
	v38 =	vadd.f32 v15, v59;
	v15 =	vmul.f32 v24, v60  }
.LBB2_7:
0x17e: {  	s11 =	sadd.s32 $0xFFFFFF60, s8;
	s12 =	sadd.s32 $0x40, s8;
	s13 =	sadd.s32 $0x60, s8;
	v18 =	vadd.f32 v40, v18;
	v22 =	vsub.f32 v22, v31;
	v31 =	vmul.f32 v39, v39;
	v39 =	vld [tilespmem:s6+$0x30]  }
0x17f: {  	s10 =	sadd.s32 $0x80, s8;
	s7 =	sadd.s32 $0x2, s7;
	v25 =	vsub.f32 v25, v36;
	v40 =	vor.u32 s11, v0;
	v41 =	vor.u32 s12, v0;
	v36 =	vld [tilespmem:s6+$0xFFFFFFF0]  }
0x180: {  	v26 =	vand.u32 $0xFFFF0000, v26;
	v42 =	vor.u32 s11, v1;
	s11 =	sadd.s32 $0xFFFFFF80, s8;
	v43 =	vor.u32 s13, v0;
	p2 =	slt.u32 s7, $0x16;
	v44 =	vld [tilespmem:s6+$0xFFFFFFC0]  }
0x181: {  	v24 =	vor.u32 s8, v1;
	v46 =	vor.u32 s13, v1;
	v45 =	vor.u32 s11, v0;
	v47 =	vld.idx.msk [tilespmem:v27+s29+$0x0], $0xffff  }
0x182: {  	v49 =	vor.u32 s12, v1;
	v48 =	vor.u32 s11, v1;
	s11 =	sadd.s32 $0xFFFFFFA0, s8;
	v25 =	vmul.f32 v25, v25;
	v50 =	vld [tilespmem:s6+$0xFFFFFFE0]  }
0x183: {  	v21 =	vsub.f32 v21, v37;
	v51 =	vor.u32 s11, v0;
	v27 =	vor.u32 s10, v0;
	v52 =	vld [tilespmem:s6+$0xFFFFFFD0]  }
0x184: {  	v37 =	vor.u32 s11, v1;
	s11 =	sadd.s32 $0xFFFFFFC0, s8;
	v41 =	vld.idx.msk [tilespmem:v41+s24+$0x0], $0xffff;
	v36 =	vmul.f32 v38, v36;
	v38 =	vshll.u32 v33, $0x10  }
0x185: {  	v35 =	vmul.f32 v35, v35;
	v21 =	vmul.f32 v21, v21;
	v53 =	vor.u32 s11, v0;
	v54 =	vld [tilespmem:s6+$0x20];
	s6 =	smov.u32 s9  }
0x186: {  	v55 =	vor.u32 s11, v1;
	s11 =	sadd.s32 $0xFFFFFFE0, s8;
	v43 =	vld.idx.msk [tilespmem:v43+s24+$0x0], $0xffff;
	v16 =	vadd.f32 v36, v16;
	v36 =	vshll.u32 v34, $0x10  }
0x187: {  	v56 =	vor.u32 s11, v0;
	v34 =	vand.u32 $0xFFFF0000, v34;
	v57 =	vand.u32 $0xFFFF0000, v47;
	v46 =	vld.idx.msk [tilespmem:v46+s24+$0x0], $0xffff  }
0x188: {  	v23 =	vmul.f32 v23, v23;
	v26 =	vsub.f32 v26, v28;
	v58 =	vor.u32 s11, v1;
	v49 =	vld.idx.msk [tilespmem:v49+s24+$0x0], $0xffff  }
0x189: {  	v21 =	vadd.f32 v25, v21;
	v25 =	vand.u32 $0xFFFF0000, v30;
	v30 =	vshll.u32 v30, $0x10;
	v28 =	vld.idx.msk [tilespmem:v42+s24+$0x0], $0xffff  }
0x18a: {  	v26 =	vmul.f32 v26, v26;
	v33 =	vand.u32 $0xFFFF0000, v33;
	v30 =	vsub.f32 v38, v30;
	v42 =	vld.idx.msk [tilespmem:v45+s24+$0x0], $0xffff  }
0x18b: {  	v29 =	vsub.f32 v32, v29;
	v22 =	vmul.f32 v22, v22;
	v25 =	vsub.f32 v33, v25;
	v38 =	vld.idx.msk [tilespmem:v48+s24+$0x0], $0xffff  }
0x18c: {  	v23 =	vadd.f32 v35, v23;
	v33 =	vshll.u32 v47, $0x10;
	v21 =	vmul.f32 v21, v52;
	v32 =	vld.idx.msk [tilespmem:v51+s24+$0x0], $0xffff  }
0x18d: {  	v34 =	vsub.f32 v34, v57;
	v25 =	vmul.f32 v25, v25;
	v30 =	vmul.f32 v30, v30;
	v35 =	vld.idx.msk [tilespmem:v53+s24+$0x0], $0xffff  }
0x18e: {  	v29 =	vmul.f32 v29, v29;
	v22 =	vadd.f32 v22, v31;
	v31 =	vsub.f32 v36, v33;
	v45 =	vld.idx.msk [tilespmem:v56+s24+$0x0], $0xffff  }
0x18f: {  	v34 =	vmul.f32 v34, v34;
	v25 =	vadd.f32 v30, v25;
	v23 =	vmul.f32 v23, v54;
	v33 =	vld.idx.msk [tilespmem:v40+s24+$0x0], $0xffff  }
0x190: {  	v26 =	vadd.f32 v29, v26;
	v22 =	vmul.f32 v22, v50;
	v29 =	vmul.f32 v31, v31;
	v30 =	vld.idx.msk [tilespmem:v49+s29+$0x0], $0xffff  }
0x191: {  	v19 =	vmul.f32 v19, v39;
	v14 =	vadd.f32 v21, v14;
	v20 =	vmul.f32 v25, v20;
	v31 =	vld.idx.msk [tilespmem:v46+s29+$0x0], $0xffff  }
0x192: {  	s11 =	sadd.s32 $0x20, s8;
	v13 =	vadd.f32 v22, v13;
	v21 =	vmul.f32 v26, v44;
	v22 =	vadd.f32 v29, v34;
	v36 =	vld.idx.msk [tilespmem:v37+s24+$0x0], $0xffff  }
0x193: {  	v26 =	vor.u32 s11, v0;
	v14 =	vadd.f32 v23, v14;
	v16 =	vadd.f32 v20, v16;
	v25 =	vld.idx.msk [tilespmem:v55+s24+$0x0], $0xffff  }
0x194: {  	v13 =	vadd.f32 v19, v13;
	v23 =	vor.u32 s11, v1;
	v17 =	vmul.f32 v22, v17;
	v20 =	vld.idx.msk [tilespmem:v32+s29+$0x0], $0xffff  }
0x195: {  	v12 =	vadd.f32 v21, v12;
	v19 =	vld.idx.msk [tilespmem:v58+s24+$0x0], $0xffff  }
0x196: {  	v18 =	vadd.f32 v17, v18;
	v21 =	vld.idx.msk [tilespmem:v28+s29+$0x0], $0xffff  }
0x197: {  	v12 =	vadd.f32 v15, v12;
	v17 =	vld.idx.msk [tilespmem:v35+s29+$0x0], $0xffff  }
0x198: {  	v15 =	vld.idx.msk [tilespmem:v26+s24+$0x0], $0xffff  }
0x199: {  	v23 =	vld.idx.msk [tilespmem:v23+s24+$0x0], $0xffff  }
0x19a: {  	v26 =	vld.idx.msk [tilespmem:v43+s29+$0x0], $0xffff  }
0x19b: {  	v28 =	vld.idx.msk [tilespmem:v45+s29+$0x0], $0xffff  }
0x19c: {  	v32 =	vand.u32 $0xFFFF0000, v21;
	v29 =	vld.idx.msk [tilespmem:v33+s29+$0x0], $0xffff;
	v33 =	vshll.u32 v21, $0x10  }
0x19d: {  	v35 =	vor.u32 s8, v0;
	v34 =	vand.u32 $0xFFFF0000, v17;
	v19 =	vld.idx.msk [tilespmem:v19+s29+$0x0], $0xffff  }
0x19e: {  	v21 =	vand.u32 $0xFFFF0000, v20;
	v22 =	vshll.u32 v17, $0x10;
	v17 =	vor.u32 s10, v1;
	v37 =	vld.idx.msk [tilespmem:v25+s29+$0x0], $0xffff  }
0x19f: {  	v40 =	vand.u32 $0xFFFF0000, v30;
	v30 =	vshll.u32 v30, $0x10;
	v39 =	vld.idx.msk [tilespmem:v41+s29+$0x0], $0xffff;
	v41 =	vshll.u32 v31, $0x10  }
0x1a0: {  	v43 =	vand.u32 $0xFFFF0000, v26;
	v26 =	vshll.u32 v26, $0x10;
	v31 =	vand.u32 $0xFFFF0000, v31;
	v15 =	vld.idx.msk [tilespmem:v15+s29+$0x0], $0xffff  }
0x1a1: {  	v25 =	vshll.u32 v20, $0x10;
	v41 =	vsub.f32 v26, v41;
	v20 =	vld.idx.msk [tilespmem:v23+s29+$0x0], $0xffff;
	v23 =	vsub.f32 v43, v31  }
0x1a2: {  	v44 =	vshll.u32 v28, $0x10;
	v31 =	vand.u32 $0xFFFF0000, v29;
	v43 =	vld.idx.msk [tilespmem:v36+s29+$0x0], $0xffff;
	v36 =	vand.u32 $0xFFFF0000, v28  }
0x1a3: {  	v28 =	vshll.u32 v29, $0x10;
	v29 =	vand.u32 $0xFFFF0000, v19;
	v26 =	vld.idx.msk [tilespmem:v42+s29+$0x0], $0xffff;
	v42 =	vmul.f32 v23, v23  }
0x1a4: {  	v32 =	vsub.f32 v31, v32;
	v28 =	vsub.f32 v28, v33;
	v31 =	vshll.u32 v37, $0x10;
	v33 =	vld.idx.msk [tilespmem:v38+s29+$0x0], $0xffff  }
0x1a5: {  	v19 =	vshll.u32 v19, $0x10;
	v29 =	vsub.f32 v36, v29;
	v38 =	vshll.u32 v39, $0x10;
	v45 =	vld.idx.msk [tilespmem:v17+s24+$0x0], $0xffff  }
0x1a6: {  	v23 =	vand.u32 $0xFFFF0000, v39;
	v17 =	vand.u32 $0xFFFF0000, v15;
	v15 =	vshll.u32 v15, $0x10;
	v46 =	vld.idx.msk [tilespmem:v27+s24+$0x0], $0xffff  }
0x1a7: {  	v23 =	vsub.f32 v23, v40;
	v47 =	vld.idx.msk [tilespmem:v35+s24+$0x0], $0xffff;
	v35 =	vand.u32 $0xFFFF0000, v20;
	v20 =	vshll.u32 v20, $0x10  }
0x1a8: {  	v39 =	vmul.f32 v28, v28;
	v36 =	vshll.u32 v43, $0x10;
	v27 =	vld.idx.msk [tilespmem:v24+s24+$0x0], $0xffff;
	v17 =	vsub.f32 v17, v35  }
0x1a9: {  	v32 =	vmul.f32 v32, v32;
	v48 =	vmul.f32 v29, v29;
	v15 =	vsub.f32 v15, v20;
	v24 =	vld [tilespmem:s9+$0xFFFFFFB0]  }
0x1aa: {  	v49 =	vand.u32 $0xFFFF0000, v37;
	v20 =	vmul.f32 v41, v41;
	v50 =	vld [tilespmem:s9+$0x10];
	v29 =	vmul.f32 v17, v17  }
.Ltmp4:
0x1ab: {  	v35 =	vsub.f32 v44, v19;
	v28 =	vand.u32 $0xFFFF0000, v33;
	v15 =	vmul.f32 v15, v15;
	v17 =	vld [tilespmem:s9+$0x0];
	(pc) =	sbr.rel @p2 .LBB2_7-.Ltmp4, $4  }
0x1ac: {  	v32 =	vadd.f32 v39, v32;
	v37 =	vand.u32 $0xFFFF0000, v43;
	v19 =	vadd.f32 v20, v42;
	v20 =	vld [tilespmem:s9+$0x40]  }
0x1ad: {  	v41 =	vmul.f32 v35, v35;
	v35 =	vsub.f32 v38, v30;
	v15 =	vadd.f32 v15, v29;
	v30 =	vld.idx.msk [tilespmem:v45+s29+$0x0], $0xffff  }
0x1ae: {  	v39 =	vsub.f32 v34, v49;
	v29 =	vshll.u32 v33, $0x10;
	v40 =	vmul.f32 v32, v24;
	v33 =	vld.idx.msk [tilespmem:v46+s29+$0x0], $0xffff  }
0x1af: {  	s8 =	sadd.s32 $0x140, s8;
	v38 =	vadd.f32 v41, v48;
	s9 =	sadd.s32 $0xA0, s9;
	v32 =	vshll.u32 v26, $0x10;
	v34 =	vld.idx.msk [tilespmem:v47+s29+$0x0], $0xffff;
	v15 =	vmul.f32 v15, v50  }
0x1b0: {  	_ = 	snop  }
0x1b1: {  	v41 =	vld [tilespmem:s6+$0x30]  }
0x1b2: {  	v42 =	vld [tilespmem:s6+$0xFFFFFFF0]  }
0x1b3: {  	v43 =	vld [tilespmem:s6+$0xFFFFFFC0]  }
0x1b4: {  	v24 =	vld.idx.msk [tilespmem:v2+s24+$0x0], $0xffff  }
0x1b5: {  	v44 =	vld.idx.msk [tilespmem:v3+s24+$0x0], $0xffff  }
0x1b6: {  	v45 =	vld.idx.msk [tilespmem:v27+s29+$0x0], $0xffff  }
0x1b7: {  	v27 =	vld.idx.msk [tilespmem:v4+s24+$0x0], $0xffff  }
0x1b8: {  	v46 =	vld [tilespmem:s6+$0xFFFFFFE0]  }
0x1b9: {  	v47 =	vld [tilespmem:s6+$0xFFFFFFD0]  }
0x1ba: {  	v48 =	vld.idx.msk [tilespmem:v5+s24+$0x0], $0xffff  }
0x1bb: {  	v49 =	vld [tilespmem:s6+$0x20]  }
0x1bc: {  	v52 =	vld.idx.msk [tilespmem:v6+s24+$0x0], $0xffff  }
0x1bd: {  	v53 =	vld.idx.msk [tilespmem:v7+s24+$0x0], $0xffff;
	v25 =	vsub.f32 v25, v36;
	v21 =	vsub.f32 v21, v37  }
0x1be: {  	v54 =	vld.idx.msk [tilespmem:v8+s24+$0x0], $0xffff;
	v22 =	vsub.f32 v22, v31  }
0x1bf: {  	v55 =	vld.idx.msk [tilespmem:v9+s24+$0x0], $0xffff;
	v25 =	vmul.f32 v25, v25;
	v21 =	vmul.f32 v21, v21  }
0x1c0: {  	v56 =	vld.idx.msk [tilespmem:v10+s24+$0x0], $0xffff;
	v26 =	vand.u32 $0xFFFF0000, v26;
	v39 =	vmul.f32 v39, v39;
	v22 =	vmul.f32 v22, v22  }
0x1c1: {  	v57 =	vld.idx.msk [tilespmem:v11+s24+$0x0], $0xffff;
	v26 =	vsub.f32 v26, v28;
	v28 =	vshll.u32 v33, $0x10;
	v25 =	vadd.f32 v25, v21  }
0x1c2: {  	v21 =	vshll.u32 v30, $0x10;
	v62 =	vadd.f32 v22, v39;
	v22 =	vld [tilespmem:$0x1F730];
	v31 =	vmul.f32 v38, v42  }
0x1c3: {  	v28 =	vsub.f32 v28, v21;
	v21 =	vld [tilespmem:$0x1F720]  }
0x1c4: {  	v31 =	vadd.f32 v31, v16;
	v16 =	vld [tilespmem:$0x1F710]  }
0x1c5: {  	v50 =	vld.idx.msk [tilespmem:v24+s29+$0x0], $0xffff  }
0x1c6: {  	v44 =	vld.idx.msk [tilespmem:v44+s29+$0x0], $0xffff  }
0x1c7: {  	v24 =	vld [tilespmem:$0x1F6F0]  }
0x1c8: {  	v35 =	vmul.f32 v35, v35;
	v23 =	vmul.f32 v23, v23;
	v29 =	vsub.f32 v32, v29;
	v51 =	vld.idx.msk [tilespmem:v27+s29+$0x0], $0xffff  }
0x1c9: {  	v48 =	vld.idx.msk [tilespmem:v48+s29+$0x0], $0xffff  }
0x1ca: {  	v18 =	vadd.f32 v40, v18;
	v23 =	vadd.f32 v35, v23;
	v29 =	vmul.f32 v29, v29;
	v27 =	vld [tilespmem:$0x1F700]  }
0x1cb: {  	v58 =	vand.u32 $0xFFFF0000, v33;
	v26 =	vmul.f32 v26, v26;
	v30 =	vand.u32 $0xFFFF0000, v30;
	v37 =	vld.idx.msk [tilespmem:v52+s29+$0x0], $0xffff  }
0x1cc: {  	v59 =	vand.u32 $0xFFFF0000, v34;
	v61 =	vshll.u32 v34, $0x10;
	v30 =	vsub.f32 v58, v30;
	v38 =	vld.idx.msk [tilespmem:v53+s29+$0x0], $0xffff  }
0x1cd: {  	s4 =	sadd.s32 @!p1 s4, s16;
	s7 =	simm.s32 @!p1 $0x0;
	s8 =	simm.s32 @!p1 $0x1BF70;
	v60 =	vand.u32 $0xFFFF0000, v45;
	v45 =	vshll.u32 v45, $0x10;
	v23 =	vmul.f32 v23, v49;
	v40 =	vld.idx.msk [tilespmem:v54+s29+$0x0], $0xffff  }
0x1ce: {  	s13 =	simm.s32 $0x0;
	s9 =	simm.s32 $0x60;
	s6 =	sshrl.u32 @!p1 s4, $0x2;
	v26 =	vadd.f32 v29, v26;
	v19 =	vmul.f32 v19, v41;
	v25 =	vmul.f32 v25, v47;
	v42 =	vld.idx.msk [tilespmem:v55+s29+$0x0], $0xffff  }
0x1cf: {  	s10 =	simm.s32 $0x80;
	s4 =	sshrl.u32 @!p1 s4, $0x3;
	s6 =	sadd.s32 @!p1 s2, s6;
	v33 =	vsub.f32 v59, v60;
	v34 =	vsub.f32 v61, v45;
	v29 =	vmul.f32 v62, v46;
	v32 =	vld.idx.msk [tilespmem:v56+s29+$0x0], $0xffff  }
0x1d0: {  	v46 =	vor.u32 s13, v1;
	v30 =	vmul.f32 v30, v30;
	v28 =	vmul.f32 v28, v28;
	v36 =	vld.idx.msk [tilespmem:v57+s29+$0x0], $0xffff;
	[tilespmem:s8], [sflag:$0x3] =	stream.linear.gather @!p1 [hbm4b:s6+s7], $0xFA0, $0x38  }
0x1d1: {  	s11 =	simm.s32 $0xE0;
	s4 =	sadd.s32 @!p1 s3, s4;
	v59 =	vor.u32 s9, v1;
	v62 =	vor.u32 s10, v1;
	v33 =	vmul.f32 v33, v33;
	s6 =	simm.s32 @!p1 $0x1EF70  }
0x1d2: {  	v14 =	vadd.f32 v25, v14;
	v25 =	vmul.f32 v26, v43;
	v28 =	vadd.f32 v28, v30;
	[tilespmem:s6], [sflag:$0x3] =	stream.linear.gather @!p1 [hbm4b:s4+s7], $0x7D0, $0x38;
	v63 =	vld [tilespmem:$0x0]  }
0x1d3: {  	v13 =	vadd.f32 v29, v13;
	v29 =	vor.u32 s11, v1;
	v53 =	vor.u32 s10, v0;
	_ =	swait.ge [sflag:s23], $0xFA0  }
0x1d4: {  	s12 =	simm.s32 $0x100;
	v30 =	vmul.f32 v34, v34;
	v20 =	vmul.f32 v28, v20;
	v28 =	vor.u32 s11, v0;
	[sflag:s23] =	ssyncset.done $0x0  }
0x1d5: {  	v14 =	vadd.f32 v23, v14;
	v23 =	vor.u32 s12, v0;
	v12 =	vadd.f32 v25, v12;
	[sflag:s23] =	ssyncadd.s32 $0xFFFFF060  }
0x1d6: {  	s8 =	simm.s32 $0x40;
	v55 =	vor.u32 s13, v0;
	v13 =	vadd.f32 v19, v13;
	v26 =	vadd.f32 v30, v33;
	_ =	swait.ge [sflag:s23], $0x7D0  }
0x1d7: {  	v58 =	vor.u32 s8, v1;
	v12 =	vadd.f32 v15, v12;
	v20 =	vadd.f32 v20, v31;
	[sflag:s23] =	ssyncset.done $0x0  }
0x1d8: {  	v17 =	vmul.f32 v26, v17;
	v26 =	vor.u32 s12, v1;
	v19 =	vand.u32 $0xFFFF0000, v50;
	[sflag:s23] =	ssyncadd.s32 $0xFFFFF830  }
0x1d9: {  	v30 =	vshll.u32 v50, $0x10;
	v31 =	vand.u32 $0xFFFF0000, v44;
	v47 =	vshll.u32 v44, $0x10;
	v28 =	vld.idx.msk [tilespmem:v28+s26+$0x0], $0xffff  }
0x1da: {  	v49 =	vand.u32 $0xFFFF0000, v51;
	v50 =	vor.u32 s9, v0;
	v51 =	vshll.u32 v51, $0x10;
	v23 =	vld.idx.msk [tilespmem:v23+s26+$0x0], $0xffff  }
0x1db: {  	v52 =	vand.u32 $0xFFFF0000, v48;
	v54 =	vshll.u32 v48, $0x10;
	v56 =	vand.u32 $0xFFFF0000, v37;
	v29 =	vld.idx.msk [tilespmem:v29+s26+$0x0], $0xffff  }
0x1dc: {  	v57 =	vand.u32 $0xFFFF0000, v38;
	v37 =	vshll.u32 v37, $0x10;
	v19 =	vsub.f32 v19, v31;
	v33 =	vld.idx.msk [tilespmem:v46+s26+$0x0], $0xffff  }
0x1dd: {  	v38 =	vshll.u32 v38, $0x10;
	v60 =	vand.u32 $0xFFFF0000, v40;
	v40 =	vshll.u32 v40, $0x10;
	v43 =	vld.idx.msk [tilespmem:v53+s26+$0x0], $0xffff  }
0x1de: {  	v17 =	vadd.f32 v17, v18;
	v18 =	vmul.f32 v19, v19;
	v19 =	vor.u32 s8, v0;
	v41 =	vld.idx.msk [tilespmem:v55+s26+$0x0], $0xffff  }
0x1df: {  	s7 =	simm.s32 $0x20;
	v61 =	vand.u32 $0xFFFF0000, v42;
	v42 =	vshll.u32 v42, $0x10;
	v37 =	vsub.f32 v37, v38;
	v38 =	vld.idx.msk [tilespmem:v58+s26+$0x0], $0xffff  }
0x1e0: {  	v31 =	vor.u32 s7, v0;
	v25 =	vsub.f32 v30, v47;
	v39 =	vsub.f32 v51, v54;
	v51 =	vld.idx.msk [tilespmem:v59+s26+$0x0], $0xffff  }
0x1e1: {  	s11 =	simm.s32 $0xC0;
	v30 =	vor.u32 s7, v1;
	v34 =	vsub.f32 v49, v52;
	v44 =	vsub.f32 v56, v57;
	v54 =	vld.idx.msk [tilespmem:v62+s26+$0x0], $0xffff  }
0x1e2: {  	v40 =	vsub.f32 v40, v42;
	v52 =	vor.u32 s11, v0;
	v25 =	vmul.f32 v25, v25;
	v26 =	vld.idx.msk [tilespmem:v26+s26+$0x0], $0xffff  }
0x1e3: {  	v49 =	vand.u32 $0xFFFF0000, v32;
	v34 =	vmul.f32 v34, v34;
	v39 =	vmul.f32 v39, v39;
	v19 =	vld.idx.msk [tilespmem:v19+s26+$0x0], $0xffff  }
0x1e4: {  	v44 =	vmul.f32 v44, v44;
	v37 =	vmul.f32 v37, v37;
	v46 =	vsub.f32 v60, v61;
	v35 =	vld.idx.msk [tilespmem:v50+s26+$0x0], $0xffff  }
0x1e5: {  	v32 =	vshll.u32 v32, $0x10;
	v40 =	vmul.f32 v40, v40;
	v34 =	vadd.f32 v39, v34;
	v31 =	vld.idx.msk [tilespmem:v31+s26+$0x0], $0xffff  }
0x1e6: {  	v18 =	vadd.f32 v25, v18;
	v37 =	vadd.f32 v37, v44;
	v30 =	vld.idx.msk [tilespmem:v30+s26+$0x0], $0xffff;
	v46 =	vmul.f32 v46, v46  }
0x1e7: {  	v50 =	vand.u32 $0xFFFF0000, v36;
	v36 =	vshll.u32 v36, $0x10;
	v15 =	vmul.f32 v34, v27;
	v27 =	vld.idx.msk [tilespmem:v52+s26+$0x0], $0xffff  }
0x1e8: {  	v18 =	vmul.f32 v18, v24;
	v16 =	vmul.f32 v37, v16;
	v24 =	vadd.f32 v40, v46;
	v29 =	vld.idx.msk [tilespmem:v29+s29+$0x0], $0xffff  }
0x1e9: {  	v42 =	vsub.f32 v49, v50;
	v32 =	vsub.f32 v32, v36;
	v33 =	vld.idx.msk [tilespmem:v33+s29+$0x0], $0xffff  }
0x1ea: {  	v18 =	vadd.f32 v18, v17;
	v14 =	vadd.f32 v16, v14;
	v17 =	vmul.f32 v24, v21;
	v16 =	vld.idx.msk [tilespmem:v23+s29+$0x0], $0xffff  }
0x1eb: {  	v25 =	vmul.f32 v42, v42;
	v32 =	vmul.f32 v32, v32;
	v53 =	vld.idx.msk [tilespmem:v19+s29+$0x0], $0xffff;
	v19 =	vor.u32 s11, v1  }
0x1ec: {  	v13 =	vadd.f32 v17, v13;
	v17 =	vld.idx.msk [tilespmem:v43+s29+$0x0], $0xffff  }
0x1ed: {  	v25 =	vadd.f32 v32, v25;
	v24 =	vld.idx.msk [tilespmem:v41+s29+$0x0], $0xffff  }
0x1ee: {  	v57 =	vld.idx.msk [tilespmem:v54+s29+$0x0], $0xffff  }
0x1ef: {  	s13 =	simm.s32 $0x120;
	s12 =	simm.s32 $0xA0;
	v21 =	vmul.f32 v25, v22;
	v38 =	vld.idx.msk [tilespmem:v38+s29+$0x0], $0xffff  }
0x1f0: {  	v58 =	vor.u32 s12, v0;
	v59 =	vor.u32 s13, v1;
	v22 =	vld.idx.msk [tilespmem:v19+s26+$0x0], $0xffff  }
0x1f1: {  	v12 =	vadd.f32 v15, v12;
	v26 =	vld.idx.msk [tilespmem:v26+s29+$0x0], $0xffff;
	v15 =	vadd.f32 v21, v20;
	v20 =	vor.u32 s12, v1  }
0x1f2: {  	v55 =	vld.idx.msk [tilespmem:v35+s29+$0x0], $0xffff;
	v21 =	vor.u32 s13, v0;
	v56 =	vand.u32 $0xFFFF0000, v33;
	v33 =	vshll.u32 v33, $0x10  }
0x1f3: {  	v62 =	vld.idx.msk [tilespmem:v27+s29+$0x0], $0xffff;
	v60 =	vand.u32 $0xFFFF0000, v29;
	v29 =	vshll.u32 v29, $0x10;
	v27 =	vand.u32 $0xFFFF0000, v16  }
0x1f4: {  	v40 =	vld.idx.msk [tilespmem:v51+s29+$0x0], $0xffff;
	v16 =	vshll.u32 v16, $0x10;
	v48 =	vand.u32 $0xFFFF0000, v24;
	v43 =	vand.u32 $0xFFFF0000, v17  }
0x1f5: {  	v17 =	vshll.u32 v17, $0x10;
	v24 =	vshll.u32 v24, $0x10;
	v49 =	vand.u32 $0xFFFF0000, v57  }
0x1f6: {  	v32 =	vld.idx.msk [tilespmem:v59+s26+$0x0], $0xffff;
	v51 =	vshll.u32 v57, $0x10;
	v36 =	vshll.u32 v38, $0x10;
	v37 =	vand.u32 $0xFFFF0000, v38  }
0x1f7: {  	v28 =	vld.idx.msk [tilespmem:v28+s29+$0x0], $0xffff;
	v35 =	vand.u32 $0xFFFF0000, v55;
	v23 =	vshll.u32 v55, $0x10;
	v61 =	vshll.u32 v26, $0x10  }
0x1f8: {  	v26 =	vand.u32 $0xFFFF0000, v26;
	v34 =	vsub.f32 v48, v56;
	v52 =	vsub.f32 v43, v49;
	v22 =	vld.idx.msk [tilespmem:v22+s29+$0x0], $0xffff  }
0x1f9: {  	v26 =	vsub.f32 v27, v26;
	v16 =	vsub.f32 v16, v61;
	v27 =	vld.idx.msk [tilespmem:v31+s29+$0x0], $0xffff;
	v31 =	vshll.u32 v40, $0x10  }
0x1fa: {  	v55 =	vld.idx.msk [tilespmem:v21+s26+$0x0], $0xffff;
	v40 =	vand.u32 $0xFFFF0000, v40;
	v54 =	vand.u32 $0xFFFF0000, v62;
	v42 =	vshll.u32 v62, $0x10  }
0x1fb: {  	v30 =	vld.idx.msk [tilespmem:v30+s29+$0x0], $0xffff;
	v59 =	vmul.f32 v52, v52;
	v19 =	vand.u32 $0xFFFF0000, v53;
	v25 =	vshll.u32 v53, $0x10  }
0x1fc: {  	s4 =	simm.s32 $0x1F7C0;
	v56 =	vld.idx.msk [tilespmem:v58+s26+$0x0], $0xffff;
	v50 =	vmul.f32 v26, v26;
	v26 =	vsub.f32 v24, v33;
	v53 =	vshll.u32 v28, $0x10  }
0x1fd: {  	v58 =	vld [tilespmem:s4+$0xFFFFFFB0];
	v24 =	vand.u32 $0xFFFF0000, v28;
	v21 =	vand.u32 $0xFFFF0000, v22;
	v22 =	vshll.u32 v22, $0x10  }
0x1fe: {  	v57 =	vmul.f32 v26, v26;
	v26 =	vld.idx.msk [tilespmem:v20+s26+$0x0], $0xffff;
	v20 =	vsub.f32 v54, v21;
	v22 =	vsub.f32 v42, v22  }
0x1ff: {  	v16 =	vmul.f32 v16, v16;
	v24 =	vsub.f32 v24, v60;
	v60 =	vld [tilespmem:s4+$0x10];
	v21 =	vmul.f32 v34, v34  }
0x200: {  	v33 =	vsub.f32 v17, v51;
	v17 =	vld [tilespmem:s4+$0x0];
	v61 =	vmul.f32 v20, v20;
	v22 =	vmul.f32 v22, v22  }
0x201: {  	v28 =	vand.u32 $0xFFFF0000, v30;
	v34 =	vsub.f32 v53, v29;
	v29 =	vld.idx.msk [tilespmem:v32+s29+$0x0], $0xffff;
	v39 =	vadd.f32 v57, v21  }
0x202: {  	v32 =	vld.idx.msk [tilespmem:v55+s29+$0x0], $0xffff;
	v20 =	vadd.f32 v16, v50;
	v16 =	vmul.f32 v33, v33;
	v62 =	vadd.f32 v22, v61  }
0x203: {  	v30 =	vshll.u32 v30, $0x10;
	v21 =	vld [tilespmem:s4+$0x40];
	v39 =	vmul.f32 v39, v58;
	v22 =	vsub.f32 v35, v40  }
0x204: {  	s6 =	simm.s32 $0x0;
	s7 =	simm.s32 $0x1E0;
	s8 =	simm.s32 $0x1F860;
	v33 =	vshll.u32 v27, $0x10;
	v38 =	vadd.f32 v16, v59;
	v35 =	vld.idx.msk [tilespmem:v56+s29+$0x0], $0xffff;
	v16 =	vmul.f32 v62, v60  }
.LBB2_9:
0x205: {  	s10 =	sadd.s32 $0xFFFFFF60, s7;
	s11 =	sadd.s32 $0x40, s7;
	s12 =	sadd.s32 $0x60, s7;
	v18 =	vadd.f32 v39, v18;
	v23 =	vsub.f32 v23, v31;
	v31 =	vmul.f32 v22, v22;
	v39 =	vld [tilespmem:s4+$0x30]  }
0x206: {  	s9 =	sadd.s32 $0x80, s7;
	s6 =	sadd.s32 $0x2, s6;
	v25 =	vsub.f32 v25, v36;
	v40 =	vor.u32 s10, v0;
	v41 =	vor.u32 s11, v0;
	v36 =	vld [tilespmem:s4+$0xFFFFFFF0]  }
0x207: {  	v27 =	vand.u32 $0xFFFF0000, v27;
	v42 =	vor.u32 s10, v1;
	s10 =	sadd.s32 $0xFFFFFF80, s7;
	v43 =	vor.u32 s12, v0;
	p2 =	slt.u32 s6, $0x16;
	v44 =	vld [tilespmem:s4+$0xFFFFFFC0]  }
0x208: {  	v22 =	vor.u32 s7, v1;
	v46 =	vor.u32 s12, v1;
	v45 =	vor.u32 s10, v0;
	v47 =	vld.idx.msk [tilespmem:v26+s29+$0x0], $0xffff  }
0x209: {  	v49 =	vor.u32 s11, v1;
	v48 =	vor.u32 s10, v1;
	s10 =	sadd.s32 $0xFFFFFFA0, s7;
	v25 =	vmul.f32 v25, v25;
	v50 =	vld [tilespmem:s4+$0xFFFFFFE0]  }
0x20a: {  	v19 =	vsub.f32 v19, v37;
	v51 =	vor.u32 s10, v0;
	v26 =	vor.u32 s9, v0;
	v52 =	vld [tilespmem:s4+$0xFFFFFFD0]  }
0x20b: {  	v37 =	vor.u32 s10, v1;
	s10 =	sadd.s32 $0xFFFFFFC0, s7;
	v41 =	vld.idx.msk [tilespmem:v41+s26+$0x0], $0xffff;
	v36 =	vmul.f32 v38, v36;
	v38 =	vshll.u32 v32, $0x10  }
0x20c: {  	v34 =	vmul.f32 v34, v34;
	v19 =	vmul.f32 v19, v19;
	v53 =	vor.u32 s10, v0;
	v54 =	vld [tilespmem:s4+$0x20];
	s4 =	smov.u32 s8  }
0x20d: {  	v55 =	vor.u32 s10, v1;
	s10 =	sadd.s32 $0xFFFFFFE0, s7;
	v43 =	vld.idx.msk [tilespmem:v43+s26+$0x0], $0xffff;
	v15 =	vadd.f32 v36, v15;
	v36 =	vshll.u32 v35, $0x10  }
0x20e: {  	v56 =	vor.u32 s10, v0;
	v35 =	vand.u32 $0xFFFF0000, v35;
	v57 =	vand.u32 $0xFFFF0000, v47;
	v46 =	vld.idx.msk [tilespmem:v46+s26+$0x0], $0xffff  }
0x20f: {  	v24 =	vmul.f32 v24, v24;
	v27 =	vsub.f32 v27, v28;
	v58 =	vor.u32 s10, v1;
	v49 =	vld.idx.msk [tilespmem:v49+s26+$0x0], $0xffff  }
0x210: {  	v19 =	vadd.f32 v25, v19;
	v25 =	vand.u32 $0xFFFF0000, v29;
	v29 =	vshll.u32 v29, $0x10;
	v28 =	vld.idx.msk [tilespmem:v42+s26+$0x0], $0xffff  }
0x211: {  	v27 =	vmul.f32 v27, v27;
	v32 =	vand.u32 $0xFFFF0000, v32;
	v29 =	vsub.f32 v38, v29;
	v42 =	vld.idx.msk [tilespmem:v45+s26+$0x0], $0xffff  }
0x212: {  	v30 =	vsub.f32 v33, v30;
	v23 =	vmul.f32 v23, v23;
	v25 =	vsub.f32 v32, v25;
	v38 =	vld.idx.msk [tilespmem:v48+s26+$0x0], $0xffff  }
0x213: {  	v24 =	vadd.f32 v34, v24;
	v33 =	vshll.u32 v47, $0x10;
	v19 =	vmul.f32 v19, v52;
	v32 =	vld.idx.msk [tilespmem:v51+s26+$0x0], $0xffff  }
0x214: {  	v35 =	vsub.f32 v35, v57;
	v25 =	vmul.f32 v25, v25;
	v29 =	vmul.f32 v29, v29;
	v34 =	vld.idx.msk [tilespmem:v53+s26+$0x0], $0xffff  }
0x215: {  	v30 =	vmul.f32 v30, v30;
	v23 =	vadd.f32 v23, v31;
	v31 =	vsub.f32 v36, v33;
	v45 =	vld.idx.msk [tilespmem:v56+s26+$0x0], $0xffff  }
0x216: {  	v35 =	vmul.f32 v35, v35;
	v25 =	vadd.f32 v29, v25;
	v24 =	vmul.f32 v24, v54;
	v33 =	vld.idx.msk [tilespmem:v40+s26+$0x0], $0xffff  }
0x217: {  	v27 =	vadd.f32 v30, v27;
	v23 =	vmul.f32 v23, v50;
	v30 =	vmul.f32 v31, v31;
	v29 =	vld.idx.msk [tilespmem:v49+s29+$0x0], $0xffff  }
0x218: {  	v14 =	vadd.f32 v19, v14;
	v19 =	vmul.f32 v20, v39;
	v20 =	vmul.f32 v25, v21;
	v31 =	vld.idx.msk [tilespmem:v46+s29+$0x0], $0xffff  }
0x219: {  	s10 =	sadd.s32 $0x20, s7;
	v13 =	vadd.f32 v23, v13;
	v25 =	vmul.f32 v27, v44;
	v23 =	vadd.f32 v30, v35;
	v21 =	vld.idx.msk [tilespmem:v37+s26+$0x0], $0xffff  }
0x21a: {  	v30 =	vor.u32 s10, v0;
	v14 =	vadd.f32 v24, v14;
	v15 =	vadd.f32 v20, v15;
	v27 =	vld.idx.msk [tilespmem:v55+s26+$0x0], $0xffff  }
0x21b: {  	v24 =	vor.u32 s10, v1;
	v13 =	vadd.f32 v19, v13;
	v17 =	vmul.f32 v23, v17;
	v20 =	vld.idx.msk [tilespmem:v32+s29+$0x0], $0xffff  }
0x21c: {  	v12 =	vadd.f32 v25, v12;
	v19 =	vld.idx.msk [tilespmem:v58+s26+$0x0], $0xffff  }
0x21d: {  	v18 =	vadd.f32 v17, v18;
	v23 =	vld.idx.msk [tilespmem:v28+s29+$0x0], $0xffff  }
0x21e: {  	v12 =	vadd.f32 v16, v12;
	v17 =	vld.idx.msk [tilespmem:v34+s29+$0x0], $0xffff  }
0x21f: {  	v16 =	vld.idx.msk [tilespmem:v30+s26+$0x0], $0xffff  }
0x220: {  	v24 =	vld.idx.msk [tilespmem:v24+s26+$0x0], $0xffff  }
0x221: {  	v25 =	vld.idx.msk [tilespmem:v43+s29+$0x0], $0xffff  }
0x222: {  	v28 =	vld.idx.msk [tilespmem:v45+s29+$0x0], $0xffff  }
0x223: {  	v32 =	vand.u32 $0xFFFF0000, v23;
	v30 =	vld.idx.msk [tilespmem:v33+s29+$0x0], $0xffff;
	v33 =	vshll.u32 v23, $0x10  }
0x224: {  	v36 =	vor.u32 s7, v0;
	v35 =	vand.u32 $0xFFFF0000, v17;
	v34 =	vld.idx.msk [tilespmem:v19+s29+$0x0], $0xffff  }
0x225: {  	v23 =	vshll.u32 v17, $0x10;
	v17 =	vor.u32 s9, v1;
	v19 =	vand.u32 $0xFFFF0000, v20;
	v37 =	vld.idx.msk [tilespmem:v27+s29+$0x0], $0xffff  }
0x226: {  	v40 =	vand.u32 $0xFFFF0000, v29;
	v29 =	vshll.u32 v29, $0x10;
	v27 =	vshll.u32 v31, $0x10;
	v39 =	vld.idx.msk [tilespmem:v41+s29+$0x0], $0xffff  }
0x227: {  	v31 =	vand.u32 $0xFFFF0000, v31;
	v41 =	vand.u32 $0xFFFF0000, v25;
	v43 =	vshll.u32 v25, $0x10;
	v16 =	vld.idx.msk [tilespmem:v16+s29+$0x0], $0xffff  }
0x228: {  	v25 =	vshll.u32 v20, $0x10;
	v20 =	vld.idx.msk [tilespmem:v24+s29+$0x0], $0xffff;
	v24 =	vsub.f32 v41, v31;
	v41 =	vsub.f32 v43, v27  }
0x229: {  	v44 =	vshll.u32 v28, $0x10;
	v31 =	vand.u32 $0xFFFF0000, v30;
	v43 =	vand.u32 $0xFFFF0000, v28;
	v21 =	vld.idx.msk [tilespmem:v21+s29+$0x0], $0xffff  }
0x22a: {  	v28 =	vshll.u32 v30, $0x10;
	v30 =	vand.u32 $0xFFFF0000, v34;
	v27 =	vld.idx.msk [tilespmem:v42+s29+$0x0], $0xffff;
	v42 =	vmul.f32 v24, v24  }
0x22b: {  	v32 =	vsub.f32 v31, v32;
	v28 =	vsub.f32 v28, v33;
	v31 =	vshll.u32 v37, $0x10;
	v33 =	vld.idx.msk [tilespmem:v38+s29+$0x0], $0xffff  }
0x22c: {  	v34 =	vshll.u32 v34, $0x10;
	v30 =	vsub.f32 v43, v30;
	v38 =	vshll.u32 v39, $0x10;
	v43 =	vld.idx.msk [tilespmem:v17+s26+$0x0], $0xffff  }
0x22d: {  	v24 =	vand.u32 $0xFFFF0000, v39;
	v17 =	vand.u32 $0xFFFF0000, v16;
	v16 =	vshll.u32 v16, $0x10;
	v45 =	vld.idx.msk [tilespmem:v26+s26+$0x0], $0xffff  }
0x22e: {  	v24 =	vsub.f32 v24, v40;
	v39 =	vand.u32 $0xFFFF0000, v20;
	v20 =	vshll.u32 v20, $0x10;
	v46 =	vld.idx.msk [tilespmem:v36+s26+$0x0], $0xffff  }
0x22f: {  	v40 =	vmul.f32 v28, v28;
	v36 =	vshll.u32 v21, $0x10;
	v17 =	vsub.f32 v17, v39;
	v26 =	vld.idx.msk [tilespmem:v22+s26+$0x0], $0xffff  }
0x230: {  	v32 =	vmul.f32 v32, v32;
	v47 =	vmul.f32 v30, v30;
	v16 =	vsub.f32 v16, v20;
	v22 =	vld [tilespmem:s8+$0xFFFFFFB0]  }
0x231: {  	v48 =	vand.u32 $0xFFFF0000, v37;
	v20 =	vmul.f32 v41, v41;
	v30 =	vmul.f32 v17, v17;
	v49 =	vld [tilespmem:s8+$0x10]  }
.Ltmp5:
0x232: {  	v34 =	vsub.f32 v44, v34;
	v28 =	vand.u32 $0xFFFF0000, v33;
	v16 =	vmul.f32 v16, v16;
	v17 =	vld [tilespmem:s8+$0x0];
	(pc) =	sbr.rel @p2 .LBB2_9-.Ltmp5, $4  }
0x233: {  	v32 =	vadd.f32 v40, v32;
	v37 =	vand.u32 $0xFFFF0000, v21;
	v20 =	vadd.f32 v20, v42;
	v21 =	vld [tilespmem:s8+$0x40]  }
0x234: {  	v40 =	vmul.f32 v34, v34;
	v34 =	vsub.f32 v38, v29;
	v16 =	vadd.f32 v16, v30;
	v29 =	vld.idx.msk [tilespmem:v43+s29+$0x0], $0xffff  }
0x235: {  	v30 =	vshll.u32 v33, $0x10;
	v39 =	vmul.f32 v32, v22;
	v22 =	vsub.f32 v35, v48;
	v32 =	vld.idx.msk [tilespmem:v45+s29+$0x0], $0xffff  }
0x236: {  	s7 =	sadd.s32 $0x140, s7;
	v38 =	vadd.f32 v40, v47;
	v33 =	vshll.u32 v27, $0x10;
	s8 =	sadd.s32 $0xA0, s8;
	v35 =	vld.idx.msk [tilespmem:v46+s29+$0x0], $0xffff;
	v16 =	vmul.f32 v16, v49  }
0x237: {  	_ = 	snop  }
0x238: {  	v40 =	vld [tilespmem:s4+$0x30]  }
0x239: {  	v41 =	vld [tilespmem:s4+$0xFFFFFFF0]  }
0x23a: {  	v42 =	vld [tilespmem:s4+$0xFFFFFFC0]  }
0x23b: {  	v43 =	vld.idx.msk [tilespmem:v2+s26+$0x0], $0xffff  }
0x23c: {  	v44 =	vld.idx.msk [tilespmem:v3+s26+$0x0], $0xffff  }
0x23d: {  	v26 =	vld.idx.msk [tilespmem:v26+s29+$0x0], $0xffff  }
0x23e: {  	v25 =	vsub.f32 v25, v36;
	v19 =	vsub.f32 v19, v37;
	v57 =	vld [tilespmem:s4+$0xFFFFFFD0]  }
0x23f: {  	v18 =	vadd.f32 v39, v18;
	v23 =	vsub.f32 v23, v31;
	v27 =	vand.u32 $0xFFFF0000, v27;
	v58 =	vld.idx.msk [tilespmem:v4+s26+$0x0], $0xffff  }
0x240: {  	v61 =	vld.idx.msk [tilespmem:v5+s26+$0x0], $0xffff;
	v22 =	vmul.f32 v22, v22;
	v30 =	vsub.f32 v33, v30;
	v34 =	vmul.f32 v34, v34  }
0x241: {  	v45 =	vld [tilespmem:s4+$0xFFFFFFE0];
	v24 =	vmul.f32 v24, v24;
	v27 =	vsub.f32 v27, v28;
	v25 =	vmul.f32 v25, v25  }
0x242: {  	v46 =	vld [tilespmem:s4+$0x20];
	v19 =	vmul.f32 v19, v19;
	v60 =	vshll.u32 v29, $0x10;
	v47 =	vand.u32 $0xFFFF0000, v29  }
0x243: {  	v54 =	vld.idx.msk [tilespmem:v6+s26+$0x0], $0xffff;
	v24 =	vadd.f32 v34, v24;
	v23 =	vmul.f32 v23, v23;
	v30 =	vmul.f32 v30, v30  }
0x244: {  	v55 =	vld.idx.msk [tilespmem:v7+s26+$0x0], $0xffff;
	v59 =	vshll.u32 v32, $0x10;
	v48 =	vand.u32 $0xFFFF0000, v32;
	v19 =	vadd.f32 v25, v19  }
0x245: {  	v27 =	vmul.f32 v27, v27;
	v62 =	vsub.f32 v59, v60;
	v29 =	vsub.f32 v48, v47;
	v59 =	vld.idx.msk [tilespmem:v9+s26+$0x0], $0xffff  }
0x246: {  	v50 =	vshll.u32 v35, $0x10;
	v51 =	vand.u32 $0xFFFF0000, v35;
	v22 =	vadd.f32 v23, v22;
	v60 =	vld.idx.msk [tilespmem:v10+s26+$0x0], $0xffff  }
0x247: {  	v38 =	vmul.f32 v38, v41;
	v53 =	vand.u32 $0xFFFF0000, v26;
	v25 =	vmul.f32 v62, v62;
	v62 =	vld.idx.msk [tilespmem:v11+s26+$0x0], $0xffff  }
0x248: {  	v26 =	vshll.u32 v26, $0x10;
	v24 =	vmul.f32 v24, v46;
	v20 =	vmul.f32 v20, v40;
	v49 =	vld.idx.msk [tilespmem:v43+s29+$0x0], $0xffff  }
0x249: {  	v27 =	vadd.f32 v30, v27;
	v19 =	vmul.f32 v19, v57;
	v29 =	vmul.f32 v29, v29;
	v52 =	vld.idx.msk [tilespmem:v44+s29+$0x0], $0xffff  }
0x24a: {  	v31 =	vsub.f32 v51, v53;
	v56 =	vsub.f32 v50, v26;
	v22 =	vmul.f32 v22, v45;
	v36 =	vld.idx.msk [tilespmem:v58+s29+$0x0], $0xffff  }
0x24b: {  	v15 =	vadd.f32 v38, v15;
	v33 =	vmul.f32 v27, v42;
	v57 =	vld.idx.msk [tilespmem:v61+s29+$0x0], $0xffff;
	v25 =	vadd.f32 v25, v29  }
0x24c: {  	v31 =	vmul.f32 v31, v31;
	v58 =	vld.idx.msk [tilespmem:v8+s26+$0x0], $0xffff;
	v23 =	vmul.f32 v56, v56;
	v14 =	vadd.f32 v19, v14  }
0x24d: {  	v13 =	vadd.f32 v22, v13;
	v12 =	vadd.f32 v33, v12;
	v19 =	vmul.f32 v25, v21  }
0x24e: {  	v61 =	vadd.f32 v23, v31;
	v14 =	vadd.f32 v24, v14  }
0x24f: {  	v39 =	vld.idx.msk [tilespmem:v55+s29+$0x0], $0xffff;
	v13 =	vadd.f32 v20, v13;
	v15 =	vadd.f32 v19, v15;
	v34 =	vand.u32 $0xFFFF0000, v49  }
0x250: {  	v19 =	vld.idx.msk [tilespmem:v54+s29+$0x0], $0xffff;
	v38 =	vand.u32 $0xFFFF0000, v52;
	v40 =	vshll.u32 v49, $0x10;
	v42 =	vshll.u32 v52, $0x10  }
0x251: {  	v47 =	vld.idx.msk [tilespmem:v59+s29+$0x0], $0xffff;
	v44 =	vand.u32 $0xFFFF0000, v36;
	v45 =	vand.u32 $0xFFFF0000, v57;
	v46 =	vshll.u32 v36, $0x10  }
0x252: {  	v21 =	vld.idx.msk [tilespmem:v60+s29+$0x0], $0xffff;
	v26 =	vshll.u32 v57, $0x10;
	v20 =	vsub.f32 v34, v38;
	v43 =	vsub.f32 v40, v42  }
0x253: {  	v17 =	vmul.f32 v61, v17;
	v24 =	vsub.f32 v44, v45;
	v26 =	vsub.f32 v46, v26;
	v23 =	vld.idx.msk [tilespmem:v62+s29+$0x0], $0xffff  }
0x254: {  	v49 =	vand.u32 $0xFFFF0000, v39;
	v20 =	vmul.f32 v20, v20;
	v29 =	vld.idx.msk [tilespmem:v58+s29+$0x0], $0xffff;
	v22 =	vmul.f32 v43, v43  }
0x255: {  	v27 =	vshll.u32 v39, $0x10;
	v24 =	vmul.f32 v24, v24;
	v26 =	vmul.f32 v26, v26  }
0x256: {  	v48 =	vand.u32 $0xFFFF0000, v19;
	v19 =	vshll.u32 v19, $0x10;
	v53 =	vand.u32 $0xFFFF0000, v47  }
0x257: {  	v25 =	vshll.u32 v47, $0x10;
	v55 =	vand.u32 $0xFFFF0000, v21;
	v28 =	vsub.f32 v48, v49  }
0x258: {  	v56 =	vld [tilespmem:$0x1FF10];
	v21 =	vshll.u32 v21, $0x10;
	v19 =	vsub.f32 v19, v27;
	v57 =	vand.u32 $0xFFFF0000, v23  }
0x259: {  	v54 =	vld [tilespmem:$0x1FF00];
	v23 =	vshll.u32 v23, $0x10;
	v50 =	vmul.f32 v28, v28;
	v51 =	vand.u32 $0xFFFF0000, v29  }
0x25a: {  	v52 =	vld [tilespmem:$0x1FEF0];
	v21 =	vsub.f32 v21, v23;
	v29 =	vshll.u32 v29, $0x10;
	v28 =	vsub.f32 v51, v53  }
0x25b: {  	v60 =	vld [tilespmem:$0x1FF30];
	v19 =	vmul.f32 v19, v19;
	v25 =	vsub.f32 v29, v25;
	v29 =	vsub.f32 v55, v57  }
0x25c: {  	v17 =	vadd.f32 v17, v18;
	v58 =	vld [tilespmem:$0x1FF20];
	v21 =	vmul.f32 v21, v21;
	v18 =	vmul.f32 v28, v28  }
0x25d: {  	v20 =	vadd.f32 v22, v20;
	v59 =	vmul.f32 v25, v25;
	v61 =	vmul.f32 v29, v29  }
0x25e: {  	v24 =	vadd.f32 v26, v24;
	v19 =	vadd.f32 v19, v50  }
.Ltmp6:
0x25f: {  	v20 =	vmul.f32 v20, v52;
	v18 =	vadd.f32 v59, v18;
	v21 =	vadd.f32 v21, v61;
	(pc) =	sbr.rel @p1 .LBB2_12-.Ltmp6, $4  }
0x260: {  	v12 =	vadd.f32 v16, v12;
	v16 =	vmul.f32 v24, v54;
	v19 =	vmul.f32 v19, v56  }
0x261: {  	v17 =	vadd.f32 v20, v17;
	v18 =	vmul.f32 v18, v58;
	v62 =	vmul.f32 v21, v60  }
0x262: {  	v12 =	vadd.f32 v16, v12;
	v14 =	vadd.f32 v19, v14  }
0x263: {  	v13 =	vadd.f32 v18, v13;
	v15 =	vadd.f32 v62, v15  }
0x264: {  	s4 =	smul.u32 $0x1F40, s25;
	_ =	sdelay $0x1  }
0x265: {  	s4 =	sadd.s32 s4, s17  }
.Ltmp7:
0x266: {  	s6 =	sshrl.u32 s4, $0x2;
	(pc) =	sbr.rel .LBB2_2-.Ltmp7, $4  }
0x267: {  	s4 =	sshrl.u32 s4, $0x3;
	s6 =	sadd.s32 s2, s6  }
0x268: {  	[tilespmem:s26], [sflag:$0x4] =	stream.linear.gather [hbm4b:s6+s5], $0xFA0, $0x38;
	v63 =	vld [tilespmem:$0x0]  }
0x269: {  	s25 =	sadd.s32 $0x1, s25;
	s4 =	sadd.s32 s3, s4  }
0x26a: {  	[tilespmem:s28], [sflag:$0x4] =	stream.linear.gather [hbm4b:s4+s5], $0x7D0, $0x38;
	v63 =	vld [tilespmem:$0x0]  }
.LBB2_13:
0x26b: {  	_ =	sfence.sel $0x180000  }
0x26c: {  	[bflag:$0x0] =	sbarrier.arrive $0xFFFF  }
0x26d: {  	_ =	strace $0x90000047  }
0x26e: {  	[bflag:$0x2] =	sbarrier.arrive $0xFFFF  }
0x26f: {  	s0 =	rddreg [dreg:$0x4]  }
0x270: {  	s0 =	sadd.s32 @!p0 $0x100000, s0  }
0x271: {  	[sflag:s0] =	ssyncadd.tile.s32 @!p0 $0x1;
	_ =	shalt  }
.Lfunc_end2:
_tile_overlayer_lowered:
.L_overlay_start_2:
0x272: {  	(tag) =	ssettag $0x2  }
0x273: {  	s0 =	rddreg [dreg:$0x0];
	s2 =	stileid.u32  }
0x274: {  	s1 =	rddreg [dreg:$0x1];
	p0 =	sne.s32 s2, $0x0  }
0x275: {  	s3 =	rddreg [dreg:$0x2];
	[bflag:$0x3] =	sbarrier.arrive $0xFFFF;
	s2 =	simm.s32 @!p0 $0x1C05  }
0x276: {  	[timem:s3], [sflag:s2] =	dma.local @!p0 [hbm:s0], s1  }
0x277: {  	s0 =	simm.s32 @!p0 $0x5  }
0x278: {  	_ =	swait.ge @!p0 [sflag:s0], s1  }
0x279: {  	s1 =	ssub.s32 @!p0 $0x0, s1;
	[sflag:s0] =	ssyncset.done @!p0 $0x0  }
0x27a: {  	[sflag:s0] =	ssyncadd.s32 @!p0 s1  }
0x27b: {  	[bflag:$0x3] =	sbarrier.arrive $0xFFFF  }
0x27c: {  	_ =	shalt  }

</sc_bundles>
